<compile_context>
chip_gen: v7x
topology: tpu7x:2x2x1
jax: 0.10.2.dev20260603
libtpu: 0.0.44.dev20260713+nightly
codegen_flags: <defaults>
</compile_context>

<pallas_src>
import functools

import jax
import jax.numpy as jnp
from jax import lax
from jax.experimental import pallas as pl
from jax.experimental.pallas import tpu as pltpu
from jax.experimental.pallas import tpu_sc as plsc

N = 262144
NB = 100
EPS = 1e-10
NC = 2
NS = 16
L = 16
NW = NC * NS
SHARD = N // NS
HALF = SHARD // NC
M = 3
NROW = 4 * M
CW = 144
MROW = NROW * CW
R4 = 40


def _sc_moments(q, p):
    mesh = plsc.VectorSubcoreMesh(core_axis_name="c", subcore_axis_name="s")

    @functools.partial(
        pl.kernel,
        out_type=[
            jax.ShapeDtypeStruct((NW * MROW,), jnp.float32),
            jax.ShapeDtypeStruct((NW * MROW,), jnp.float32),
            jax.ShapeDtypeStruct((L,), jnp.float32),
        ],
        mesh=mesh,
        compiler_params=pltpu.CompilerParams(needs_layout_passes=False),
        scratch_types=[
            pltpu.VMEM((SHARD,), jnp.float32),
            pltpu.VMEM((SHARD,), jnp.float32),
            pltpu.VMEM((MROW,), jnp.float32),
            pltpu.VMEM((MROW,), jnp.float32),
            pltpu.VMEM((2 * L,), jnp.float32),
            pltpu.VMEM((NS * 2 * L,), jnp.float32),
            pltpu.VMEM_SHARED((NS * 2 * L,), jnp.float32),
        ],
    )
    def mom_kernel(q_hbm, p_hbm, oq_hbm, op_hbm, omm_hbm, xq_v, xp_v, mq_v,
                   mp_v, mm_v, allmm_v, shared_mm):
        c = lax.axis_index("c")
        s = lax.axis_index("s")

        pltpu.sync_copy(q_hbm.at[pl.ds(s * SHARD, SHARD)], xq_v)
        pltpu.sync_copy(p_hbm.at[pl.ds(s * SHARD, SHARD)], xp_v)

        def mm_body(i, carry):
            mn, mx = carry
            for j in range(4):
                a = xq_v[pl.ds((i * 4 + j) * L, L)]
                b = xp_v[pl.ds((i * 4 + j) * L, L)]
                mn = jnp.minimum(mn, jnp.minimum(a, b))
                mx = jnp.maximum(mx, jnp.maximum(a, b))
            return (mn, mx)

        first = xq_v[pl.ds(0, L)]
        mn, mx = lax.fori_loop(0, SHARD // L // 4, mm_body, (first, first))
        mm_v[pl.ds(0, L)] = mn
        mm_v[pl.ds(L, L)] = mx

        pltpu.sync_copy(mm_v, shared_mm.at[pl.ds(s * 2 * L, 2 * L)])
        plsc.subcore_barrier()
        pltpu.sync_copy(shared_mm, allmm_v)
        amn = allmm_v[pl.ds(0, L)]
        amx = allmm_v[pl.ds(L, L)]
        for t in range(1, NS):
            amn = jnp.minimum(amn, allmm_v[pl.ds(t * 2 * L, L)])
            amx = jnp.maximum(amx, allmm_v[pl.ds(t * 2 * L + L, L)])
        lane = lax.iota(jnp.int32, L)
        for sh in (8, 4, 2, 1):
            perm = (lane + sh) & (L - 1)
            amn = jnp.minimum(amn, amn.at[perm].get(mode="promise_in_bounds"))
            amx = jnp.maximum(amx, amx.at[perm].get(mode="promise_in_bounds"))

        wid = c * NS + s

        @pl.when(wid == 0)
        def _():
            mm_v[pl.ds(0, L)] = jnp.where(lane < 8, amn, amx)
            pltpu.sync_copy(mm_v.at[pl.ds(0, L)], omm_hbm)

        gmn = amn
        rng = amx - amn
        invd4 = (4.0 * (NB - 1.0)) / rng
        dh4 = rng * (10.0 / (4.0 * (NB - 1.0)))

        zeros = jnp.zeros((L,), jnp.float32)

        def z_body(i, _):
            mq_v[pl.ds(i * L, L)] = zeros
            mp_v[pl.ds(i * L, L)] = zeros
            return 0

        lax.fori_loop(0, MROW // L, z_body, 0)

        base = c * HALF
        ones = jnp.ones((L,), jnp.float32)

        def chunk(i, _):
            for j in range(2):
                for x_v, m_v in ((xq_v, mq_v), (xp_v, mp_v)):
                    x = x_v[pl.ds(base + (i * 2 + j) * L, L)]
                    u4 = (x - gmn) * invd4
                    jv = (u4 + 0.5).astype(jnp.int32)
                    t = (u4 - jv.astype(jnp.float32)) * dh4
                    idx = ((jv & 3) * CW + (jv >> 2)) + 16
                    plsc.addupdate_scatter(m_v, [idx], ones)
                    plsc.addupdate_scatter(m_v, [idx + 4 * CW], t)
                    plsc.addupdate_scatter(m_v, [idx + 8 * CW], t * t * 0.5)
            return 0

        lax.fori_loop(0, HALF // L // 2, chunk, 0)

        pltpu.sync_copy(mq_v, oq_hbm.at[pl.ds(wid * MROW, MROW)])
        pltpu.sync_copy(mp_v, op_hbm.at[pl.ds(wid * MROW, MROW)])

    return mom_kernel(q, p)


def _tc_jsd(tq, tp, mm):
    def body(tq_ref, tp_ref, mm_ref, o_ref):
        sq = jnp.sum(tq_ref[...], axis=0)
        sp = jnp.sum(tp_ref[...], axis=0)
        gmn = mm_ref[0, 0]
        gmx = mm_ref[0, 8]
        dq = (gmx - gmn) * (10.0 / (4.0 * (NB - 1.0)))

        outq = jnp.zeros((1, 104), jnp.float32)
        outp = jnp.zeros((1, 104), jnp.float32)
        for r in range(-R4, R4 + 1):
            qr, pr = divmod(r, 4)
            rd = r * dq
            e = jnp.exp(-0.5 * (rd * rd))
            coefs = (e, -e * rd, e * (rd * rd - 1.0))
            for m in range(M):
                row = m * 4 + pr
                outq = outq + coefs[m] * sq[row:row + 1, 16 + qr:120 + qr]
                outp = outp + coefs[m] * sp[row:row + 1, 16 + qr:120 + qr]
        colid = lax.broadcasted_iota(jnp.int32, (1, 104), 1)
        mask = colid < NB
        pdfq = jnp.where(mask, outq * (1.0 / N), 0.0)
        pdfp = jnp.where(mask, outp * (1.0 / N), 0.0)
        qh = pdfq / (jnp.sum(pdfq) + EPS)
        ph = pdfp / (jnp.sum(pdfp) + EPS)
        mh = 0.5 * (ph + qh)
        qh = jnp.maximum(qh, 1e-45)
        ph = jnp.maximum(ph, 1e-45)
        mh = jnp.maximum(mh, 1e-45)
        lp = jnp.log(ph)
        lq = jnp.log(qh)
        lm = jnp.log(mh)
        tsum = jnp.exp(lp) * (lp - lm) + jnp.exp(lq) * (lq - lm)
        o_ref[...] = 0.5 * jnp.sum(jnp.where(mask, tsum, 0.0), keepdims=True)

    return pl.pallas_call(
        body,
        out_shape=jax.ShapeDtypeStruct((1, 1), jnp.float32),
    )(tq, tp, mm)


def kernel(q, p):
    oq, op, omm = _sc_moments(q, p)
    return _tc_jsd(oq.reshape(NW, NROW, CW), op.reshape(NW, NROW, CW),
                   omm.reshape(1, L))[0, 0]

# --- scband reference (transcript-rebuilt; emitter-appended) ---
"""Pipeline reference for scband-jsd-16063177687650 (READ-ONLY COPY).

The authoritative reference and input builder live on the scoring server;
editing this copy changes nothing except your own understanding.
"""

import jax, jax.numpy as jnp
import numpy as np

N_BINS = 100
BANDWIDTH = 0.1
EPS = 1e-10


def kde_histogram(x, bins, bandwidth):
    # x: (B, N), bins: (K,) -- kornia.enhance.histogram (marginal_pdf)
    residuals = x[:, :, None] - bins[None, None, :]
    kernel_values = jnp.exp(-0.5 * (residuals / bandwidth) ** 2)
    pdf = jnp.mean(kernel_values, axis=1)  # (B, K)
    normalization = jnp.sum(pdf, axis=1, keepdims=True) + EPS
    return pdf / normalization


def setup_inputs(seed: int = 0) -> dict:
    key = jax.random.key(seed)
    k1, k2 = jax.random.split(key)
    q = jax.random.normal(k1, (262144,), dtype=jnp.float32)
    p = jax.random.normal(k2, (262144,), dtype=jnp.float32)
    return {"q": q, "p": p}


def reference(q, p):
    # matching_scales
    scale_min = jnp.minimum(jnp.min(p), jnp.min(q))
    scale_max = jnp.maximum(jnp.max(p), jnp.max(q))
    bins = jnp.linspace(scale_min, scale_max, N_BINS)
    y = p.reshape(1, -1)
    y_hat = q.reshape(1, -1)
    div_y = kde_histogram(y, bins, BANDWIDTH)        # P(x) histogram, shape (1, 100)
    div_y_hat = kde_histogram(y_hat, bins, BANDWIDTH)  # Q(x) histogram, shape (1, 100)

    qh, ph = div_y_hat, div_y
    m = 0.5 * (ph + qh)
    qh = jnp.clip(qh, 1e-45)
    ph = jnp.clip(ph, 1e-45)
    m = jnp.clip(m, 1e-45)
    lp = jnp.log(ph)
    lq = jnp.log(qh)
    lm = jnp.log(m)

    def kl_batchmean_logtarget(inp, tgt):
        # nn.KLDivLoss(reduction='batchmean', log_target=True): sum(exp(t)*(t-i))/B
        return jnp.sum(jnp.exp(tgt) * (tgt - inp)) / inp.shape[0]

    return 0.5 * (kl_batchmean_logtarget(lm, lp) + kl_batchmean_logtarget(lm, lq))

if __name__ == "__main__":
    import jax
    _d = setup_inputs()
    print(jax.jit(kernel)(*tuple(_d.values())))

</pallas_src>

<mosaic_0001>
#map = affine_map<(d0, d1) -> (0)>
module attributes {stable_mosaic.version = 14 : i64} {
  func.func @mom_kernel(%arg0: i32, %arg1: i32, %arg2: memref<262144xf32, #tpu.memory_space<hbm>>, %arg3: memref<262144xf32, #tpu.memory_space<hbm>>, %arg4: memref<55296xf32, #tpu.memory_space<hbm>>, %arg5: memref<55296xf32, #tpu.memory_space<hbm>>, %arg6: memref<16xf32, #tpu.memory_space<hbm>>, %arg7: memref<16384xf32, #tpu.memory_space<vmem>>, %arg8: memref<16384xf32, #tpu.memory_space<vmem>>, %arg9: memref<1728xf32, #tpu.memory_space<vmem>>, %arg10: memref<1728xf32, #tpu.memory_space<vmem>>, %arg11: memref<32xf32, #tpu.memory_space<vmem>>, %arg12: memref<512xf32, #tpu.memory_space<vmem>>, %arg13: memref<512xf32, #tpu.memory_space<vmem_shared>>) attributes {dimension_semantics = [#tpu.dimension_semantics<core_parallel>, #tpu.dimension_semantics<subcore_parallel>], iteration_bounds = array<i64: 2, 16>, scalar_prefetch = 0 : i64, scratch_operands = 7 : i64, tpu.core_type = #tpu.core_type<sc_vector_subcore>, window_params = [{transform_indices = #map}, {transform_indices = #map}, {transform_indices = #map}, {transform_indices = #map}, {transform_indices = #map}]} {
    %mul3A = arith.constant 16384 : i32
    %mul3A_0 = arith.muli %arg1, %mul3A : i32
    "tpu.region"() ({
      %run_scoped3A = tpu.sem_alloc : memref<!tpu.dma_semaphore, #tpu.memory_space<semaphore_mem>>
      %dma_start3A = tpu.memref_slice %arg2[%mul3A_0] : memref<262144xf32, #tpu.memory_space<hbm>> -> memref<16384xf32, #tpu.memory_space<hbm>>
      %dma_start3A_248 = tpu.memref_slice %arg2[%mul3A_0] : memref<262144xf32, #tpu.memory_space<hbm>> -> memref<16384xf32, #tpu.memory_space<hbm>>
      tpu.enqueue_dma source(%dma_start3A_248 : memref<16384xf32, #tpu.memory_space<hbm>>) target(%arg7 : memref<16384xf32, #tpu.memory_space<vmem>>) target_semaphore(%run_scoped3A : memref<!tpu.dma_semaphore, #tpu.memory_space<semaphore_mem>>)
      %dma_wait3A = tpu.memref_slice %arg2[%mul3A_0] : memref<262144xf32, #tpu.memory_space<hbm>> -> memref<16384xf32, #tpu.memory_space<hbm>>
      %dma_wait3A_249 = tpu.memref_slice %arg2[%mul3A_0] : memref<262144xf32, #tpu.memory_space<hbm>> -> memref<16384xf32, #tpu.memory_space<hbm>>
      tpu.wait_dma2 semaphore(%run_scoped3A : memref<!tpu.dma_semaphore, #tpu.memory_space<semaphore_mem>>) src(%dma_wait3A_249 : memref<16384xf32, #tpu.memory_space<hbm>>) dst(%arg7 : memref<16384xf32, #tpu.memory_space<vmem>>)
      tpu.yield
    }) : () -> ()
    %mul3A_1 = arith.constant 16384 : i32
    %mul3A_2 = arith.muli %arg1, %mul3A_1 : i32
    "tpu.region"() ({
      %run_scoped3A = tpu.sem_alloc : memref<!tpu.dma_semaphore, #tpu.memory_space<semaphore_mem>>
      %dma_start3A = tpu.memref_slice %arg3[%mul3A_2] : memref<262144xf32, #tpu.memory_space<hbm>> -> memref<16384xf32, #tpu.memory_space<hbm>>
      %dma_start3A_248 = tpu.memref_slice %arg3[%mul3A_2] : memref<262144xf32, #tpu.memory_space<hbm>> -> memref<16384xf32, #tpu.memory_space<hbm>>
      tpu.enqueue_dma source(%dma_start3A_248 : memref<16384xf32, #tpu.memory_space<hbm>>) target(%arg8 : memref<16384xf32, #tpu.memory_space<vmem>>) target_semaphore(%run_scoped3A : memref<!tpu.dma_semaphore, #tpu.memory_space<semaphore_mem>>)
      %dma_wait3A = tpu.memref_slice %arg3[%mul3A_2] : memref<262144xf32, #tpu.memory_space<hbm>> -> memref<16384xf32, #tpu.memory_space<hbm>>
      %dma_wait3A_249 = tpu.memref_slice %arg3[%mul3A_2] : memref<262144xf32, #tpu.memory_space<hbm>> -> memref<16384xf32, #tpu.memory_space<hbm>>
      tpu.wait_dma2 semaphore(%run_scoped3A : memref<!tpu.dma_semaphore, #tpu.memory_space<semaphore_mem>>) src(%dma_wait3A_249 : memref<16384xf32, #tpu.memory_space<hbm>>) dst(%arg8 : memref<16384xf32, #tpu.memory_space<vmem>>)
      tpu.yield
    }) : () -> ()
    %get3A = arith.constant 0 : index
    %get3A_3 = tpu.vector_load %arg7[%get3A] {strides = array<i32>} : memref<16384xf32, #tpu.memory_space<vmem>>, vector<16xf32>,
    %scan3A = arith.constant 0 : i32
    %scan3A_4 = arith.constant 256 : i32
    %scan3A_5 = arith.addi %scan3A, %scan3A_4 : i32
    %scan3A_6 = arith.constant 1 : i32
    %scan3A_7:2 = scf.for %scan3A_248 = %scan3A to %scan3A_5 step %scan3A_6 iter_args(%scan3A_249 = %get3A_3, %scan3A_250 = %get3A_3) -> (vector<16xf32>, vector<16xf32>)  : i32 {
      %mul3A_251 = arith.constant 4 : i32
      %mul3A_252 = arith.muli %scan3A_248, %mul3A_251 : i32
      %add3A_253 = arith.constant 0 : i32
      %add3A_254 = arith.addi %mul3A_252, %add3A_253 : i32
      %mul3A_255 = arith.constant 16 : i32
      %mul3A_256 = arith.muli %add3A_254, %mul3A_255 : i32
      %get3A_257 = arith.index_cast %mul3A_256 : i32 to index
      %get3A_258 = tpu.vector_load %arg7[%get3A_257] {strides = array<i32>} : memref<16384xf32, #tpu.memory_space<vmem>>, vector<16xf32>,
      %mul3A_259 = arith.constant 4 : i32
      %mul3A_260 = arith.muli %scan3A_248, %mul3A_259 : i32
      %add3A_261 = arith.constant 0 : i32
      %add3A_262 = arith.addi %mul3A_260, %add3A_261 : i32
      %mul3A_263 = arith.constant 16 : i32
      %mul3A_264 = arith.muli %add3A_262, %mul3A_263 : i32
      %get3A_265 = arith.index_cast %mul3A_264 : i32 to index
      %get3A_266 = tpu.vector_load %arg8[%get3A_265] {strides = array<i32>} : memref<16384xf32, #tpu.memory_space<vmem>>, vector<16xf32>,
      %min3A_267 = arith.minimumf %get3A_258, %get3A_266 : vector<16xf32>
      %min3A_268 = arith.minimumf %scan3A_249, %min3A_267 : vector<16xf32>
      %max3A_269 = arith.maximumf %get3A_258, %get3A_266 : vector<16xf32>
      %max3A_270 = arith.maximumf %scan3A_250, %max3A_269 : vector<16xf32>
      %mul3A_271 = arith.constant 4 : i32
      %mul3A_272 = arith.muli %scan3A_248, %mul3A_271 : i32
      %add3A_273 = arith.constant 1 : i32
      %add3A_274 = arith.addi %mul3A_272, %add3A_273 : i32
      %mul3A_275 = arith.constant 16 : i32
      %mul3A_276 = arith.muli %add3A_274, %mul3A_275 : i32
      %get3A_277 = arith.index_cast %mul3A_276 : i32 to index
      %get3A_278 = tpu.vector_load %arg7[%get3A_277] {strides = array<i32>} : memref<16384xf32, #tpu.memory_space<vmem>>, vector<16xf32>,
      %mul3A_279 = arith.constant 4 : i32
      %mul3A_280 = arith.muli %scan3A_248, %mul3A_279 : i32
      %add3A_281 = arith.constant 1 : i32
      %add3A_282 = arith.addi %mul3A_280, %add3A_281 : i32
      %mul3A_283 = arith.constant 16 : i32
      %mul3A_284 = arith.muli %add3A_282, %mul3A_283 : i32
      %get3A_285 = arith.index_cast %mul3A_284 : i32 to index
      %get3A_286 = tpu.vector_load %arg8[%get3A_285] {strides = array<i32>} : memref<16384xf32, #tpu.memory_space<vmem>>, vector<16xf32>,
      %min3A_287 = arith.minimumf %get3A_278, %get3A_286 : vector<16xf32>
      %min3A_288 = arith.minimumf %min3A_268, %min3A_287 : vector<16xf32>
      %max3A_289 = arith.maximumf %get3A_278, %get3A_286 : vector<16xf32>
      %max3A_290 = arith.maximumf %max3A_270, %max3A_289 : vector<16xf32>
      %mul3A_291 = arith.constant 4 : i32
      %mul3A_292 = arith.muli %scan3A_248, %mul3A_291 : i32
      %add3A_293 = arith.constant 2 : i32
      %add3A_294 = arith.addi %mul3A_292, %add3A_293 : i32
      %mul3A_295 = arith.constant 16 : i32
      %mul3A_296 = arith.muli %add3A_294, %mul3A_295 : i32
      %get3A_297 = arith.index_cast %mul3A_296 : i32 to index
      %get3A_298 = tpu.vector_load %arg7[%get3A_297] {strides = array<i32>} : memref<16384xf32, #tpu.memory_space<vmem>>, vector<16xf32>,
      %mul3A_299 = arith.constant 4 : i32
      %mul3A_300 = arith.muli %scan3A_248, %mul3A_299 : i32
      %add3A_301 = arith.constant 2 : i32
      %add3A_302 = arith.addi %mul3A_300, %add3A_301 : i32
      %mul3A_303 = arith.constant 16 : i32
      %mul3A_304 = arith.muli %add3A_302, %mul3A_303 : i32
      %get3A_305 = arith.index_cast %mul3A_304 : i32 to index
      %get3A_306 = tpu.vector_load %arg8[%get3A_305] {strides = array<i32>} : memref<16384xf32, #tpu.memory_space<vmem>>, vector<16xf32>,
      %min3A_307 = arith.minimumf %get3A_298, %get3A_306 : vector<16xf32>
      %min3A_308 = arith.minimumf %min3A_288, %min3A_307 : vector<16xf32>
      %max3A_309 = arith.maximumf %get3A_298, %get3A_306 : vector<16xf32>
      %max3A_310 = arith.maximumf %max3A_290, %max3A_309 : vector<16xf32>
      %mul3A_311 = arith.constant 4 : i32
      %mul3A_312 = arith.muli %scan3A_248, %mul3A_311 : i32
      %add3A_313 = arith.constant 3 : i32
      %add3A_314 = arith.addi %mul3A_312, %add3A_313 : i32
      %mul3A_315 = arith.constant 16 : i32
      %mul3A_316 = arith.muli %add3A_314, %mul3A_315 : i32
      %get3A_317 = arith.index_cast %mul3A_316 : i32 to index
      %get3A_318 = tpu.vector_load %arg7[%get3A_317] {strides = array<i32>} : memref<16384xf32, #tpu.memory_space<vmem>>, vector<16xf32>,
      %mul3A_319 = arith.constant 4 : i32
      %mul3A_320 = arith.muli %scan3A_248, %mul3A_319 : i32
      %add3A_321 = arith.constant 3 : i32
      %add3A_322 = arith.addi %mul3A_320, %add3A_321 : i32
      %mul3A_323 = arith.constant 16 : i32
      %mul3A_324 = arith.muli %add3A_322, %mul3A_323 : i32
      %get3A_325 = arith.index_cast %mul3A_324 : i32 to index
      %get3A_326 = tpu.vector_load %arg8[%get3A_325] {strides = array<i32>} : memref<16384xf32, #tpu.memory_space<vmem>>, vector<16xf32>,
      %min3A_327 = arith.minimumf %get3A_318, %get3A_326 : vector<16xf32>
      %min3A_328 = arith.minimumf %min3A_308, %min3A_327 : vector<16xf32>
      %max3A_329 = arith.maximumf %get3A_318, %get3A_326 : vector<16xf32>
      %max3A_330 = arith.maximumf %max3A_310, %max3A_329 : vector<16xf32>
      scf.yield %min3A_328, %max3A_330 : vector<16xf32>, vector<16xf32>
    }
    %scan3A_8 = arith.constant 256 : i32
    %swap3A = arith.constant 0 : index
    %swap3A_9 = tpu.vector_load %arg11[%swap3A] {strides = array<i32>} : memref<32xf32, #tpu.memory_space<vmem>>, vector<16xf32>,
    tpu.vector_store %arg11[%swap3A], %scan3A_7#0 {strides = array<i32>} : memref<32xf32, #tpu.memory_space<vmem>>, vector<16xf32>,
    %swap3A_10 = arith.constant 16 : index
    %swap3A_11 = tpu.vector_load %arg11[%swap3A_10] {strides = array<i32>} : memref<32xf32, #tpu.memory_space<vmem>>, vector<16xf32>,
    tpu.vector_store %arg11[%swap3A_10], %scan3A_7#1 {strides = array<i32>} : memref<32xf32, #tpu.memory_space<vmem>>, vector<16xf32>,
    %mul3A_12 = arith.constant 2 : i32
    %mul3A_13 = arith.muli %arg1, %mul3A_12 : i32
    %mul3A_14 = arith.constant 16 : i32
    %mul3A_15 = arith.muli %mul3A_13, %mul3A_14 : i32
    "tpu.region"() ({
      %run_scoped3A = tpu.sem_alloc : memref<!tpu.dma_semaphore, #tpu.memory_space<semaphore_mem>>
      %dma_start3A = tpu.memref_slice %arg13[%mul3A_15] : memref<512xf32, #tpu.memory_space<vmem_shared>> -> memref<32xf32, #tpu.memory_space<vmem_shared>>
      %dma_start3A_248 = tpu.memref_slice %arg13[%mul3A_15] : memref<512xf32, #tpu.memory_space<vmem_shared>> -> memref<32xf32, #tpu.memory_space<vmem_shared>>
      tpu.enqueue_dma source(%arg11 : memref<32xf32, #tpu.memory_space<vmem>>) target(%dma_start3A_248 : memref<32xf32, #tpu.memory_space<vmem_shared>>) target_semaphore(%run_scoped3A : memref<!tpu.dma_semaphore, #tpu.memory_space<semaphore_mem>>)
      %dma_wait3A = tpu.memref_slice %arg13[%mul3A_15] : memref<512xf32, #tpu.memory_space<vmem_shared>> -> memref<32xf32, #tpu.memory_space<vmem_shared>>
      %dma_wait3A_249 = tpu.memref_slice %arg13[%mul3A_15] : memref<512xf32, #tpu.memory_space<vmem_shared>> -> memref<32xf32, #tpu.memory_space<vmem_shared>>
      tpu.wait_dma2 semaphore(%run_scoped3A : memref<!tpu.dma_semaphore, #tpu.memory_space<semaphore_mem>>) src(%arg11 : memref<32xf32, #tpu.memory_space<vmem>>) dst(%dma_wait3A_249 : memref<32xf32, #tpu.memory_space<vmem_shared>>)
      tpu.yield
    }) : () -> ()
    %barrier3A = arith.constant 0 : index
    tpu.barrier barrier_id(%barrier3A)
    "tpu.region"() ({
      %run_scoped3A = tpu.sem_alloc : memref<!tpu.dma_semaphore, #tpu.memory_space<semaphore_mem>>
      tpu.enqueue_dma source(%arg13 : memref<512xf32, #tpu.memory_space<vmem_shared>>) target(%arg12 : memref<512xf32, #tpu.memory_space<vmem>>) target_semaphore(%run_scoped3A : memref<!tpu.dma_semaphore, #tpu.memory_space<semaphore_mem>>)
      tpu.wait_dma2 semaphore(%run_scoped3A : memref<!tpu.dma_semaphore, #tpu.memory_space<semaphore_mem>>) src(%arg13 : memref<512xf32, #tpu.memory_space<vmem_shared>>) dst(%arg12 : memref<512xf32, #tpu.memory_space<vmem>>)
      tpu.yield
    }) : () -> ()
    %get3A_16 = arith.constant 0 : index
    %get3A_17 = tpu.vector_load %arg12[%get3A_16] {strides = array<i32>} : memref<512xf32, #tpu.memory_space<vmem>>, vector<16xf32>,
    %get3A_18 = arith.constant 16 : index
    %get3A_19 = tpu.vector_load %arg12[%get3A_18] {strides = array<i32>} : memref<512xf32, #tpu.memory_space<vmem>>, vector<16xf32>,
    %get3A_20 = arith.constant 32 : index
    %get3A_21 = tpu.vector_load %arg12[%get3A_20] {strides = array<i32>} : memref<512xf32, #tpu.memory_space<vmem>>, vector<16xf32>,
    %min3A = arith.minimumf %get3A_17, %get3A_21 : vector<16xf32>
    %get3A_22 = arith.constant 48 : index
    %get3A_23 = tpu.vector_load %arg12[%get3A_22] {strides = array<i32>} : memref<512xf32, #tpu.memory_space<vmem>>, vector<16xf32>,
    %max3A = arith.maximumf %get3A_19, %get3A_23 : vector<16xf32>
    %get3A_24 = arith.constant 64 : index
    %get3A_25 = tpu.vector_load %arg12[%get3A_24] {strides = array<i32>} : memref<512xf32, #tpu.memory_space<vmem>>, vector<16xf32>,
    %min3A_26 = arith.minimumf %min3A, %get3A_25 : vector<16xf32>
    %get3A_27 = arith.constant 80 : index
    %get3A_28 = tpu.vector_load %arg12[%get3A_27] {strides = array<i32>} : memref<512xf32, #tpu.memory_space<vmem>>, vector<16xf32>,
    %max3A_29 = arith.maximumf %max3A, %get3A_28 : vector<16xf32>
    %get3A_30 = arith.constant 96 : index
    %get3A_31 = tpu.vector_load %arg12[%get3A_30] {strides = array<i32>} : memref<512xf32, #tpu.memory_space<vmem>>, vector<16xf32>,
    %min3A_32 = arith.minimumf %min3A_26, %get3A_31 : vector<16xf32>
    %get3A_33 = arith.constant 112 : index
    %get3A_34 = tpu.vector_load %arg12[%get3A_33] {strides = array<i32>} : memref<512xf32, #tpu.memory_space<vmem>>, vector<16xf32>,
    %max3A_35 = arith.maximumf %max3A_29, %get3A_34 : vector<16xf32>
    %get3A_36 = arith.constant 128 : index
    %get3A_37 = tpu.vector_load %arg12[%get3A_36] {strides = array<i32>} : memref<512xf32, #tpu.memory_space<vmem>>, vector<16xf32>,
    %min3A_38 = arith.minimumf %min3A_32, %get3A_37 : vector<16xf32>
    %get3A_39 = arith.constant 144 : index
    %get3A_40 = tpu.vector_load %arg12[%get3A_39] {strides = array<i32>} : memref<512xf32, #tpu.memory_space<vmem>>, vector<16xf32>,
    %max3A_41 = arith.maximumf %max3A_35, %get3A_40 : vector<16xf32>
    %get3A_42 = arith.constant 160 : index
    %get3A_43 = tpu.vector_load %arg12[%get3A_42] {strides = array<i32>} : memref<512xf32, #tpu.memory_space<vmem>>, vector<16xf32>,
    %min3A_44 = arith.minimumf %min3A_38, %get3A_43 : vector<16xf32>
    %get3A_45 = arith.constant 176 : index
    %get3A_46 = tpu.vector_load %arg12[%get3A_45] {strides = array<i32>} : memref<512xf32, #tpu.memory_space<vmem>>, vector<16xf32>,
    %max3A_47 = arith.maximumf %max3A_41, %get3A_46 : vector<16xf32>
    %get3A_48 = arith.constant 192 : index
    %get3A_49 = tpu.vector_load %arg12[%get3A_48] {strides = array<i32>} : memref<512xf32, #tpu.memory_space<vmem>>, vector<16xf32>,
    %min3A_50 = arith.minimumf %min3A_44, %get3A_49 : vector<16xf32>
    %get3A_51 = arith.constant 208 : index
    %get3A_52 = tpu.vector_load %arg12[%get3A_51] {strides = array<i32>} : memref<512xf32, #tpu.memory_space<vmem>>, vector<16xf32>,
    %max3A_53 = arith.maximumf %max3A_47, %get3A_52 : vector<16xf32>
    %get3A_54 = arith.constant 224 : index
    %get3A_55 = tpu.vector_load %arg12[%get3A_54] {strides = array<i32>} : memref<512xf32, #tpu.memory_space<vmem>>, vector<16xf32>,
    %min3A_56 = arith.minimumf %min3A_50, %get3A_55 : vector<16xf32>
    %get3A_57 = arith.constant 240 : index
    %get3A_58 = tpu.vector_load %arg12[%get3A_57] {strides = array<i32>} : memref<512xf32, #tpu.memory_space<vmem>>, vector<16xf32>,
    %max3A_59 = arith.maximumf %max3A_53, %get3A_58 : vector<16xf32>
    %get3A_60 = arith.constant 256 : index
    %get3A_61 = tpu.vector_load %arg12[%get3A_60] {strides = array<i32>} : memref<512xf32, #tpu.memory_space<vmem>>, vector<16xf32>,
    %min3A_62 = arith.minimumf %min3A_56, %get3A_61 : vector<16xf32>
    %get3A_63 = arith.constant 272 : index
    %get3A_64 = tpu.vector_load %arg12[%get3A_63] {strides = array<i32>} : memref<512xf32, #tpu.memory_space<vmem>>, vector<16xf32>,
    %max3A_65 = arith.maximumf %max3A_59, %get3A_64 : vector<16xf32>
    %get3A_66 = arith.constant 288 : index
    %get3A_67 = tpu.vector_load %arg12[%get3A_66] {strides = array<i32>} : memref<512xf32, #tpu.memory_space<vmem>>, vector<16xf32>,
    %min3A_68 = arith.minimumf %min3A_62, %get3A_67 : vector<16xf32>
    %get3A_69 = arith.constant 304 : index
    %get3A_70 = tpu.vector_load %arg12[%get3A_69] {strides = array<i32>} : memref<512xf32, #tpu.memory_space<vmem>>, vector<16xf32>,
    %max3A_71 = arith.maximumf %max3A_65, %get3A_70 : vector<16xf32>
    %get3A_72 = arith.constant 320 : index
    %get3A_73 = tpu.vector_load %arg12[%get3A_72] {strides = array<i32>} : memref<512xf32, #tpu.memory_space<vmem>>, vector<16xf32>,
    %min3A_74 = arith.minimumf %min3A_68, %get3A_73 : vector<16xf32>
    %get3A_75 = arith.constant 336 : index
    %get3A_76 = tpu.vector_load %arg12[%get3A_75] {strides = array<i32>} : memref<512xf32, #tpu.memory_space<vmem>>, vector<16xf32>,
    %max3A_77 = arith.maximumf %max3A_71, %get3A_76 : vector<16xf32>
    %get3A_78 = arith.constant 352 : index
    %get3A_79 = tpu.vector_load %arg12[%get3A_78] {strides = array<i32>} : memref<512xf32, #tpu.memory_space<vmem>>, vector<16xf32>,
    %min3A_80 = arith.minimumf %min3A_74, %get3A_79 : vector<16xf32>
    %get3A_81 = arith.constant 368 : index
    %get3A_82 = tpu.vector_load %arg12[%get3A_81] {strides = array<i32>} : memref<512xf32, #tpu.memory_space<vmem>>, vector<16xf32>,
    %max3A_83 = arith.maximumf %max3A_77, %get3A_82 : vector<16xf32>
    %get3A_84 = arith.constant 384 : index
    %get3A_85 = tpu.vector_load %arg12[%get3A_84] {strides = array<i32>} : memref<512xf32, #tpu.memory_space<vmem>>, vector<16xf32>,
    %min3A_86 = arith.minimumf %min3A_80, %get3A_85 : vector<16xf32>
    %get3A_87 = arith.constant 400 : index
    %get3A_88 = tpu.vector_load %arg12[%get3A_87] {strides = array<i32>} : memref<512xf32, #tpu.memory_space<vmem>>, vector<16xf32>,
    %max3A_89 = arith.maximumf %max3A_83, %get3A_88 : vector<16xf32>
    %get3A_90 = arith.constant 416 : index
    %get3A_91 = tpu.vector_load %arg12[%get3A_90] {strides = array<i32>} : memref<512xf32, #tpu.memory_space<vmem>>, vector<16xf32>,
    %min3A_92 = arith.minimumf %min3A_86, %get3A_91 : vector<16xf32>
    %get3A_93 = arith.constant 432 : index
    %get3A_94 = tpu.vector_load %arg12[%get3A_93] {strides = array<i32>} : memref<512xf32, #tpu.memory_space<vmem>>, vector<16xf32>,
    %max3A_95 = arith.maximumf %max3A_89, %get3A_94 : vector<16xf32>
    %get3A_96 = arith.constant 448 : index
    %get3A_97 = tpu.vector_load %arg12[%get3A_96] {strides = array<i32>} : memref<512xf32, #tpu.memory_space<vmem>>, vector<16xf32>,
    %min3A_98 = arith.minimumf %min3A_92, %get3A_97 : vector<16xf32>
    %get3A_99 = arith.constant 464 : index
    %get3A_100 = tpu.vector_load %arg12[%get3A_99] {strides = array<i32>} : memref<512xf32, #tpu.memory_space<vmem>>, vector<16xf32>,
    %max3A_101 = arith.maximumf %max3A_95, %get3A_100 : vector<16xf32>
    %get3A_102 = arith.constant 480 : index
    %get3A_103 = tpu.vector_load %arg12[%get3A_102] {strides = array<i32>} : memref<512xf32, #tpu.memory_space<vmem>>, vector<16xf32>,
    %min3A_104 = arith.minimumf %min3A_98, %get3A_103 : vector<16xf32>
    %get3A_105 = arith.constant 496 : index
    %get3A_106 = tpu.vector_load %arg12[%get3A_105] {strides = array<i32>} : memref<512xf32, #tpu.memory_space<vmem>>, vector<16xf32>,
    %max3A_107 = arith.maximumf %max3A_101, %get3A_106 : vector<16xf32>
    %iota3A = tpu.iota {dimensions = array<i32: 0>} : vector<16xi32>
    %add3A = arith.constant 8 : i32
    %add3A_108 = vector.broadcast %add3A : i32 to vector<16xi32>
    %add3A_109 = arith.addi %iota3A, %add3A_108 : vector<16xi32>
    %and3A = arith.constant 15 : i32
    %and3A_110 = vector.broadcast %and3A : i32 to vector<16xi32>
    %and3A_111 = arith.andi %add3A_109, %and3A_110 : vector<16xi32>
    %lt3A = arith.constant 0 : i32
    %lt3A_112 = vector.broadcast %lt3A : i32 to vector<16xi32>
    %lt3A_113 = arith.cmpi slt, %and3A_111, %lt3A_112 : vector<16xi32>
    %add3A_114 = arith.constant 16 : i32
    %add3A_115 = vector.broadcast %add3A_114 : i32 to vector<16xi32>
    %add3A_116 = arith.addi %and3A_111, %add3A_115 : vector<16xi32>
    %select_n3A = arith.select %lt3A_113, %add3A_116, %and3A_111 : vector<16xi1>, vector<16xi32>
    %broadcast_in_dim3A = vector.shape_cast %select_n3A : vector<16xi32> to vector<16x1xi32>
    %gather3A = vector.shape_cast %broadcast_in_dim3A : vector<16x1xi32> to vector<16xi32>
    %gather3A_117 = tpu.dynamic_gather %min3A_104[%gather3A] in [0] : vector<16xf32>, vector<16xi32> -> vector<16xf32>
    %min3A_118 = arith.minimumf %min3A_104, %gather3A_117 : vector<16xf32>
    %lt3A_119 = arith.constant 0 : i32
    %lt3A_120 = vector.broadcast %lt3A_119 : i32 to vector<16xi32>
    %lt3A_121 = arith.cmpi slt, %and3A_111, %lt3A_120 : vector<16xi32>
    %add3A_122 = arith.constant 16 : i32
    %add3A_123 = vector.broadcast %add3A_122 : i32 to vector<16xi32>
    %add3A_124 = arith.addi %and3A_111, %add3A_123 : vector<16xi32>
    %select_n3A_125 = arith.select %lt3A_121, %add3A_124, %and3A_111 : vector<16xi1>, vector<16xi32>
    %broadcast_in_dim3A_126 = vector.shape_cast %select_n3A_125 : vector<16xi32> to vector<16x1xi32>
    %gather3A_127 = vector.shape_cast %broadcast_in_dim3A_126 : vector<16x1xi32> to vector<16xi32>
    %gather3A_128 = tpu.dynamic_gather %max3A_107[%gather3A_127] in [0] : vector<16xf32>, vector<16xi32> -> vector<16xf32>
    %max3A_129 = arith.maximumf %max3A_107, %gather3A_128 : vector<16xf32>
    %add3A_130 = arith.constant 4 : i32
    %add3A_131 = vector.broadcast %add3A_130 : i32 to vector<16xi32>
    %add3A_132 = arith.addi %iota3A, %add3A_131 : vector<16xi32>
    %and3A_133 = arith.constant 15 : i32
    %and3A_134 = vector.broadcast %and3A_133 : i32 to vector<16xi32>
    %and3A_135 = arith.andi %add3A_132, %and3A_134 : vector<16xi32>
    %lt3A_136 = arith.constant 0 : i32
    %lt3A_137 = vector.broadcast %lt3A_136 : i32 to vector<16xi32>
    %lt3A_138 = arith.cmpi slt, %and3A_135, %lt3A_137 : vector<16xi32>
    %add3A_139 = arith.constant 16 : i32
    %add3A_140 = vector.broadcast %add3A_139 : i32 to vector<16xi32>
    %add3A_141 = arith.addi %and3A_135, %add3A_140 : vector<16xi32>
    %select_n3A_142 = arith.select %lt3A_138, %add3A_141, %and3A_135 : vector<16xi1>, vector<16xi32>
    %broadcast_in_dim3A_143 = vector.shape_cast %select_n3A_142 : vector<16xi32> to vector<16x1xi32>
    %gather3A_144 = vector.shape_cast %broadcast_in_dim3A_143 : vector<16x1xi32> to vector<16xi32>
    %gather3A_145 = tpu.dynamic_gather %min3A_118[%gather3A_144] in [0] : vector<16xf32>, vector<16xi32> -> vector<16xf32>
    %min3A_146 = arith.minimumf %min3A_118, %gather3A_145 : vector<16xf32>
    %lt3A_147 = arith.constant 0 : i32
    %lt3A_148 = vector.broadcast %lt3A_147 : i32 to vector<16xi32>
    %lt3A_149 = arith.cmpi slt, %and3A_135, %lt3A_148 : vector<16xi32>
    %add3A_150 = arith.constant 16 : i32
    %add3A_151 = vector.broadcast %add3A_150 : i32 to vector<16xi32>
    %add3A_152 = arith.addi %and3A_135, %add3A_151 : vector<16xi32>
    %select_n3A_153 = arith.select %lt3A_149, %add3A_152, %and3A_135 : vector<16xi1>, vector<16xi32>
    %broadcast_in_dim3A_154 = vector.shape_cast %select_n3A_153 : vector<16xi32> to vector<16x1xi32>
    %gather3A_155 = vector.shape_cast %broadcast_in_dim3A_154 : vector<16x1xi32> to vector<16xi32>
    %gather3A_156 = tpu.dynamic_gather %max3A_129[%gather3A_155] in [0] : vector<16xf32>, vector<16xi32> -> vector<16xf32>
    %max3A_157 = arith.maximumf %max3A_129, %gather3A_156 : vector<16xf32>
    %add3A_158 = arith.constant 2 : i32
    %add3A_159 = vector.broadcast %add3A_158 : i32 to vector<16xi32>
    %add3A_160 = arith.addi %iota3A, %add3A_159 : vector<16xi32>
    %and3A_161 = arith.constant 15 : i32
    %and3A_162 = vector.broadcast %and3A_161 : i32 to vector<16xi32>
    %and3A_163 = arith.andi %add3A_160, %and3A_162 : vector<16xi32>
    %lt3A_164 = arith.constant 0 : i32
    %lt3A_165 = vector.broadcast %lt3A_164 : i32 to vector<16xi32>
    %lt3A_166 = arith.cmpi slt, %and3A_163, %lt3A_165 : vector<16xi32>
    %add3A_167 = arith.constant 16 : i32
    %add3A_168 = vector.broadcast %add3A_167 : i32 to vector<16xi32>
    %add3A_169 = arith.addi %and3A_163, %add3A_168 : vector<16xi32>
    %select_n3A_170 = arith.select %lt3A_166, %add3A_169, %and3A_163 : vector<16xi1>, vector<16xi32>
    %broadcast_in_dim3A_171 = vector.shape_cast %select_n3A_170 : vector<16xi32> to vector<16x1xi32>
    %gather3A_172 = vector.shape_cast %broadcast_in_dim3A_171 : vector<16x1xi32> to vector<16xi32>
    %gather3A_173 = tpu.dynamic_gather %min3A_146[%gather3A_172] in [0] : vector<16xf32>, vector<16xi32> -> vector<16xf32>
    %min3A_174 = arith.minimumf %min3A_146, %gather3A_173 : vector<16xf32>
    %lt3A_175 = arith.constant 0 : i32
    %lt3A_176 = vector.broadcast %lt3A_175 : i32 to vector<16xi32>
    %lt3A_177 = arith.cmpi slt, %and3A_163, %lt3A_176 : vector<16xi32>
    %add3A_178 = arith.constant 16 : i32
    %add3A_179 = vector.broadcast %add3A_178 : i32 to vector<16xi32>
    %add3A_180 = arith.addi %and3A_163, %add3A_179 : vector<16xi32>
    %select_n3A_181 = arith.select %lt3A_177, %add3A_180, %and3A_163 : vector<16xi1>, vector<16xi32>
    %broadcast_in_dim3A_182 = vector.shape_cast %select_n3A_181 : vector<16xi32> to vector<16x1xi32>
    %gather3A_183 = vector.shape_cast %broadcast_in_dim3A_182 : vector<16x1xi32> to vector<16xi32>
    %gather3A_184 = tpu.dynamic_gather %max3A_157[%gather3A_183] in [0] : vector<16xf32>, vector<16xi32> -> vector<16xf32>
    %max3A_185 = arith.maximumf %max3A_157, %gather3A_184 : vector<16xf32>
    %add3A_186 = arith.constant 1 : i32
    %add3A_187 = vector.broadcast %add3A_186 : i32 to vector<16xi32>
    %add3A_188 = arith.addi %iota3A, %add3A_187 : vector<16xi32>
    %and3A_189 = arith.constant 15 : i32
    %and3A_190 = vector.broadcast %and3A_189 : i32 to vector<16xi32>
    %and3A_191 = arith.andi %add3A_188, %and3A_190 : vector<16xi32>
    %lt3A_192 = arith.constant 0 : i32
    %lt3A_193 = vector.broadcast %lt3A_192 : i32 to vector<16xi32>
    %lt3A_194 = arith.cmpi slt, %and3A_191, %lt3A_193 : vector<16xi32>
    %add3A_195 = arith.constant 16 : i32
    %add3A_196 = vector.broadcast %add3A_195 : i32 to vector<16xi32>
    %add3A_197 = arith.addi %and3A_191, %add3A_196 : vector<16xi32>
    %select_n3A_198 = arith.select %lt3A_194, %add3A_197, %and3A_191 : vector<16xi1>, vector<16xi32>
    %broadcast_in_dim3A_199 = vector.shape_cast %select_n3A_198 : vector<16xi32> to vector<16x1xi32>
    %gather3A_200 = vector.shape_cast %broadcast_in_dim3A_199 : vector<16x1xi32> to vector<16xi32>
    %gather3A_201 = tpu.dynamic_gather %min3A_174[%gather3A_200] in [0] : vector<16xf32>, vector<16xi32> -> vector<16xf32>
    %min3A_202 = arith.minimumf %min3A_174, %gather3A_201 : vector<16xf32>
    %lt3A_203 = arith.constant 0 : i32
    %lt3A_204 = vector.broadcast %lt3A_203 : i32 to vector<16xi32>
    %lt3A_205 = arith.cmpi slt, %and3A_191, %lt3A_204 : vector<16xi32>
    %add3A_206 = arith.constant 16 : i32
    %add3A_207 = vector.broadcast %add3A_206 : i32 to vector<16xi32>
    %add3A_208 = arith.addi %and3A_191, %add3A_207 : vector<16xi32>
    %select_n3A_209 = arith.select %lt3A_205, %add3A_208, %and3A_191 : vector<16xi1>, vector<16xi32>
    %broadcast_in_dim3A_210 = vector.shape_cast %select_n3A_209 : vector<16xi32> to vector<16x1xi32>
    %gather3A_211 = vector.shape_cast %broadcast_in_dim3A_210 : vector<16x1xi32> to vector<16xi32>
    %gather3A_212 = tpu.dynamic_gather %max3A_185[%gather3A_211] in [0] : vector<16xf32>, vector<16xi32> -> vector<16xf32>
    %max3A_213 = arith.maximumf %max3A_185, %gather3A_212 : vector<16xf32>
    %mul3A_214 = arith.constant 16 : i32
    %mul3A_215 = arith.muli %arg0, %mul3A_214 : i32
    %add3A_216 = arith.addi %mul3A_215, %arg1 : i32
    %eq3A = arith.constant 0 : i32
    %eq3A_217 = arith.cmpi eq, %add3A_216, %eq3A : i32
    %convert_element_type3A = arith.extui %eq3A_217 : i1 to i32
    %cond3A = arith.constant 0 : i32
    %cond3A_218 = arith.cmpi ne, %convert_element_type3A, %cond3A : i32
    scf.if %cond3A_218 {
      %lt3A_248 = arith.constant 8 : i32
      %lt3A_249 = vector.broadcast %lt3A_248 : i32 to vector<16xi32>
      %lt3A_250 = arith.cmpi slt, %iota3A, %lt3A_249 : vector<16xi32>
      %select_n3A_251 = arith.select %lt3A_250, %min3A_202, %max3A_213 : vector<16xi1>, vector<16xf32>
      %swap3A_252 = arith.constant 0 : index
      %swap3A_253 = tpu.vector_load %arg11[%swap3A_252] {strides = array<i32>} : memref<32xf32, #tpu.memory_space<vmem>>, vector<16xf32>,
      tpu.vector_store %arg11[%swap3A_252], %select_n3A_251 {strides = array<i32>} : memref<32xf32, #tpu.memory_space<vmem>>, vector<16xf32>,
      "tpu.region"() ({
        %run_scoped3A = tpu.sem_alloc : memref<!tpu.dma_semaphore, #tpu.memory_space<semaphore_mem>>
        %dma_start3A = arith.constant 0 : i32
        %dma_start3A_254 = tpu.memref_slice %arg11[%dma_start3A] : memref<32xf32, #tpu.memory_space<vmem>> -> memref<16xf32, #tpu.memory_space<vmem>>
        %dma_start3A_255 = arith.constant 0 : i32
        %dma_start3A_256 = tpu.memref_slice %arg11[%dma_start3A_255] : memref<32xf32, #tpu.memory_space<vmem>> -> memref<16xf32, #tpu.memory_space<vmem>>
        tpu.enqueue_dma source(%dma_start3A_256 : memref<16xf32, #tpu.memory_space<vmem>>) target(%arg6 : memref<16xf32, #tpu.memory_space<hbm>>) target_semaphore(%run_scoped3A : memref<!tpu.dma_semaphore, #tpu.memory_space<semaphore_mem>>)
        %dma_wait3A = arith.constant 0 : i32
        %dma_wait3A_257 = tpu.memref_slice %arg11[%dma_wait3A] : memref<32xf32, #tpu.memory_space<vmem>> -> memref<16xf32, #tpu.memory_space<vmem>>
        %dma_wait3A_258 = arith.constant 0 : i32
        %dma_wait3A_259 = tpu.memref_slice %arg11[%dma_wait3A_258] : memref<32xf32, #tpu.memory_space<vmem>> -> memref<16xf32, #tpu.memory_space<vmem>>
        tpu.wait_dma2 semaphore(%run_scoped3A : memref<!tpu.dma_semaphore, #tpu.memory_space<semaphore_mem>>) src(%dma_wait3A_259 : memref<16xf32, #tpu.memory_space<vmem>>) dst(%arg6 : memref<16xf32, #tpu.memory_space<hbm>>)
        tpu.yield
      }) : () -> ()
    } else {
    }
    %sub3A = arith.subf %max3A_213, %min3A_202 : vector<16xf32>
    %div3A = arith.constant 3.960000e+02 : f32
    %div3A_219 = vector.broadcast %div3A : f32 to vector<16xf32>
    %div3A_220 = arith.divf %div3A_219, %sub3A : vector<16xf32>
    %mul3A_221 = arith.constant 0.0252525248 : f32
    %mul3A_222 = vector.broadcast %mul3A_221 : f32 to vector<16xf32>
    %mul3A_223 = arith.mulf %sub3A, %mul3A_222 : vector<16xf32>
    %broadcast_in_dim3A_224 = arith.constant 0.000000e+00 : f32
    %broadcast_in_dim3A_225 = vector.broadcast %broadcast_in_dim3A_224 : f32 to vector<16xf32>
    %scan3A_226 = arith.constant 0 : i32
    %scan3A_227 = arith.constant 0 : i32
    %scan3A_228 = arith.constant 108 : i32
    %scan3A_229 = arith.addi %scan3A_227, %scan3A_228 : i32
    %scan3A_230 = arith.constant 1 : i32
    %scan3A_231 = scf.for %scan3A_248 = %scan3A_227 to %scan3A_229 step %scan3A_230 iter_args(%scan3A_249 = %scan3A_226) -> (i32)  : i32 {
      %mul3A_250 = arith.constant 16 : i32
      %mul3A_251 = arith.muli %scan3A_248, %mul3A_250 : i32
      %swap3A_252 = arith.index_cast %mul3A_251 : i32 to index
      %swap3A_253 = tpu.vector_load %arg9[%swap3A_252] {strides = array<i32>} : memref<1728xf32, #tpu.memory_space<vmem>>, vector<16xf32>,
      tpu.vector_store %arg9[%swap3A_252], %broadcast_in_dim3A_225 {strides = array<i32>} : memref<1728xf32, #tpu.memory_space<vmem>>, vector<16xf32>,
      %mul3A_254 = arith.constant 16 : i32
      %mul3A_255 = arith.muli %scan3A_248, %mul3A_254 : i32
      %swap3A_256 = arith.index_cast %mul3A_255 : i32 to index
      %swap3A_257 = tpu.vector_load %arg10[%swap3A_256] {strides = array<i32>} : memref<1728xf32, #tpu.memory_space<vmem>>, vector<16xf32>,
      tpu.vector_store %arg10[%swap3A_256], %broadcast_in_dim3A_225 {strides = array<i32>} : memref<1728xf32, #tpu.memory_space<vmem>>, vector<16xf32>,
      %scan3A_258 = arith.constant 0 : i32
      scf.yield %scan3A_258 : i32
    }
    %scan3A_232 = arith.constant 108 : i32
    %mul3A_233 = arith.constant 8192 : i32
    %mul3A_234 = arith.muli %arg0, %mul3A_233 : i32
    %broadcast_in_dim3A_235 = arith.constant 1.000000e+00 : f32
    %broadcast_in_dim3A_236 = vector.broadcast %broadcast_in_dim3A_235 : f32 to vector<16xf32>
    %scan3A_237 = arith.constant 0 : i32
    %scan3A_238 = arith.constant 0 : i32
    %scan3A_239 = arith.constant 256 : i32
    %scan3A_240 = arith.addi %scan3A_238, %scan3A_239 : i32
    %scan3A_241 = arith.constant 1 : i32
    %scan3A_242 = scf.for %scan3A_248 = %scan3A_238 to %scan3A_240 step %scan3A_241 iter_args(%scan3A_249 = %scan3A_237) -> (i32)  : i32 {
      %mul3A_250 = arith.constant 2 : i32
      %mul3A_251 = arith.muli %scan3A_248, %mul3A_250 : i32
      %add3A_252 = arith.constant 0 : i32
      %add3A_253 = arith.addi %mul3A_251, %add3A_252 : i32
      %mul3A_254 = arith.constant 16 : i32
      %mul3A_255 = arith.muli %add3A_253, %mul3A_254 : i32
      %add3A_256 = arith.addi %mul3A_234, %mul3A_255 : i32
      %get3A_257 = arith.index_cast %add3A_256 : i32 to index
      %get3A_258 = tpu.vector_load %arg7[%get3A_257] {strides = array<i32>} : memref<16384xf32, #tpu.memory_space<vmem>>, vector<16xf32>,
      %sub3A_259 = arith.subf %get3A_258, %min3A_202 : vector<16xf32>
      %mul3A_260 = arith.mulf %sub3A_259, %div3A_220 : vector<16xf32>
      %add3A_261 = arith.constant 5.000000e-01 : f32
      %add3A_262 = vector.broadcast %add3A_261 : f32 to vector<16xf32>
      %add3A_263 = arith.addf %mul3A_260, %add3A_262 : vector<16xf32>
      %convert_element_type3A_264 = arith.fptosi %add3A_263 : vector<16xf32> to vector<16xi32>
      %convert_element_type3A_265 = arith.sitofp %convert_element_type3A_264 : vector<16xi32> to vector<16xf32>
      %sub3A_266 = arith.subf %mul3A_260, %convert_element_type3A_265 : vector<16xf32>
      %mul3A_267 = arith.mulf %sub3A_266, %mul3A_223 : vector<16xf32>
      %and3A_268 = arith.constant 3 : i32
      %and3A_269 = vector.broadcast %and3A_268 : i32 to vector<16xi32>
      %and3A_270 = arith.andi %convert_element_type3A_264, %and3A_269 : vector<16xi32>
      %mul3A_271 = arith.constant 144 : i32
      %mul3A_272 = vector.broadcast %mul3A_271 : i32 to vector<16xi32>
      %mul3A_273 = arith.muli %and3A_270, %mul3A_272 : vector<16xi32>
      %shift_right_arithmetic3A = arith.constant 2 : i32
      %shift_right_arithmetic3A_274 = vector.broadcast %shift_right_arithmetic3A : i32 to vector<16xi32>
      %shift_right_arithmetic3A_275 = arith.shrsi %convert_element_type3A_264, %shift_right_arithmetic3A_274 : vector<16xi32>
      %add3A_276 = arith.addi %mul3A_273, %shift_right_arithmetic3A_275 : vector<16xi32>
      %add3A_277 = arith.constant 16 : i32
      %add3A_278 = vector.broadcast %add3A_277 : i32 to vector<16xi32>
      %add3A_279 = arith.addi %add3A_276, %add3A_278 : vector<16xi32>
      tpu.vector_store_idx %arg9[%add3A_279], %broadcast_in_dim3A_236 {add = true} : memref<1728xf32, #tpu.memory_space<vmem>>[vector<16xi32>], vector<16xf32>,
      %add3A_280 = arith.constant 576 : i32
      %add3A_281 = vector.broadcast %add3A_280 : i32 to vector<16xi32>
      %add3A_282 = arith.addi %add3A_279, %add3A_281 : vector<16xi32>
      tpu.vector_store_idx %arg9[%add3A_282], %mul3A_267 {add = true} : memref<1728xf32, #tpu.memory_space<vmem>>[vector<16xi32>], vector<16xf32>,
      %add3A_283 = arith.constant 1152 : i32
      %add3A_284 = vector.broadcast %add3A_283 : i32 to vector<16xi32>
      %add3A_285 = arith.addi %add3A_279, %add3A_284 : vector<16xi32>
      %mul3A_286 = arith.mulf %mul3A_267, %mul3A_267 : vector<16xf32>
      %mul3A_287 = arith.constant 5.000000e-01 : f32
      %mul3A_288 = vector.broadcast %mul3A_287 : f32 to vector<16xf32>
      %mul3A_289 = arith.mulf %mul3A_286, %mul3A_288 : vector<16xf32>
      tpu.vector_store_idx %arg9[%add3A_285], %mul3A_289 {add = true} : memref<1728xf32, #tpu.memory_space<vmem>>[vector<16xi32>], vector<16xf32>,
      %mul3A_290 = arith.constant 2 : i32
      %mul3A_291 = arith.muli %scan3A_248, %mul3A_290 : i32
      %add3A_292 = arith.constant 0 : i32
      %add3A_293 = arith.addi %mul3A_291, %add3A_292 : i32
      %mul3A_294 = arith.constant 16 : i32
      %mul3A_295 = arith.muli %add3A_293, %mul3A_294 : i32
      %add3A_296 = arith.addi %mul3A_234, %mul3A_295 : i32
      %get3A_297 = arith.index_cast %add3A_296 : i32 to index
      %get3A_298 = tpu.vector_load %arg8[%get3A_297] {strides = array<i32>} : memref<16384xf32, #tpu.memory_space<vmem>>, vector<16xf32>,
      %sub3A_299 = arith.subf %get3A_298, %min3A_202 : vector<16xf32>
      %mul3A_300 = arith.mulf %sub3A_299, %div3A_220 : vector<16xf32>
      %add3A_301 = arith.constant 5.000000e-01 : f32
      %add3A_302 = vector.broadcast %add3A_301 : f32 to vector<16xf32>
      %add3A_303 = arith.addf %mul3A_300, %add3A_302 : vector<16xf32>
      %convert_element_type3A_304 = arith.fptosi %add3A_303 : vector<16xf32> to vector<16xi32>
      %convert_element_type3A_305 = arith.sitofp %convert_element_type3A_304 : vector<16xi32> to vector<16xf32>
      %sub3A_306 = arith.subf %mul3A_300, %convert_element_type3A_305 : vector<16xf32>
      %mul3A_307 = arith.mulf %sub3A_306, %mul3A_223 : vector<16xf32>
      %and3A_308 = arith.constant 3 : i32
      %and3A_309 = vector.broadcast %and3A_308 : i32 to vector<16xi32>
      %and3A_310 = arith.andi %convert_element_type3A_304, %and3A_309 : vector<16xi32>
      %mul3A_311 = arith.constant 144 : i32
      %mul3A_312 = vector.broadcast %mul3A_311 : i32 to vector<16xi32>
      %mul3A_313 = arith.muli %and3A_310, %mul3A_312 : vector<16xi32>
      %shift_right_arithmetic3A_314 = arith.constant 2 : i32
      %shift_right_arithmetic3A_315 = vector.broadcast %shift_right_arithmetic3A_314 : i32 to vector<16xi32>
      %shift_right_arithmetic3A_316 = arith.shrsi %convert_element_type3A_304, %shift_right_arithmetic3A_315 : vector<16xi32>
      %add3A_317 = arith.addi %mul3A_313, %shift_right_arithmetic3A_316 : vector<16xi32>
      %add3A_318 = arith.constant 16 : i32
      %add3A_319 = vector.broadcast %add3A_318 : i32 to vector<16xi32>
      %add3A_320 = arith.addi %add3A_317, %add3A_319 : vector<16xi32>
      tpu.vector_store_idx %arg10[%add3A_320], %broadcast_in_dim3A_236 {add = true} : memref<1728xf32, #tpu.memory_space<vmem>>[vector<16xi32>], vector<16xf32>,
      %add3A_321 = arith.constant 576 : i32
      %add3A_322 = vector.broadcast %add3A_321 : i32 to vector<16xi32>
      %add3A_323 = arith.addi %add3A_320, %add3A_322 : vector<16xi32>
      tpu.vector_store_idx %arg10[%add3A_323], %mul3A_307 {add = true} : memref<1728xf32, #tpu.memory_space<vmem>>[vector<16xi32>], vector<16xf32>,
      %add3A_324 = arith.constant 1152 : i32
      %add3A_325 = vector.broadcast %add3A_324 : i32 to vector<16xi32>
      %add3A_326 = arith.addi %add3A_320, %add3A_325 : vector<16xi32>
      %mul3A_327 = arith.mulf %mul3A_307, %mul3A_307 : vector<16xf32>
      %mul3A_328 = arith.constant 5.000000e-01 : f32
      %mul3A_329 = vector.broadcast %mul3A_328 : f32 to vector<16xf32>
      %mul3A_330 = arith.mulf %mul3A_327, %mul3A_329 : vector<16xf32>
      tpu.vector_store_idx %arg10[%add3A_326], %mul3A_330 {add = true} : memref<1728xf32, #tpu.memory_space<vmem>>[vector<16xi32>], vector<16xf32>,
      %mul3A_331 = arith.constant 2 : i32
      %mul3A_332 = arith.muli %scan3A_248, %mul3A_331 : i32
      %add3A_333 = arith.constant 1 : i32
      %add3A_334 = arith.addi %mul3A_332, %add3A_333 : i32
      %mul3A_335 = arith.constant 16 : i32
      %mul3A_336 = arith.muli %add3A_334, %mul3A_335 : i32
      %add3A_337 = arith.addi %mul3A_234, %mul3A_336 : i32
      %get3A_338 = arith.index_cast %add3A_337 : i32 to index
      %get3A_339 = tpu.vector_load %arg7[%get3A_338] {strides = array<i32>} : memref<16384xf32, #tpu.memory_space<vmem>>, vector<16xf32>,
      %sub3A_340 = arith.subf %get3A_339, %min3A_202 : vector<16xf32>
      %mul3A_341 = arith.mulf %sub3A_340, %div3A_220 : vector<16xf32>
      %add3A_342 = arith.constant 5.000000e-01 : f32
      %add3A_343 = vector.broadcast %add3A_342 : f32 to vector<16xf32>
      %add3A_344 = arith.addf %mul3A_341, %add3A_343 : vector<16xf32>
      %convert_element_type3A_345 = arith.fptosi %add3A_344 : vector<16xf32> to vector<16xi32>
      %convert_element_type3A_346 = arith.sitofp %convert_element_type3A_345 : vector<16xi32> to vector<16xf32>
      %sub3A_347 = arith.subf %mul3A_341, %convert_element_type3A_346 : vector<16xf32>
      %mul3A_348 = arith.mulf %sub3A_347, %mul3A_223 : vector<16xf32>
      %and3A_349 = arith.constant 3 : i32
      %and3A_350 = vector.broadcast %and3A_349 : i32 to vector<16xi32>
      %and3A_351 = arith.andi %convert_element_type3A_345, %and3A_350 : vector<16xi32>
      %mul3A_352 = arith.constant 144 : i32
      %mul3A_353 = vector.broadcast %mul3A_352 : i32 to vector<16xi32>
      %mul3A_354 = arith.muli %and3A_351, %mul3A_353 : vector<16xi32>
      %shift_right_arithmetic3A_355 = arith.constant 2 : i32
      %shift_right_arithmetic3A_356 = vector.broadcast %shift_right_arithmetic3A_355 : i32 to vector<16xi32>
      %shift_right_arithmetic3A_357 = arith.shrsi %convert_element_type3A_345, %shift_right_arithmetic3A_356 : vector<16xi32>
      %add3A_358 = arith.addi %mul3A_354, %shift_right_arithmetic3A_357 : vector<16xi32>
      %add3A_359 = arith.constant 16 : i32
      %add3A_360 = vector.broadcast %add3A_359 : i32 to vector<16xi32>
      %add3A_361 = arith.addi %add3A_358, %add3A_360 : vector<16xi32>
      tpu.vector_store_idx %arg9[%add3A_361], %broadcast_in_dim3A_236 {add = true} : memref<1728xf32, #tpu.memory_space<vmem>>[vector<16xi32>], vector<16xf32>,
      %add3A_362 = arith.constant 576 : i32
      %add3A_363 = vector.broadcast %add3A_362 : i32 to vector<16xi32>
      %add3A_364 = arith.addi %add3A_361, %add3A_363 : vector<16xi32>
      tpu.vector_store_idx %arg9[%add3A_364], %mul3A_348 {add = true} : memref<1728xf32, #tpu.memory_space<vmem>>[vector<16xi32>], vector<16xf32>,
      %add3A_365 = arith.constant 1152 : i32
      %add3A_366 = vector.broadcast %add3A_365 : i32 to vector<16xi32>
      %add3A_367 = arith.addi %add3A_361, %add3A_366 : vector<16xi32>
      %mul3A_368 = arith.mulf %mul3A_348, %mul3A_348 : vector<16xf32>
      %mul3A_369 = arith.constant 5.000000e-01 : f32
      %mul3A_370 = vector.broadcast %mul3A_369 : f32 to vector<16xf32>
      %mul3A_371 = arith.mulf %mul3A_368, %mul3A_370 : vector<16xf32>
      tpu.vector_store_idx %arg9[%add3A_367], %mul3A_371 {add = true} : memref<1728xf32, #tpu.memory_space<vmem>>[vector<16xi32>], vector<16xf32>,
      %mul3A_372 = arith.constant 2 : i32
      %mul3A_373 = arith.muli %scan3A_248, %mul3A_372 : i32
      %add3A_374 = arith.constant 1 : i32
      %add3A_375 = arith.addi %mul3A_373, %add3A_374 : i32
      %mul3A_376 = arith.constant 16 : i32
      %mul3A_377 = arith.muli %add3A_375, %mul3A_376 : i32
      %add3A_378 = arith.addi %mul3A_234, %mul3A_377 : i32
      %get3A_379 = arith.index_cast %add3A_378 : i32 to index
      %get3A_380 = tpu.vector_load %arg8[%get3A_379] {strides = array<i32>} : memref<16384xf32, #tpu.memory_space<vmem>>, vector<16xf32>,
      %sub3A_381 = arith.subf %get3A_380, %min3A_202 : vector<16xf32>
      %mul3A_382 = arith.mulf %sub3A_381, %div3A_220 : vector<16xf32>
      %add3A_383 = arith.constant 5.000000e-01 : f32
      %add3A_384 = vector.broadcast %add3A_383 : f32 to vector<16xf32>
      %add3A_385 = arith.addf %mul3A_382, %add3A_384 : vector<16xf32>
      %convert_element_type3A_386 = arith.fptosi %add3A_385 : vector<16xf32> to vector<16xi32>
      %convert_element_type3A_387 = arith.sitofp %convert_element_type3A_386 : vector<16xi32> to vector<16xf32>
      %sub3A_388 = arith.subf %mul3A_382, %convert_element_type3A_387 : vector<16xf32>
      %mul3A_389 = arith.mulf %sub3A_388, %mul3A_223 : vector<16xf32>
      %and3A_390 = arith.constant 3 : i32
      %and3A_391 = vector.broadcast %and3A_390 : i32 to vector<16xi32>
      %and3A_392 = arith.andi %convert_element_type3A_386, %and3A_391 : vector<16xi32>
      %mul3A_393 = arith.constant 144 : i32
      %mul3A_394 = vector.broadcast %mul3A_393 : i32 to vector<16xi32>
      %mul3A_395 = arith.muli %and3A_392, %mul3A_394 : vector<16xi32>
      %shift_right_arithmetic3A_396 = arith.constant 2 : i32
      %shift_right_arithmetic3A_397 = vector.broadcast %shift_right_arithmetic3A_396 : i32 to vector<16xi32>
      %shift_right_arithmetic3A_398 = arith.shrsi %convert_element_type3A_386, %shift_right_arithmetic3A_397 : vector<16xi32>
      %add3A_399 = arith.addi %mul3A_395, %shift_right_arithmetic3A_398 : vector<16xi32>
      %add3A_400 = arith.constant 16 : i32
      %add3A_401 = vector.broadcast %add3A_400 : i32 to vector<16xi32>
      %add3A_402 = arith.addi %add3A_399, %add3A_401 : vector<16xi32>
      tpu.vector_store_idx %arg10[%add3A_402], %broadcast_in_dim3A_236 {add = true} : memref<1728xf32, #tpu.memory_space<vmem>>[vector<16xi32>], vector<16xf32>,
      %add3A_403 = arith.constant 576 : i32
      %add3A_404 = vector.broadcast %add3A_403 : i32 to vector<16xi32>
      %add3A_405 = arith.addi %add3A_402, %add3A_404 : vector<16xi32>
      tpu.vector_store_idx %arg10[%add3A_405], %mul3A_389 {add = true} : memref<1728xf32, #tpu.memory_space<vmem>>[vector<16xi32>], vector<16xf32>,
      %add3A_406 = arith.constant 1152 : i32
      %add3A_407 = vector.broadcast %add3A_406 : i32 to vector<16xi32>
      %add3A_408 = arith.addi %add3A_402, %add3A_407 : vector<16xi32>
      %mul3A_409 = arith.mulf %mul3A_389, %mul3A_389 : vector<16xf32>
      %mul3A_410 = arith.constant 5.000000e-01 : f32
      %mul3A_411 = vector.broadcast %mul3A_410 : f32 to vector<16xf32>
      %mul3A_412 = arith.mulf %mul3A_409, %mul3A_411 : vector<16xf32>
      tpu.vector_store_idx %arg10[%add3A_408], %mul3A_412 {add = true} : memref<1728xf32, #tpu.memory_space<vmem>>[vector<16xi32>], vector<16xf32>,
      %scan3A_413 = arith.constant 0 : i32
      scf.yield %scan3A_413 : i32
    }
    %scan3A_243 = arith.constant 256 : i32
    %mul3A_244 = arith.constant 1728 : i32
    %mul3A_245 = arith.muli %add3A_216, %mul3A_244 : i32
    "tpu.region"() ({
      %run_scoped3A = tpu.sem_alloc : memref<!tpu.dma_semaphore, #tpu.memory_space<semaphore_mem>>
      %dma_start3A = tpu.memref_slice %arg4[%mul3A_245] : memref<55296xf32, #tpu.memory_space<hbm>> -> memref<1728xf32, #tpu.memory_space<hbm>>
      %dma_start3A_248 = tpu.memref_slice %arg4[%mul3A_245] : memref<55296xf32, #tpu.memory_space<hbm>> -> memref<1728xf32, #tpu.memory_space<hbm>>
      tpu.enqueue_dma source(%arg9 : memref<1728xf32, #tpu.memory_space<vmem>>) target(%dma_start3A_248 : memref<1728xf32, #tpu.memory_space<hbm>>) target_semaphore(%run_scoped3A : memref<!tpu.dma_semaphore, #tpu.memory_space<semaphore_mem>>)
      %dma_wait3A = tpu.memref_slice %arg4[%mul3A_245] : memref<55296xf32, #tpu.memory_space<hbm>> -> memref<1728xf32, #tpu.memory_space<hbm>>
      %dma_wait3A_249 = tpu.memref_slice %arg4[%mul3A_245] : memref<55296xf32, #tpu.memory_space<hbm>> -> memref<1728xf32, #tpu.memory_space<hbm>>
      tpu.wait_dma2 semaphore(%run_scoped3A : memref<!tpu.dma_semaphore, #tpu.memory_space<semaphore_mem>>) src(%arg9 : memref<1728xf32, #tpu.memory_space<vmem>>) dst(%dma_wait3A_249 : memref<1728xf32, #tpu.memory_space<hbm>>)
      tpu.yield
    }) : () -> ()
    %mul3A_246 = arith.constant 1728 : i32
    %mul3A_247 = arith.muli %add3A_216, %mul3A_246 : i32
    "tpu.region"() ({
      %run_scoped3A = tpu.sem_alloc : memref<!tpu.dma_semaphore, #tpu.memory_space<semaphore_mem>>
      %dma_start3A = tpu.memref_slice %arg5[%mul3A_247] : memref<55296xf32, #tpu.memory_space<hbm>> -> memref<1728xf32, #tpu.memory_space<hbm>>
      %dma_start3A_248 = tpu.memref_slice %arg5[%mul3A_247] : memref<55296xf32, #tpu.memory_space<hbm>> -> memref<1728xf32, #tpu.memory_space<hbm>>
      tpu.enqueue_dma source(%arg10 : memref<1728xf32, #tpu.memory_space<vmem>>) target(%dma_start3A_248 : memref<1728xf32, #tpu.memory_space<hbm>>) target_semaphore(%run_scoped3A : memref<!tpu.dma_semaphore, #tpu.memory_space<semaphore_mem>>)
      %dma_wait3A = tpu.memref_slice %arg5[%mul3A_247] : memref<55296xf32, #tpu.memory_space<hbm>> -> memref<1728xf32, #tpu.memory_space<hbm>>
      %dma_wait3A_249 = tpu.memref_slice %arg5[%mul3A_247] : memref<55296xf32, #tpu.memory_space<hbm>> -> memref<1728xf32, #tpu.memory_space<hbm>>
      tpu.wait_dma2 semaphore(%run_scoped3A : memref<!tpu.dma_semaphore, #tpu.memory_space<semaphore_mem>>) src(%arg10 : memref<1728xf32, #tpu.memory_space<vmem>>) dst(%dma_wait3A_249 : memref<1728xf32, #tpu.memory_space<hbm>>)
      tpu.yield
    }) : () -> ()
    return
  }
}

module attributes {stable_mosaic.version = 14 : i64} {
  func.func @body(%arg0: memref<32x12x144xf32, #tpu.memory_space<vmem>>, %arg1: memref<32x12x144xf32, #tpu.memory_space<vmem>>, %arg2: memref<1x16xf32, #tpu.memory_space<vmem>>, %arg3: memref<1x1xf32, #tpu.memory_space<vmem>>) attributes {dimension_semantics = [], scalar_prefetch = 0 : i64, scratch_operands = 0 : i64, tpu.core_type = #tpu.core_type<tc>} {
    %get3A = arith.constant 0 : index
    %get3A_0 = arith.constant 0 : index
    %get3A_1 = arith.constant 0 : index
    %get3A_2 = vector.load %arg0[%get3A, %get3A_0, %get3A_1] : memref<32x12x144xf32, #tpu.memory_space<vmem>>, vector<32x12x144xf32>
    %reduce_sum3A = arith.constant dense<0.000000e+00> : vector<12x144xf32>
    %reduce_sum3A_3 = vector.multi_reduction <add>, %get3A_2, %reduce_sum3A [0] : vector<32x12x144xf32> to vector<12x144xf32>
    %get3A_4 = arith.constant 0 : index
    %get3A_5 = arith.constant 0 : index
    %get3A_6 = arith.constant 0 : index
    %get3A_7 = vector.load %arg1[%get3A_4, %get3A_5, %get3A_6] : memref<32x12x144xf32, #tpu.memory_space<vmem>>, vector<32x12x144xf32>
    %reduce_sum3A_8 = arith.constant dense<0.000000e+00> : vector<12x144xf32>
    %reduce_sum3A_9 = vector.multi_reduction <add>, %get3A_7, %reduce_sum3A_8 [0] : vector<32x12x144xf32> to vector<12x144xf32>
    %get3A_10 = arith.constant 0 : index
    %get3A_11 = arith.constant 0 : index
    %get3A_12 = vector.load %arg2[%get3A_10, %get3A_11] : memref<1x16xf32, #tpu.memory_space<vmem>>, vector<1x1xf32>
    %get3A_13 = vector.extract %get3A_12[0, 0] : f32 from vector<1x1xf32>
    %get3A_14 = arith.constant 0 : index
    %get3A_15 = arith.constant 8 : index
    %get3A_16 = vector.load %arg2[%get3A_14, %get3A_15] : memref<1x16xf32, #tpu.memory_space<vmem>>, vector<1x1xf32>
    %get3A_17 = vector.extract %get3A_16[0, 0] : f32 from vector<1x1xf32>
    %sub3A = arith.subf %get3A_17, %get3A_13 : f32
    %mul3A = arith.constant 0.0252525248 : f32
    %mul3A_18 = arith.mulf %sub3A, %mul3A : f32
    %broadcast_in_dim3A = arith.constant 0.000000e+00 : f32
    %broadcast_in_dim3A_19 = vector.broadcast %broadcast_in_dim3A : f32 to vector<1x104xf32>
    %broadcast_in_dim3A_20 = arith.constant 0.000000e+00 : f32
    %broadcast_in_dim3A_21 = vector.broadcast %broadcast_in_dim3A_20 : f32 to vector<1x104xf32>
    %mul3A_22 = arith.constant -4.000000e+01 : f32
    %mul3A_23 = arith.mulf %mul3A_22, %mul3A_18 : f32
    %mul3A_24 = arith.mulf %mul3A_23, %mul3A_23 : f32
    %mul3A_25 = arith.constant -5.000000e-01 : f32
    %mul3A_26 = arith.mulf %mul3A_25, %mul3A_24 : f32
    %exp3A = math.exp %mul3A_26 : f32
    %neg3A = arith.constant 0.000000e+00 : f32
    %neg3A_27 = arith.subf %neg3A, %exp3A : f32
    %mul3A_28 = arith.mulf %neg3A_27, %mul3A_23 : f32
    %mul3A_29 = arith.mulf %mul3A_23, %mul3A_23 : f32
    %sub3A_30 = arith.constant 1.000000e+00 : f32
    %sub3A_31 = arith.subf %mul3A_29, %sub3A_30 : f32
    %mul3A_32 = arith.mulf %exp3A, %sub3A_31 : f32
    %slice3A = vector.extract_strided_slice %reduce_sum3A_3 {offsets = [0, 6], sizes = [1, 104], strides = [1, 1]} : vector<12x144xf32> to vector<1x104xf32>
    %mul3A_33 = vector.broadcast %exp3A : f32 to vector<1x104xf32>
    %mul3A_34 = arith.mulf %mul3A_33, %slice3A : vector<1x104xf32>
    %add3A = arith.addf %broadcast_in_dim3A_19, %mul3A_34 : vector<1x104xf32>
    %slice3A_35 = vector.extract_strided_slice %reduce_sum3A_9 {offsets = [0, 6], sizes = [1, 104], strides = [1, 1]} : vector<12x144xf32> to vector<1x104xf32>
    %mul3A_36 = vector.broadcast %exp3A : f32 to vector<1x104xf32>
    %mul3A_37 = arith.mulf %mul3A_36, %slice3A_35 : vector<1x104xf32>
    %add3A_38 = arith.addf %broadcast_in_dim3A_21, %mul3A_37 : vector<1x104xf32>
    %slice3A_39 = vector.extract_strided_slice %reduce_sum3A_3 {offsets = [4, 6], sizes = [1, 104], strides = [1, 1]} : vector<12x144xf32> to vector<1x104xf32>
    %mul3A_40 = vector.broadcast %mul3A_28 : f32 to vector<1x104xf32>
    %mul3A_41 = arith.mulf %mul3A_40, %slice3A_39 : vector<1x104xf32>
    %add3A_42 = arith.addf %add3A, %mul3A_41 : vector<1x104xf32>
    %slice3A_43 = vector.extract_strided_slice %reduce_sum3A_9 {offsets = [4, 6], sizes = [1, 104], strides = [1, 1]} : vector<12x144xf32> to vector<1x104xf32>
    %mul3A_44 = vector.broadcast %mul3A_28 : f32 to vector<1x104xf32>
    %mul3A_45 = arith.mulf %mul3A_44, %slice3A_43 : vector<1x104xf32>
    %add3A_46 = arith.addf %add3A_38, %mul3A_45 : vector<1x104xf32>
    %slice3A_47 = vector.extract_strided_slice %reduce_sum3A_3 {offsets = [8, 6], sizes = [1, 104], strides = [1, 1]} : vector<12x144xf32> to vector<1x104xf32>
    %mul3A_48 = vector.broadcast %mul3A_32 : f32 to vector<1x104xf32>
    %mul3A_49 = arith.mulf %mul3A_48, %slice3A_47 : vector<1x104xf32>
    %add3A_50 = arith.addf %add3A_42, %mul3A_49 : vector<1x104xf32>
    %slice3A_51 = vector.extract_strided_slice %reduce_sum3A_9 {offsets = [8, 6], sizes = [1, 104], strides = [1, 1]} : vector<12x144xf32> to vector<1x104xf32>
    %mul3A_52 = vector.broadcast %mul3A_32 : f32 to vector<1x104xf32>
    %mul3A_53 = arith.mulf %mul3A_52, %slice3A_51 : vector<1x104xf32>
    %add3A_54 = arith.addf %add3A_46, %mul3A_53 : vector<1x104xf32>
    %mul3A_55 = arith.constant -3.900000e+01 : f32
    %mul3A_56 = arith.mulf %mul3A_55, %mul3A_18 : f32
    %mul3A_57 = arith.mulf %mul3A_56, %mul3A_56 : f32
    %mul3A_58 = arith.constant -5.000000e-01 : f32
    %mul3A_59 = arith.mulf %mul3A_58, %mul3A_57 : f32
    %exp3A_60 = math.exp %mul3A_59 : f32
    %neg3A_61 = arith.constant 0.000000e+00 : f32
    %neg3A_62 = arith.subf %neg3A_61, %exp3A_60 : f32
    %mul3A_63 = arith.mulf %neg3A_62, %mul3A_56 : f32
    %mul3A_64 = arith.mulf %mul3A_56, %mul3A_56 : f32
    %sub3A_65 = arith.constant 1.000000e+00 : f32
    %sub3A_66 = arith.subf %mul3A_64, %sub3A_65 : f32
    %mul3A_67 = arith.mulf %exp3A_60, %sub3A_66 : f32
    %slice3A_68 = vector.extract_strided_slice %reduce_sum3A_3 {offsets = [1, 6], sizes = [1, 104], strides = [1, 1]} : vector<12x144xf32> to vector<1x104xf32>
    %mul3A_69 = vector.broadcast %exp3A_60 : f32 to vector<1x104xf32>
    %mul3A_70 = arith.mulf %mul3A_69, %slice3A_68 : vector<1x104xf32>
    %add3A_71 = arith.addf %add3A_50, %mul3A_70 : vector<1x104xf32>
    %slice3A_72 = vector.extract_strided_slice %reduce_sum3A_9 {offsets = [1, 6], sizes = [1, 104], strides = [1, 1]} : vector<12x144xf32> to vector<1x104xf32>
    %mul3A_73 = vector.broadcast %exp3A_60 : f32 to vector<1x104xf32>
    %mul3A_74 = arith.mulf %mul3A_73, %slice3A_72 : vector<1x104xf32>
    %add3A_75 = arith.addf %add3A_54, %mul3A_74 : vector<1x104xf32>
    %slice3A_76 = vector.extract_strided_slice %reduce_sum3A_3 {offsets = [5, 6], sizes = [1, 104], strides = [1, 1]} : vector<12x144xf32> to vector<1x104xf32>
    %mul3A_77 = vector.broadcast %mul3A_63 : f32 to vector<1x104xf32>
    %mul3A_78 = arith.mulf %mul3A_77, %slice3A_76 : vector<1x104xf32>
    %add3A_79 = arith.addf %add3A_71, %mul3A_78 : vector<1x104xf32>
    %slice3A_80 = vector.extract_strided_slice %reduce_sum3A_9 {offsets = [5, 6], sizes = [1, 104], strides = [1, 1]} : vector<12x144xf32> to vector<1x104xf32>
    %mul3A_81 = vector.broadcast %mul3A_63 : f32 to vector<1x104xf32>
    %mul3A_82 = arith.mulf %mul3A_81, %slice3A_80 : vector<1x104xf32>
    %add3A_83 = arith.addf %add3A_75, %mul3A_82 : vector<1x104xf32>
    %slice3A_84 = vector.extract_strided_slice %reduce_sum3A_3 {offsets = [9, 6], sizes = [1, 104], strides = [1, 1]} : vector<12x144xf32> to vector<1x104xf32>
    %mul3A_85 = vector.broadcast %mul3A_67 : f32 to vector<1x104xf32>
    %mul3A_86 = arith.mulf %mul3A_85, %slice3A_84 : vector<1x104xf32>
    %add3A_87 = arith.addf %add3A_79, %mul3A_86 : vector<1x104xf32>
    %slice3A_88 = vector.extract_strided_slice %reduce_sum3A_9 {offsets = [9, 6], sizes = [1, 104], strides = [1, 1]} : vector<12x144xf32> to vector<1x104xf32>
    %mul3A_89 = vector.broadcast %mul3A_67 : f32 to vector<1x104xf32>
    %mul3A_90 = arith.mulf %mul3A_89, %slice3A_88 : vector<1x104xf32>
    %add3A_91 = arith.addf %add3A_83, %mul3A_90 : vector<1x104xf32>
    %mul3A_92 = arith.constant -3.800000e+01 : f32
    %mul3A_93 = arith.mulf %mul3A_92, %mul3A_18 : f32
    %mul3A_94 = arith.mulf %mul3A_93, %mul3A_93 : f32
    %mul3A_95 = arith.constant -5.000000e-01 : f32
    %mul3A_96 = arith.mulf %mul3A_95, %mul3A_94 : f32
    %exp3A_97 = math.exp %mul3A_96 : f32
    %neg3A_98 = arith.constant 0.000000e+00 : f32
    %neg3A_99 = arith.subf %neg3A_98, %exp3A_97 : f32
    %mul3A_100 = arith.mulf %neg3A_99, %mul3A_93 : f32
    %mul3A_101 = arith.mulf %mul3A_93, %mul3A_93 : f32
    %sub3A_102 = arith.constant 1.000000e+00 : f32
    %sub3A_103 = arith.subf %mul3A_101, %sub3A_102 : f32
    %mul3A_104 = arith.mulf %exp3A_97, %sub3A_103 : f32
    %slice3A_105 = vector.extract_strided_slice %reduce_sum3A_3 {offsets = [2, 6], sizes = [1, 104], strides = [1, 1]} : vector<12x144xf32> to vector<1x104xf32>
    %mul3A_106 = vector.broadcast %exp3A_97 : f32 to vector<1x104xf32>
    %mul3A_107 = arith.mulf %mul3A_106, %slice3A_105 : vector<1x104xf32>
    %add3A_108 = arith.addf %add3A_87, %mul3A_107 : vector<1x104xf32>
    %slice3A_109 = vector.extract_strided_slice %reduce_sum3A_9 {offsets = [2, 6], sizes = [1, 104], strides = [1, 1]} : vector<12x144xf32> to vector<1x104xf32>
    %mul3A_110 = vector.broadcast %exp3A_97 : f32 to vector<1x104xf32>
    %mul3A_111 = arith.mulf %mul3A_110, %slice3A_109 : vector<1x104xf32>
    %add3A_112 = arith.addf %add3A_91, %mul3A_111 : vector<1x104xf32>
    %slice3A_113 = vector.extract_strided_slice %reduce_sum3A_3 {offsets = [6, 6], sizes = [1, 104], strides = [1, 1]} : vector<12x144xf32> to vector<1x104xf32>
    %mul3A_114 = vector.broadcast %mul3A_100 : f32 to vector<1x104xf32>
    %mul3A_115 = arith.mulf %mul3A_114, %slice3A_113 : vector<1x104xf32>
    %add3A_116 = arith.addf %add3A_108, %mul3A_115 : vector<1x104xf32>
    %slice3A_117 = vector.extract_strided_slice %reduce_sum3A_9 {offsets = [6, 6], sizes = [1, 104], strides = [1, 1]} : vector<12x144xf32> to vector<1x104xf32>
    %mul3A_118 = vector.broadcast %mul3A_100 : f32 to vector<1x104xf32>
    %mul3A_119 = arith.mulf %mul3A_118, %slice3A_117 : vector<1x104xf32>
    %add3A_120 = arith.addf %add3A_112, %mul3A_119 : vector<1x104xf32>
    %slice3A_121 = vector.extract_strided_slice %reduce_sum3A_3 {offsets = [10, 6], sizes = [1, 104], strides = [1, 1]} : vector<12x144xf32> to vector<1x104xf32>
    %mul3A_122 = vector.broadcast %mul3A_104 : f32 to vector<1x104xf32>
    %mul3A_123 = arith.mulf %mul3A_122, %slice3A_121 : vector<1x104xf32>
    %add3A_124 = arith.addf %add3A_116, %mul3A_123 : vector<1x104xf32>
    %slice3A_125 = vector.extract_strided_slice %reduce_sum3A_9 {offsets = [10, 6], sizes = [1, 104], strides = [1, 1]} : vector<12x144xf32> to vector<1x104xf32>
    %mul3A_126 = vector.broadcast %mul3A_104 : f32 to vector<1x104xf32>
    %mul3A_127 = arith.mulf %mul3A_126, %slice3A_125 : vector<1x104xf32>
    %add3A_128 = arith.addf %add3A_120, %mul3A_127 : vector<1x104xf32>
    %mul3A_129 = arith.constant -3.700000e+01 : f32
    %mul3A_130 = arith.mulf %mul3A_129, %mul3A_18 : f32
    %mul3A_131 = arith.mulf %mul3A_130, %mul3A_130 : f32
    %mul3A_132 = arith.constant -5.000000e-01 : f32
    %mul3A_133 = arith.mulf %mul3A_132, %mul3A_131 : f32
    %exp3A_134 = math.exp %mul3A_133 : f32
    %neg3A_135 = arith.constant 0.000000e+00 : f32
    %neg3A_136 = arith.subf %neg3A_135, %exp3A_134 : f32
    %mul3A_137 = arith.mulf %neg3A_136, %mul3A_130 : f32
    %mul3A_138 = arith.mulf %mul3A_130, %mul3A_130 : f32
    %sub3A_139 = arith.constant 1.000000e+00 : f32
    %sub3A_140 = arith.subf %mul3A_138, %sub3A_139 : f32
    %mul3A_141 = arith.mulf %exp3A_134, %sub3A_140 : f32
    %slice3A_142 = vector.extract_strided_slice %reduce_sum3A_3 {offsets = [3, 6], sizes = [1, 104], strides = [1, 1]} : vector<12x144xf32> to vector<1x104xf32>
    %mul3A_143 = vector.broadcast %exp3A_134 : f32 to vector<1x104xf32>
    %mul3A_144 = arith.mulf %mul3A_143, %slice3A_142 : vector<1x104xf32>
    %add3A_145 = arith.addf %add3A_124, %mul3A_144 : vector<1x104xf32>
    %slice3A_146 = vector.extract_strided_slice %reduce_sum3A_9 {offsets = [3, 6], sizes = [1, 104], strides = [1, 1]} : vector<12x144xf32> to vector<1x104xf32>
    %mul3A_147 = vector.broadcast %exp3A_134 : f32 to vector<1x104xf32>
    %mul3A_148 = arith.mulf %mul3A_147, %slice3A_146 : vector<1x104xf32>
    %add3A_149 = arith.addf %add3A_128, %mul3A_148 : vector<1x104xf32>
    %slice3A_150 = vector.extract_strided_slice %reduce_sum3A_3 {offsets = [7, 6], sizes = [1, 104], strides = [1, 1]} : vector<12x144xf32> to vector<1x104xf32>
    %mul3A_151 = vector.broadcast %mul3A_137 : f32 to vector<1x104xf32>
    %mul3A_152 = arith.mulf %mul3A_151, %slice3A_150 : vector<1x104xf32>
    %add3A_153 = arith.addf %add3A_145, %mul3A_152 : vector<1x104xf32>
    %slice3A_154 = vector.extract_strided_slice %reduce_sum3A_9 {offsets = [7, 6], sizes = [1, 104], strides = [1, 1]} : vector<12x144xf32> to vector<1x104xf32>
    %mul3A_155 = vector.broadcast %mul3A_137 : f32 to vector<1x104xf32>
    %mul3A_156 = arith.mulf %mul3A_155, %slice3A_154 : vector<1x104xf32>
    %add3A_157 = arith.addf %add3A_149, %mul3A_156 : vector<1x104xf32>
    %slice3A_158 = vector.extract_strided_slice %reduce_sum3A_3 {offsets = [11, 6], sizes = [1, 104], strides = [1, 1]} : vector<12x144xf32> to vector<1x104xf32>
    %mul3A_159 = vector.broadcast %mul3A_141 : f32 to vector<1x104xf32>
    %mul3A_160 = arith.mulf %mul3A_159, %slice3A_158 : vector<1x104xf32>
    %add3A_161 = arith.addf %add3A_153, %mul3A_160 : vector<1x104xf32>
    %slice3A_162 = vector.extract_strided_slice %reduce_sum3A_9 {offsets = [11, 6], sizes = [1, 104], strides = [1, 1]} : vector<12x144xf32> to vector<1x104xf32>
    %mul3A_163 = vector.broadcast %mul3A_141 : f32 to vector<1x104xf32>
    %mul3A_164 = arith.mulf %mul3A_163, %slice3A_162 : vector<1x104xf32>
    %add3A_165 = arith.addf %add3A_157, %mul3A_164 : vector<1x104xf32>
    %mul3A_166 = arith.constant -3.600000e+01 : f32
    %mul3A_167 = arith.mulf %mul3A_166, %mul3A_18 : f32
    %mul3A_168 = arith.mulf %mul3A_167, %mul3A_167 : f32
    %mul3A_169 = arith.constant -5.000000e-01 : f32
    %mul3A_170 = arith.mulf %mul3A_169, %mul3A_168 : f32
    %exp3A_171 = math.exp %mul3A_170 : f32
    %neg3A_172 = arith.constant 0.000000e+00 : f32
    %neg3A_173 = arith.subf %neg3A_172, %exp3A_171 : f32
    %mul3A_174 = arith.mulf %neg3A_173, %mul3A_167 : f32
    %mul3A_175 = arith.mulf %mul3A_167, %mul3A_167 : f32
    %sub3A_176 = arith.constant 1.000000e+00 : f32
    %sub3A_177 = arith.subf %mul3A_175, %sub3A_176 : f32
    %mul3A_178 = arith.mulf %exp3A_171, %sub3A_177 : f32
    %slice3A_179 = vector.extract_strided_slice %reduce_sum3A_3 {offsets = [0, 7], sizes = [1, 104], strides = [1, 1]} : vector<12x144xf32> to vector<1x104xf32>
    %mul3A_180 = vector.broadcast %exp3A_171 : f32 to vector<1x104xf32>
    %mul3A_181 = arith.mulf %mul3A_180, %slice3A_179 : vector<1x104xf32>
    %add3A_182 = arith.addf %add3A_161, %mul3A_181 : vector<1x104xf32>
    %slice3A_183 = vector.extract_strided_slice %reduce_sum3A_9 {offsets = [0, 7], sizes = [1, 104], strides = [1, 1]} : vector<12x144xf32> to vector<1x104xf32>
    %mul3A_184 = vector.broadcast %exp3A_171 : f32 to vector<1x104xf32>
    %mul3A_185 = arith.mulf %mul3A_184, %slice3A_183 : vector<1x104xf32>
    %add3A_186 = arith.addf %add3A_165, %mul3A_185 : vector<1x104xf32>
    %slice3A_187 = vector.extract_strided_slice %reduce_sum3A_3 {offsets = [4, 7], sizes = [1, 104], strides = [1, 1]} : vector<12x144xf32> to vector<1x104xf32>
    %mul3A_188 = vector.broadcast %mul3A_174 : f32 to vector<1x104xf32>
    %mul3A_189 = arith.mulf %mul3A_188, %slice3A_187 : vector<1x104xf32>
    %add3A_190 = arith.addf %add3A_182, %mul3A_189 : vector<1x104xf32>
    %slice3A_191 = vector.extract_strided_slice %reduce_sum3A_9 {offsets = [4, 7], sizes = [1, 104], strides = [1, 1]} : vector<12x144xf32> to vector<1x104xf32>
    %mul3A_192 = vector.broadcast %mul3A_174 : f32 to vector<1x104xf32>
    %mul3A_193 = arith.mulf %mul3A_192, %slice3A_191 : vector<1x104xf32>
    %add3A_194 = arith.addf %add3A_186, %mul3A_193 : vector<1x104xf32>
    %slice3A_195 = vector.extract_strided_slice %reduce_sum3A_3 {offsets = [8, 7], sizes = [1, 104], strides = [1, 1]} : vector<12x144xf32> to vector<1x104xf32>
    %mul3A_196 = vector.broadcast %mul3A_178 : f32 to vector<1x104xf32>
    %mul3A_197 = arith.mulf %mul3A_196, %slice3A_195 : vector<1x104xf32>
    %add3A_198 = arith.addf %add3A_190, %mul3A_197 : vector<1x104xf32>
    %slice3A_199 = vector.extract_strided_slice %reduce_sum3A_9 {offsets = [8, 7], sizes = [1, 104], strides = [1, 1]} : vector<12x144xf32> to vector<1x104xf32>
    %mul3A_200 = vector.broadcast %mul3A_178 : f32 to vector<1x104xf32>
    %mul3A_201 = arith.mulf %mul3A_200, %slice3A_199 : vector<1x104xf32>
    %add3A_202 = arith.addf %add3A_194, %mul3A_201 : vector<1x104xf32>
    %mul3A_203 = arith.constant -3.500000e+01 : f32
    %mul3A_204 = arith.mulf %mul3A_203, %mul3A_18 : f32
    %mul3A_205 = arith.mulf %mul3A_204, %mul3A_204 : f32
    %mul3A_206 = arith.constant -5.000000e-01 : f32
    %mul3A_207 = arith.mulf %mul3A_206, %mul3A_205 : f32
    %exp3A_208 = math.exp %mul3A_207 : f32
    %neg3A_209 = arith.constant 0.000000e+00 : f32
    %neg3A_210 = arith.subf %neg3A_209, %exp3A_208 : f32
    %mul3A_211 = arith.mulf %neg3A_210, %mul3A_204 : f32
    %mul3A_212 = arith.mulf %mul3A_204, %mul3A_204 : f32
    %sub3A_213 = arith.constant 1.000000e+00 : f32
    %sub3A_214 = arith.subf %mul3A_212, %sub3A_213 : f32
    %mul3A_215 = arith.mulf %exp3A_208, %sub3A_214 : f32
    %slice3A_216 = vector.extract_strided_slice %reduce_sum3A_3 {offsets = [1, 7], sizes = [1, 104], strides = [1, 1]} : vector<12x144xf32> to vector<1x104xf32>
    %mul3A_217 = vector.broadcast %exp3A_208 : f32 to vector<1x104xf32>
    %mul3A_218 = arith.mulf %mul3A_217, %slice3A_216 : vector<1x104xf32>
    %add3A_219 = arith.addf %add3A_198, %mul3A_218 : vector<1x104xf32>
    %slice3A_220 = vector.extract_strided_slice %reduce_sum3A_9 {offsets = [1, 7], sizes = [1, 104], strides = [1, 1]} : vector<12x144xf32> to vector<1x104xf32>
    %mul3A_221 = vector.broadcast %exp3A_208 : f32 to vector<1x104xf32>
    %mul3A_222 = arith.mulf %mul3A_221, %slice3A_220 : vector<1x104xf32>
    %add3A_223 = arith.addf %add3A_202, %mul3A_222 : vector<1x104xf32>
    %slice3A_224 = vector.extract_strided_slice %reduce_sum3A_3 {offsets = [5, 7], sizes = [1, 104], strides = [1, 1]} : vector<12x144xf32> to vector<1x104xf32>
    %mul3A_225 = vector.broadcast %mul3A_211 : f32 to vector<1x104xf32>
    %mul3A_226 = arith.mulf %mul3A_225, %slice3A_224 : vector<1x104xf32>
    %add3A_227 = arith.addf %add3A_219, %mul3A_226 : vector<1x104xf32>
    %slice3A_228 = vector.extract_strided_slice %reduce_sum3A_9 {offsets = [5, 7], sizes = [1, 104], strides = [1, 1]} : vector<12x144xf32> to vector<1x104xf32>
    %mul3A_229 = vector.broadcast %mul3A_211 : f32 to vector<1x104xf32>
    %mul3A_230 = arith.mulf %mul3A_229, %slice3A_228 : vector<1x104xf32>
    %add3A_231 = arith.addf %add3A_223, %mul3A_230 : vector<1x104xf32>
    %slice3A_232 = vector.extract_strided_slice %reduce_sum3A_3 {offsets = [9, 7], sizes = [1, 104], strides = [1, 1]} : vector<12x144xf32> to vector<1x104xf32>
    %mul3A_233 = vector.broadcast %mul3A_215 : f32 to vector<1x104xf32>
    %mul3A_234 = arith.mulf %mul3A_233, %slice3A_232 : vector<1x104xf32>
    %add3A_235 = arith.addf %add3A_227, %mul3A_234 : vector<1x104xf32>
    %slice3A_236 = vector.extract_strided_slice %reduce_sum3A_9 {offsets = [9, 7], sizes = [1, 104], strides = [1, 1]} : vector<12x144xf32> to vector<1x104xf32>
    %mul3A_237 = vector.broadcast %mul3A_215 : f32 to vector<1x104xf32>
    %mul3A_238 = arith.mulf %mul3A_237, %slice3A_236 : vector<1x104xf32>
    %add3A_239 = arith.addf %add3A_231, %mul3A_238 : vector<1x104xf32>
    %mul3A_240 = arith.constant -3.400000e+01 : f32
    %mul3A_241 = arith.mulf %mul3A_240, %mul3A_18 : f32
    %mul3A_242 = arith.mulf %mul3A_241, %mul3A_241 : f32
    %mul3A_243 = arith.constant -5.000000e-01 : f32
    %mul3A_244 = arith.mulf %mul3A_243, %mul3A_242 : f32
    %exp3A_245 = math.exp %mul3A_244 : f32
    %neg3A_246 = arith.constant 0.000000e+00 : f32
    %neg3A_247 = arith.subf %neg3A_246, %exp3A_245 : f32
    %mul3A_248 = arith.mulf %neg3A_247, %mul3A_241 : f32
    %mul3A_249 = arith.mulf %mul3A_241, %mul3A_241 : f32
    %sub3A_250 = arith.constant 1.000000e+00 : f32
    %sub3A_251 = arith.subf %mul3A_249, %sub3A_250 : f32
    %mul3A_252 = arith.mulf %exp3A_245, %sub3A_251 : f32
    %slice3A_253 = vector.extract_strided_slice %reduce_sum3A_3 {offsets = [2, 7], sizes = [1, 104], strides = [1, 1]} : vector<12x144xf32> to vector<1x104xf32>
    %mul3A_254 = vector.broadcast %exp3A_245 : f32 to vector<1x104xf32>
    %mul3A_255 = arith.mulf %mul3A_254, %slice3A_253 : vector<1x104xf32>
    %add3A_256 = arith.addf %add3A_235, %mul3A_255 : vector<1x104xf32>
    %slice3A_257 = vector.extract_strided_slice %reduce_sum3A_9 {offsets = [2, 7], sizes = [1, 104], strides = [1, 1]} : vector<12x144xf32> to vector<1x104xf32>
    %mul3A_258 = vector.broadcast %exp3A_245 : f32 to vector<1x104xf32>
    %mul3A_259 = arith.mulf %mul3A_258, %slice3A_257 : vector<1x104xf32>
    %add3A_260 = arith.addf %add3A_239, %mul3A_259 : vector<1x104xf32>
    %slice3A_261 = vector.extract_strided_slice %reduce_sum3A_3 {offsets = [6, 7], sizes = [1, 104], strides = [1, 1]} : vector<12x144xf32> to vector<1x104xf32>
    %mul3A_262 = vector.broadcast %mul3A_248 : f32 to vector<1x104xf32>
    %mul3A_263 = arith.mulf %mul3A_262, %slice3A_261 : vector<1x104xf32>
    %add3A_264 = arith.addf %add3A_256, %mul3A_263 : vector<1x104xf32>
    %slice3A_265 = vector.extract_strided_slice %reduce_sum3A_9 {offsets = [6, 7], sizes = [1, 104], strides = [1, 1]} : vector<12x144xf32> to vector<1x104xf32>
    %mul3A_266 = vector.broadcast %mul3A_248 : f32 to vector<1x104xf32>
    %mul3A_267 = arith.mulf %mul3A_266, %slice3A_265 : vector<1x104xf32>
    %add3A_268 = arith.addf %add3A_260, %mul3A_267 : vector<1x104xf32>
    %slice3A_269 = vector.extract_strided_slice %reduce_sum3A_3 {offsets = [10, 7], sizes = [1, 104], strides = [1, 1]} : vector<12x144xf32> to vector<1x104xf32>
    %mul3A_270 = vector.broadcast %mul3A_252 : f32 to vector<1x104xf32>
    %mul3A_271 = arith.mulf %mul3A_270, %slice3A_269 : vector<1x104xf32>
    %add3A_272 = arith.addf %add3A_264, %mul3A_271 : vector<1x104xf32>
    %slice3A_273 = vector.extract_strided_slice %reduce_sum3A_9 {offsets = [10, 7], sizes = [1, 104], strides = [1, 1]} : vector<12x144xf32> to vector<1x104xf32>
    %mul3A_274 = vector.broadcast %mul3A_252 : f32 to vector<1x104xf32>
    %mul3A_275 = arith.mulf %mul3A_274, %slice3A_273 : vector<1x104xf32>
    %add3A_276 = arith.addf %add3A_268, %mul3A_275 : vector<1x104xf32>
    %mul3A_277 = arith.constant -3.300000e+01 : f32
    %mul3A_278 = arith.mulf %mul3A_277, %mul3A_18 : f32
    %mul3A_279 = arith.mulf %mul3A_278, %mul3A_278 : f32
    %mul3A_280 = arith.constant -5.000000e-01 : f32
    %mul3A_281 = arith.mulf %mul3A_280, %mul3A_279 : f32
    %exp3A_282 = math.exp %mul3A_281 : f32
    %neg3A_283 = arith.constant 0.000000e+00 : f32
    %neg3A_284 = arith.subf %neg3A_283, %exp3A_282 : f32
    %mul3A_285 = arith.mulf %neg3A_284, %mul3A_278 : f32
    %mul3A_286 = arith.mulf %mul3A_278, %mul3A_278 : f32
    %sub3A_287 = arith.constant 1.000000e+00 : f32
    %sub3A_288 = arith.subf %mul3A_286, %sub3A_287 : f32
    %mul3A_289 = arith.mulf %exp3A_282, %sub3A_288 : f32
    %slice3A_290 = vector.extract_strided_slice %reduce_sum3A_3 {offsets = [3, 7], sizes = [1, 104], strides = [1, 1]} : vector<12x144xf32> to vector<1x104xf32>
    %mul3A_291 = vector.broadcast %exp3A_282 : f32 to vector<1x104xf32>
    %mul3A_292 = arith.mulf %mul3A_291, %slice3A_290 : vector<1x104xf32>
    %add3A_293 = arith.addf %add3A_272, %mul3A_292 : vector<1x104xf32>
    %slice3A_294 = vector.extract_strided_slice %reduce_sum3A_9 {offsets = [3, 7], sizes = [1, 104], strides = [1, 1]} : vector<12x144xf32> to vector<1x104xf32>
    %mul3A_295 = vector.broadcast %exp3A_282 : f32 to vector<1x104xf32>
    %mul3A_296 = arith.mulf %mul3A_295, %slice3A_294 : vector<1x104xf32>
    %add3A_297 = arith.addf %add3A_276, %mul3A_296 : vector<1x104xf32>
    %slice3A_298 = vector.extract_strided_slice %reduce_sum3A_3 {offsets = [7, 7], sizes = [1, 104], strides = [1, 1]} : vector<12x144xf32> to vector<1x104xf32>
    %mul3A_299 = vector.broadcast %mul3A_285 : f32 to vector<1x104xf32>
    %mul3A_300 = arith.mulf %mul3A_299, %slice3A_298 : vector<1x104xf32>
    %add3A_301 = arith.addf %add3A_293, %mul3A_300 : vector<1x104xf32>
    %slice3A_302 = vector.extract_strided_slice %reduce_sum3A_9 {offsets = [7, 7], sizes = [1, 104], strides = [1, 1]} : vector<12x144xf32> to vector<1x104xf32>
    %mul3A_303 = vector.broadcast %mul3A_285 : f32 to vector<1x104xf32>
    %mul3A_304 = arith.mulf %mul3A_303, %slice3A_302 : vector<1x104xf32>
    %add3A_305 = arith.addf %add3A_297, %mul3A_304 : vector<1x104xf32>
    %slice3A_306 = vector.extract_strided_slice %reduce_sum3A_3 {offsets = [11, 7], sizes = [1, 104], strides = [1, 1]} : vector<12x144xf32> to vector<1x104xf32>
    %mul3A_307 = vector.broadcast %mul3A_289 : f32 to vector<1x104xf32>
    %mul3A_308 = arith.mulf %mul3A_307, %slice3A_306 : vector<1x104xf32>
    %add3A_309 = arith.addf %add3A_301, %mul3A_308 : vector<1x104xf32>
    %slice3A_310 = vector.extract_strided_slice %reduce_sum3A_9 {offsets = [11, 7], sizes = [1, 104], strides = [1, 1]} : vector<12x144xf32> to vector<1x104xf32>
    %mul3A_311 = vector.broadcast %mul3A_289 : f32 to vector<1x104xf32>
    %mul3A_312 = arith.mulf %mul3A_311, %slice3A_310 : vector<1x104xf32>
    %add3A_313 = arith.addf %add3A_305, %mul3A_312 : vector<1x104xf32>
    %mul3A_314 = arith.constant -3.200000e+01 : f32
    %mul3A_315 = arith.mulf %mul3A_314, %mul3A_18 : f32
    %mul3A_316 = arith.mulf %mul3A_315, %mul3A_315 : f32
    %mul3A_317 = arith.constant -5.000000e-01 : f32
    %mul3A_318 = arith.mulf %mul3A_317, %mul3A_316 : f32
    %exp3A_319 = math.exp %mul3A_318 : f32
    %neg3A_320 = arith.constant 0.000000e+00 : f32
    %neg3A_321 = arith.subf %neg3A_320, %exp3A_319 : f32
    %mul3A_322 = arith.mulf %neg3A_321, %mul3A_315 : f32
    %mul3A_323 = arith.mulf %mul3A_315, %mul3A_315 : f32
    %sub3A_324 = arith.constant 1.000000e+00 : f32
    %sub3A_325 = arith.subf %mul3A_323, %sub3A_324 : f32
    %mul3A_326 = arith.mulf %exp3A_319, %sub3A_325 : f32
    %slice3A_327 = vector.extract_strided_slice %reduce_sum3A_3 {offsets = [0, 8], sizes = [1, 104], strides = [1, 1]} : vector<12x144xf32> to vector<1x104xf32>
    %mul3A_328 = vector.broadcast %exp3A_319 : f32 to vector<1x104xf32>
    %mul3A_329 = arith.mulf %mul3A_328, %slice3A_327 : vector<1x104xf32>
    %add3A_330 = arith.addf %add3A_309, %mul3A_329 : vector<1x104xf32>
    %slice3A_331 = vector.extract_strided_slice %reduce_sum3A_9 {offsets = [0, 8], sizes = [1, 104], strides = [1, 1]} : vector<12x144xf32> to vector<1x104xf32>
    %mul3A_332 = vector.broadcast %exp3A_319 : f32 to vector<1x104xf32>
    %mul3A_333 = arith.mulf %mul3A_332, %slice3A_331 : vector<1x104xf32>
    %add3A_334 = arith.addf %add3A_313, %mul3A_333 : vector<1x104xf32>
    %slice3A_335 = vector.extract_strided_slice %reduce_sum3A_3 {offsets = [4, 8], sizes = [1, 104], strides = [1, 1]} : vector<12x144xf32> to vector<1x104xf32>
    %mul3A_336 = vector.broadcast %mul3A_322 : f32 to vector<1x104xf32>
    %mul3A_337 = arith.mulf %mul3A_336, %slice3A_335 : vector<1x104xf32>
    %add3A_338 = arith.addf %add3A_330, %mul3A_337 : vector<1x104xf32>
    %slice3A_339 = vector.extract_strided_slice %reduce_sum3A_9 {offsets = [4, 8], sizes = [1, 104], strides = [1, 1]} : vector<12x144xf32> to vector<1x104xf32>
    %mul3A_340 = vector.broadcast %mul3A_322 : f32 to vector<1x104xf32>
    %mul3A_341 = arith.mulf %mul3A_340, %slice3A_339 : vector<1x104xf32>
    %add3A_342 = arith.addf %add3A_334, %mul3A_341 : vector<1x104xf32>
    %slice3A_343 = vector.extract_strided_slice %reduce_sum3A_3 {offsets = [8, 8], sizes = [1, 104], strides = [1, 1]} : vector<12x144xf32> to vector<1x104xf32>
    %mul3A_344 = vector.broadcast %mul3A_326 : f32 to vector<1x104xf32>
    %mul3A_345 = arith.mulf %mul3A_344, %slice3A_343 : vector<1x104xf32>
    %add3A_346 = arith.addf %add3A_338, %mul3A_345 : vector<1x104xf32>
    %slice3A_347 = vector.extract_strided_slice %reduce_sum3A_9 {offsets = [8, 8], sizes = [1, 104], strides = [1, 1]} : vector<12x144xf32> to vector<1x104xf32>
    %mul3A_348 = vector.broadcast %mul3A_326 : f32 to vector<1x104xf32>
    %mul3A_349 = arith.mulf %mul3A_348, %slice3A_347 : vector<1x104xf32>
    %add3A_350 = arith.addf %add3A_342, %mul3A_349 : vector<1x104xf32>
    %mul3A_351 = arith.constant -3.100000e+01 : f32
    %mul3A_352 = arith.mulf %mul3A_351, %mul3A_18 : f32
    %mul3A_353 = arith.mulf %mul3A_352, %mul3A_352 : f32
    %mul3A_354 = arith.constant -5.000000e-01 : f32
    %mul3A_355 = arith.mulf %mul3A_354, %mul3A_353 : f32
    %exp3A_356 = math.exp %mul3A_355 : f32
    %neg3A_357 = arith.constant 0.000000e+00 : f32
    %neg3A_358 = arith.subf %neg3A_357, %exp3A_356 : f32
    %mul3A_359 = arith.mulf %neg3A_358, %mul3A_352 : f32
    %mul3A_360 = arith.mulf %mul3A_352, %mul3A_352 : f32
    %sub3A_361 = arith.constant 1.000000e+00 : f32
    %sub3A_362 = arith.subf %mul3A_360, %sub3A_361 : f32
    %mul3A_363 = arith.mulf %exp3A_356, %sub3A_362 : f32
    %slice3A_364 = vector.extract_strided_slice %reduce_sum3A_3 {offsets = [1, 8], sizes = [1, 104], strides = [1, 1]} : vector<12x144xf32> to vector<1x104xf32>
    %mul3A_365 = vector.broadcast %exp3A_356 : f32 to vector<1x104xf32>
    %mul3A_366 = arith.mulf %mul3A_365, %slice3A_364 : vector<1x104xf32>
    %add3A_367 = arith.addf %add3A_346, %mul3A_366 : vector<1x104xf32>
    %slice3A_368 = vector.extract_strided_slice %reduce_sum3A_9 {offsets = [1, 8], sizes = [1, 104], strides = [1, 1]} : vector<12x144xf32> to vector<1x104xf32>
    %mul3A_369 = vector.broadcast %exp3A_356 : f32 to vector<1x104xf32>
    %mul3A_370 = arith.mulf %mul3A_369, %slice3A_368 : vector<1x104xf32>
    %add3A_371 = arith.addf %add3A_350, %mul3A_370 : vector<1x104xf32>
    %slice3A_372 = vector.extract_strided_slice %reduce_sum3A_3 {offsets = [5, 8], sizes = [1, 104], strides = [1, 1]} : vector<12x144xf32> to vector<1x104xf32>
    %mul3A_373 = vector.broadcast %mul3A_359 : f32 to vector<1x104xf32>
    %mul3A_374 = arith.mulf %mul3A_373, %slice3A_372 : vector<1x104xf32>
    %add3A_375 = arith.addf %add3A_367, %mul3A_374 : vector<1x104xf32>
    %slice3A_376 = vector.extract_strided_slice %reduce_sum3A_9 {offsets = [5, 8], sizes = [1, 104], strides = [1, 1]} : vector<12x144xf32> to vector<1x104xf32>
    %mul3A_377 = vector.broadcast %mul3A_359 : f32 to vector<1x104xf32>
    %mul3A_378 = arith.mulf %mul3A_377, %slice3A_376 : vector<1x104xf32>
    %add3A_379 = arith.addf %add3A_371, %mul3A_378 : vector<1x104xf32>
    %slice3A_380 = vector.extract_strided_slice %reduce_sum3A_3 {offsets = [9, 8], sizes = [1, 104], strides = [1, 1]} : vector<12x144xf32> to vector<1x104xf32>
    %mul3A_381 = vector.broadcast %mul3A_363 : f32 to vector<1x104xf32>
    %mul3A_382 = arith.mulf %mul3A_381, %slice3A_380 : vector<1x104xf32>
    %add3A_383 = arith.addf %add3A_375, %mul3A_382 : vector<1x104xf32>
    %slice3A_384 = vector.extract_strided_slice %reduce_sum3A_9 {offsets = [9, 8], sizes = [1, 104], strides = [1, 1]} : vector<12x144xf32> to vector<1x104xf32>
    %mul3A_385 = vector.broadcast %mul3A_363 : f32 to vector<1x104xf32>
    %mul3A_386 = arith.mulf %mul3A_385, %slice3A_384 : vector<1x104xf32>
    %add3A_387 = arith.addf %add3A_379, %mul3A_386 : vector<1x104xf32>
    %mul3A_388 = arith.constant -3.000000e+01 : f32
    %mul3A_389 = arith.mulf %mul3A_388, %mul3A_18 : f32
    %mul3A_390 = arith.mulf %mul3A_389, %mul3A_389 : f32
    %mul3A_391 = arith.constant -5.000000e-01 : f32
    %mul3A_392 = arith.mulf %mul3A_391, %mul3A_390 : f32
    %exp3A_393 = math.exp %mul3A_392 : f32
    %neg3A_394 = arith.constant 0.000000e+00 : f32
    %neg3A_395 = arith.subf %neg3A_394, %exp3A_393 : f32
    %mul3A_396 = arith.mulf %neg3A_395, %mul3A_389 : f32
    %mul3A_397 = arith.mulf %mul3A_389, %mul3A_389 : f32
    %sub3A_398 = arith.constant 1.000000e+00 : f32
    %sub3A_399 = arith.subf %mul3A_397, %sub3A_398 : f32
    %mul3A_400 = arith.mulf %exp3A_393, %sub3A_399 : f32
    %slice3A_401 = vector.extract_strided_slice %reduce_sum3A_3 {offsets = [2, 8], sizes = [1, 104], strides = [1, 1]} : vector<12x144xf32> to vector<1x104xf32>
    %mul3A_402 = vector.broadcast %exp3A_393 : f32 to vector<1x104xf32>
    %mul3A_403 = arith.mulf %mul3A_402, %slice3A_401 : vector<1x104xf32>
    %add3A_404 = arith.addf %add3A_383, %mul3A_403 : vector<1x104xf32>
    %slice3A_405 = vector.extract_strided_slice %reduce_sum3A_9 {offsets = [2, 8], sizes = [1, 104], strides = [1, 1]} : vector<12x144xf32> to vector<1x104xf32>
    %mul3A_406 = vector.broadcast %exp3A_393 : f32 to vector<1x104xf32>
    %mul3A_407 = arith.mulf %mul3A_406, %slice3A_405 : vector<1x104xf32>
    %add3A_408 = arith.addf %add3A_387, %mul3A_407 : vector<1x104xf32>
    %slice3A_409 = vector.extract_strided_slice %reduce_sum3A_3 {offsets = [6, 8], sizes = [1, 104], strides = [1, 1]} : vector<12x144xf32> to vector<1x104xf32>
    %mul3A_410 = vector.broadcast %mul3A_396 : f32 to vector<1x104xf32>
    %mul3A_411 = arith.mulf %mul3A_410, %slice3A_409 : vector<1x104xf32>
    %add3A_412 = arith.addf %add3A_404, %mul3A_411 : vector<1x104xf32>
    %slice3A_413 = vector.extract_strided_slice %reduce_sum3A_9 {offsets = [6, 8], sizes = [1, 104], strides = [1, 1]} : vector<12x144xf32> to vector<1x104xf32>
    %mul3A_414 = vector.broadcast %mul3A_396 : f32 to vector<1x104xf32>
    %mul3A_415 = arith.mulf %mul3A_414, %slice3A_413 : vector<1x104xf32>
    %add3A_416 = arith.addf %add3A_408, %mul3A_415 : vector<1x104xf32>
    %slice3A_417 = vector.extract_strided_slice %reduce_sum3A_3 {offsets = [10, 8], sizes = [1, 104], strides = [1, 1]} : vector<12x144xf32> to vector<1x104xf32>
    %mul3A_418 = vector.broadcast %mul3A_400 : f32 to vector<1x104xf32>
    %mul3A_419 = arith.mulf %mul3A_418, %slice3A_417 : vector<1x104xf32>
    %add3A_420 = arith.addf %add3A_412, %mul3A_419 : vector<1x104xf32>
    %slice3A_421 = vector.extract_strided_slice %reduce_sum3A_9 {offsets = [10, 8], sizes = [1, 104], strides = [1, 1]} : vector<12x144xf32> to vector<1x104xf32>
    %mul3A_422 = vector.broadcast %mul3A_400 : f32 to vector<1x104xf32>
    %mul3A_423 = arith.mulf %mul3A_422, %slice3A_421 : vector<1x104xf32>
    %add3A_424 = arith.addf %add3A_416, %mul3A_423 : vector<1x104xf32>
    %mul3A_425 = arith.constant -2.900000e+01 : f32
    %mul3A_426 = arith.mulf %mul3A_425, %mul3A_18 : f32
    %mul3A_427 = arith.mulf %mul3A_426, %mul3A_426 : f32
    %mul3A_428 = arith.constant -5.000000e-01 : f32
    %mul3A_429 = arith.mulf %mul3A_428, %mul3A_427 : f32
    %exp3A_430 = math.exp %mul3A_429 : f32
    %neg3A_431 = arith.constant 0.000000e+00 : f32
    %neg3A_432 = arith.subf %neg3A_431, %exp3A_430 : f32
    %mul3A_433 = arith.mulf %neg3A_432, %mul3A_426 : f32
    %mul3A_434 = arith.mulf %mul3A_426, %mul3A_426 : f32
    %sub3A_435 = arith.constant 1.000000e+00 : f32
    %sub3A_436 = arith.subf %mul3A_434, %sub3A_435 : f32
    %mul3A_437 = arith.mulf %exp3A_430, %sub3A_436 : f32
    %slice3A_438 = vector.extract_strided_slice %reduce_sum3A_3 {offsets = [3, 8], sizes = [1, 104], strides = [1, 1]} : vector<12x144xf32> to vector<1x104xf32>
    %mul3A_439 = vector.broadcast %exp3A_430 : f32 to vector<1x104xf32>
    %mul3A_440 = arith.mulf %mul3A_439, %slice3A_438 : vector<1x104xf32>
    %add3A_441 = arith.addf %add3A_420, %mul3A_440 : vector<1x104xf32>
    %slice3A_442 = vector.extract_strided_slice %reduce_sum3A_9 {offsets = [3, 8], sizes = [1, 104], strides = [1, 1]} : vector<12x144xf32> to vector<1x104xf32>
    %mul3A_443 = vector.broadcast %exp3A_430 : f32 to vector<1x104xf32>
    %mul3A_444 = arith.mulf %mul3A_443, %slice3A_442 : vector<1x104xf32>
    %add3A_445 = arith.addf %add3A_424, %mul3A_444 : vector<1x104xf32>
    %slice3A_446 = vector.extract_strided_slice %reduce_sum3A_3 {offsets = [7, 8], sizes = [1, 104], strides = [1, 1]} : vector<12x144xf32> to vector<1x104xf32>
    %mul3A_447 = vector.broadcast %mul3A_433 : f32 to vector<1x104xf32>
    %mul3A_448 = arith.mulf %mul3A_447, %slice3A_446 : vector<1x104xf32>
    %add3A_449 = arith.addf %add3A_441, %mul3A_448 : vector<1x104xf32>
    %slice3A_450 = vector.extract_strided_slice %reduce_sum3A_9 {offsets = [7, 8], sizes = [1, 104], strides = [1, 1]} : vector<12x144xf32> to vector<1x104xf32>
    %mul3A_451 = vector.broadcast %mul3A_433 : f32 to vector<1x104xf32>
    %mul3A_452 = arith.mulf %mul3A_451, %slice3A_450 : vector<1x104xf32>
    %add3A_453 = arith.addf %add3A_445, %mul3A_452 : vector<1x104xf32>
    %slice3A_454 = vector.extract_strided_slice %reduce_sum3A_3 {offsets = [11, 8], sizes = [1, 104], strides = [1, 1]} : vector<12x144xf32> to vector<1x104xf32>
    %mul3A_455 = vector.broadcast %mul3A_437 : f32 to vector<1x104xf32>
    %mul3A_456 = arith.mulf %mul3A_455, %slice3A_454 : vector<1x104xf32>
    %add3A_457 = arith.addf %add3A_449, %mul3A_456 : vector<1x104xf32>
    %slice3A_458 = vector.extract_strided_slice %reduce_sum3A_9 {offsets = [11, 8], sizes = [1, 104], strides = [1, 1]} : vector<12x144xf32> to vector<1x104xf32>
    %mul3A_459 = vector.broadcast %mul3A_437 : f32 to vector<1x104xf32>
    %mul3A_460 = arith.mulf %mul3A_459, %slice3A_458 : vector<1x104xf32>
    %add3A_461 = arith.addf %add3A_453, %mul3A_460 : vector<1x104xf32>
    %mul3A_462 = arith.constant -2.800000e+01 : f32
    %mul3A_463 = arith.mulf %mul3A_462, %mul3A_18 : f32
    %mul3A_464 = arith.mulf %mul3A_463, %mul3A_463 : f32
    %mul3A_465 = arith.constant -5.000000e-01 : f32
    %mul3A_466 = arith.mulf %mul3A_465, %mul3A_464 : f32
    %exp3A_467 = math.exp %mul3A_466 : f32
    %neg3A_468 = arith.constant 0.000000e+00 : f32
    %neg3A_469 = arith.subf %neg3A_468, %exp3A_467 : f32
    %mul3A_470 = arith.mulf %neg3A_469, %mul3A_463 : f32
    %mul3A_471 = arith.mulf %mul3A_463, %mul3A_463 : f32
    %sub3A_472 = arith.constant 1.000000e+00 : f32
    %sub3A_473 = arith.subf %mul3A_471, %sub3A_472 : f32
    %mul3A_474 = arith.mulf %exp3A_467, %sub3A_473 : f32
    %slice3A_475 = vector.extract_strided_slice %reduce_sum3A_3 {offsets = [0, 9], sizes = [1, 104], strides = [1, 1]} : vector<12x144xf32> to vector<1x104xf32>
    %mul3A_476 = vector.broadcast %exp3A_467 : f32 to vector<1x104xf32>
    %mul3A_477 = arith.mulf %mul3A_476, %slice3A_475 : vector<1x104xf32>
    %add3A_478 = arith.addf %add3A_457, %mul3A_477 : vector<1x104xf32>
    %slice3A_479 = vector.extract_strided_slice %reduce_sum3A_9 {offsets = [0, 9], sizes = [1, 104], strides = [1, 1]} : vector<12x144xf32> to vector<1x104xf32>
    %mul3A_480 = vector.broadcast %exp3A_467 : f32 to vector<1x104xf32>
    %mul3A_481 = arith.mulf %mul3A_480, %slice3A_479 : vector<1x104xf32>
    %add3A_482 = arith.addf %add3A_461, %mul3A_481 : vector<1x104xf32>
    %slice3A_483 = vector.extract_strided_slice %reduce_sum3A_3 {offsets = [4, 9], sizes = [1, 104], strides = [1, 1]} : vector<12x144xf32> to vector<1x104xf32>
    %mul3A_484 = vector.broadcast %mul3A_470 : f32 to vector<1x104xf32>
    %mul3A_485 = arith.mulf %mul3A_484, %slice3A_483 : vector<1x104xf32>
    %add3A_486 = arith.addf %add3A_478, %mul3A_485 : vector<1x104xf32>
    %slice3A_487 = vector.extract_strided_slice %reduce_sum3A_9 {offsets = [4, 9], sizes = [1, 104], strides = [1, 1]} : vector<12x144xf32> to vector<1x104xf32>
    %mul3A_488 = vector.broadcast %mul3A_470 : f32 to vector<1x104xf32>
    %mul3A_489 = arith.mulf %mul3A_488, %slice3A_487 : vector<1x104xf32>
    %add3A_490 = arith.addf %add3A_482, %mul3A_489 : vector<1x104xf32>
    %slice3A_491 = vector.extract_strided_slice %reduce_sum3A_3 {offsets = [8, 9], sizes = [1, 104], strides = [1, 1]} : vector<12x144xf32> to vector<1x104xf32>
    %mul3A_492 = vector.broadcast %mul3A_474 : f32 to vector<1x104xf32>
    %mul3A_493 = arith.mulf %mul3A_492, %slice3A_491 : vector<1x104xf32>
    %add3A_494 = arith.addf %add3A_486, %mul3A_493 : vector<1x104xf32>
    %slice3A_495 = vector.extract_strided_slice %reduce_sum3A_9 {offsets = [8, 9], sizes = [1, 104], strides = [1, 1]} : vector<12x144xf32> to vector<1x104xf32>
    %mul3A_496 = vector.broadcast %mul3A_474 : f32 to vector<1x104xf32>
    %mul3A_497 = arith.mulf %mul3A_496, %slice3A_495 : vector<1x104xf32>
    %add3A_498 = arith.addf %add3A_490, %mul3A_497 : vector<1x104xf32>
    %mul3A_499 = arith.constant -2.700000e+01 : f32
    %mul3A_500 = arith.mulf %mul3A_499, %mul3A_18 : f32
    %mul3A_501 = arith.mulf %mul3A_500, %mul3A_500 : f32
    %mul3A_502 = arith.constant -5.000000e-01 : f32
    %mul3A_503 = arith.mulf %mul3A_502, %mul3A_501 : f32
    %exp3A_504 = math.exp %mul3A_503 : f32
    %neg3A_505 = arith.constant 0.000000e+00 : f32
    %neg3A_506 = arith.subf %neg3A_505, %exp3A_504 : f32
    %mul3A_507 = arith.mulf %neg3A_506, %mul3A_500 : f32
    %mul3A_508 = arith.mulf %mul3A_500, %mul3A_500 : f32
    %sub3A_509 = arith.constant 1.000000e+00 : f32
    %sub3A_510 = arith.subf %mul3A_508, %sub3A_509 : f32
    %mul3A_511 = arith.mulf %exp3A_504, %sub3A_510 : f32
    %slice3A_512 = vector.extract_strided_slice %reduce_sum3A_3 {offsets = [1, 9], sizes = [1, 104], strides = [1, 1]} : vector<12x144xf32> to vector<1x104xf32>
    %mul3A_513 = vector.broadcast %exp3A_504 : f32 to vector<1x104xf32>
    %mul3A_514 = arith.mulf %mul3A_513, %slice3A_512 : vector<1x104xf32>
    %add3A_515 = arith.addf %add3A_494, %mul3A_514 : vector<1x104xf32>
    %slice3A_516 = vector.extract_strided_slice %reduce_sum3A_9 {offsets = [1, 9], sizes = [1, 104], strides = [1, 1]} : vector<12x144xf32> to vector<1x104xf32>
    %mul3A_517 = vector.broadcast %exp3A_504 : f32 to vector<1x104xf32>
    %mul3A_518 = arith.mulf %mul3A_517, %slice3A_516 : vector<1x104xf32>
    %add3A_519 = arith.addf %add3A_498, %mul3A_518 : vector<1x104xf32>
    %slice3A_520 = vector.extract_strided_slice %reduce_sum3A_3 {offsets = [5, 9], sizes = [1, 104], strides = [1, 1]} : vector<12x144xf32> to vector<1x104xf32>
    %mul3A_521 = vector.broadcast %mul3A_507 : f32 to vector<1x104xf32>
    %mul3A_522 = arith.mulf %mul3A_521, %slice3A_520 : vector<1x104xf32>
    %add3A_523 = arith.addf %add3A_515, %mul3A_522 : vector<1x104xf32>
    %slice3A_524 = vector.extract_strided_slice %reduce_sum3A_9 {offsets = [5, 9], sizes = [1, 104], strides = [1, 1]} : vector<12x144xf32> to vector<1x104xf32>
    %mul3A_525 = vector.broadcast %mul3A_507 : f32 to vector<1x104xf32>
    %mul3A_526 = arith.mulf %mul3A_525, %slice3A_524 : vector<1x104xf32>
    %add3A_527 = arith.addf %add3A_519, %mul3A_526 : vector<1x104xf32>
    %slice3A_528 = vector.extract_strided_slice %reduce_sum3A_3 {offsets = [9, 9], sizes = [1, 104], strides = [1, 1]} : vector<12x144xf32> to vector<1x104xf32>
    %mul3A_529 = vector.broadcast %mul3A_511 : f32 to vector<1x104xf32>
    %mul3A_530 = arith.mulf %mul3A_529, %slice3A_528 : vector<1x104xf32>
    %add3A_531 = arith.addf %add3A_523, %mul3A_530 : vector<1x104xf32>
    %slice3A_532 = vector.extract_strided_slice %reduce_sum3A_9 {offsets = [9, 9], sizes = [1, 104], strides = [1, 1]} : vector<12x144xf32> to vector<1x104xf32>
    %mul3A_533 = vector.broadcast %mul3A_511 : f32 to vector<1x104xf32>
    %mul3A_534 = arith.mulf %mul3A_533, %slice3A_532 : vector<1x104xf32>
    %add3A_535 = arith.addf %add3A_527, %mul3A_534 : vector<1x104xf32>
    %mul3A_536 = arith.constant -2.600000e+01 : f32
    %mul3A_537 = arith.mulf %mul3A_536, %mul3A_18 : f32
    %mul3A_538 = arith.mulf %mul3A_537, %mul3A_537 : f32
    %mul3A_539 = arith.constant -5.000000e-01 : f32
    %mul3A_540 = arith.mulf %mul3A_539, %mul3A_538 : f32
    %exp3A_541 = math.exp %mul3A_540 : f32
    %neg3A_542 = arith.constant 0.000000e+00 : f32
    %neg3A_543 = arith.subf %neg3A_542, %exp3A_541 : f32
    %mul3A_544 = arith.mulf %neg3A_543, %mul3A_537 : f32
    %mul3A_545 = arith.mulf %mul3A_537, %mul3A_537 : f32
    %sub3A_546 = arith.constant 1.000000e+00 : f32
    %sub3A_547 = arith.subf %mul3A_545, %sub3A_546 : f32
    %mul3A_548 = arith.mulf %exp3A_541, %sub3A_547 : f32
    %slice3A_549 = vector.extract_strided_slice %reduce_sum3A_3 {offsets = [2, 9], sizes = [1, 104], strides = [1, 1]} : vector<12x144xf32> to vector<1x104xf32>
    %mul3A_550 = vector.broadcast %exp3A_541 : f32 to vector<1x104xf32>
    %mul3A_551 = arith.mulf %mul3A_550, %slice3A_549 : vector<1x104xf32>
    %add3A_552 = arith.addf %add3A_531, %mul3A_551 : vector<1x104xf32>
    %slice3A_553 = vector.extract_strided_slice %reduce_sum3A_9 {offsets = [2, 9], sizes = [1, 104], strides = [1, 1]} : vector<12x144xf32> to vector<1x104xf32>
    %mul3A_554 = vector.broadcast %exp3A_541 : f32 to vector<1x104xf32>
    %mul3A_555 = arith.mulf %mul3A_554, %slice3A_553 : vector<1x104xf32>
    %add3A_556 = arith.addf %add3A_535, %mul3A_555 : vector<1x104xf32>
    %slice3A_557 = vector.extract_strided_slice %reduce_sum3A_3 {offsets = [6, 9], sizes = [1, 104], strides = [1, 1]} : vector<12x144xf32> to vector<1x104xf32>
    %mul3A_558 = vector.broadcast %mul3A_544 : f32 to vector<1x104xf32>
    %mul3A_559 = arith.mulf %mul3A_558, %slice3A_557 : vector<1x104xf32>
    %add3A_560 = arith.addf %add3A_552, %mul3A_559 : vector<1x104xf32>
    %slice3A_561 = vector.extract_strided_slice %reduce_sum3A_9 {offsets = [6, 9], sizes = [1, 104], strides = [1, 1]} : vector<12x144xf32> to vector<1x104xf32>
    %mul3A_562 = vector.broadcast %mul3A_544 : f32 to vector<1x104xf32>
    %mul3A_563 = arith.mulf %mul3A_562, %slice3A_561 : vector<1x104xf32>
    %add3A_564 = arith.addf %add3A_556, %mul3A_563 : vector<1x104xf32>
    %slice3A_565 = vector.extract_strided_slice %reduce_sum3A_3 {offsets = [10, 9], sizes = [1, 104], strides = [1, 1]} : vector<12x144xf32> to vector<1x104xf32>
    %mul3A_566 = vector.broadcast %mul3A_548 : f32 to vector<1x104xf32>
    %mul3A_567 = arith.mulf %mul3A_566, %slice3A_565 : vector<1x104xf32>
    %add3A_568 = arith.addf %add3A_560, %mul3A_567 : vector<1x104xf32>
    %slice3A_569 = vector.extract_strided_slice %reduce_sum3A_9 {offsets = [10, 9], sizes = [1, 104], strides = [1, 1]} : vector<12x144xf32> to vector<1x104xf32>
    %mul3A_570 = vector.broadcast %mul3A_548 : f32 to vector<1x104xf32>
    %mul3A_571 = arith.mulf %mul3A_570, %slice3A_569 : vector<1x104xf32>
    %add3A_572 = arith.addf %add3A_564, %mul3A_571 : vector<1x104xf32>
    %mul3A_573 = arith.constant -2.500000e+01 : f32
    %mul3A_574 = arith.mulf %mul3A_573, %mul3A_18 : f32
    %mul3A_575 = arith.mulf %mul3A_574, %mul3A_574 : f32
    %mul3A_576 = arith.constant -5.000000e-01 : f32
    %mul3A_577 = arith.mulf %mul3A_576, %mul3A_575 : f32
    %exp3A_578 = math.exp %mul3A_577 : f32
    %neg3A_579 = arith.constant 0.000000e+00 : f32
    %neg3A_580 = arith.subf %neg3A_579, %exp3A_578 : f32
    %mul3A_581 = arith.mulf %neg3A_580, %mul3A_574 : f32
    %mul3A_582 = arith.mulf %mul3A_574, %mul3A_574 : f32
    %sub3A_583 = arith.constant 1.000000e+00 : f32
    %sub3A_584 = arith.subf %mul3A_582, %sub3A_583 : f32
    %mul3A_585 = arith.mulf %exp3A_578, %sub3A_584 : f32
    %slice3A_586 = vector.extract_strided_slice %reduce_sum3A_3 {offsets = [3, 9], sizes = [1, 104], strides = [1, 1]} : vector<12x144xf32> to vector<1x104xf32>
    %mul3A_587 = vector.broadcast %exp3A_578 : f32 to vector<1x104xf32>
    %mul3A_588 = arith.mulf %mul3A_587, %slice3A_586 : vector<1x104xf32>
    %add3A_589 = arith.addf %add3A_568, %mul3A_588 : vector<1x104xf32>
    %slice3A_590 = vector.extract_strided_slice %reduce_sum3A_9 {offsets = [3, 9], sizes = [1, 104], strides = [1, 1]} : vector<12x144xf32> to vector<1x104xf32>
    %mul3A_591 = vector.broadcast %exp3A_578 : f32 to vector<1x104xf32>
    %mul3A_592 = arith.mulf %mul3A_591, %slice3A_590 : vector<1x104xf32>
    %add3A_593 = arith.addf %add3A_572, %mul3A_592 : vector<1x104xf32>
    %slice3A_594 = vector.extract_strided_slice %reduce_sum3A_3 {offsets = [7, 9], sizes = [1, 104], strides = [1, 1]} : vector<12x144xf32> to vector<1x104xf32>
    %mul3A_595 = vector.broadcast %mul3A_581 : f32 to vector<1x104xf32>
    %mul3A_596 = arith.mulf %mul3A_595, %slice3A_594 : vector<1x104xf32>
    %add3A_597 = arith.addf %add3A_589, %mul3A_596 : vector<1x104xf32>
    %slice3A_598 = vector.extract_strided_slice %reduce_sum3A_9 {offsets = [7, 9], sizes = [1, 104], strides = [1, 1]} : vector<12x144xf32> to vector<1x104xf32>
    %mul3A_599 = vector.broadcast %mul3A_581 : f32 to vector<1x104xf32>
    %mul3A_600 = arith.mulf %mul3A_599, %slice3A_598 : vector<1x104xf32>
    %add3A_601 = arith.addf %add3A_593, %mul3A_600 : vector<1x104xf32>
    %slice3A_602 = vector.extract_strided_slice %reduce_sum3A_3 {offsets = [11, 9], sizes = [1, 104], strides = [1, 1]} : vector<12x144xf32> to vector<1x104xf32>
    %mul3A_603 = vector.broadcast %mul3A_585 : f32 to vector<1x104xf32>
    %mul3A_604 = arith.mulf %mul3A_603, %slice3A_602 : vector<1x104xf32>
    %add3A_605 = arith.addf %add3A_597, %mul3A_604 : vector<1x104xf32>
    %slice3A_606 = vector.extract_strided_slice %reduce_sum3A_9 {offsets = [11, 9], sizes = [1, 104], strides = [1, 1]} : vector<12x144xf32> to vector<1x104xf32>
    %mul3A_607 = vector.broadcast %mul3A_585 : f32 to vector<1x104xf32>
    %mul3A_608 = arith.mulf %mul3A_607, %slice3A_606 : vector<1x104xf32>
    %add3A_609 = arith.addf %add3A_601, %mul3A_608 : vector<1x104xf32>
    %mul3A_610 = arith.constant -2.400000e+01 : f32
    %mul3A_611 = arith.mulf %mul3A_610, %mul3A_18 : f32
    %mul3A_612 = arith.mulf %mul3A_611, %mul3A_611 : f32
    %mul3A_613 = arith.constant -5.000000e-01 : f32
    %mul3A_614 = arith.mulf %mul3A_613, %mul3A_612 : f32
    %exp3A_615 = math.exp %mul3A_614 : f32
    %neg3A_616 = arith.constant 0.000000e+00 : f32
    %neg3A_617 = arith.subf %neg3A_616, %exp3A_615 : f32
    %mul3A_618 = arith.mulf %neg3A_617, %mul3A_611 : f32
    %mul3A_619 = arith.mulf %mul3A_611, %mul3A_611 : f32
    %sub3A_620 = arith.constant 1.000000e+00 : f32
    %sub3A_621 = arith.subf %mul3A_619, %sub3A_620 : f32
    %mul3A_622 = arith.mulf %exp3A_615, %sub3A_621 : f32
    %slice3A_623 = vector.extract_strided_slice %reduce_sum3A_3 {offsets = [0, 10], sizes = [1, 104], strides = [1, 1]} : vector<12x144xf32> to vector<1x104xf32>
    %mul3A_624 = vector.broadcast %exp3A_615 : f32 to vector<1x104xf32>
    %mul3A_625 = arith.mulf %mul3A_624, %slice3A_623 : vector<1x104xf32>
    %add3A_626 = arith.addf %add3A_605, %mul3A_625 : vector<1x104xf32>
    %slice3A_627 = vector.extract_strided_slice %reduce_sum3A_9 {offsets = [0, 10], sizes = [1, 104], strides = [1, 1]} : vector<12x144xf32> to vector<1x104xf32>
    %mul3A_628 = vector.broadcast %exp3A_615 : f32 to vector<1x104xf32>
    %mul3A_629 = arith.mulf %mul3A_628, %slice3A_627 : vector<1x104xf32>
    %add3A_630 = arith.addf %add3A_609, %mul3A_629 : vector<1x104xf32>
    %slice3A_631 = vector.extract_strided_slice %reduce_sum3A_3 {offsets = [4, 10], sizes = [1, 104], strides = [1, 1]} : vector<12x144xf32> to vector<1x104xf32>
    %mul3A_632 = vector.broadcast %mul3A_618 : f32 to vector<1x104xf32>
    %mul3A_633 = arith.mulf %mul3A_632, %slice3A_631 : vector<1x104xf32>
    %add3A_634 = arith.addf %add3A_626, %mul3A_633 : vector<1x104xf32>
    %slice3A_635 = vector.extract_strided_slice %reduce_sum3A_9 {offsets = [4, 10], sizes = [1, 104], strides = [1, 1]} : vector<12x144xf32> to vector<1x104xf32>
    %mul3A_636 = vector.broadcast %mul3A_618 : f32 to vector<1x104xf32>
    %mul3A_637 = arith.mulf %mul3A_636, %slice3A_635 : vector<1x104xf32>
    %add3A_638 = arith.addf %add3A_630, %mul3A_637 : vector<1x104xf32>
    %slice3A_639 = vector.extract_strided_slice %reduce_sum3A_3 {offsets = [8, 10], sizes = [1, 104], strides = [1, 1]} : vector<12x144xf32> to vector<1x104xf32>
    %mul3A_640 = vector.broadcast %mul3A_622 : f32 to vector<1x104xf32>
    %mul3A_641 = arith.mulf %mul3A_640, %slice3A_639 : vector<1x104xf32>
    %add3A_642 = arith.addf %add3A_634, %mul3A_641 : vector<1x104xf32>
    %slice3A_643 = vector.extract_strided_slice %reduce_sum3A_9 {offsets = [8, 10], sizes = [1, 104], strides = [1, 1]} : vector<12x144xf32> to vector<1x104xf32>
    %mul3A_644 = vector.broadcast %mul3A_622 : f32 to vector<1x104xf32>
    %mul3A_645 = arith.mulf %mul3A_644, %slice3A_643 : vector<1x104xf32>
    %add3A_646 = arith.addf %add3A_638, %mul3A_645 : vector<1x104xf32>
    %mul3A_647 = arith.constant -2.300000e+01 : f32
    %mul3A_648 = arith.mulf %mul3A_647, %mul3A_18 : f32
    %mul3A_649 = arith.mulf %mul3A_648, %mul3A_648 : f32
    %mul3A_650 = arith.constant -5.000000e-01 : f32
    %mul3A_651 = arith.mulf %mul3A_650, %mul3A_649 : f32
    %exp3A_652 = math.exp %mul3A_651 : f32
    %neg3A_653 = arith.constant 0.000000e+00 : f32
    %neg3A_654 = arith.subf %neg3A_653, %exp3A_652 : f32
    %mul3A_655 = arith.mulf %neg3A_654, %mul3A_648 : f32
    %mul3A_656 = arith.mulf %mul3A_648, %mul3A_648 : f32
    %sub3A_657 = arith.constant 1.000000e+00 : f32
    %sub3A_658 = arith.subf %mul3A_656, %sub3A_657 : f32
    %mul3A_659 = arith.mulf %exp3A_652, %sub3A_658 : f32
    %slice3A_660 = vector.extract_strided_slice %reduce_sum3A_3 {offsets = [1, 10], sizes = [1, 104], strides = [1, 1]} : vector<12x144xf32> to vector<1x104xf32>
    %mul3A_661 = vector.broadcast %exp3A_652 : f32 to vector<1x104xf32>
    %mul3A_662 = arith.mulf %mul3A_661, %slice3A_660 : vector<1x104xf32>
    %add3A_663 = arith.addf %add3A_642, %mul3A_662 : vector<1x104xf32>
    %slice3A_664 = vector.extract_strided_slice %reduce_sum3A_9 {offsets = [1, 10], sizes = [1, 104], strides = [1, 1]} : vector<12x144xf32> to vector<1x104xf32>
    %mul3A_665 = vector.broadcast %exp3A_652 : f32 to vector<1x104xf32>
    %mul3A_666 = arith.mulf %mul3A_665, %slice3A_664 : vector<1x104xf32>
    %add3A_667 = arith.addf %add3A_646, %mul3A_666 : vector<1x104xf32>
    %slice3A_668 = vector.extract_strided_slice %reduce_sum3A_3 {offsets = [5, 10], sizes = [1, 104], strides = [1, 1]} : vector<12x144xf32> to vector<1x104xf32>
    %mul3A_669 = vector.broadcast %mul3A_655 : f32 to vector<1x104xf32>
    %mul3A_670 = arith.mulf %mul3A_669, %slice3A_668 : vector<1x104xf32>
    %add3A_671 = arith.addf %add3A_663, %mul3A_670 : vector<1x104xf32>
    %slice3A_672 = vector.extract_strided_slice %reduce_sum3A_9 {offsets = [5, 10], sizes = [1, 104], strides = [1, 1]} : vector<12x144xf32> to vector<1x104xf32>
    %mul3A_673 = vector.broadcast %mul3A_655 : f32 to vector<1x104xf32>
    %mul3A_674 = arith.mulf %mul3A_673, %slice3A_672 : vector<1x104xf32>
    %add3A_675 = arith.addf %add3A_667, %mul3A_674 : vector<1x104xf32>
    %slice3A_676 = vector.extract_strided_slice %reduce_sum3A_3 {offsets = [9, 10], sizes = [1, 104], strides = [1, 1]} : vector<12x144xf32> to vector<1x104xf32>
    %mul3A_677 = vector.broadcast %mul3A_659 : f32 to vector<1x104xf32>
    %mul3A_678 = arith.mulf %mul3A_677, %slice3A_676 : vector<1x104xf32>
    %add3A_679 = arith.addf %add3A_671, %mul3A_678 : vector<1x104xf32>
    %slice3A_680 = vector.extract_strided_slice %reduce_sum3A_9 {offsets = [9, 10], sizes = [1, 104], strides = [1, 1]} : vector<12x144xf32> to vector<1x104xf32>
    %mul3A_681 = vector.broadcast %mul3A_659 : f32 to vector<1x104xf32>
    %mul3A_682 = arith.mulf %mul3A_681, %slice3A_680 : vector<1x104xf32>
    %add3A_683 = arith.addf %add3A_675, %mul3A_682 : vector<1x104xf32>
    %mul3A_684 = arith.constant -2.200000e+01 : f32
    %mul3A_685 = arith.mulf %mul3A_684, %mul3A_18 : f32
    %mul3A_686 = arith.mulf %mul3A_685, %mul3A_685 : f32
    %mul3A_687 = arith.constant -5.000000e-01 : f32
    %mul3A_688 = arith.mulf %mul3A_687, %mul3A_686 : f32
    %exp3A_689 = math.exp %mul3A_688 : f32
    %neg3A_690 = arith.constant 0.000000e+00 : f32
    %neg3A_691 = arith.subf %neg3A_690, %exp3A_689 : f32
    %mul3A_692 = arith.mulf %neg3A_691, %mul3A_685 : f32
    %mul3A_693 = arith.mulf %mul3A_685, %mul3A_685 : f32
    %sub3A_694 = arith.constant 1.000000e+00 : f32
    %sub3A_695 = arith.subf %mul3A_693, %sub3A_694 : f32
    %mul3A_696 = arith.mulf %exp3A_689, %sub3A_695 : f32
    %slice3A_697 = vector.extract_strided_slice %reduce_sum3A_3 {offsets = [2, 10], sizes = [1, 104], strides = [1, 1]} : vector<12x144xf32> to vector<1x104xf32>
    %mul3A_698 = vector.broadcast %exp3A_689 : f32 to vector<1x104xf32>
    %mul3A_699 = arith.mulf %mul3A_698, %slice3A_697 : vector<1x104xf32>
    %add3A_700 = arith.addf %add3A_679, %mul3A_699 : vector<1x104xf32>
    %slice3A_701 = vector.extract_strided_slice %reduce_sum3A_9 {offsets = [2, 10], sizes = [1, 104], strides = [1, 1]} : vector<12x144xf32> to vector<1x104xf32>
    %mul3A_702 = vector.broadcast %exp3A_689 : f32 to vector<1x104xf32>
    %mul3A_703 = arith.mulf %mul3A_702, %slice3A_701 : vector<1x104xf32>
    %add3A_704 = arith.addf %add3A_683, %mul3A_703 : vector<1x104xf32>
    %slice3A_705 = vector.extract_strided_slice %reduce_sum3A_3 {offsets = [6, 10], sizes = [1, 104], strides = [1, 1]} : vector<12x144xf32> to vector<1x104xf32>
    %mul3A_706 = vector.broadcast %mul3A_692 : f32 to vector<1x104xf32>
    %mul3A_707 = arith.mulf %mul3A_706, %slice3A_705 : vector<1x104xf32>
    %add3A_708 = arith.addf %add3A_700, %mul3A_707 : vector<1x104xf32>
    %slice3A_709 = vector.extract_strided_slice %reduce_sum3A_9 {offsets = [6, 10], sizes = [1, 104], strides = [1, 1]} : vector<12x144xf32> to vector<1x104xf32>
    %mul3A_710 = vector.broadcast %mul3A_692 : f32 to vector<1x104xf32>
    %mul3A_711 = arith.mulf %mul3A_710, %slice3A_709 : vector<1x104xf32>
    %add3A_712 = arith.addf %add3A_704, %mul3A_711 : vector<1x104xf32>
    %slice3A_713 = vector.extract_strided_slice %reduce_sum3A_3 {offsets = [10, 10], sizes = [1, 104], strides = [1, 1]} : vector<12x144xf32> to vector<1x104xf32>
    %mul3A_714 = vector.broadcast %mul3A_696 : f32 to vector<1x104xf32>
    %mul3A_715 = arith.mulf %mul3A_714, %slice3A_713 : vector<1x104xf32>
    %add3A_716 = arith.addf %add3A_708, %mul3A_715 : vector<1x104xf32>
    %slice3A_717 = vector.extract_strided_slice %reduce_sum3A_9 {offsets = [10, 10], sizes = [1, 104], strides = [1, 1]} : vector<12x144xf32> to vector<1x104xf32>
    %mul3A_718 = vector.broadcast %mul3A_696 : f32 to vector<1x104xf32>
    %mul3A_719 = arith.mulf %mul3A_718, %slice3A_717 : vector<1x104xf32>
    %add3A_720 = arith.addf %add3A_712, %mul3A_719 : vector<1x104xf32>
    %mul3A_721 = arith.constant -2.100000e+01 : f32
    %mul3A_722 = arith.mulf %mul3A_721, %mul3A_18 : f32
    %mul3A_723 = arith.mulf %mul3A_722, %mul3A_722 : f32
    %mul3A_724 = arith.constant -5.000000e-01 : f32
    %mul3A_725 = arith.mulf %mul3A_724, %mul3A_723 : f32
    %exp3A_726 = math.exp %mul3A_725 : f32
    %neg3A_727 = arith.constant 0.000000e+00 : f32
    %neg3A_728 = arith.subf %neg3A_727, %exp3A_726 : f32
    %mul3A_729 = arith.mulf %neg3A_728, %mul3A_722 : f32
    %mul3A_730 = arith.mulf %mul3A_722, %mul3A_722 : f32
    %sub3A_731 = arith.constant 1.000000e+00 : f32
    %sub3A_732 = arith.subf %mul3A_730, %sub3A_731 : f32
    %mul3A_733 = arith.mulf %exp3A_726, %sub3A_732 : f32
    %slice3A_734 = vector.extract_strided_slice %reduce_sum3A_3 {offsets = [3, 10], sizes = [1, 104], strides = [1, 1]} : vector<12x144xf32> to vector<1x104xf32>
    %mul3A_735 = vector.broadcast %exp3A_726 : f32 to vector<1x104xf32>
    %mul3A_736 = arith.mulf %mul3A_735, %slice3A_734 : vector<1x104xf32>
    %add3A_737 = arith.addf %add3A_716, %mul3A_736 : vector<1x104xf32>
    %slice3A_738 = vector.extract_strided_slice %reduce_sum3A_9 {offsets = [3, 10], sizes = [1, 104], strides = [1, 1]} : vector<12x144xf32> to vector<1x104xf32>
    %mul3A_739 = vector.broadcast %exp3A_726 : f32 to vector<1x104xf32>
    %mul3A_740 = arith.mulf %mul3A_739, %slice3A_738 : vector<1x104xf32>
    %add3A_741 = arith.addf %add3A_720, %mul3A_740 : vector<1x104xf32>
    %slice3A_742 = vector.extract_strided_slice %reduce_sum3A_3 {offsets = [7, 10], sizes = [1, 104], strides = [1, 1]} : vector<12x144xf32> to vector<1x104xf32>
    %mul3A_743 = vector.broadcast %mul3A_729 : f32 to vector<1x104xf32>
    %mul3A_744 = arith.mulf %mul3A_743, %slice3A_742 : vector<1x104xf32>
    %add3A_745 = arith.addf %add3A_737, %mul3A_744 : vector<1x104xf32>
    %slice3A_746 = vector.extract_strided_slice %reduce_sum3A_9 {offsets = [7, 10], sizes = [1, 104], strides = [1, 1]} : vector<12x144xf32> to vector<1x104xf32>
    %mul3A_747 = vector.broadcast %mul3A_729 : f32 to vector<1x104xf32>
    %mul3A_748 = arith.mulf %mul3A_747, %slice3A_746 : vector<1x104xf32>
    %add3A_749 = arith.addf %add3A_741, %mul3A_748 : vector<1x104xf32>
    %slice3A_750 = vector.extract_strided_slice %reduce_sum3A_3 {offsets = [11, 10], sizes = [1, 104], strides = [1, 1]} : vector<12x144xf32> to vector<1x104xf32>
    %mul3A_751 = vector.broadcast %mul3A_733 : f32 to vector<1x104xf32>
    %mul3A_752 = arith.mulf %mul3A_751, %slice3A_750 : vector<1x104xf32>
    %add3A_753 = arith.addf %add3A_745, %mul3A_752 : vector<1x104xf32>
    %slice3A_754 = vector.extract_strided_slice %reduce_sum3A_9 {offsets = [11, 10], sizes = [1, 104], strides = [1, 1]} : vector<12x144xf32> to vector<1x104xf32>
    %mul3A_755 = vector.broadcast %mul3A_733 : f32 to vector<1x104xf32>
    %mul3A_756 = arith.mulf %mul3A_755, %slice3A_754 : vector<1x104xf32>
    %add3A_757 = arith.addf %add3A_749, %mul3A_756 : vector<1x104xf32>
    %mul3A_758 = arith.constant -2.000000e+01 : f32
    %mul3A_759 = arith.mulf %mul3A_758, %mul3A_18 : f32
    %mul3A_760 = arith.mulf %mul3A_759, %mul3A_759 : f32
    %mul3A_761 = arith.constant -5.000000e-01 : f32
    %mul3A_762 = arith.mulf %mul3A_761, %mul3A_760 : f32
    %exp3A_763 = math.exp %mul3A_762 : f32
    %neg3A_764 = arith.constant 0.000000e+00 : f32
    %neg3A_765 = arith.subf %neg3A_764, %exp3A_763 : f32
    %mul3A_766 = arith.mulf %neg3A_765, %mul3A_759 : f32
    %mul3A_767 = arith.mulf %mul3A_759, %mul3A_759 : f32
    %sub3A_768 = arith.constant 1.000000e+00 : f32
    %sub3A_769 = arith.subf %mul3A_767, %sub3A_768 : f32
    %mul3A_770 = arith.mulf %exp3A_763, %sub3A_769 : f32
    %slice3A_771 = vector.extract_strided_slice %reduce_sum3A_3 {offsets = [0, 11], sizes = [1, 104], strides = [1, 1]} : vector<12x144xf32> to vector<1x104xf32>
    %mul3A_772 = vector.broadcast %exp3A_763 : f32 to vector<1x104xf32>
    %mul3A_773 = arith.mulf %mul3A_772, %slice3A_771 : vector<1x104xf32>
    %add3A_774 = arith.addf %add3A_753, %mul3A_773 : vector<1x104xf32>
    %slice3A_775 = vector.extract_strided_slice %reduce_sum3A_9 {offsets = [0, 11], sizes = [1, 104], strides = [1, 1]} : vector<12x144xf32> to vector<1x104xf32>
    %mul3A_776 = vector.broadcast %exp3A_763 : f32 to vector<1x104xf32>
    %mul3A_777 = arith.mulf %mul3A_776, %slice3A_775 : vector<1x104xf32>
    %add3A_778 = arith.addf %add3A_757, %mul3A_777 : vector<1x104xf32>
    %slice3A_779 = vector.extract_strided_slice %reduce_sum3A_3 {offsets = [4, 11], sizes = [1, 104], strides = [1, 1]} : vector<12x144xf32> to vector<1x104xf32>
    %mul3A_780 = vector.broadcast %mul3A_766 : f32 to vector<1x104xf32>
    %mul3A_781 = arith.mulf %mul3A_780, %slice3A_779 : vector<1x104xf32>
    %add3A_782 = arith.addf %add3A_774, %mul3A_781 : vector<1x104xf32>
    %slice3A_783 = vector.extract_strided_slice %reduce_sum3A_9 {offsets = [4, 11], sizes = [1, 104], strides = [1, 1]} : vector<12x144xf32> to vector<1x104xf32>
    %mul3A_784 = vector.broadcast %mul3A_766 : f32 to vector<1x104xf32>
    %mul3A_785 = arith.mulf %mul3A_784, %slice3A_783 : vector<1x104xf32>
    %add3A_786 = arith.addf %add3A_778, %mul3A_785 : vector<1x104xf32>
    %slice3A_787 = vector.extract_strided_slice %reduce_sum3A_3 {offsets = [8, 11], sizes = [1, 104], strides = [1, 1]} : vector<12x144xf32> to vector<1x104xf32>
    %mul3A_788 = vector.broadcast %mul3A_770 : f32 to vector<1x104xf32>
    %mul3A_789 = arith.mulf %mul3A_788, %slice3A_787 : vector<1x104xf32>
    %add3A_790 = arith.addf %add3A_782, %mul3A_789 : vector<1x104xf32>
    %slice3A_791 = vector.extract_strided_slice %reduce_sum3A_9 {offsets = [8, 11], sizes = [1, 104], strides = [1, 1]} : vector<12x144xf32> to vector<1x104xf32>
    %mul3A_792 = vector.broadcast %mul3A_770 : f32 to vector<1x104xf32>
    %mul3A_793 = arith.mulf %mul3A_792, %slice3A_791 : vector<1x104xf32>
    %add3A_794 = arith.addf %add3A_786, %mul3A_793 : vector<1x104xf32>
    %mul3A_795 = arith.constant -1.900000e+01 : f32
    %mul3A_796 = arith.mulf %mul3A_795, %mul3A_18 : f32
    %mul3A_797 = arith.mulf %mul3A_796, %mul3A_796 : f32
    %mul3A_798 = arith.constant -5.000000e-01 : f32
    %mul3A_799 = arith.mulf %mul3A_798, %mul3A_797 : f32
    %exp3A_800 = math.exp %mul3A_799 : f32
    %neg3A_801 = arith.constant 0.000000e+00 : f32
    %neg3A_802 = arith.subf %neg3A_801, %exp3A_800 : f32
    %mul3A_803 = arith.mulf %neg3A_802, %mul3A_796 : f32
    %mul3A_804 = arith.mulf %mul3A_796, %mul3A_796 : f32
    %sub3A_805 = arith.constant 1.000000e+00 : f32
    %sub3A_806 = arith.subf %mul3A_804, %sub3A_805 : f32
    %mul3A_807 = arith.mulf %exp3A_800, %sub3A_806 : f32
    %slice3A_808 = vector.extract_strided_slice %reduce_sum3A_3 {offsets = [1, 11], sizes = [1, 104], strides = [1, 1]} : vector<12x144xf32> to vector<1x104xf32>
    %mul3A_809 = vector.broadcast %exp3A_800 : f32 to vector<1x104xf32>
    %mul3A_810 = arith.mulf %mul3A_809, %slice3A_808 : vector<1x104xf32>
    %add3A_811 = arith.addf %add3A_790, %mul3A_810 : vector<1x104xf32>
    %slice3A_812 = vector.extract_strided_slice %reduce_sum3A_9 {offsets = [1, 11], sizes = [1, 104], strides = [1, 1]} : vector<12x144xf32> to vector<1x104xf32>
    %mul3A_813 = vector.broadcast %exp3A_800 : f32 to vector<1x104xf32>
    %mul3A_814 = arith.mulf %mul3A_813, %slice3A_812 : vector<1x104xf32>
    %add3A_815 = arith.addf %add3A_794, %mul3A_814 : vector<1x104xf32>
    %slice3A_816 = vector.extract_strided_slice %reduce_sum3A_3 {offsets = [5, 11], sizes = [1, 104], strides = [1, 1]} : vector<12x144xf32> to vector<1x104xf32>
    %mul3A_817 = vector.broadcast %mul3A_803 : f32 to vector<1x104xf32>
    %mul3A_818 = arith.mulf %mul3A_817, %slice3A_816 : vector<1x104xf32>
    %add3A_819 = arith.addf %add3A_811, %mul3A_818 : vector<1x104xf32>
    %slice3A_820 = vector.extract_strided_slice %reduce_sum3A_9 {offsets = [5, 11], sizes = [1, 104], strides = [1, 1]} : vector<12x144xf32> to vector<1x104xf32>
    %mul3A_821 = vector.broadcast %mul3A_803 : f32 to vector<1x104xf32>
    %mul3A_822 = arith.mulf %mul3A_821, %slice3A_820 : vector<1x104xf32>
    %add3A_823 = arith.addf %add3A_815, %mul3A_822 : vector<1x104xf32>
    %slice3A_824 = vector.extract_strided_slice %reduce_sum3A_3 {offsets = [9, 11], sizes = [1, 104], strides = [1, 1]} : vector<12x144xf32> to vector<1x104xf32>
    %mul3A_825 = vector.broadcast %mul3A_807 : f32 to vector<1x104xf32>
    %mul3A_826 = arith.mulf %mul3A_825, %slice3A_824 : vector<1x104xf32>
    %add3A_827 = arith.addf %add3A_819, %mul3A_826 : vector<1x104xf32>
    %slice3A_828 = vector.extract_strided_slice %reduce_sum3A_9 {offsets = [9, 11], sizes = [1, 104], strides = [1, 1]} : vector<12x144xf32> to vector<1x104xf32>
    %mul3A_829 = vector.broadcast %mul3A_807 : f32 to vector<1x104xf32>
    %mul3A_830 = arith.mulf %mul3A_829, %slice3A_828 : vector<1x104xf32>
    %add3A_831 = arith.addf %add3A_823, %mul3A_830 : vector<1x104xf32>
    %mul3A_832 = arith.constant -1.800000e+01 : f32
    %mul3A_833 = arith.mulf %mul3A_832, %mul3A_18 : f32
    %mul3A_834 = arith.mulf %mul3A_833, %mul3A_833 : f32
    %mul3A_835 = arith.constant -5.000000e-01 : f32
    %mul3A_836 = arith.mulf %mul3A_835, %mul3A_834 : f32
    %exp3A_837 = math.exp %mul3A_836 : f32
    %neg3A_838 = arith.constant 0.000000e+00 : f32
    %neg3A_839 = arith.subf %neg3A_838, %exp3A_837 : f32
    %mul3A_840 = arith.mulf %neg3A_839, %mul3A_833 : f32
    %mul3A_841 = arith.mulf %mul3A_833, %mul3A_833 : f32
    %sub3A_842 = arith.constant 1.000000e+00 : f32
    %sub3A_843 = arith.subf %mul3A_841, %sub3A_842 : f32
    %mul3A_844 = arith.mulf %exp3A_837, %sub3A_843 : f32
    %slice3A_845 = vector.extract_strided_slice %reduce_sum3A_3 {offsets = [2, 11], sizes = [1, 104], strides = [1, 1]} : vector<12x144xf32> to vector<1x104xf32>
    %mul3A_846 = vector.broadcast %exp3A_837 : f32 to vector<1x104xf32>
    %mul3A_847 = arith.mulf %mul3A_846, %slice3A_845 : vector<1x104xf32>
    %add3A_848 = arith.addf %add3A_827, %mul3A_847 : vector<1x104xf32>
    %slice3A_849 = vector.extract_strided_slice %reduce_sum3A_9 {offsets = [2, 11], sizes = [1, 104], strides = [1, 1]} : vector<12x144xf32> to vector<1x104xf32>
    %mul3A_850 = vector.broadcast %exp3A_837 : f32 to vector<1x104xf32>
    %mul3A_851 = arith.mulf %mul3A_850, %slice3A_849 : vector<1x104xf32>
    %add3A_852 = arith.addf %add3A_831, %mul3A_851 : vector<1x104xf32>
    %slice3A_853 = vector.extract_strided_slice %reduce_sum3A_3 {offsets = [6, 11], sizes = [1, 104], strides = [1, 1]} : vector<12x144xf32> to vector<1x104xf32>
    %mul3A_854 = vector.broadcast %mul3A_840 : f32 to vector<1x104xf32>
    %mul3A_855 = arith.mulf %mul3A_854, %slice3A_853 : vector<1x104xf32>
    %add3A_856 = arith.addf %add3A_848, %mul3A_855 : vector<1x104xf32>
    %slice3A_857 = vector.extract_strided_slice %reduce_sum3A_9 {offsets = [6, 11], sizes = [1, 104], strides = [1, 1]} : vector<12x144xf32> to vector<1x104xf32>
    %mul3A_858 = vector.broadcast %mul3A_840 : f32 to vector<1x104xf32>
    %mul3A_859 = arith.mulf %mul3A_858, %slice3A_857 : vector<1x104xf32>
    %add3A_860 = arith.addf %add3A_852, %mul3A_859 : vector<1x104xf32>
    %slice3A_861 = vector.extract_strided_slice %reduce_sum3A_3 {offsets = [10, 11], sizes = [1, 104], strides = [1, 1]} : vector<12x144xf32> to vector<1x104xf32>
    %mul3A_862 = vector.broadcast %mul3A_844 : f32 to vector<1x104xf32>
    %mul3A_863 = arith.mulf %mul3A_862, %slice3A_861 : vector<1x104xf32>
    %add3A_864 = arith.addf %add3A_856, %mul3A_863 : vector<1x104xf32>
    %slice3A_865 = vector.extract_strided_slice %reduce_sum3A_9 {offsets = [10, 11], sizes = [1, 104], strides = [1, 1]} : vector<12x144xf32> to vector<1x104xf32>
    %mul3A_866 = vector.broadcast %mul3A_844 : f32 to vector<1x104xf32>
    %mul3A_867 = arith.mulf %mul3A_866, %slice3A_865 : vector<1x104xf32>
    %add3A_868 = arith.addf %add3A_860, %mul3A_867 : vector<1x104xf32>
    %mul3A_869 = arith.constant -1.700000e+01 : f32
    %mul3A_870 = arith.mulf %mul3A_869, %mul3A_18 : f32
    %mul3A_871 = arith.mulf %mul3A_870, %mul3A_870 : f32
    %mul3A_872 = arith.constant -5.000000e-01 : f32
    %mul3A_873 = arith.mulf %mul3A_872, %mul3A_871 : f32
    %exp3A_874 = math.exp %mul3A_873 : f32
    %neg3A_875 = arith.constant 0.000000e+00 : f32
    %neg3A_876 = arith.subf %neg3A_875, %exp3A_874 : f32
    %mul3A_877 = arith.mulf %neg3A_876, %mul3A_870 : f32
    %mul3A_878 = arith.mulf %mul3A_870, %mul3A_870 : f32
    %sub3A_879 = arith.constant 1.000000e+00 : f32
    %sub3A_880 = arith.subf %mul3A_878, %sub3A_879 : f32
    %mul3A_881 = arith.mulf %exp3A_874, %sub3A_880 : f32
    %slice3A_882 = vector.extract_strided_slice %reduce_sum3A_3 {offsets = [3, 11], sizes = [1, 104], strides = [1, 1]} : vector<12x144xf32> to vector<1x104xf32>
    %mul3A_883 = vector.broadcast %exp3A_874 : f32 to vector<1x104xf32>
    %mul3A_884 = arith.mulf %mul3A_883, %slice3A_882 : vector<1x104xf32>
    %add3A_885 = arith.addf %add3A_864, %mul3A_884 : vector<1x104xf32>
    %slice3A_886 = vector.extract_strided_slice %reduce_sum3A_9 {offsets = [3, 11], sizes = [1, 104], strides = [1, 1]} : vector<12x144xf32> to vector<1x104xf32>
    %mul3A_887 = vector.broadcast %exp3A_874 : f32 to vector<1x104xf32>
    %mul3A_888 = arith.mulf %mul3A_887, %slice3A_886 : vector<1x104xf32>
    %add3A_889 = arith.addf %add3A_868, %mul3A_888 : vector<1x104xf32>
    %slice3A_890 = vector.extract_strided_slice %reduce_sum3A_3 {offsets = [7, 11], sizes = [1, 104], strides = [1, 1]} : vector<12x144xf32> to vector<1x104xf32>
    %mul3A_891 = vector.broadcast %mul3A_877 : f32 to vector<1x104xf32>
    %mul3A_892 = arith.mulf %mul3A_891, %slice3A_890 : vector<1x104xf32>
    %add3A_893 = arith.addf %add3A_885, %mul3A_892 : vector<1x104xf32>
    %slice3A_894 = vector.extract_strided_slice %reduce_sum3A_9 {offsets = [7, 11], sizes = [1, 104], strides = [1, 1]} : vector<12x144xf32> to vector<1x104xf32>
    %mul3A_895 = vector.broadcast %mul3A_877 : f32 to vector<1x104xf32>
    %mul3A_896 = arith.mulf %mul3A_895, %slice3A_894 : vector<1x104xf32>
    %add3A_897 = arith.addf %add3A_889, %mul3A_896 : vector<1x104xf32>
    %slice3A_898 = vector.extract_strided_slice %reduce_sum3A_3 {offsets = [11, 11], sizes = [1, 104], strides = [1, 1]} : vector<12x144xf32> to vector<1x104xf32>
    %mul3A_899 = vector.broadcast %mul3A_881 : f32 to vector<1x104xf32>
    %mul3A_900 = arith.mulf %mul3A_899, %slice3A_898 : vector<1x104xf32>
    %add3A_901 = arith.addf %add3A_893, %mul3A_900 : vector<1x104xf32>
    %slice3A_902 = vector.extract_strided_slice %reduce_sum3A_9 {offsets = [11, 11], sizes = [1, 104], strides = [1, 1]} : vector<12x144xf32> to vector<1x104xf32>
    %mul3A_903 = vector.broadcast %mul3A_881 : f32 to vector<1x104xf32>
    %mul3A_904 = arith.mulf %mul3A_903, %slice3A_902 : vector<1x104xf32>
    %add3A_905 = arith.addf %add3A_897, %mul3A_904 : vector<1x104xf32>
    %mul3A_906 = arith.constant -1.600000e+01 : f32
    %mul3A_907 = arith.mulf %mul3A_906, %mul3A_18 : f32
    %mul3A_908 = arith.mulf %mul3A_907, %mul3A_907 : f32
    %mul3A_909 = arith.constant -5.000000e-01 : f32
    %mul3A_910 = arith.mulf %mul3A_909, %mul3A_908 : f32
    %exp3A_911 = math.exp %mul3A_910 : f32
    %neg3A_912 = arith.constant 0.000000e+00 : f32
    %neg3A_913 = arith.subf %neg3A_912, %exp3A_911 : f32
    %mul3A_914 = arith.mulf %neg3A_913, %mul3A_907 : f32
    %mul3A_915 = arith.mulf %mul3A_907, %mul3A_907 : f32
    %sub3A_916 = arith.constant 1.000000e+00 : f32
    %sub3A_917 = arith.subf %mul3A_915, %sub3A_916 : f32
    %mul3A_918 = arith.mulf %exp3A_911, %sub3A_917 : f32
    %slice3A_919 = vector.extract_strided_slice %reduce_sum3A_3 {offsets = [0, 12], sizes = [1, 104], strides = [1, 1]} : vector<12x144xf32> to vector<1x104xf32>
    %mul3A_920 = vector.broadcast %exp3A_911 : f32 to vector<1x104xf32>
    %mul3A_921 = arith.mulf %mul3A_920, %slice3A_919 : vector<1x104xf32>
    %add3A_922 = arith.addf %add3A_901, %mul3A_921 : vector<1x104xf32>
    %slice3A_923 = vector.extract_strided_slice %reduce_sum3A_9 {offsets = [0, 12], sizes = [1, 104], strides = [1, 1]} : vector<12x144xf32> to vector<1x104xf32>
    %mul3A_924 = vector.broadcast %exp3A_911 : f32 to vector<1x104xf32>
    %mul3A_925 = arith.mulf %mul3A_924, %slice3A_923 : vector<1x104xf32>
    %add3A_926 = arith.addf %add3A_905, %mul3A_925 : vector<1x104xf32>
    %slice3A_927 = vector.extract_strided_slice %reduce_sum3A_3 {offsets = [4, 12], sizes = [1, 104], strides = [1, 1]} : vector<12x144xf32> to vector<1x104xf32>
    %mul3A_928 = vector.broadcast %mul3A_914 : f32 to vector<1x104xf32>
    %mul3A_929 = arith.mulf %mul3A_928, %slice3A_927 : vector<1x104xf32>
    %add3A_930 = arith.addf %add3A_922, %mul3A_929 : vector<1x104xf32>
    %slice3A_931 = vector.extract_strided_slice %reduce_sum3A_9 {offsets = [4, 12], sizes = [1, 104], strides = [1, 1]} : vector<12x144xf32> to vector<1x104xf32>
    %mul3A_932 = vector.broadcast %mul3A_914 : f32 to vector<1x104xf32>
    %mul3A_933 = arith.mulf %mul3A_932, %slice3A_931 : vector<1x104xf32>
    %add3A_934 = arith.addf %add3A_926, %mul3A_933 : vector<1x104xf32>
    %slice3A_935 = vector.extract_strided_slice %reduce_sum3A_3 {offsets = [8, 12], sizes = [1, 104], strides = [1, 1]} : vector<12x144xf32> to vector<1x104xf32>
    %mul3A_936 = vector.broadcast %mul3A_918 : f32 to vector<1x104xf32>
    %mul3A_937 = arith.mulf %mul3A_936, %slice3A_935 : vector<1x104xf32>
    %add3A_938 = arith.addf %add3A_930, %mul3A_937 : vector<1x104xf32>
    %slice3A_939 = vector.extract_strided_slice %reduce_sum3A_9 {offsets = [8, 12], sizes = [1, 104], strides = [1, 1]} : vector<12x144xf32> to vector<1x104xf32>
    %mul3A_940 = vector.broadcast %mul3A_918 : f32 to vector<1x104xf32>
    %mul3A_941 = arith.mulf %mul3A_940, %slice3A_939 : vector<1x104xf32>
    %add3A_942 = arith.addf %add3A_934, %mul3A_941 : vector<1x104xf32>
    %mul3A_943 = arith.constant -1.500000e+01 : f32
    %mul3A_944 = arith.mulf %mul3A_943, %mul3A_18 : f32
    %mul3A_945 = arith.mulf %mul3A_944, %mul3A_944 : f32
    %mul3A_946 = arith.constant -5.000000e-01 : f32
    %mul3A_947 = arith.mulf %mul3A_946, %mul3A_945 : f32
    %exp3A_948 = math.exp %mul3A_947 : f32
    %neg3A_949 = arith.constant 0.000000e+00 : f32
    %neg3A_950 = arith.subf %neg3A_949, %exp3A_948 : f32
    %mul3A_951 = arith.mulf %neg3A_950, %mul3A_944 : f32
    %mul3A_952 = arith.mulf %mul3A_944, %mul3A_944 : f32
    %sub3A_953 = arith.constant 1.000000e+00 : f32
    %sub3A_954 = arith.subf %mul3A_952, %sub3A_953 : f32
    %mul3A_955 = arith.mulf %exp3A_948, %sub3A_954 : f32
    %slice3A_956 = vector.extract_strided_slice %reduce_sum3A_3 {offsets = [1, 12], sizes = [1, 104], strides = [1, 1]} : vector<12x144xf32> to vector<1x104xf32>
    %mul3A_957 = vector.broadcast %exp3A_948 : f32 to vector<1x104xf32>
    %mul3A_958 = arith.mulf %mul3A_957, %slice3A_956 : vector<1x104xf32>
    %add3A_959 = arith.addf %add3A_938, %mul3A_958 : vector<1x104xf32>
    %slice3A_960 = vector.extract_strided_slice %reduce_sum3A_9 {offsets = [1, 12], sizes = [1, 104], strides = [1, 1]} : vector<12x144xf32> to vector<1x104xf32>
    %mul3A_961 = vector.broadcast %exp3A_948 : f32 to vector<1x104xf32>
    %mul3A_962 = arith.mulf %mul3A_961, %slice3A_960 : vector<1x104xf32>
    %add3A_963 = arith.addf %add3A_942, %mul3A_962 : vector<1x104xf32>
    %slice3A_964 = vector.extract_strided_slice %reduce_sum3A_3 {offsets = [5, 12], sizes = [1, 104], strides = [1, 1]} : vector<12x144xf32> to vector<1x104xf32>
    %mul3A_965 = vector.broadcast %mul3A_951 : f32 to vector<1x104xf32>
    %mul3A_966 = arith.mulf %mul3A_965, %slice3A_964 : vector<1x104xf32>
    %add3A_967 = arith.addf %add3A_959, %mul3A_966 : vector<1x104xf32>
    %slice3A_968 = vector.extract_strided_slice %reduce_sum3A_9 {offsets = [5, 12], sizes = [1, 104], strides = [1, 1]} : vector<12x144xf32> to vector<1x104xf32>
    %mul3A_969 = vector.broadcast %mul3A_951 : f32 to vector<1x104xf32>
    %mul3A_970 = arith.mulf %mul3A_969, %slice3A_968 : vector<1x104xf32>
    %add3A_971 = arith.addf %add3A_963, %mul3A_970 : vector<1x104xf32>
    %slice3A_972 = vector.extract_strided_slice %reduce_sum3A_3 {offsets = [9, 12], sizes = [1, 104], strides = [1, 1]} : vector<12x144xf32> to vector<1x104xf32>
    %mul3A_973 = vector.broadcast %mul3A_955 : f32 to vector<1x104xf32>
    %mul3A_974 = arith.mulf %mul3A_973, %slice3A_972 : vector<1x104xf32>
    %add3A_975 = arith.addf %add3A_967, %mul3A_974 : vector<1x104xf32>
    %slice3A_976 = vector.extract_strided_slice %reduce_sum3A_9 {offsets = [9, 12], sizes = [1, 104], strides = [1, 1]} : vector<12x144xf32> to vector<1x104xf32>
    %mul3A_977 = vector.broadcast %mul3A_955 : f32 to vector<1x104xf32>
    %mul3A_978 = arith.mulf %mul3A_977, %slice3A_976 : vector<1x104xf32>
    %add3A_979 = arith.addf %add3A_971, %mul3A_978 : vector<1x104xf32>
    %mul3A_980 = arith.constant -1.400000e+01 : f32
    %mul3A_981 = arith.mulf %mul3A_980, %mul3A_18 : f32
    %mul3A_982 = arith.mulf %mul3A_981, %mul3A_981 : f32
    %mul3A_983 = arith.constant -5.000000e-01 : f32
    %mul3A_984 = arith.mulf %mul3A_983, %mul3A_982 : f32
    %exp3A_985 = math.exp %mul3A_984 : f32
    %neg3A_986 = arith.constant 0.000000e+00 : f32
    %neg3A_987 = arith.subf %neg3A_986, %exp3A_985 : f32
    %mul3A_988 = arith.mulf %neg3A_987, %mul3A_981 : f32
    %mul3A_989 = arith.mulf %mul3A_981, %mul3A_981 : f32
    %sub3A_990 = arith.constant 1.000000e+00 : f32
    %sub3A_991 = arith.subf %mul3A_989, %sub3A_990 : f32
    %mul3A_992 = arith.mulf %exp3A_985, %sub3A_991 : f32
    %slice3A_993 = vector.extract_strided_slice %reduce_sum3A_3 {offsets = [2, 12], sizes = [1, 104], strides = [1, 1]} : vector<12x144xf32> to vector<1x104xf32>
    %mul3A_994 = vector.broadcast %exp3A_985 : f32 to vector<1x104xf32>
    %mul3A_995 = arith.mulf %mul3A_994, %slice3A_993 : vector<1x104xf32>
    %add3A_996 = arith.addf %add3A_975, %mul3A_995 : vector<1x104xf32>
    %slice3A_997 = vector.extract_strided_slice %reduce_sum3A_9 {offsets = [2, 12], sizes = [1, 104], strides = [1, 1]} : vector<12x144xf32> to vector<1x104xf32>
    %mul3A_998 = vector.broadcast %exp3A_985 : f32 to vector<1x104xf32>
    %mul3A_999 = arith.mulf %mul3A_998, %slice3A_997 : vector<1x104xf32>
    %add3A_1000 = arith.addf %add3A_979, %mul3A_999 : vector<1x104xf32>
    %slice3A_1001 = vector.extract_strided_slice %reduce_sum3A_3 {offsets = [6, 12], sizes = [1, 104], strides = [1, 1]} : vector<12x144xf32> to vector<1x104xf32>
    %mul3A_1002 = vector.broadcast %mul3A_988 : f32 to vector<1x104xf32>
    %mul3A_1003 = arith.mulf %mul3A_1002, %slice3A_1001 : vector<1x104xf32>
    %add3A_1004 = arith.addf %add3A_996, %mul3A_1003 : vector<1x104xf32>
    %slice3A_1005 = vector.extract_strided_slice %reduce_sum3A_9 {offsets = [6, 12], sizes = [1, 104], strides = [1, 1]} : vector<12x144xf32> to vector<1x104xf32>
    %mul3A_1006 = vector.broadcast %mul3A_988 : f32 to vector<1x104xf32>
    %mul3A_1007 = arith.mulf %mul3A_1006, %slice3A_1005 : vector<1x104xf32>
    %add3A_1008 = arith.addf %add3A_1000, %mul3A_1007 : vector<1x104xf32>
    %slice3A_1009 = vector.extract_strided_slice %reduce_sum3A_3 {offsets = [10, 12], sizes = [1, 104], strides = [1, 1]} : vector<12x144xf32> to vector<1x104xf32>
    %mul3A_1010 = vector.broadcast %mul3A_992 : f32 to vector<1x104xf32>
    %mul3A_1011 = arith.mulf %mul3A_1010, %slice3A_1009 : vector<1x104xf32>
    %add3A_1012 = arith.addf %add3A_1004, %mul3A_1011 : vector<1x104xf32>
    %slice3A_1013 = vector.extract_strided_slice %reduce_sum3A_9 {offsets = [10, 12], sizes = [1, 104], strides = [1, 1]} : vector<12x144xf32> to vector<1x104xf32>
    %mul3A_1014 = vector.broadcast %mul3A_992 : f32 to vector<1x104xf32>
    %mul3A_1015 = arith.mulf %mul3A_1014, %slice3A_1013 : vector<1x104xf32>
    %add3A_1016 = arith.addf %add3A_1008, %mul3A_1015 : vector<1x104xf32>
    %mul3A_1017 = arith.constant -1.300000e+01 : f32
    %mul3A_1018 = arith.mulf %mul3A_1017, %mul3A_18 : f32
    %mul3A_1019 = arith.mulf %mul3A_1018, %mul3A_1018 : f32
    %mul3A_1020 = arith.constant -5.000000e-01 : f32
    %mul3A_1021 = arith.mulf %mul3A_1020, %mul3A_1019 : f32
    %exp3A_1022 = math.exp %mul3A_1021 : f32
    %neg3A_1023 = arith.constant 0.000000e+00 : f32
    %neg3A_1024 = arith.subf %neg3A_1023, %exp3A_1022 : f32
    %mul3A_1025 = arith.mulf %neg3A_1024, %mul3A_1018 : f32
    %mul3A_1026 = arith.mulf %mul3A_1018, %mul3A_1018 : f32
    %sub3A_1027 = arith.constant 1.000000e+00 : f32
    %sub3A_1028 = arith.subf %mul3A_1026, %sub3A_1027 : f32
    %mul3A_1029 = arith.mulf %exp3A_1022, %sub3A_1028 : f32
    %slice3A_1030 = vector.extract_strided_slice %reduce_sum3A_3 {offsets = [3, 12], sizes = [1, 104], strides = [1, 1]} : vector<12x144xf32> to vector<1x104xf32>
    %mul3A_1031 = vector.broadcast %exp3A_1022 : f32 to vector<1x104xf32>
    %mul3A_1032 = arith.mulf %mul3A_1031, %slice3A_1030 : vector<1x104xf32>
    %add3A_1033 = arith.addf %add3A_1012, %mul3A_1032 : vector<1x104xf32>
    %slice3A_1034 = vector.extract_strided_slice %reduce_sum3A_9 {offsets = [3, 12], sizes = [1, 104], strides = [1, 1]} : vector<12x144xf32> to vector<1x104xf32>
    %mul3A_1035 = vector.broadcast %exp3A_1022 : f32 to vector<1x104xf32>
    %mul3A_1036 = arith.mulf %mul3A_1035, %slice3A_1034 : vector<1x104xf32>
    %add3A_1037 = arith.addf %add3A_1016, %mul3A_1036 : vector<1x104xf32>
    %slice3A_1038 = vector.extract_strided_slice %reduce_sum3A_3 {offsets = [7, 12], sizes = [1, 104], strides = [1, 1]} : vector<12x144xf32> to vector<1x104xf32>
    %mul3A_1039 = vector.broadcast %mul3A_1025 : f32 to vector<1x104xf32>
    %mul3A_1040 = arith.mulf %mul3A_1039, %slice3A_1038 : vector<1x104xf32>
    %add3A_1041 = arith.addf %add3A_1033, %mul3A_1040 : vector<1x104xf32>
    %slice3A_1042 = vector.extract_strided_slice %reduce_sum3A_9 {offsets = [7, 12], sizes = [1, 104], strides = [1, 1]} : vector<12x144xf32> to vector<1x104xf32>
    %mul3A_1043 = vector.broadcast %mul3A_1025 : f32 to vector<1x104xf32>
    %mul3A_1044 = arith.mulf %mul3A_1043, %slice3A_1042 : vector<1x104xf32>
    %add3A_1045 = arith.addf %add3A_1037, %mul3A_1044 : vector<1x104xf32>
    %slice3A_1046 = vector.extract_strided_slice %reduce_sum3A_3 {offsets = [11, 12], sizes = [1, 104], strides = [1, 1]} : vector<12x144xf32> to vector<1x104xf32>
    %mul3A_1047 = vector.broadcast %mul3A_1029 : f32 to vector<1x104xf32>
    %mul3A_1048 = arith.mulf %mul3A_1047, %slice3A_1046 : vector<1x104xf32>
    %add3A_1049 = arith.addf %add3A_1041, %mul3A_1048 : vector<1x104xf32>
    %slice3A_1050 = vector.extract_strided_slice %reduce_sum3A_9 {offsets = [11, 12], sizes = [1, 104], strides = [1, 1]} : vector<12x144xf32> to vector<1x104xf32>
    %mul3A_1051 = vector.broadcast %mul3A_1029 : f32 to vector<1x104xf32>
    %mul3A_1052 = arith.mulf %mul3A_1051, %slice3A_1050 : vector<1x104xf32>
    %add3A_1053 = arith.addf %add3A_1045, %mul3A_1052 : vector<1x104xf32>
    %mul3A_1054 = arith.constant -1.200000e+01 : f32
    %mul3A_1055 = arith.mulf %mul3A_1054, %mul3A_18 : f32
    %mul3A_1056 = arith.mulf %mul3A_1055, %mul3A_1055 : f32
    %mul3A_1057 = arith.constant -5.000000e-01 : f32
    %mul3A_1058 = arith.mulf %mul3A_1057, %mul3A_1056 : f32
    %exp3A_1059 = math.exp %mul3A_1058 : f32
    %neg3A_1060 = arith.constant 0.000000e+00 : f32
    %neg3A_1061 = arith.subf %neg3A_1060, %exp3A_1059 : f32
    %mul3A_1062 = arith.mulf %neg3A_1061, %mul3A_1055 : f32
    %mul3A_1063 = arith.mulf %mul3A_1055, %mul3A_1055 : f32
    %sub3A_1064 = arith.constant 1.000000e+00 : f32
    %sub3A_1065 = arith.subf %mul3A_1063, %sub3A_1064 : f32
    %mul3A_1066 = arith.mulf %exp3A_1059, %sub3A_1065 : f32
    %slice3A_1067 = vector.extract_strided_slice %reduce_sum3A_3 {offsets = [0, 13], sizes = [1, 104], strides = [1, 1]} : vector<12x144xf32> to vector<1x104xf32>
    %mul3A_1068 = vector.broadcast %exp3A_1059 : f32 to vector<1x104xf32>
    %mul3A_1069 = arith.mulf %mul3A_1068, %slice3A_1067 : vector<1x104xf32>
    %add3A_1070 = arith.addf %add3A_1049, %mul3A_1069 : vector<1x104xf32>
    %slice3A_1071 = vector.extract_strided_slice %reduce_sum3A_9 {offsets = [0, 13], sizes = [1, 104], strides = [1, 1]} : vector<12x144xf32> to vector<1x104xf32>
    %mul3A_1072 = vector.broadcast %exp3A_1059 : f32 to vector<1x104xf32>
    %mul3A_1073 = arith.mulf %mul3A_1072, %slice3A_1071 : vector<1x104xf32>
    %add3A_1074 = arith.addf %add3A_1053, %mul3A_1073 : vector<1x104xf32>
    %slice3A_1075 = vector.extract_strided_slice %reduce_sum3A_3 {offsets = [4, 13], sizes = [1, 104], strides = [1, 1]} : vector<12x144xf32> to vector<1x104xf32>
    %mul3A_1076 = vector.broadcast %mul3A_1062 : f32 to vector<1x104xf32>
    %mul3A_1077 = arith.mulf %mul3A_1076, %slice3A_1075 : vector<1x104xf32>
    %add3A_1078 = arith.addf %add3A_1070, %mul3A_1077 : vector<1x104xf32>
    %slice3A_1079 = vector.extract_strided_slice %reduce_sum3A_9 {offsets = [4, 13], sizes = [1, 104], strides = [1, 1]} : vector<12x144xf32> to vector<1x104xf32>
    %mul3A_1080 = vector.broadcast %mul3A_1062 : f32 to vector<1x104xf32>
    %mul3A_1081 = arith.mulf %mul3A_1080, %slice3A_1079 : vector<1x104xf32>
    %add3A_1082 = arith.addf %add3A_1074, %mul3A_1081 : vector<1x104xf32>
    %slice3A_1083 = vector.extract_strided_slice %reduce_sum3A_3 {offsets = [8, 13], sizes = [1, 104], strides = [1, 1]} : vector<12x144xf32> to vector<1x104xf32>
    %mul3A_1084 = vector.broadcast %mul3A_1066 : f32 to vector<1x104xf32>
    %mul3A_1085 = arith.mulf %mul3A_1084, %slice3A_1083 : vector<1x104xf32>
    %add3A_1086 = arith.addf %add3A_1078, %mul3A_1085 : vector<1x104xf32>
    %slice3A_1087 = vector.extract_strided_slice %reduce_sum3A_9 {offsets = [8, 13], sizes = [1, 104], strides = [1, 1]} : vector<12x144xf32> to vector<1x104xf32>
    %mul3A_1088 = vector.broadcast %mul3A_1066 : f32 to vector<1x104xf32>
    %mul3A_1089 = arith.mulf %mul3A_1088, %slice3A_1087 : vector<1x104xf32>
    %add3A_1090 = arith.addf %add3A_1082, %mul3A_1089 : vector<1x104xf32>
    %mul3A_1091 = arith.constant -1.100000e+01 : f32
    %mul3A_1092 = arith.mulf %mul3A_1091, %mul3A_18 : f32
    %mul3A_1093 = arith.mulf %mul3A_1092, %mul3A_1092 : f32
    %mul3A_1094 = arith.constant -5.000000e-01 : f32
    %mul3A_1095 = arith.mulf %mul3A_1094, %mul3A_1093 : f32
    %exp3A_1096 = math.exp %mul3A_1095 : f32
    %neg3A_1097 = arith.constant 0.000000e+00 : f32
    %neg3A_1098 = arith.subf %neg3A_1097, %exp3A_1096 : f32
    %mul3A_1099 = arith.mulf %neg3A_1098, %mul3A_1092 : f32
    %mul3A_1100 = arith.mulf %mul3A_1092, %mul3A_1092 : f32
    %sub3A_1101 = arith.constant 1.000000e+00 : f32
    %sub3A_1102 = arith.subf %mul3A_1100, %sub3A_1101 : f32
    %mul3A_1103 = arith.mulf %exp3A_1096, %sub3A_1102 : f32
    %slice3A_1104 = vector.extract_strided_slice %reduce_sum3A_3 {offsets = [1, 13], sizes = [1, 104], strides = [1, 1]} : vector<12x144xf32> to vector<1x104xf32>
    %mul3A_1105 = vector.broadcast %exp3A_1096 : f32 to vector<1x104xf32>
    %mul3A_1106 = arith.mulf %mul3A_1105, %slice3A_1104 : vector<1x104xf32>
    %add3A_1107 = arith.addf %add3A_1086, %mul3A_1106 : vector<1x104xf32>
    %slice3A_1108 = vector.extract_strided_slice %reduce_sum3A_9 {offsets = [1, 13], sizes = [1, 104], strides = [1, 1]} : vector<12x144xf32> to vector<1x104xf32>
    %mul3A_1109 = vector.broadcast %exp3A_1096 : f32 to vector<1x104xf32>
    %mul3A_1110 = arith.mulf %mul3A_1109, %slice3A_1108 : vector<1x104xf32>
    %add3A_1111 = arith.addf %add3A_1090, %mul3A_1110 : vector<1x104xf32>
    %slice3A_1112 = vector.extract_strided_slice %reduce_sum3A_3 {offsets = [5, 13], sizes = [1, 104], strides = [1, 1]} : vector<12x144xf32> to vector<1x104xf32>
    %mul3A_1113 = vector.broadcast %mul3A_1099 : f32 to vector<1x104xf32>
    %mul3A_1114 = arith.mulf %mul3A_1113, %slice3A_1112 : vector<1x104xf32>
    %add3A_1115 = arith.addf %add3A_1107, %mul3A_1114 : vector<1x104xf32>
    %slice3A_1116 = vector.extract_strided_slice %reduce_sum3A_9 {offsets = [5, 13], sizes = [1, 104], strides = [1, 1]} : vector<12x144xf32> to vector<1x104xf32>
    %mul3A_1117 = vector.broadcast %mul3A_1099 : f32 to vector<1x104xf32>
    %mul3A_1118 = arith.mulf %mul3A_1117, %slice3A_1116 : vector<1x104xf32>
    %add3A_1119 = arith.addf %add3A_1111, %mul3A_1118 : vector<1x104xf32>
    %slice3A_1120 = vector.extract_strided_slice %reduce_sum3A_3 {offsets = [9, 13], sizes = [1, 104], strides = [1, 1]} : vector<12x144xf32> to vector<1x104xf32>
    %mul3A_1121 = vector.broadcast %mul3A_1103 : f32 to vector<1x104xf32>
    %mul3A_1122 = arith.mulf %mul3A_1121, %slice3A_1120 : vector<1x104xf32>
    %add3A_1123 = arith.addf %add3A_1115, %mul3A_1122 : vector<1x104xf32>
    %slice3A_1124 = vector.extract_strided_slice %reduce_sum3A_9 {offsets = [9, 13], sizes = [1, 104], strides = [1, 1]} : vector<12x144xf32> to vector<1x104xf32>
    %mul3A_1125 = vector.broadcast %mul3A_1103 : f32 to vector<1x104xf32>
    %mul3A_1126 = arith.mulf %mul3A_1125, %slice3A_1124 : vector<1x104xf32>
    %add3A_1127 = arith.addf %add3A_1119, %mul3A_1126 : vector<1x104xf32>
    %mul3A_1128 = arith.constant -1.000000e+01 : f32
    %mul3A_1129 = arith.mulf %mul3A_1128, %mul3A_18 : f32
    %mul3A_1130 = arith.mulf %mul3A_1129, %mul3A_1129 : f32
    %mul3A_1131 = arith.constant -5.000000e-01 : f32
    %mul3A_1132 = arith.mulf %mul3A_1131, %mul3A_1130 : f32
    %exp3A_1133 = math.exp %mul3A_1132 : f32
    %neg3A_1134 = arith.constant 0.000000e+00 : f32
    %neg3A_1135 = arith.subf %neg3A_1134, %exp3A_1133 : f32
    %mul3A_1136 = arith.mulf %neg3A_1135, %mul3A_1129 : f32
    %mul3A_1137 = arith.mulf %mul3A_1129, %mul3A_1129 : f32
    %sub3A_1138 = arith.constant 1.000000e+00 : f32
    %sub3A_1139 = arith.subf %mul3A_1137, %sub3A_1138 : f32
    %mul3A_1140 = arith.mulf %exp3A_1133, %sub3A_1139 : f32
    %slice3A_1141 = vector.extract_strided_slice %reduce_sum3A_3 {offsets = [2, 13], sizes = [1, 104], strides = [1, 1]} : vector<12x144xf32> to vector<1x104xf32>
    %mul3A_1142 = vector.broadcast %exp3A_1133 : f32 to vector<1x104xf32>
    %mul3A_1143 = arith.mulf %mul3A_1142, %slice3A_1141 : vector<1x104xf32>
    %add3A_1144 = arith.addf %add3A_1123, %mul3A_1143 : vector<1x104xf32>
    %slice3A_1145 = vector.extract_strided_slice %reduce_sum3A_9 {offsets = [2, 13], sizes = [1, 104], strides = [1, 1]} : vector<12x144xf32> to vector<1x104xf32>
    %mul3A_1146 = vector.broadcast %exp3A_1133 : f32 to vector<1x104xf32>
    %mul3A_1147 = arith.mulf %mul3A_1146, %slice3A_1145 : vector<1x104xf32>
    %add3A_1148 = arith.addf %add3A_1127, %mul3A_1147 : vector<1x104xf32>
    %slice3A_1149 = vector.extract_strided_slice %reduce_sum3A_3 {offsets = [6, 13], sizes = [1, 104], strides = [1, 1]} : vector<12x144xf32> to vector<1x104xf32>
    %mul3A_1150 = vector.broadcast %mul3A_1136 : f32 to vector<1x104xf32>
    %mul3A_1151 = arith.mulf %mul3A_1150, %slice3A_1149 : vector<1x104xf32>
    %add3A_1152 = arith.addf %add3A_1144, %mul3A_1151 : vector<1x104xf32>
    %slice3A_1153 = vector.extract_strided_slice %reduce_sum3A_9 {offsets = [6, 13], sizes = [1, 104], strides = [1, 1]} : vector<12x144xf32> to vector<1x104xf32>
    %mul3A_1154 = vector.broadcast %mul3A_1136 : f32 to vector<1x104xf32>
    %mul3A_1155 = arith.mulf %mul3A_1154, %slice3A_1153 : vector<1x104xf32>
    %add3A_1156 = arith.addf %add3A_1148, %mul3A_1155 : vector<1x104xf32>
    %slice3A_1157 = vector.extract_strided_slice %reduce_sum3A_3 {offsets = [10, 13], sizes = [1, 104], strides = [1, 1]} : vector<12x144xf32> to vector<1x104xf32>
    %mul3A_1158 = vector.broadcast %mul3A_1140 : f32 to vector<1x104xf32>
    %mul3A_1159 = arith.mulf %mul3A_1158, %slice3A_1157 : vector<1x104xf32>
    %add3A_1160 = arith.addf %add3A_1152, %mul3A_1159 : vector<1x104xf32>
    %slice3A_1161 = vector.extract_strided_slice %reduce_sum3A_9 {offsets = [10, 13], sizes = [1, 104], strides = [1, 1]} : vector<12x144xf32> to vector<1x104xf32>
    %mul3A_1162 = vector.broadcast %mul3A_1140 : f32 to vector<1x104xf32>
    %mul3A_1163 = arith.mulf %mul3A_1162, %slice3A_1161 : vector<1x104xf32>
    %add3A_1164 = arith.addf %add3A_1156, %mul3A_1163 : vector<1x104xf32>
    %mul3A_1165 = arith.constant -9.000000e+00 : f32
    %mul3A_1166 = arith.mulf %mul3A_1165, %mul3A_18 : f32
    %mul3A_1167 = arith.mulf %mul3A_1166, %mul3A_1166 : f32
    %mul3A_1168 = arith.constant -5.000000e-01 : f32
    %mul3A_1169 = arith.mulf %mul3A_1168, %mul3A_1167 : f32
    %exp3A_1170 = math.exp %mul3A_1169 : f32
    %neg3A_1171 = arith.constant 0.000000e+00 : f32
    %neg3A_1172 = arith.subf %neg3A_1171, %exp3A_1170 : f32
    %mul3A_1173 = arith.mulf %neg3A_1172, %mul3A_1166 : f32
    %mul3A_1174 = arith.mulf %mul3A_1166, %mul3A_1166 : f32
    %sub3A_1175 = arith.constant 1.000000e+00 : f32
    %sub3A_1176 = arith.subf %mul3A_1174, %sub3A_1175 : f32
    %mul3A_1177 = arith.mulf %exp3A_1170, %sub3A_1176 : f32
    %slice3A_1178 = vector.extract_strided_slice %reduce_sum3A_3 {offsets = [3, 13], sizes = [1, 104], strides = [1, 1]} : vector<12x144xf32> to vector<1x104xf32>
    %mul3A_1179 = vector.broadcast %exp3A_1170 : f32 to vector<1x104xf32>
    %mul3A_1180 = arith.mulf %mul3A_1179, %slice3A_1178 : vector<1x104xf32>
    %add3A_1181 = arith.addf %add3A_1160, %mul3A_1180 : vector<1x104xf32>
    %slice3A_1182 = vector.extract_strided_slice %reduce_sum3A_9 {offsets = [3, 13], sizes = [1, 104], strides = [1, 1]} : vector<12x144xf32> to vector<1x104xf32>
    %mul3A_1183 = vector.broadcast %exp3A_1170 : f32 to vector<1x104xf32>
    %mul3A_1184 = arith.mulf %mul3A_1183, %slice3A_1182 : vector<1x104xf32>
    %add3A_1185 = arith.addf %add3A_1164, %mul3A_1184 : vector<1x104xf32>
    %slice3A_1186 = vector.extract_strided_slice %reduce_sum3A_3 {offsets = [7, 13], sizes = [1, 104], strides = [1, 1]} : vector<12x144xf32> to vector<1x104xf32>
    %mul3A_1187 = vector.broadcast %mul3A_1173 : f32 to vector<1x104xf32>
    %mul3A_1188 = arith.mulf %mul3A_1187, %slice3A_1186 : vector<1x104xf32>
    %add3A_1189 = arith.addf %add3A_1181, %mul3A_1188 : vector<1x104xf32>
    %slice3A_1190 = vector.extract_strided_slice %reduce_sum3A_9 {offsets = [7, 13], sizes = [1, 104], strides = [1, 1]} : vector<12x144xf32> to vector<1x104xf32>
    %mul3A_1191 = vector.broadcast %mul3A_1173 : f32 to vector<1x104xf32>
    %mul3A_1192 = arith.mulf %mul3A_1191, %slice3A_1190 : vector<1x104xf32>
    %add3A_1193 = arith.addf %add3A_1185, %mul3A_1192 : vector<1x104xf32>
    %slice3A_1194 = vector.extract_strided_slice %reduce_sum3A_3 {offsets = [11, 13], sizes = [1, 104], strides = [1, 1]} : vector<12x144xf32> to vector<1x104xf32>
    %mul3A_1195 = vector.broadcast %mul3A_1177 : f32 to vector<1x104xf32>
    %mul3A_1196 = arith.mulf %mul3A_1195, %slice3A_1194 : vector<1x104xf32>
    %add3A_1197 = arith.addf %add3A_1189, %mul3A_1196 : vector<1x104xf32>
    %slice3A_1198 = vector.extract_strided_slice %reduce_sum3A_9 {offsets = [11, 13], sizes = [1, 104], strides = [1, 1]} : vector<12x144xf32> to vector<1x104xf32>
    %mul3A_1199 = vector.broadcast %mul3A_1177 : f32 to vector<1x104xf32>
    %mul3A_1200 = arith.mulf %mul3A_1199, %slice3A_1198 : vector<1x104xf32>
    %add3A_1201 = arith.addf %add3A_1193, %mul3A_1200 : vector<1x104xf32>
    %mul3A_1202 = arith.constant -8.000000e+00 : f32
    %mul3A_1203 = arith.mulf %mul3A_1202, %mul3A_18 : f32
    %mul3A_1204 = arith.mulf %mul3A_1203, %mul3A_1203 : f32
    %mul3A_1205 = arith.constant -5.000000e-01 : f32
    %mul3A_1206 = arith.mulf %mul3A_1205, %mul3A_1204 : f32
    %exp3A_1207 = math.exp %mul3A_1206 : f32
    %neg3A_1208 = arith.constant 0.000000e+00 : f32
    %neg3A_1209 = arith.subf %neg3A_1208, %exp3A_1207 : f32
    %mul3A_1210 = arith.mulf %neg3A_1209, %mul3A_1203 : f32
    %mul3A_1211 = arith.mulf %mul3A_1203, %mul3A_1203 : f32
    %sub3A_1212 = arith.constant 1.000000e+00 : f32
    %sub3A_1213 = arith.subf %mul3A_1211, %sub3A_1212 : f32
    %mul3A_1214 = arith.mulf %exp3A_1207, %sub3A_1213 : f32
    %slice3A_1215 = vector.extract_strided_slice %reduce_sum3A_3 {offsets = [0, 14], sizes = [1, 104], strides = [1, 1]} : vector<12x144xf32> to vector<1x104xf32>
    %mul3A_1216 = vector.broadcast %exp3A_1207 : f32 to vector<1x104xf32>
    %mul3A_1217 = arith.mulf %mul3A_1216, %slice3A_1215 : vector<1x104xf32>
    %add3A_1218 = arith.addf %add3A_1197, %mul3A_1217 : vector<1x104xf32>
    %slice3A_1219 = vector.extract_strided_slice %reduce_sum3A_9 {offsets = [0, 14], sizes = [1, 104], strides = [1, 1]} : vector<12x144xf32> to vector<1x104xf32>
    %mul3A_1220 = vector.broadcast %exp3A_1207 : f32 to vector<1x104xf32>
    %mul3A_1221 = arith.mulf %mul3A_1220, %slice3A_1219 : vector<1x104xf32>
    %add3A_1222 = arith.addf %add3A_1201, %mul3A_1221 : vector<1x104xf32>
    %slice3A_1223 = vector.extract_strided_slice %reduce_sum3A_3 {offsets = [4, 14], sizes = [1, 104], strides = [1, 1]} : vector<12x144xf32> to vector<1x104xf32>
    %mul3A_1224 = vector.broadcast %mul3A_1210 : f32 to vector<1x104xf32>
    %mul3A_1225 = arith.mulf %mul3A_1224, %slice3A_1223 : vector<1x104xf32>
    %add3A_1226 = arith.addf %add3A_1218, %mul3A_1225 : vector<1x104xf32>
    %slice3A_1227 = vector.extract_strided_slice %reduce_sum3A_9 {offsets = [4, 14], sizes = [1, 104], strides = [1, 1]} : vector<12x144xf32> to vector<1x104xf32>
    %mul3A_1228 = vector.broadcast %mul3A_1210 : f32 to vector<1x104xf32>
    %mul3A_1229 = arith.mulf %mul3A_1228, %slice3A_1227 : vector<1x104xf32>
    %add3A_1230 = arith.addf %add3A_1222, %mul3A_1229 : vector<1x104xf32>
    %slice3A_1231 = vector.extract_strided_slice %reduce_sum3A_3 {offsets = [8, 14], sizes = [1, 104], strides = [1, 1]} : vector<12x144xf32> to vector<1x104xf32>
    %mul3A_1232 = vector.broadcast %mul3A_1214 : f32 to vector<1x104xf32>
    %mul3A_1233 = arith.mulf %mul3A_1232, %slice3A_1231 : vector<1x104xf32>
    %add3A_1234 = arith.addf %add3A_1226, %mul3A_1233 : vector<1x104xf32>
    %slice3A_1235 = vector.extract_strided_slice %reduce_sum3A_9 {offsets = [8, 14], sizes = [1, 104], strides = [1, 1]} : vector<12x144xf32> to vector<1x104xf32>
    %mul3A_1236 = vector.broadcast %mul3A_1214 : f32 to vector<1x104xf32>
    %mul3A_1237 = arith.mulf %mul3A_1236, %slice3A_1235 : vector<1x104xf32>
    %add3A_1238 = arith.addf %add3A_1230, %mul3A_1237 : vector<1x104xf32>
    %mul3A_1239 = arith.constant -7.000000e+00 : f32
    %mul3A_1240 = arith.mulf %mul3A_1239, %mul3A_18 : f32
    %mul3A_1241 = arith.mulf %mul3A_1240, %mul3A_1240 : f32
    %mul3A_1242 = arith.constant -5.000000e-01 : f32
    %mul3A_1243 = arith.mulf %mul3A_1242, %mul3A_1241 : f32
    %exp3A_1244 = math.exp %mul3A_1243 : f32
    %neg3A_1245 = arith.constant 0.000000e+00 : f32
    %neg3A_1246 = arith.subf %neg3A_1245, %exp3A_1244 : f32
    %mul3A_1247 = arith.mulf %neg3A_1246, %mul3A_1240 : f32
    %mul3A_1248 = arith.mulf %mul3A_1240, %mul3A_1240 : f32
    %sub3A_1249 = arith.constant 1.000000e+00 : f32
    %sub3A_1250 = arith.subf %mul3A_1248, %sub3A_1249 : f32
    %mul3A_1251 = arith.mulf %exp3A_1244, %sub3A_1250 : f32
    %slice3A_1252 = vector.extract_strided_slice %reduce_sum3A_3 {offsets = [1, 14], sizes = [1, 104], strides = [1, 1]} : vector<12x144xf32> to vector<1x104xf32>
    %mul3A_1253 = vector.broadcast %exp3A_1244 : f32 to vector<1x104xf32>
    %mul3A_1254 = arith.mulf %mul3A_1253, %slice3A_1252 : vector<1x104xf32>
    %add3A_1255 = arith.addf %add3A_1234, %mul3A_1254 : vector<1x104xf32>
    %slice3A_1256 = vector.extract_strided_slice %reduce_sum3A_9 {offsets = [1, 14], sizes = [1, 104], strides = [1, 1]} : vector<12x144xf32> to vector<1x104xf32>
    %mul3A_1257 = vector.broadcast %exp3A_1244 : f32 to vector<1x104xf32>
    %mul3A_1258 = arith.mulf %mul3A_1257, %slice3A_1256 : vector<1x104xf32>
    %add3A_1259 = arith.addf %add3A_1238, %mul3A_1258 : vector<1x104xf32>
    %slice3A_1260 = vector.extract_strided_slice %reduce_sum3A_3 {offsets = [5, 14], sizes = [1, 104], strides = [1, 1]} : vector<12x144xf32> to vector<1x104xf32>
    %mul3A_1261 = vector.broadcast %mul3A_1247 : f32 to vector<1x104xf32>
    %mul3A_1262 = arith.mulf %mul3A_1261, %slice3A_1260 : vector<1x104xf32>
    %add3A_1263 = arith.addf %add3A_1255, %mul3A_1262 : vector<1x104xf32>
    %slice3A_1264 = vector.extract_strided_slice %reduce_sum3A_9 {offsets = [5, 14], sizes = [1, 104], strides = [1, 1]} : vector<12x144xf32> to vector<1x104xf32>
    %mul3A_1265 = vector.broadcast %mul3A_1247 : f32 to vector<1x104xf32>
    %mul3A_1266 = arith.mulf %mul3A_1265, %slice3A_1264 : vector<1x104xf32>
    %add3A_1267 = arith.addf %add3A_1259, %mul3A_1266 : vector<1x104xf32>
    %slice3A_1268 = vector.extract_strided_slice %reduce_sum3A_3 {offsets = [9, 14], sizes = [1, 104], strides = [1, 1]} : vector<12x144xf32> to vector<1x104xf32>
    %mul3A_1269 = vector.broadcast %mul3A_1251 : f32 to vector<1x104xf32>
    %mul3A_1270 = arith.mulf %mul3A_1269, %slice3A_1268 : vector<1x104xf32>
    %add3A_1271 = arith.addf %add3A_1263, %mul3A_1270 : vector<1x104xf32>
    %slice3A_1272 = vector.extract_strided_slice %reduce_sum3A_9 {offsets = [9, 14], sizes = [1, 104], strides = [1, 1]} : vector<12x144xf32> to vector<1x104xf32>
    %mul3A_1273 = vector.broadcast %mul3A_1251 : f32 to vector<1x104xf32>
    %mul3A_1274 = arith.mulf %mul3A_1273, %slice3A_1272 : vector<1x104xf32>
    %add3A_1275 = arith.addf %add3A_1267, %mul3A_1274 : vector<1x104xf32>
    %mul3A_1276 = arith.constant -6.000000e+00 : f32
    %mul3A_1277 = arith.mulf %mul3A_1276, %mul3A_18 : f32
    %mul3A_1278 = arith.mulf %mul3A_1277, %mul3A_1277 : f32
    %mul3A_1279 = arith.constant -5.000000e-01 : f32
    %mul3A_1280 = arith.mulf %mul3A_1279, %mul3A_1278 : f32
    %exp3A_1281 = math.exp %mul3A_1280 : f32
    %neg3A_1282 = arith.constant 0.000000e+00 : f32
    %neg3A_1283 = arith.subf %neg3A_1282, %exp3A_1281 : f32
    %mul3A_1284 = arith.mulf %neg3A_1283, %mul3A_1277 : f32
    %mul3A_1285 = arith.mulf %mul3A_1277, %mul3A_1277 : f32
    %sub3A_1286 = arith.constant 1.000000e+00 : f32
    %sub3A_1287 = arith.subf %mul3A_1285, %sub3A_1286 : f32
    %mul3A_1288 = arith.mulf %exp3A_1281, %sub3A_1287 : f32
    %slice3A_1289 = vector.extract_strided_slice %reduce_sum3A_3 {offsets = [2, 14], sizes = [1, 104], strides = [1, 1]} : vector<12x144xf32> to vector<1x104xf32>
    %mul3A_1290 = vector.broadcast %exp3A_1281 : f32 to vector<1x104xf32>
    %mul3A_1291 = arith.mulf %mul3A_1290, %slice3A_1289 : vector<1x104xf32>
    %add3A_1292 = arith.addf %add3A_1271, %mul3A_1291 : vector<1x104xf32>
    %slice3A_1293 = vector.extract_strided_slice %reduce_sum3A_9 {offsets = [2, 14], sizes = [1, 104], strides = [1, 1]} : vector<12x144xf32> to vector<1x104xf32>
    %mul3A_1294 = vector.broadcast %exp3A_1281 : f32 to vector<1x104xf32>
    %mul3A_1295 = arith.mulf %mul3A_1294, %slice3A_1293 : vector<1x104xf32>
    %add3A_1296 = arith.addf %add3A_1275, %mul3A_1295 : vector<1x104xf32>
    %slice3A_1297 = vector.extract_strided_slice %reduce_sum3A_3 {offsets = [6, 14], sizes = [1, 104], strides = [1, 1]} : vector<12x144xf32> to vector<1x104xf32>
    %mul3A_1298 = vector.broadcast %mul3A_1284 : f32 to vector<1x104xf32>
    %mul3A_1299 = arith.mulf %mul3A_1298, %slice3A_1297 : vector<1x104xf32>
    %add3A_1300 = arith.addf %add3A_1292, %mul3A_1299 : vector<1x104xf32>
    %slice3A_1301 = vector.extract_strided_slice %reduce_sum3A_9 {offsets = [6, 14], sizes = [1, 104], strides = [1, 1]} : vector<12x144xf32> to vector<1x104xf32>
    %mul3A_1302 = vector.broadcast %mul3A_1284 : f32 to vector<1x104xf32>
    %mul3A_1303 = arith.mulf %mul3A_1302, %slice3A_1301 : vector<1x104xf32>
    %add3A_1304 = arith.addf %add3A_1296, %mul3A_1303 : vector<1x104xf32>
    %slice3A_1305 = vector.extract_strided_slice %reduce_sum3A_3 {offsets = [10, 14], sizes = [1, 104], strides = [1, 1]} : vector<12x144xf32> to vector<1x104xf32>
    %mul3A_1306 = vector.broadcast %mul3A_1288 : f32 to vector<1x104xf32>
    %mul3A_1307 = arith.mulf %mul3A_1306, %slice3A_1305 : vector<1x104xf32>
    %add3A_1308 = arith.addf %add3A_1300, %mul3A_1307 : vector<1x104xf32>
    %slice3A_1309 = vector.extract_strided_slice %reduce_sum3A_9 {offsets = [10, 14], sizes = [1, 104], strides = [1, 1]} : vector<12x144xf32> to vector<1x104xf32>
    %mul3A_1310 = vector.broadcast %mul3A_1288 : f32 to vector<1x104xf32>
    %mul3A_1311 = arith.mulf %mul3A_1310, %slice3A_1309 : vector<1x104xf32>
    %add3A_1312 = arith.addf %add3A_1304, %mul3A_1311 : vector<1x104xf32>
    %mul3A_1313 = arith.constant -5.000000e+00 : f32
    %mul3A_1314 = arith.mulf %mul3A_1313, %mul3A_18 : f32
    %mul3A_1315 = arith.mulf %mul3A_1314, %mul3A_1314 : f32
    %mul3A_1316 = arith.constant -5.000000e-01 : f32
    %mul3A_1317 = arith.mulf %mul3A_1316, %mul3A_1315 : f32
    %exp3A_1318 = math.exp %mul3A_1317 : f32
    %neg3A_1319 = arith.constant 0.000000e+00 : f32
    %neg3A_1320 = arith.subf %neg3A_1319, %exp3A_1318 : f32
    %mul3A_1321 = arith.mulf %neg3A_1320, %mul3A_1314 : f32
    %mul3A_1322 = arith.mulf %mul3A_1314, %mul3A_1314 : f32
    %sub3A_1323 = arith.constant 1.000000e+00 : f32
    %sub3A_1324 = arith.subf %mul3A_1322, %sub3A_1323 : f32
    %mul3A_1325 = arith.mulf %exp3A_1318, %sub3A_1324 : f32
    %slice3A_1326 = vector.extract_strided_slice %reduce_sum3A_3 {offsets = [3, 14], sizes = [1, 104], strides = [1, 1]} : vector<12x144xf32> to vector<1x104xf32>
    %mul3A_1327 = vector.broadcast %exp3A_1318 : f32 to vector<1x104xf32>
    %mul3A_1328 = arith.mulf %mul3A_1327, %slice3A_1326 : vector<1x104xf32>
    %add3A_1329 = arith.addf %add3A_1308, %mul3A_1328 : vector<1x104xf32>
    %slice3A_1330 = vector.extract_strided_slice %reduce_sum3A_9 {offsets = [3, 14], sizes = [1, 104], strides = [1, 1]} : vector<12x144xf32> to vector<1x104xf32>
    %mul3A_1331 = vector.broadcast %exp3A_1318 : f32 to vector<1x104xf32>
    %mul3A_1332 = arith.mulf %mul3A_1331, %slice3A_1330 : vector<1x104xf32>
    %add3A_1333 = arith.addf %add3A_1312, %mul3A_1332 : vector<1x104xf32>
    %slice3A_1334 = vector.extract_strided_slice %reduce_sum3A_3 {offsets = [7, 14], sizes = [1, 104], strides = [1, 1]} : vector<12x144xf32> to vector<1x104xf32>
    %mul3A_1335 = vector.broadcast %mul3A_1321 : f32 to vector<1x104xf32>
    %mul3A_1336 = arith.mulf %mul3A_1335, %slice3A_1334 : vector<1x104xf32>
    %add3A_1337 = arith.addf %add3A_1329, %mul3A_1336 : vector<1x104xf32>
    %slice3A_1338 = vector.extract_strided_slice %reduce_sum3A_9 {offsets = [7, 14], sizes = [1, 104], strides = [1, 1]} : vector<12x144xf32> to vector<1x104xf32>
    %mul3A_1339 = vector.broadcast %mul3A_1321 : f32 to vector<1x104xf32>
    %mul3A_1340 = arith.mulf %mul3A_1339, %slice3A_1338 : vector<1x104xf32>
    %add3A_1341 = arith.addf %add3A_1333, %mul3A_1340 : vector<1x104xf32>
    %slice3A_1342 = vector.extract_strided_slice %reduce_sum3A_3 {offsets = [11, 14], sizes = [1, 104], strides = [1, 1]} : vector<12x144xf32> to vector<1x104xf32>
    %mul3A_1343 = vector.broadcast %mul3A_1325 : f32 to vector<1x104xf32>
    %mul3A_1344 = arith.mulf %mul3A_1343, %slice3A_1342 : vector<1x104xf32>
    %add3A_1345 = arith.addf %add3A_1337, %mul3A_1344 : vector<1x104xf32>
    %slice3A_1346 = vector.extract_strided_slice %reduce_sum3A_9 {offsets = [11, 14], sizes = [1, 104], strides = [1, 1]} : vector<12x144xf32> to vector<1x104xf32>
    %mul3A_1347 = vector.broadcast %mul3A_1325 : f32 to vector<1x104xf32>
    %mul3A_1348 = arith.mulf %mul3A_1347, %slice3A_1346 : vector<1x104xf32>
    %add3A_1349 = arith.addf %add3A_1341, %mul3A_1348 : vector<1x104xf32>
    %mul3A_1350 = arith.constant -4.000000e+00 : f32
    %mul3A_1351 = arith.mulf %mul3A_1350, %mul3A_18 : f32
    %mul3A_1352 = arith.mulf %mul3A_1351, %mul3A_1351 : f32
    %mul3A_1353 = arith.constant -5.000000e-01 : f32
    %mul3A_1354 = arith.mulf %mul3A_1353, %mul3A_1352 : f32
    %exp3A_1355 = math.exp %mul3A_1354 : f32
    %neg3A_1356 = arith.constant 0.000000e+00 : f32
    %neg3A_1357 = arith.subf %neg3A_1356, %exp3A_1355 : f32
    %mul3A_1358 = arith.mulf %neg3A_1357, %mul3A_1351 : f32
    %mul3A_1359 = arith.mulf %mul3A_1351, %mul3A_1351 : f32
    %sub3A_1360 = arith.constant 1.000000e+00 : f32
    %sub3A_1361 = arith.subf %mul3A_1359, %sub3A_1360 : f32
    %mul3A_1362 = arith.mulf %exp3A_1355, %sub3A_1361 : f32
    %slice3A_1363 = vector.extract_strided_slice %reduce_sum3A_3 {offsets = [0, 15], sizes = [1, 104], strides = [1, 1]} : vector<12x144xf32> to vector<1x104xf32>
    %mul3A_1364 = vector.broadcast %exp3A_1355 : f32 to vector<1x104xf32>
    %mul3A_1365 = arith.mulf %mul3A_1364, %slice3A_1363 : vector<1x104xf32>
    %add3A_1366 = arith.addf %add3A_1345, %mul3A_1365 : vector<1x104xf32>
    %slice3A_1367 = vector.extract_strided_slice %reduce_sum3A_9 {offsets = [0, 15], sizes = [1, 104], strides = [1, 1]} : vector<12x144xf32> to vector<1x104xf32>
    %mul3A_1368 = vector.broadcast %exp3A_1355 : f32 to vector<1x104xf32>
    %mul3A_1369 = arith.mulf %mul3A_1368, %slice3A_1367 : vector<1x104xf32>
    %add3A_1370 = arith.addf %add3A_1349, %mul3A_1369 : vector<1x104xf32>
    %slice3A_1371 = vector.extract_strided_slice %reduce_sum3A_3 {offsets = [4, 15], sizes = [1, 104], strides = [1, 1]} : vector<12x144xf32> to vector<1x104xf32>
    %mul3A_1372 = vector.broadcast %mul3A_1358 : f32 to vector<1x104xf32>
    %mul3A_1373 = arith.mulf %mul3A_1372, %slice3A_1371 : vector<1x104xf32>
    %add3A_1374 = arith.addf %add3A_1366, %mul3A_1373 : vector<1x104xf32>
    %slice3A_1375 = vector.extract_strided_slice %reduce_sum3A_9 {offsets = [4, 15], sizes = [1, 104], strides = [1, 1]} : vector<12x144xf32> to vector<1x104xf32>
    %mul3A_1376 = vector.broadcast %mul3A_1358 : f32 to vector<1x104xf32>
    %mul3A_1377 = arith.mulf %mul3A_1376, %slice3A_1375 : vector<1x104xf32>
    %add3A_1378 = arith.addf %add3A_1370, %mul3A_1377 : vector<1x104xf32>
    %slice3A_1379 = vector.extract_strided_slice %reduce_sum3A_3 {offsets = [8, 15], sizes = [1, 104], strides = [1, 1]} : vector<12x144xf32> to vector<1x104xf32>
    %mul3A_1380 = vector.broadcast %mul3A_1362 : f32 to vector<1x104xf32>
    %mul3A_1381 = arith.mulf %mul3A_1380, %slice3A_1379 : vector<1x104xf32>
    %add3A_1382 = arith.addf %add3A_1374, %mul3A_1381 : vector<1x104xf32>
    %slice3A_1383 = vector.extract_strided_slice %reduce_sum3A_9 {offsets = [8, 15], sizes = [1, 104], strides = [1, 1]} : vector<12x144xf32> to vector<1x104xf32>
    %mul3A_1384 = vector.broadcast %mul3A_1362 : f32 to vector<1x104xf32>
    %mul3A_1385 = arith.mulf %mul3A_1384, %slice3A_1383 : vector<1x104xf32>
    %add3A_1386 = arith.addf %add3A_1378, %mul3A_1385 : vector<1x104xf32>
    %mul3A_1387 = arith.constant -3.000000e+00 : f32
    %mul3A_1388 = arith.mulf %mul3A_1387, %mul3A_18 : f32
    %mul3A_1389 = arith.mulf %mul3A_1388, %mul3A_1388 : f32
    %mul3A_1390 = arith.constant -5.000000e-01 : f32
    %mul3A_1391 = arith.mulf %mul3A_1390, %mul3A_1389 : f32
    %exp3A_1392 = math.exp %mul3A_1391 : f32
    %neg3A_1393 = arith.constant 0.000000e+00 : f32
    %neg3A_1394 = arith.subf %neg3A_1393, %exp3A_1392 : f32
    %mul3A_1395 = arith.mulf %neg3A_1394, %mul3A_1388 : f32
    %mul3A_1396 = arith.mulf %mul3A_1388, %mul3A_1388 : f32
    %sub3A_1397 = arith.constant 1.000000e+00 : f32
    %sub3A_1398 = arith.subf %mul3A_1396, %sub3A_1397 : f32
    %mul3A_1399 = arith.mulf %exp3A_1392, %sub3A_1398 : f32
    %slice3A_1400 = vector.extract_strided_slice %reduce_sum3A_3 {offsets = [1, 15], sizes = [1, 104], strides = [1, 1]} : vector<12x144xf32> to vector<1x104xf32>
    %mul3A_1401 = vector.broadcast %exp3A_1392 : f32 to vector<1x104xf32>
    %mul3A_1402 = arith.mulf %mul3A_1401, %slice3A_1400 : vector<1x104xf32>
    %add3A_1403 = arith.addf %add3A_1382, %mul3A_1402 : vector<1x104xf32>
    %slice3A_1404 = vector.extract_strided_slice %reduce_sum3A_9 {offsets = [1, 15], sizes = [1, 104], strides = [1, 1]} : vector<12x144xf32> to vector<1x104xf32>
    %mul3A_1405 = vector.broadcast %exp3A_1392 : f32 to vector<1x104xf32>
    %mul3A_1406 = arith.mulf %mul3A_1405, %slice3A_1404 : vector<1x104xf32>
    %add3A_1407 = arith.addf %add3A_1386, %mul3A_1406 : vector<1x104xf32>
    %slice3A_1408 = vector.extract_strided_slice %reduce_sum3A_3 {offsets = [5, 15], sizes = [1, 104], strides = [1, 1]} : vector<12x144xf32> to vector<1x104xf32>
    %mul3A_1409 = vector.broadcast %mul3A_1395 : f32 to vector<1x104xf32>
    %mul3A_1410 = arith.mulf %mul3A_1409, %slice3A_1408 : vector<1x104xf32>
    %add3A_1411 = arith.addf %add3A_1403, %mul3A_1410 : vector<1x104xf32>
    %slice3A_1412 = vector.extract_strided_slice %reduce_sum3A_9 {offsets = [5, 15], sizes = [1, 104], strides = [1, 1]} : vector<12x144xf32> to vector<1x104xf32>
    %mul3A_1413 = vector.broadcast %mul3A_1395 : f32 to vector<1x104xf32>
    %mul3A_1414 = arith.mulf %mul3A_1413, %slice3A_1412 : vector<1x104xf32>
    %add3A_1415 = arith.addf %add3A_1407, %mul3A_1414 : vector<1x104xf32>
    %slice3A_1416 = vector.extract_strided_slice %reduce_sum3A_3 {offsets = [9, 15], sizes = [1, 104], strides = [1, 1]} : vector<12x144xf32> to vector<1x104xf32>
    %mul3A_1417 = vector.broadcast %mul3A_1399 : f32 to vector<1x104xf32>
    %mul3A_1418 = arith.mulf %mul3A_1417, %slice3A_1416 : vector<1x104xf32>
    %add3A_1419 = arith.addf %add3A_1411, %mul3A_1418 : vector<1x104xf32>
    %slice3A_1420 = vector.extract_strided_slice %reduce_sum3A_9 {offsets = [9, 15], sizes = [1, 104], strides = [1, 1]} : vector<12x144xf32> to vector<1x104xf32>
    %mul3A_1421 = vector.broadcast %mul3A_1399 : f32 to vector<1x104xf32>
    %mul3A_1422 = arith.mulf %mul3A_1421, %slice3A_1420 : vector<1x104xf32>
    %add3A_1423 = arith.addf %add3A_1415, %mul3A_1422 : vector<1x104xf32>
    %mul3A_1424 = arith.constant -2.000000e+00 : f32
    %mul3A_1425 = arith.mulf %mul3A_1424, %mul3A_18 : f32
    %mul3A_1426 = arith.mulf %mul3A_1425, %mul3A_1425 : f32
    %mul3A_1427 = arith.constant -5.000000e-01 : f32
    %mul3A_1428 = arith.mulf %mul3A_1427, %mul3A_1426 : f32
    %exp3A_1429 = math.exp %mul3A_1428 : f32
    %neg3A_1430 = arith.constant 0.000000e+00 : f32
    %neg3A_1431 = arith.subf %neg3A_1430, %exp3A_1429 : f32
    %mul3A_1432 = arith.mulf %neg3A_1431, %mul3A_1425 : f32
    %mul3A_1433 = arith.mulf %mul3A_1425, %mul3A_1425 : f32
    %sub3A_1434 = arith.constant 1.000000e+00 : f32
    %sub3A_1435 = arith.subf %mul3A_1433, %sub3A_1434 : f32
    %mul3A_1436 = arith.mulf %exp3A_1429, %sub3A_1435 : f32
    %slice3A_1437 = vector.extract_strided_slice %reduce_sum3A_3 {offsets = [2, 15], sizes = [1, 104], strides = [1, 1]} : vector<12x144xf32> to vector<1x104xf32>
    %mul3A_1438 = vector.broadcast %exp3A_1429 : f32 to vector<1x104xf32>
    %mul3A_1439 = arith.mulf %mul3A_1438, %slice3A_1437 : vector<1x104xf32>
    %add3A_1440 = arith.addf %add3A_1419, %mul3A_1439 : vector<1x104xf32>
    %slice3A_1441 = vector.extract_strided_slice %reduce_sum3A_9 {offsets = [2, 15], sizes = [1, 104], strides = [1, 1]} : vector<12x144xf32> to vector<1x104xf32>
    %mul3A_1442 = vector.broadcast %exp3A_1429 : f32 to vector<1x104xf32>
    %mul3A_1443 = arith.mulf %mul3A_1442, %slice3A_1441 : vector<1x104xf32>
    %add3A_1444 = arith.addf %add3A_1423, %mul3A_1443 : vector<1x104xf32>
    %slice3A_1445 = vector.extract_strided_slice %reduce_sum3A_3 {offsets = [6, 15], sizes = [1, 104], strides = [1, 1]} : vector<12x144xf32> to vector<1x104xf32>
    %mul3A_1446 = vector.broadcast %mul3A_1432 : f32 to vector<1x104xf32>
    %mul3A_1447 = arith.mulf %mul3A_1446, %slice3A_1445 : vector<1x104xf32>
    %add3A_1448 = arith.addf %add3A_1440, %mul3A_1447 : vector<1x104xf32>
    %slice3A_1449 = vector.extract_strided_slice %reduce_sum3A_9 {offsets = [6, 15], sizes = [1, 104], strides = [1, 1]} : vector<12x144xf32> to vector<1x104xf32>
    %mul3A_1450 = vector.broadcast %mul3A_1432 : f32 to vector<1x104xf32>
    %mul3A_1451 = arith.mulf %mul3A_1450, %slice3A_1449 : vector<1x104xf32>
    %add3A_1452 = arith.addf %add3A_1444, %mul3A_1451 : vector<1x104xf32>
    %slice3A_1453 = vector.extract_strided_slice %reduce_sum3A_3 {offsets = [10, 15], sizes = [1, 104], strides = [1, 1]} : vector<12x144xf32> to vector<1x104xf32>
    %mul3A_1454 = vector.broadcast %mul3A_1436 : f32 to vector<1x104xf32>
    %mul3A_1455 = arith.mulf %mul3A_1454, %slice3A_1453 : vector<1x104xf32>
    %add3A_1456 = arith.addf %add3A_1448, %mul3A_1455 : vector<1x104xf32>
    %slice3A_1457 = vector.extract_strided_slice %reduce_sum3A_9 {offsets = [10, 15], sizes = [1, 104], strides = [1, 1]} : vector<12x144xf32> to vector<1x104xf32>
    %mul3A_1458 = vector.broadcast %mul3A_1436 : f32 to vector<1x104xf32>
    %mul3A_1459 = arith.mulf %mul3A_1458, %slice3A_1457 : vector<1x104xf32>
    %add3A_1460 = arith.addf %add3A_1452, %mul3A_1459 : vector<1x104xf32>
    %mul3A_1461 = arith.constant -1.000000e+00 : f32
    %mul3A_1462 = arith.mulf %mul3A_1461, %mul3A_18 : f32
    %mul3A_1463 = arith.mulf %mul3A_1462, %mul3A_1462 : f32
    %mul3A_1464 = arith.constant -5.000000e-01 : f32
    %mul3A_1465 = arith.mulf %mul3A_1464, %mul3A_1463 : f32
    %exp3A_1466 = math.exp %mul3A_1465 : f32
    %neg3A_1467 = arith.constant 0.000000e+00 : f32
    %neg3A_1468 = arith.subf %neg3A_1467, %exp3A_1466 : f32
    %mul3A_1469 = arith.mulf %neg3A_1468, %mul3A_1462 : f32
    %mul3A_1470 = arith.mulf %mul3A_1462, %mul3A_1462 : f32
    %sub3A_1471 = arith.constant 1.000000e+00 : f32
    %sub3A_1472 = arith.subf %mul3A_1470, %sub3A_1471 : f32
    %mul3A_1473 = arith.mulf %exp3A_1466, %sub3A_1472 : f32
    %slice3A_1474 = vector.extract_strided_slice %reduce_sum3A_3 {offsets = [3, 15], sizes = [1, 104], strides = [1, 1]} : vector<12x144xf32> to vector<1x104xf32>
    %mul3A_1475 = vector.broadcast %exp3A_1466 : f32 to vector<1x104xf32>
    %mul3A_1476 = arith.mulf %mul3A_1475, %slice3A_1474 : vector<1x104xf32>
    %add3A_1477 = arith.addf %add3A_1456, %mul3A_1476 : vector<1x104xf32>
    %slice3A_1478 = vector.extract_strided_slice %reduce_sum3A_9 {offsets = [3, 15], sizes = [1, 104], strides = [1, 1]} : vector<12x144xf32> to vector<1x104xf32>
    %mul3A_1479 = vector.broadcast %exp3A_1466 : f32 to vector<1x104xf32>
    %mul3A_1480 = arith.mulf %mul3A_1479, %slice3A_1478 : vector<1x104xf32>
    %add3A_1481 = arith.addf %add3A_1460, %mul3A_1480 : vector<1x104xf32>
    %slice3A_1482 = vector.extract_strided_slice %reduce_sum3A_3 {offsets = [7, 15], sizes = [1, 104], strides = [1, 1]} : vector<12x144xf32> to vector<1x104xf32>
    %mul3A_1483 = vector.broadcast %mul3A_1469 : f32 to vector<1x104xf32>
    %mul3A_1484 = arith.mulf %mul3A_1483, %slice3A_1482 : vector<1x104xf32>
    %add3A_1485 = arith.addf %add3A_1477, %mul3A_1484 : vector<1x104xf32>
    %slice3A_1486 = vector.extract_strided_slice %reduce_sum3A_9 {offsets = [7, 15], sizes = [1, 104], strides = [1, 1]} : vector<12x144xf32> to vector<1x104xf32>
    %mul3A_1487 = vector.broadcast %mul3A_1469 : f32 to vector<1x104xf32>
    %mul3A_1488 = arith.mulf %mul3A_1487, %slice3A_1486 : vector<1x104xf32>
    %add3A_1489 = arith.addf %add3A_1481, %mul3A_1488 : vector<1x104xf32>
    %slice3A_1490 = vector.extract_strided_slice %reduce_sum3A_3 {offsets = [11, 15], sizes = [1, 104], strides = [1, 1]} : vector<12x144xf32> to vector<1x104xf32>
    %mul3A_1491 = vector.broadcast %mul3A_1473 : f32 to vector<1x104xf32>
    %mul3A_1492 = arith.mulf %mul3A_1491, %slice3A_1490 : vector<1x104xf32>
    %add3A_1493 = arith.addf %add3A_1485, %mul3A_1492 : vector<1x104xf32>
    %slice3A_1494 = vector.extract_strided_slice %reduce_sum3A_9 {offsets = [11, 15], sizes = [1, 104], strides = [1, 1]} : vector<12x144xf32> to vector<1x104xf32>
    %mul3A_1495 = vector.broadcast %mul3A_1473 : f32 to vector<1x104xf32>
    %mul3A_1496 = arith.mulf %mul3A_1495, %slice3A_1494 : vector<1x104xf32>
    %add3A_1497 = arith.addf %add3A_1489, %mul3A_1496 : vector<1x104xf32>
    %mul3A_1498 = arith.constant 0.000000e+00 : f32
    %mul3A_1499 = arith.mulf %mul3A_1498, %mul3A_18 : f32
    %mul3A_1500 = arith.mulf %mul3A_1499, %mul3A_1499 : f32
    %mul3A_1501 = arith.constant -5.000000e-01 : f32
    %mul3A_1502 = arith.mulf %mul3A_1501, %mul3A_1500 : f32
    %exp3A_1503 = math.exp %mul3A_1502 : f32
    %neg3A_1504 = arith.constant 0.000000e+00 : f32
    %neg3A_1505 = arith.subf %neg3A_1504, %exp3A_1503 : f32
    %mul3A_1506 = arith.mulf %neg3A_1505, %mul3A_1499 : f32
    %mul3A_1507 = arith.mulf %mul3A_1499, %mul3A_1499 : f32
    %sub3A_1508 = arith.constant 1.000000e+00 : f32
    %sub3A_1509 = arith.subf %mul3A_1507, %sub3A_1508 : f32
    %mul3A_1510 = arith.mulf %exp3A_1503, %sub3A_1509 : f32
    %slice3A_1511 = vector.extract_strided_slice %reduce_sum3A_3 {offsets = [0, 16], sizes = [1, 104], strides = [1, 1]} : vector<12x144xf32> to vector<1x104xf32>
    %mul3A_1512 = vector.broadcast %exp3A_1503 : f32 to vector<1x104xf32>
    %mul3A_1513 = arith.mulf %mul3A_1512, %slice3A_1511 : vector<1x104xf32>
    %add3A_1514 = arith.addf %add3A_1493, %mul3A_1513 : vector<1x104xf32>
    %slice3A_1515 = vector.extract_strided_slice %reduce_sum3A_9 {offsets = [0, 16], sizes = [1, 104], strides = [1, 1]} : vector<12x144xf32> to vector<1x104xf32>
    %mul3A_1516 = vector.broadcast %exp3A_1503 : f32 to vector<1x104xf32>
    %mul3A_1517 = arith.mulf %mul3A_1516, %slice3A_1515 : vector<1x104xf32>
    %add3A_1518 = arith.addf %add3A_1497, %mul3A_1517 : vector<1x104xf32>
    %slice3A_1519 = vector.extract_strided_slice %reduce_sum3A_3 {offsets = [4, 16], sizes = [1, 104], strides = [1, 1]} : vector<12x144xf32> to vector<1x104xf32>
    %mul3A_1520 = vector.broadcast %mul3A_1506 : f32 to vector<1x104xf32>
    %mul3A_1521 = arith.mulf %mul3A_1520, %slice3A_1519 : vector<1x104xf32>
    %add3A_1522 = arith.addf %add3A_1514, %mul3A_1521 : vector<1x104xf32>
    %slice3A_1523 = vector.extract_strided_slice %reduce_sum3A_9 {offsets = [4, 16], sizes = [1, 104], strides = [1, 1]} : vector<12x144xf32> to vector<1x104xf32>
    %mul3A_1524 = vector.broadcast %mul3A_1506 : f32 to vector<1x104xf32>
    %mul3A_1525 = arith.mulf %mul3A_1524, %slice3A_1523 : vector<1x104xf32>
    %add3A_1526 = arith.addf %add3A_1518, %mul3A_1525 : vector<1x104xf32>
    %slice3A_1527 = vector.extract_strided_slice %reduce_sum3A_3 {offsets = [8, 16], sizes = [1, 104], strides = [1, 1]} : vector<12x144xf32> to vector<1x104xf32>
    %mul3A_1528 = vector.broadcast %mul3A_1510 : f32 to vector<1x104xf32>
    %mul3A_1529 = arith.mulf %mul3A_1528, %slice3A_1527 : vector<1x104xf32>
    %add3A_1530 = arith.addf %add3A_1522, %mul3A_1529 : vector<1x104xf32>
    %slice3A_1531 = vector.extract_strided_slice %reduce_sum3A_9 {offsets = [8, 16], sizes = [1, 104], strides = [1, 1]} : vector<12x144xf32> to vector<1x104xf32>
    %mul3A_1532 = vector.broadcast %mul3A_1510 : f32 to vector<1x104xf32>
    %mul3A_1533 = arith.mulf %mul3A_1532, %slice3A_1531 : vector<1x104xf32>
    %add3A_1534 = arith.addf %add3A_1526, %mul3A_1533 : vector<1x104xf32>
    %mul3A_1535 = arith.constant 1.000000e+00 : f32
    %mul3A_1536 = arith.mulf %mul3A_1535, %mul3A_18 : f32
    %mul3A_1537 = arith.mulf %mul3A_1536, %mul3A_1536 : f32
    %mul3A_1538 = arith.constant -5.000000e-01 : f32
    %mul3A_1539 = arith.mulf %mul3A_1538, %mul3A_1537 : f32
    %exp3A_1540 = math.exp %mul3A_1539 : f32
    %neg3A_1541 = arith.constant 0.000000e+00 : f32
    %neg3A_1542 = arith.subf %neg3A_1541, %exp3A_1540 : f32
    %mul3A_1543 = arith.mulf %neg3A_1542, %mul3A_1536 : f32
    %mul3A_1544 = arith.mulf %mul3A_1536, %mul3A_1536 : f32
    %sub3A_1545 = arith.constant 1.000000e+00 : f32
    %sub3A_1546 = arith.subf %mul3A_1544, %sub3A_1545 : f32
    %mul3A_1547 = arith.mulf %exp3A_1540, %sub3A_1546 : f32
    %slice3A_1548 = vector.extract_strided_slice %reduce_sum3A_3 {offsets = [1, 16], sizes = [1, 104], strides = [1, 1]} : vector<12x144xf32> to vector<1x104xf32>
    %mul3A_1549 = vector.broadcast %exp3A_1540 : f32 to vector<1x104xf32>
    %mul3A_1550 = arith.mulf %mul3A_1549, %slice3A_1548 : vector<1x104xf32>
    %add3A_1551 = arith.addf %add3A_1530, %mul3A_1550 : vector<1x104xf32>
    %slice3A_1552 = vector.extract_strided_slice %reduce_sum3A_9 {offsets = [1, 16], sizes = [1, 104], strides = [1, 1]} : vector<12x144xf32> to vector<1x104xf32>
    %mul3A_1553 = vector.broadcast %exp3A_1540 : f32 to vector<1x104xf32>
    %mul3A_1554 = arith.mulf %mul3A_1553, %slice3A_1552 : vector<1x104xf32>
    %add3A_1555 = arith.addf %add3A_1534, %mul3A_1554 : vector<1x104xf32>
    %slice3A_1556 = vector.extract_strided_slice %reduce_sum3A_3 {offsets = [5, 16], sizes = [1, 104], strides = [1, 1]} : vector<12x144xf32> to vector<1x104xf32>
    %mul3A_1557 = vector.broadcast %mul3A_1543 : f32 to vector<1x104xf32>
    %mul3A_1558 = arith.mulf %mul3A_1557, %slice3A_1556 : vector<1x104xf32>
    %add3A_1559 = arith.addf %add3A_1551, %mul3A_1558 : vector<1x104xf32>
    %slice3A_1560 = vector.extract_strided_slice %reduce_sum3A_9 {offsets = [5, 16], sizes = [1, 104], strides = [1, 1]} : vector<12x144xf32> to vector<1x104xf32>
    %mul3A_1561 = vector.broadcast %mul3A_1543 : f32 to vector<1x104xf32>
    %mul3A_1562 = arith.mulf %mul3A_1561, %slice3A_1560 : vector<1x104xf32>
    %add3A_1563 = arith.addf %add3A_1555, %mul3A_1562 : vector<1x104xf32>
    %slice3A_1564 = vector.extract_strided_slice %reduce_sum3A_3 {offsets = [9, 16], sizes = [1, 104], strides = [1, 1]} : vector<12x144xf32> to vector<1x104xf32>
    %mul3A_1565 = vector.broadcast %mul3A_1547 : f32 to vector<1x104xf32>
    %mul3A_1566 = arith.mulf %mul3A_1565, %slice3A_1564 : vector<1x104xf32>
    %add3A_1567 = arith.addf %add3A_1559, %mul3A_1566 : vector<1x104xf32>
    %slice3A_1568 = vector.extract_strided_slice %reduce_sum3A_9 {offsets = [9, 16], sizes = [1, 104], strides = [1, 1]} : vector<12x144xf32> to vector<1x104xf32>
    %mul3A_1569 = vector.broadcast %mul3A_1547 : f32 to vector<1x104xf32>
    %mul3A_1570 = arith.mulf %mul3A_1569, %slice3A_1568 : vector<1x104xf32>
    %add3A_1571 = arith.addf %add3A_1563, %mul3A_1570 : vector<1x104xf32>
    %mul3A_1572 = arith.constant 2.000000e+00 : f32
    %mul3A_1573 = arith.mulf %mul3A_1572, %mul3A_18 : f32
    %mul3A_1574 = arith.mulf %mul3A_1573, %mul3A_1573 : f32
    %mul3A_1575 = arith.constant -5.000000e-01 : f32
    %mul3A_1576 = arith.mulf %mul3A_1575, %mul3A_1574 : f32
    %exp3A_1577 = math.exp %mul3A_1576 : f32
    %neg3A_1578 = arith.constant 0.000000e+00 : f32
    %neg3A_1579 = arith.subf %neg3A_1578, %exp3A_1577 : f32
    %mul3A_1580 = arith.mulf %neg3A_1579, %mul3A_1573 : f32
    %mul3A_1581 = arith.mulf %mul3A_1573, %mul3A_1573 : f32
    %sub3A_1582 = arith.constant 1.000000e+00 : f32
    %sub3A_1583 = arith.subf %mul3A_1581, %sub3A_1582 : f32
    %mul3A_1584 = arith.mulf %exp3A_1577, %sub3A_1583 : f32
    %slice3A_1585 = vector.extract_strided_slice %reduce_sum3A_3 {offsets = [2, 16], sizes = [1, 104], strides = [1, 1]} : vector<12x144xf32> to vector<1x104xf32>
    %mul3A_1586 = vector.broadcast %exp3A_1577 : f32 to vector<1x104xf32>
    %mul3A_1587 = arith.mulf %mul3A_1586, %slice3A_1585 : vector<1x104xf32>
    %add3A_1588 = arith.addf %add3A_1567, %mul3A_1587 : vector<1x104xf32>
    %slice3A_1589 = vector.extract_strided_slice %reduce_sum3A_9 {offsets = [2, 16], sizes = [1, 104], strides = [1, 1]} : vector<12x144xf32> to vector<1x104xf32>
    %mul3A_1590 = vector.broadcast %exp3A_1577 : f32 to vector<1x104xf32>
    %mul3A_1591 = arith.mulf %mul3A_1590, %slice3A_1589 : vector<1x104xf32>
    %add3A_1592 = arith.addf %add3A_1571, %mul3A_1591 : vector<1x104xf32>
    %slice3A_1593 = vector.extract_strided_slice %reduce_sum3A_3 {offsets = [6, 16], sizes = [1, 104], strides = [1, 1]} : vector<12x144xf32> to vector<1x104xf32>
    %mul3A_1594 = vector.broadcast %mul3A_1580 : f32 to vector<1x104xf32>
    %mul3A_1595 = arith.mulf %mul3A_1594, %slice3A_1593 : vector<1x104xf32>
    %add3A_1596 = arith.addf %add3A_1588, %mul3A_1595 : vector<1x104xf32>
    %slice3A_1597 = vector.extract_strided_slice %reduce_sum3A_9 {offsets = [6, 16], sizes = [1, 104], strides = [1, 1]} : vector<12x144xf32> to vector<1x104xf32>
    %mul3A_1598 = vector.broadcast %mul3A_1580 : f32 to vector<1x104xf32>
    %mul3A_1599 = arith.mulf %mul3A_1598, %slice3A_1597 : vector<1x104xf32>
    %add3A_1600 = arith.addf %add3A_1592, %mul3A_1599 : vector<1x104xf32>
    %slice3A_1601 = vector.extract_strided_slice %reduce_sum3A_3 {offsets = [10, 16], sizes = [1, 104], strides = [1, 1]} : vector<12x144xf32> to vector<1x104xf32>
    %mul3A_1602 = vector.broadcast %mul3A_1584 : f32 to vector<1x104xf32>
    %mul3A_1603 = arith.mulf %mul3A_1602, %slice3A_1601 : vector<1x104xf32>
    %add3A_1604 = arith.addf %add3A_1596, %mul3A_1603 : vector<1x104xf32>
    %slice3A_1605 = vector.extract_strided_slice %reduce_sum3A_9 {offsets = [10, 16], sizes = [1, 104], strides = [1, 1]} : vector<12x144xf32> to vector<1x104xf32>
    %mul3A_1606 = vector.broadcast %mul3A_1584 : f32 to vector<1x104xf32>
    %mul3A_1607 = arith.mulf %mul3A_1606, %slice3A_1605 : vector<1x104xf32>
    %add3A_1608 = arith.addf %add3A_1600, %mul3A_1607 : vector<1x104xf32>
    %mul3A_1609 = arith.constant 3.000000e+00 : f32
    %mul3A_1610 = arith.mulf %mul3A_1609, %mul3A_18 : f32
    %mul3A_1611 = arith.mulf %mul3A_1610, %mul3A_1610 : f32
    %mul3A_1612 = arith.constant -5.000000e-01 : f32
    %mul3A_1613 = arith.mulf %mul3A_1612, %mul3A_1611 : f32
    %exp3A_1614 = math.exp %mul3A_1613 : f32
    %neg3A_1615 = arith.constant 0.000000e+00 : f32
    %neg3A_1616 = arith.subf %neg3A_1615, %exp3A_1614 : f32
    %mul3A_1617 = arith.mulf %neg3A_1616, %mul3A_1610 : f32
    %mul3A_1618 = arith.mulf %mul3A_1610, %mul3A_1610 : f32
    %sub3A_1619 = arith.constant 1.000000e+00 : f32
    %sub3A_1620 = arith.subf %mul3A_1618, %sub3A_1619 : f32
    %mul3A_1621 = arith.mulf %exp3A_1614, %sub3A_1620 : f32
    %slice3A_1622 = vector.extract_strided_slice %reduce_sum3A_3 {offsets = [3, 16], sizes = [1, 104], strides = [1, 1]} : vector<12x144xf32> to vector<1x104xf32>
    %mul3A_1623 = vector.broadcast %exp3A_1614 : f32 to vector<1x104xf32>
    %mul3A_1624 = arith.mulf %mul3A_1623, %slice3A_1622 : vector<1x104xf32>
    %add3A_1625 = arith.addf %add3A_1604, %mul3A_1624 : vector<1x104xf32>
    %slice3A_1626 = vector.extract_strided_slice %reduce_sum3A_9 {offsets = [3, 16], sizes = [1, 104], strides = [1, 1]} : vector<12x144xf32> to vector<1x104xf32>
    %mul3A_1627 = vector.broadcast %exp3A_1614 : f32 to vector<1x104xf32>
    %mul3A_1628 = arith.mulf %mul3A_1627, %slice3A_1626 : vector<1x104xf32>
    %add3A_1629 = arith.addf %add3A_1608, %mul3A_1628 : vector<1x104xf32>
    %slice3A_1630 = vector.extract_strided_slice %reduce_sum3A_3 {offsets = [7, 16], sizes = [1, 104], strides = [1, 1]} : vector<12x144xf32> to vector<1x104xf32>
    %mul3A_1631 = vector.broadcast %mul3A_1617 : f32 to vector<1x104xf32>
    %mul3A_1632 = arith.mulf %mul3A_1631, %slice3A_1630 : vector<1x104xf32>
    %add3A_1633 = arith.addf %add3A_1625, %mul3A_1632 : vector<1x104xf32>
    %slice3A_1634 = vector.extract_strided_slice %reduce_sum3A_9 {offsets = [7, 16], sizes = [1, 104], strides = [1, 1]} : vector<12x144xf32> to vector<1x104xf32>
    %mul3A_1635 = vector.broadcast %mul3A_1617 : f32 to vector<1x104xf32>
    %mul3A_1636 = arith.mulf %mul3A_1635, %slice3A_1634 : vector<1x104xf32>
    %add3A_1637 = arith.addf %add3A_1629, %mul3A_1636 : vector<1x104xf32>
    %slice3A_1638 = vector.extract_strided_slice %reduce_sum3A_3 {offsets = [11, 16], sizes = [1, 104], strides = [1, 1]} : vector<12x144xf32> to vector<1x104xf32>
    %mul3A_1639 = vector.broadcast %mul3A_1621 : f32 to vector<1x104xf32>
    %mul3A_1640 = arith.mulf %mul3A_1639, %slice3A_1638 : vector<1x104xf32>
    %add3A_1641 = arith.addf %add3A_1633, %mul3A_1640 : vector<1x104xf32>
    %slice3A_1642 = vector.extract_strided_slice %reduce_sum3A_9 {offsets = [11, 16], sizes = [1, 104], strides = [1, 1]} : vector<12x144xf32> to vector<1x104xf32>
    %mul3A_1643 = vector.broadcast %mul3A_1621 : f32 to vector<1x104xf32>
    %mul3A_1644 = arith.mulf %mul3A_1643, %slice3A_1642 : vector<1x104xf32>
    %add3A_1645 = arith.addf %add3A_1637, %mul3A_1644 : vector<1x104xf32>
    %mul3A_1646 = arith.constant 4.000000e+00 : f32
    %mul3A_1647 = arith.mulf %mul3A_1646, %mul3A_18 : f32
    %mul3A_1648 = arith.mulf %mul3A_1647, %mul3A_1647 : f32
    %mul3A_1649 = arith.constant -5.000000e-01 : f32
    %mul3A_1650 = arith.mulf %mul3A_1649, %mul3A_1648 : f32
    %exp3A_1651 = math.exp %mul3A_1650 : f32
    %neg3A_1652 = arith.constant 0.000000e+00 : f32
    %neg3A_1653 = arith.subf %neg3A_1652, %exp3A_1651 : f32
    %mul3A_1654 = arith.mulf %neg3A_1653, %mul3A_1647 : f32
    %mul3A_1655 = arith.mulf %mul3A_1647, %mul3A_1647 : f32
    %sub3A_1656 = arith.constant 1.000000e+00 : f32
    %sub3A_1657 = arith.subf %mul3A_1655, %sub3A_1656 : f32
    %mul3A_1658 = arith.mulf %exp3A_1651, %sub3A_1657 : f32
    %slice3A_1659 = vector.extract_strided_slice %reduce_sum3A_3 {offsets = [0, 17], sizes = [1, 104], strides = [1, 1]} : vector<12x144xf32> to vector<1x104xf32>
    %mul3A_1660 = vector.broadcast %exp3A_1651 : f32 to vector<1x104xf32>
    %mul3A_1661 = arith.mulf %mul3A_1660, %slice3A_1659 : vector<1x104xf32>
    %add3A_1662 = arith.addf %add3A_1641, %mul3A_1661 : vector<1x104xf32>
    %slice3A_1663 = vector.extract_strided_slice %reduce_sum3A_9 {offsets = [0, 17], sizes = [1, 104], strides = [1, 1]} : vector<12x144xf32> to vector<1x104xf32>
    %mul3A_1664 = vector.broadcast %exp3A_1651 : f32 to vector<1x104xf32>
    %mul3A_1665 = arith.mulf %mul3A_1664, %slice3A_1663 : vector<1x104xf32>
    %add3A_1666 = arith.addf %add3A_1645, %mul3A_1665 : vector<1x104xf32>
    %slice3A_1667 = vector.extract_strided_slice %reduce_sum3A_3 {offsets = [4, 17], sizes = [1, 104], strides = [1, 1]} : vector<12x144xf32> to vector<1x104xf32>
    %mul3A_1668 = vector.broadcast %mul3A_1654 : f32 to vector<1x104xf32>
    %mul3A_1669 = arith.mulf %mul3A_1668, %slice3A_1667 : vector<1x104xf32>
    %add3A_1670 = arith.addf %add3A_1662, %mul3A_1669 : vector<1x104xf32>
    %slice3A_1671 = vector.extract_strided_slice %reduce_sum3A_9 {offsets = [4, 17], sizes = [1, 104], strides = [1, 1]} : vector<12x144xf32> to vector<1x104xf32>
    %mul3A_1672 = vector.broadcast %mul3A_1654 : f32 to vector<1x104xf32>
    %mul3A_1673 = arith.mulf %mul3A_1672, %slice3A_1671 : vector<1x104xf32>
    %add3A_1674 = arith.addf %add3A_1666, %mul3A_1673 : vector<1x104xf32>
    %slice3A_1675 = vector.extract_strided_slice %reduce_sum3A_3 {offsets = [8, 17], sizes = [1, 104], strides = [1, 1]} : vector<12x144xf32> to vector<1x104xf32>
    %mul3A_1676 = vector.broadcast %mul3A_1658 : f32 to vector<1x104xf32>
    %mul3A_1677 = arith.mulf %mul3A_1676, %slice3A_1675 : vector<1x104xf32>
    %add3A_1678 = arith.addf %add3A_1670, %mul3A_1677 : vector<1x104xf32>
    %slice3A_1679 = vector.extract_strided_slice %reduce_sum3A_9 {offsets = [8, 17], sizes = [1, 104], strides = [1, 1]} : vector<12x144xf32> to vector<1x104xf32>
    %mul3A_1680 = vector.broadcast %mul3A_1658 : f32 to vector<1x104xf32>
    %mul3A_1681 = arith.mulf %mul3A_1680, %slice3A_1679 : vector<1x104xf32>
    %add3A_1682 = arith.addf %add3A_1674, %mul3A_1681 : vector<1x104xf32>
    %mul3A_1683 = arith.constant 5.000000e+00 : f32
    %mul3A_1684 = arith.mulf %mul3A_1683, %mul3A_18 : f32
    %mul3A_1685 = arith.mulf %mul3A_1684, %mul3A_1684 : f32
    %mul3A_1686 = arith.constant -5.000000e-01 : f32
    %mul3A_1687 = arith.mulf %mul3A_1686, %mul3A_1685 : f32
    %exp3A_1688 = math.exp %mul3A_1687 : f32
    %neg3A_1689 = arith.constant 0.000000e+00 : f32
    %neg3A_1690 = arith.subf %neg3A_1689, %exp3A_1688 : f32
    %mul3A_1691 = arith.mulf %neg3A_1690, %mul3A_1684 : f32
    %mul3A_1692 = arith.mulf %mul3A_1684, %mul3A_1684 : f32
    %sub3A_1693 = arith.constant 1.000000e+00 : f32
    %sub3A_1694 = arith.subf %mul3A_1692, %sub3A_1693 : f32
    %mul3A_1695 = arith.mulf %exp3A_1688, %sub3A_1694 : f32
    %slice3A_1696 = vector.extract_strided_slice %reduce_sum3A_3 {offsets = [1, 17], sizes = [1, 104], strides = [1, 1]} : vector<12x144xf32> to vector<1x104xf32>
    %mul3A_1697 = vector.broadcast %exp3A_1688 : f32 to vector<1x104xf32>
    %mul3A_1698 = arith.mulf %mul3A_1697, %slice3A_1696 : vector<1x104xf32>
    %add3A_1699 = arith.addf %add3A_1678, %mul3A_1698 : vector<1x104xf32>
    %slice3A_1700 = vector.extract_strided_slice %reduce_sum3A_9 {offsets = [1, 17], sizes = [1, 104], strides = [1, 1]} : vector<12x144xf32> to vector<1x104xf32>
    %mul3A_1701 = vector.broadcast %exp3A_1688 : f32 to vector<1x104xf32>
    %mul3A_1702 = arith.mulf %mul3A_1701, %slice3A_1700 : vector<1x104xf32>
    %add3A_1703 = arith.addf %add3A_1682, %mul3A_1702 : vector<1x104xf32>
    %slice3A_1704 = vector.extract_strided_slice %reduce_sum3A_3 {offsets = [5, 17], sizes = [1, 104], strides = [1, 1]} : vector<12x144xf32> to vector<1x104xf32>
    %mul3A_1705 = vector.broadcast %mul3A_1691 : f32 to vector<1x104xf32>
    %mul3A_1706 = arith.mulf %mul3A_1705, %slice3A_1704 : vector<1x104xf32>
    %add3A_1707 = arith.addf %add3A_1699, %mul3A_1706 : vector<1x104xf32>
    %slice3A_1708 = vector.extract_strided_slice %reduce_sum3A_9 {offsets = [5, 17], sizes = [1, 104], strides = [1, 1]} : vector<12x144xf32> to vector<1x104xf32>
    %mul3A_1709 = vector.broadcast %mul3A_1691 : f32 to vector<1x104xf32>
    %mul3A_1710 = arith.mulf %mul3A_1709, %slice3A_1708 : vector<1x104xf32>
    %add3A_1711 = arith.addf %add3A_1703, %mul3A_1710 : vector<1x104xf32>
    %slice3A_1712 = vector.extract_strided_slice %reduce_sum3A_3 {offsets = [9, 17], sizes = [1, 104], strides = [1, 1]} : vector<12x144xf32> to vector<1x104xf32>
    %mul3A_1713 = vector.broadcast %mul3A_1695 : f32 to vector<1x104xf32>
    %mul3A_1714 = arith.mulf %mul3A_1713, %slice3A_1712 : vector<1x104xf32>
    %add3A_1715 = arith.addf %add3A_1707, %mul3A_1714 : vector<1x104xf32>
    %slice3A_1716 = vector.extract_strided_slice %reduce_sum3A_9 {offsets = [9, 17], sizes = [1, 104], strides = [1, 1]} : vector<12x144xf32> to vector<1x104xf32>
    %mul3A_1717 = vector.broadcast %mul3A_1695 : f32 to vector<1x104xf32>
    %mul3A_1718 = arith.mulf %mul3A_1717, %slice3A_1716 : vector<1x104xf32>
    %add3A_1719 = arith.addf %add3A_1711, %mul3A_1718 : vector<1x104xf32>
    %mul3A_1720 = arith.constant 6.000000e+00 : f32
    %mul3A_1721 = arith.mulf %mul3A_1720, %mul3A_18 : f32
    %mul3A_1722 = arith.mulf %mul3A_1721, %mul3A_1721 : f32
    %mul3A_1723 = arith.constant -5.000000e-01 : f32
    %mul3A_1724 = arith.mulf %mul3A_1723, %mul3A_1722 : f32
    %exp3A_1725 = math.exp %mul3A_1724 : f32
    %neg3A_1726 = arith.constant 0.000000e+00 : f32
    %neg3A_1727 = arith.subf %neg3A_1726, %exp3A_1725 : f32
    %mul3A_1728 = arith.mulf %neg3A_1727, %mul3A_1721 : f32
    %mul3A_1729 = arith.mulf %mul3A_1721, %mul3A_1721 : f32
    %sub3A_1730 = arith.constant 1.000000e+00 : f32
    %sub3A_1731 = arith.subf %mul3A_1729, %sub3A_1730 : f32
    %mul3A_1732 = arith.mulf %exp3A_1725, %sub3A_1731 : f32
    %slice3A_1733 = vector.extract_strided_slice %reduce_sum3A_3 {offsets = [2, 17], sizes = [1, 104], strides = [1, 1]} : vector<12x144xf32> to vector<1x104xf32>
    %mul3A_1734 = vector.broadcast %exp3A_1725 : f32 to vector<1x104xf32>
    %mul3A_1735 = arith.mulf %mul3A_1734, %slice3A_1733 : vector<1x104xf32>
    %add3A_1736 = arith.addf %add3A_1715, %mul3A_1735 : vector<1x104xf32>
    %slice3A_1737 = vector.extract_strided_slice %reduce_sum3A_9 {offsets = [2, 17], sizes = [1, 104], strides = [1, 1]} : vector<12x144xf32> to vector<1x104xf32>
    %mul3A_1738 = vector.broadcast %exp3A_1725 : f32 to vector<1x104xf32>
    %mul3A_1739 = arith.mulf %mul3A_1738, %slice3A_1737 : vector<1x104xf32>
    %add3A_1740 = arith.addf %add3A_1719, %mul3A_1739 : vector<1x104xf32>
    %slice3A_1741 = vector.extract_strided_slice %reduce_sum3A_3 {offsets = [6, 17], sizes = [1, 104], strides = [1, 1]} : vector<12x144xf32> to vector<1x104xf32>
    %mul3A_1742 = vector.broadcast %mul3A_1728 : f32 to vector<1x104xf32>
    %mul3A_1743 = arith.mulf %mul3A_1742, %slice3A_1741 : vector<1x104xf32>
    %add3A_1744 = arith.addf %add3A_1736, %mul3A_1743 : vector<1x104xf32>
    %slice3A_1745 = vector.extract_strided_slice %reduce_sum3A_9 {offsets = [6, 17], sizes = [1, 104], strides = [1, 1]} : vector<12x144xf32> to vector<1x104xf32>
    %mul3A_1746 = vector.broadcast %mul3A_1728 : f32 to vector<1x104xf32>
    %mul3A_1747 = arith.mulf %mul3A_1746, %slice3A_1745 : vector<1x104xf32>
    %add3A_1748 = arith.addf %add3A_1740, %mul3A_1747 : vector<1x104xf32>
    %slice3A_1749 = vector.extract_strided_slice %reduce_sum3A_3 {offsets = [10, 17], sizes = [1, 104], strides = [1, 1]} : vector<12x144xf32> to vector<1x104xf32>
    %mul3A_1750 = vector.broadcast %mul3A_1732 : f32 to vector<1x104xf32>
    %mul3A_1751 = arith.mulf %mul3A_1750, %slice3A_1749 : vector<1x104xf32>
    %add3A_1752 = arith.addf %add3A_1744, %mul3A_1751 : vector<1x104xf32>
    %slice3A_1753 = vector.extract_strided_slice %reduce_sum3A_9 {offsets = [10, 17], sizes = [1, 104], strides = [1, 1]} : vector<12x144xf32> to vector<1x104xf32>
    %mul3A_1754 = vector.broadcast %mul3A_1732 : f32 to vector<1x104xf32>
    %mul3A_1755 = arith.mulf %mul3A_1754, %slice3A_1753 : vector<1x104xf32>
    %add3A_1756 = arith.addf %add3A_1748, %mul3A_1755 : vector<1x104xf32>
    %mul3A_1757 = arith.constant 7.000000e+00 : f32
    %mul3A_1758 = arith.mulf %mul3A_1757, %mul3A_18 : f32
    %mul3A_1759 = arith.mulf %mul3A_1758, %mul3A_1758 : f32
    %mul3A_1760 = arith.constant -5.000000e-01 : f32
    %mul3A_1761 = arith.mulf %mul3A_1760, %mul3A_1759 : f32
    %exp3A_1762 = math.exp %mul3A_1761 : f32
    %neg3A_1763 = arith.constant 0.000000e+00 : f32
    %neg3A_1764 = arith.subf %neg3A_1763, %exp3A_1762 : f32
    %mul3A_1765 = arith.mulf %neg3A_1764, %mul3A_1758 : f32
    %mul3A_1766 = arith.mulf %mul3A_1758, %mul3A_1758 : f32
    %sub3A_1767 = arith.constant 1.000000e+00 : f32
    %sub3A_1768 = arith.subf %mul3A_1766, %sub3A_1767 : f32
    %mul3A_1769 = arith.mulf %exp3A_1762, %sub3A_1768 : f32
    %slice3A_1770 = vector.extract_strided_slice %reduce_sum3A_3 {offsets = [3, 17], sizes = [1, 104], strides = [1, 1]} : vector<12x144xf32> to vector<1x104xf32>
    %mul3A_1771 = vector.broadcast %exp3A_1762 : f32 to vector<1x104xf32>
    %mul3A_1772 = arith.mulf %mul3A_1771, %slice3A_1770 : vector<1x104xf32>
    %add3A_1773 = arith.addf %add3A_1752, %mul3A_1772 : vector<1x104xf32>
    %slice3A_1774 = vector.extract_strided_slice %reduce_sum3A_9 {offsets = [3, 17], sizes = [1, 104], strides = [1, 1]} : vector<12x144xf32> to vector<1x104xf32>
    %mul3A_1775 = vector.broadcast %exp3A_1762 : f32 to vector<1x104xf32>
    %mul3A_1776 = arith.mulf %mul3A_1775, %slice3A_1774 : vector<1x104xf32>
    %add3A_1777 = arith.addf %add3A_1756, %mul3A_1776 : vector<1x104xf32>
    %slice3A_1778 = vector.extract_strided_slice %reduce_sum3A_3 {offsets = [7, 17], sizes = [1, 104], strides = [1, 1]} : vector<12x144xf32> to vector<1x104xf32>
    %mul3A_1779 = vector.broadcast %mul3A_1765 : f32 to vector<1x104xf32>
    %mul3A_1780 = arith.mulf %mul3A_1779, %slice3A_1778 : vector<1x104xf32>
    %add3A_1781 = arith.addf %add3A_1773, %mul3A_1780 : vector<1x104xf32>
    %slice3A_1782 = vector.extract_strided_slice %reduce_sum3A_9 {offsets = [7, 17], sizes = [1, 104], strides = [1, 1]} : vector<12x144xf32> to vector<1x104xf32>
    %mul3A_1783 = vector.broadcast %mul3A_1765 : f32 to vector<1x104xf32>
    %mul3A_1784 = arith.mulf %mul3A_1783, %slice3A_1782 : vector<1x104xf32>
    %add3A_1785 = arith.addf %add3A_1777, %mul3A_1784 : vector<1x104xf32>
    %slice3A_1786 = vector.extract_strided_slice %reduce_sum3A_3 {offsets = [11, 17], sizes = [1, 104], strides = [1, 1]} : vector<12x144xf32> to vector<1x104xf32>
    %mul3A_1787 = vector.broadcast %mul3A_1769 : f32 to vector<1x104xf32>
    %mul3A_1788 = arith.mulf %mul3A_1787, %slice3A_1786 : vector<1x104xf32>
    %add3A_1789 = arith.addf %add3A_1781, %mul3A_1788 : vector<1x104xf32>
    %slice3A_1790 = vector.extract_strided_slice %reduce_sum3A_9 {offsets = [11, 17], sizes = [1, 104], strides = [1, 1]} : vector<12x144xf32> to vector<1x104xf32>
    %mul3A_1791 = vector.broadcast %mul3A_1769 : f32 to vector<1x104xf32>
    %mul3A_1792 = arith.mulf %mul3A_1791, %slice3A_1790 : vector<1x104xf32>
    %add3A_1793 = arith.addf %add3A_1785, %mul3A_1792 : vector<1x104xf32>
    %mul3A_1794 = arith.constant 8.000000e+00 : f32
    %mul3A_1795 = arith.mulf %mul3A_1794, %mul3A_18 : f32
    %mul3A_1796 = arith.mulf %mul3A_1795, %mul3A_1795 : f32
    %mul3A_1797 = arith.constant -5.000000e-01 : f32
    %mul3A_1798 = arith.mulf %mul3A_1797, %mul3A_1796 : f32
    %exp3A_1799 = math.exp %mul3A_1798 : f32
    %neg3A_1800 = arith.constant 0.000000e+00 : f32
    %neg3A_1801 = arith.subf %neg3A_1800, %exp3A_1799 : f32
    %mul3A_1802 = arith.mulf %neg3A_1801, %mul3A_1795 : f32
    %mul3A_1803 = arith.mulf %mul3A_1795, %mul3A_1795 : f32
    %sub3A_1804 = arith.constant 1.000000e+00 : f32
    %sub3A_1805 = arith.subf %mul3A_1803, %sub3A_1804 : f32
    %mul3A_1806 = arith.mulf %exp3A_1799, %sub3A_1805 : f32
    %slice3A_1807 = vector.extract_strided_slice %reduce_sum3A_3 {offsets = [0, 18], sizes = [1, 104], strides = [1, 1]} : vector<12x144xf32> to vector<1x104xf32>
    %mul3A_1808 = vector.broadcast %exp3A_1799 : f32 to vector<1x104xf32>
    %mul3A_1809 = arith.mulf %mul3A_1808, %slice3A_1807 : vector<1x104xf32>
    %add3A_1810 = arith.addf %add3A_1789, %mul3A_1809 : vector<1x104xf32>
    %slice3A_1811 = vector.extract_strided_slice %reduce_sum3A_9 {offsets = [0, 18], sizes = [1, 104], strides = [1, 1]} : vector<12x144xf32> to vector<1x104xf32>
    %mul3A_1812 = vector.broadcast %exp3A_1799 : f32 to vector<1x104xf32>
    %mul3A_1813 = arith.mulf %mul3A_1812, %slice3A_1811 : vector<1x104xf32>
    %add3A_1814 = arith.addf %add3A_1793, %mul3A_1813 : vector<1x104xf32>
    %slice3A_1815 = vector.extract_strided_slice %reduce_sum3A_3 {offsets = [4, 18], sizes = [1, 104], strides = [1, 1]} : vector<12x144xf32> to vector<1x104xf32>
    %mul3A_1816 = vector.broadcast %mul3A_1802 : f32 to vector<1x104xf32>
    %mul3A_1817 = arith.mulf %mul3A_1816, %slice3A_1815 : vector<1x104xf32>
    %add3A_1818 = arith.addf %add3A_1810, %mul3A_1817 : vector<1x104xf32>
    %slice3A_1819 = vector.extract_strided_slice %reduce_sum3A_9 {offsets = [4, 18], sizes = [1, 104], strides = [1, 1]} : vector<12x144xf32> to vector<1x104xf32>
    %mul3A_1820 = vector.broadcast %mul3A_1802 : f32 to vector<1x104xf32>
    %mul3A_1821 = arith.mulf %mul3A_1820, %slice3A_1819 : vector<1x104xf32>
    %add3A_1822 = arith.addf %add3A_1814, %mul3A_1821 : vector<1x104xf32>
    %slice3A_1823 = vector.extract_strided_slice %reduce_sum3A_3 {offsets = [8, 18], sizes = [1, 104], strides = [1, 1]} : vector<12x144xf32> to vector<1x104xf32>
    %mul3A_1824 = vector.broadcast %mul3A_1806 : f32 to vector<1x104xf32>
    %mul3A_1825 = arith.mulf %mul3A_1824, %slice3A_1823 : vector<1x104xf32>
    %add3A_1826 = arith.addf %add3A_1818, %mul3A_1825 : vector<1x104xf32>
    %slice3A_1827 = vector.extract_strided_slice %reduce_sum3A_9 {offsets = [8, 18], sizes = [1, 104], strides = [1, 1]} : vector<12x144xf32> to vector<1x104xf32>
    %mul3A_1828 = vector.broadcast %mul3A_1806 : f32 to vector<1x104xf32>
    %mul3A_1829 = arith.mulf %mul3A_1828, %slice3A_1827 : vector<1x104xf32>
    %add3A_1830 = arith.addf %add3A_1822, %mul3A_1829 : vector<1x104xf32>
    %mul3A_1831 = arith.constant 9.000000e+00 : f32
    %mul3A_1832 = arith.mulf %mul3A_1831, %mul3A_18 : f32
    %mul3A_1833 = arith.mulf %mul3A_1832, %mul3A_1832 : f32
    %mul3A_1834 = arith.constant -5.000000e-01 : f32
    %mul3A_1835 = arith.mulf %mul3A_1834, %mul3A_1833 : f32
    %exp3A_1836 = math.exp %mul3A_1835 : f32
    %neg3A_1837 = arith.constant 0.000000e+00 : f32
    %neg3A_1838 = arith.subf %neg3A_1837, %exp3A_1836 : f32
    %mul3A_1839 = arith.mulf %neg3A_1838, %mul3A_1832 : f32
    %mul3A_1840 = arith.mulf %mul3A_1832, %mul3A_1832 : f32
    %sub3A_1841 = arith.constant 1.000000e+00 : f32
    %sub3A_1842 = arith.subf %mul3A_1840, %sub3A_1841 : f32
    %mul3A_1843 = arith.mulf %exp3A_1836, %sub3A_1842 : f32
    %slice3A_1844 = vector.extract_strided_slice %reduce_sum3A_3 {offsets = [1, 18], sizes = [1, 104], strides = [1, 1]} : vector<12x144xf32> to vector<1x104xf32>
    %mul3A_1845 = vector.broadcast %exp3A_1836 : f32 to vector<1x104xf32>
    %mul3A_1846 = arith.mulf %mul3A_1845, %slice3A_1844 : vector<1x104xf32>
    %add3A_1847 = arith.addf %add3A_1826, %mul3A_1846 : vector<1x104xf32>
    %slice3A_1848 = vector.extract_strided_slice %reduce_sum3A_9 {offsets = [1, 18], sizes = [1, 104], strides = [1, 1]} : vector<12x144xf32> to vector<1x104xf32>
    %mul3A_1849 = vector.broadcast %exp3A_1836 : f32 to vector<1x104xf32>
    %mul3A_1850 = arith.mulf %mul3A_1849, %slice3A_1848 : vector<1x104xf32>
    %add3A_1851 = arith.addf %add3A_1830, %mul3A_1850 : vector<1x104xf32>
    %slice3A_1852 = vector.extract_strided_slice %reduce_sum3A_3 {offsets = [5, 18], sizes = [1, 104], strides = [1, 1]} : vector<12x144xf32> to vector<1x104xf32>
    %mul3A_1853 = vector.broadcast %mul3A_1839 : f32 to vector<1x104xf32>
    %mul3A_1854 = arith.mulf %mul3A_1853, %slice3A_1852 : vector<1x104xf32>
    %add3A_1855 = arith.addf %add3A_1847, %mul3A_1854 : vector<1x104xf32>
    %slice3A_1856 = vector.extract_strided_slice %reduce_sum3A_9 {offsets = [5, 18], sizes = [1, 104], strides = [1, 1]} : vector<12x144xf32> to vector<1x104xf32>
    %mul3A_1857 = vector.broadcast %mul3A_1839 : f32 to vector<1x104xf32>
    %mul3A_1858 = arith.mulf %mul3A_1857, %slice3A_1856 : vector<1x104xf32>
    %add3A_1859 = arith.addf %add3A_1851, %mul3A_1858 : vector<1x104xf32>
    %slice3A_1860 = vector.extract_strided_slice %reduce_sum3A_3 {offsets = [9, 18], sizes = [1, 104], strides = [1, 1]} : vector<12x144xf32> to vector<1x104xf32>
    %mul3A_1861 = vector.broadcast %mul3A_1843 : f32 to vector<1x104xf32>
    %mul3A_1862 = arith.mulf %mul3A_1861, %slice3A_1860 : vector<1x104xf32>
    %add3A_1863 = arith.addf %add3A_1855, %mul3A_1862 : vector<1x104xf32>
    %slice3A_1864 = vector.extract_strided_slice %reduce_sum3A_9 {offsets = [9, 18], sizes = [1, 104], strides = [1, 1]} : vector<12x144xf32> to vector<1x104xf32>
    %mul3A_1865 = vector.broadcast %mul3A_1843 : f32 to vector<1x104xf32>
    %mul3A_1866 = arith.mulf %mul3A_1865, %slice3A_1864 : vector<1x104xf32>
    %add3A_1867 = arith.addf %add3A_1859, %mul3A_1866 : vector<1x104xf32>
    %mul3A_1868 = arith.constant 1.000000e+01 : f32
    %mul3A_1869 = arith.mulf %mul3A_1868, %mul3A_18 : f32
    %mul3A_1870 = arith.mulf %mul3A_1869, %mul3A_1869 : f32
    %mul3A_1871 = arith.constant -5.000000e-01 : f32
    %mul3A_1872 = arith.mulf %mul3A_1871, %mul3A_1870 : f32
    %exp3A_1873 = math.exp %mul3A_1872 : f32
    %neg3A_1874 = arith.constant 0.000000e+00 : f32
    %neg3A_1875 = arith.subf %neg3A_1874, %exp3A_1873 : f32
    %mul3A_1876 = arith.mulf %neg3A_1875, %mul3A_1869 : f32
    %mul3A_1877 = arith.mulf %mul3A_1869, %mul3A_1869 : f32
    %sub3A_1878 = arith.constant 1.000000e+00 : f32
    %sub3A_1879 = arith.subf %mul3A_1877, %sub3A_1878 : f32
    %mul3A_1880 = arith.mulf %exp3A_1873, %sub3A_1879 : f32
    %slice3A_1881 = vector.extract_strided_slice %reduce_sum3A_3 {offsets = [2, 18], sizes = [1, 104], strides = [1, 1]} : vector<12x144xf32> to vector<1x104xf32>
    %mul3A_1882 = vector.broadcast %exp3A_1873 : f32 to vector<1x104xf32>
    %mul3A_1883 = arith.mulf %mul3A_1882, %slice3A_1881 : vector<1x104xf32>
    %add3A_1884 = arith.addf %add3A_1863, %mul3A_1883 : vector<1x104xf32>
    %slice3A_1885 = vector.extract_strided_slice %reduce_sum3A_9 {offsets = [2, 18], sizes = [1, 104], strides = [1, 1]} : vector<12x144xf32> to vector<1x104xf32>
    %mul3A_1886 = vector.broadcast %exp3A_1873 : f32 to vector<1x104xf32>
    %mul3A_1887 = arith.mulf %mul3A_1886, %slice3A_1885 : vector<1x104xf32>
    %add3A_1888 = arith.addf %add3A_1867, %mul3A_1887 : vector<1x104xf32>
    %slice3A_1889 = vector.extract_strided_slice %reduce_sum3A_3 {offsets = [6, 18], sizes = [1, 104], strides = [1, 1]} : vector<12x144xf32> to vector<1x104xf32>
    %mul3A_1890 = vector.broadcast %mul3A_1876 : f32 to vector<1x104xf32>
    %mul3A_1891 = arith.mulf %mul3A_1890, %slice3A_1889 : vector<1x104xf32>
    %add3A_1892 = arith.addf %add3A_1884, %mul3A_1891 : vector<1x104xf32>
    %slice3A_1893 = vector.extract_strided_slice %reduce_sum3A_9 {offsets = [6, 18], sizes = [1, 104], strides = [1, 1]} : vector<12x144xf32> to vector<1x104xf32>
    %mul3A_1894 = vector.broadcast %mul3A_1876 : f32 to vector<1x104xf32>
    %mul3A_1895 = arith.mulf %mul3A_1894, %slice3A_1893 : vector<1x104xf32>
    %add3A_1896 = arith.addf %add3A_1888, %mul3A_1895 : vector<1x104xf32>
    %slice3A_1897 = vector.extract_strided_slice %reduce_sum3A_3 {offsets = [10, 18], sizes = [1, 104], strides = [1, 1]} : vector<12x144xf32> to vector<1x104xf32>
    %mul3A_1898 = vector.broadcast %mul3A_1880 : f32 to vector<1x104xf32>
    %mul3A_1899 = arith.mulf %mul3A_1898, %slice3A_1897 : vector<1x104xf32>
    %add3A_1900 = arith.addf %add3A_1892, %mul3A_1899 : vector<1x104xf32>
    %slice3A_1901 = vector.extract_strided_slice %reduce_sum3A_9 {offsets = [10, 18], sizes = [1, 104], strides = [1, 1]} : vector<12x144xf32> to vector<1x104xf32>
    %mul3A_1902 = vector.broadcast %mul3A_1880 : f32 to vector<1x104xf32>
    %mul3A_1903 = arith.mulf %mul3A_1902, %slice3A_1901 : vector<1x104xf32>
    %add3A_1904 = arith.addf %add3A_1896, %mul3A_1903 : vector<1x104xf32>
    %mul3A_1905 = arith.constant 1.100000e+01 : f32
    %mul3A_1906 = arith.mulf %mul3A_1905, %mul3A_18 : f32
    %mul3A_1907 = arith.mulf %mul3A_1906, %mul3A_1906 : f32
    %mul3A_1908 = arith.constant -5.000000e-01 : f32
    %mul3A_1909 = arith.mulf %mul3A_1908, %mul3A_1907 : f32
    %exp3A_1910 = math.exp %mul3A_1909 : f32
    %neg3A_1911 = arith.constant 0.000000e+00 : f32
    %neg3A_1912 = arith.subf %neg3A_1911, %exp3A_1910 : f32
    %mul3A_1913 = arith.mulf %neg3A_1912, %mul3A_1906 : f32
    %mul3A_1914 = arith.mulf %mul3A_1906, %mul3A_1906 : f32
    %sub3A_1915 = arith.constant 1.000000e+00 : f32
    %sub3A_1916 = arith.subf %mul3A_1914, %sub3A_1915 : f32
    %mul3A_1917 = arith.mulf %exp3A_1910, %sub3A_1916 : f32
    %slice3A_1918 = vector.extract_strided_slice %reduce_sum3A_3 {offsets = [3, 18], sizes = [1, 104], strides = [1, 1]} : vector<12x144xf32> to vector<1x104xf32>
    %mul3A_1919 = vector.broadcast %exp3A_1910 : f32 to vector<1x104xf32>
    %mul3A_1920 = arith.mulf %mul3A_1919, %slice3A_1918 : vector<1x104xf32>
    %add3A_1921 = arith.addf %add3A_1900, %mul3A_1920 : vector<1x104xf32>
    %slice3A_1922 = vector.extract_strided_slice %reduce_sum3A_9 {offsets = [3, 18], sizes = [1, 104], strides = [1, 1]} : vector<12x144xf32> to vector<1x104xf32>
    %mul3A_1923 = vector.broadcast %exp3A_1910 : f32 to vector<1x104xf32>
    %mul3A_1924 = arith.mulf %mul3A_1923, %slice3A_1922 : vector<1x104xf32>
    %add3A_1925 = arith.addf %add3A_1904, %mul3A_1924 : vector<1x104xf32>
    %slice3A_1926 = vector.extract_strided_slice %reduce_sum3A_3 {offsets = [7, 18], sizes = [1, 104], strides = [1, 1]} : vector<12x144xf32> to vector<1x104xf32>
    %mul3A_1927 = vector.broadcast %mul3A_1913 : f32 to vector<1x104xf32>
    %mul3A_1928 = arith.mulf %mul3A_1927, %slice3A_1926 : vector<1x104xf32>
    %add3A_1929 = arith.addf %add3A_1921, %mul3A_1928 : vector<1x104xf32>
    %slice3A_1930 = vector.extract_strided_slice %reduce_sum3A_9 {offsets = [7, 18], sizes = [1, 104], strides = [1, 1]} : vector<12x144xf32> to vector<1x104xf32>
    %mul3A_1931 = vector.broadcast %mul3A_1913 : f32 to vector<1x104xf32>
    %mul3A_1932 = arith.mulf %mul3A_1931, %slice3A_1930 : vector<1x104xf32>
    %add3A_1933 = arith.addf %add3A_1925, %mul3A_1932 : vector<1x104xf32>
    %slice3A_1934 = vector.extract_strided_slice %reduce_sum3A_3 {offsets = [11, 18], sizes = [1, 104], strides = [1, 1]} : vector<12x144xf32> to vector<1x104xf32>
    %mul3A_1935 = vector.broadcast %mul3A_1917 : f32 to vector<1x104xf32>
    %mul3A_1936 = arith.mulf %mul3A_1935, %slice3A_1934 : vector<1x104xf32>
    %add3A_1937 = arith.addf %add3A_1929, %mul3A_1936 : vector<1x104xf32>
    %slice3A_1938 = vector.extract_strided_slice %reduce_sum3A_9 {offsets = [11, 18], sizes = [1, 104], strides = [1, 1]} : vector<12x144xf32> to vector<1x104xf32>
    %mul3A_1939 = vector.broadcast %mul3A_1917 : f32 to vector<1x104xf32>
    %mul3A_1940 = arith.mulf %mul3A_1939, %slice3A_1938 : vector<1x104xf32>
    %add3A_1941 = arith.addf %add3A_1933, %mul3A_1940 : vector<1x104xf32>
    %mul3A_1942 = arith.constant 1.200000e+01 : f32
    %mul3A_1943 = arith.mulf %mul3A_1942, %mul3A_18 : f32
    %mul3A_1944 = arith.mulf %mul3A_1943, %mul3A_1943 : f32
    %mul3A_1945 = arith.constant -5.000000e-01 : f32
    %mul3A_1946 = arith.mulf %mul3A_1945, %mul3A_1944 : f32
    %exp3A_1947 = math.exp %mul3A_1946 : f32
    %neg3A_1948 = arith.constant 0.000000e+00 : f32
    %neg3A_1949 = arith.subf %neg3A_1948, %exp3A_1947 : f32
    %mul3A_1950 = arith.mulf %neg3A_1949, %mul3A_1943 : f32
    %mul3A_1951 = arith.mulf %mul3A_1943, %mul3A_1943 : f32
    %sub3A_1952 = arith.constant 1.000000e+00 : f32
    %sub3A_1953 = arith.subf %mul3A_1951, %sub3A_1952 : f32
    %mul3A_1954 = arith.mulf %exp3A_1947, %sub3A_1953 : f32
    %slice3A_1955 = vector.extract_strided_slice %reduce_sum3A_3 {offsets = [0, 19], sizes = [1, 104], strides = [1, 1]} : vector<12x144xf32> to vector<1x104xf32>
    %mul3A_1956 = vector.broadcast %exp3A_1947 : f32 to vector<1x104xf32>
    %mul3A_1957 = arith.mulf %mul3A_1956, %slice3A_1955 : vector<1x104xf32>
    %add3A_1958 = arith.addf %add3A_1937, %mul3A_1957 : vector<1x104xf32>
    %slice3A_1959 = vector.extract_strided_slice %reduce_sum3A_9 {offsets = [0, 19], sizes = [1, 104], strides = [1, 1]} : vector<12x144xf32> to vector<1x104xf32>
    %mul3A_1960 = vector.broadcast %exp3A_1947 : f32 to vector<1x104xf32>
    %mul3A_1961 = arith.mulf %mul3A_1960, %slice3A_1959 : vector<1x104xf32>
    %add3A_1962 = arith.addf %add3A_1941, %mul3A_1961 : vector<1x104xf32>
    %slice3A_1963 = vector.extract_strided_slice %reduce_sum3A_3 {offsets = [4, 19], sizes = [1, 104], strides = [1, 1]} : vector<12x144xf32> to vector<1x104xf32>
    %mul3A_1964 = vector.broadcast %mul3A_1950 : f32 to vector<1x104xf32>
    %mul3A_1965 = arith.mulf %mul3A_1964, %slice3A_1963 : vector<1x104xf32>
    %add3A_1966 = arith.addf %add3A_1958, %mul3A_1965 : vector<1x104xf32>
    %slice3A_1967 = vector.extract_strided_slice %reduce_sum3A_9 {offsets = [4, 19], sizes = [1, 104], strides = [1, 1]} : vector<12x144xf32> to vector<1x104xf32>
    %mul3A_1968 = vector.broadcast %mul3A_1950 : f32 to vector<1x104xf32>
    %mul3A_1969 = arith.mulf %mul3A_1968, %slice3A_1967 : vector<1x104xf32>
    %add3A_1970 = arith.addf %add3A_1962, %mul3A_1969 : vector<1x104xf32>
    %slice3A_1971 = vector.extract_strided_slice %reduce_sum3A_3 {offsets = [8, 19], sizes = [1, 104], strides = [1, 1]} : vector<12x144xf32> to vector<1x104xf32>
    %mul3A_1972 = vector.broadcast %mul3A_1954 : f32 to vector<1x104xf32>
    %mul3A_1973 = arith.mulf %mul3A_1972, %slice3A_1971 : vector<1x104xf32>
    %add3A_1974 = arith.addf %add3A_1966, %mul3A_1973 : vector<1x104xf32>
    %slice3A_1975 = vector.extract_strided_slice %reduce_sum3A_9 {offsets = [8, 19], sizes = [1, 104], strides = [1, 1]} : vector<12x144xf32> to vector<1x104xf32>
    %mul3A_1976 = vector.broadcast %mul3A_1954 : f32 to vector<1x104xf32>
    %mul3A_1977 = arith.mulf %mul3A_1976, %slice3A_1975 : vector<1x104xf32>
    %add3A_1978 = arith.addf %add3A_1970, %mul3A_1977 : vector<1x104xf32>
    %mul3A_1979 = arith.constant 1.300000e+01 : f32
    %mul3A_1980 = arith.mulf %mul3A_1979, %mul3A_18 : f32
    %mul3A_1981 = arith.mulf %mul3A_1980, %mul3A_1980 : f32
    %mul3A_1982 = arith.constant -5.000000e-01 : f32
    %mul3A_1983 = arith.mulf %mul3A_1982, %mul3A_1981 : f32
    %exp3A_1984 = math.exp %mul3A_1983 : f32
    %neg3A_1985 = arith.constant 0.000000e+00 : f32
    %neg3A_1986 = arith.subf %neg3A_1985, %exp3A_1984 : f32
    %mul3A_1987 = arith.mulf %neg3A_1986, %mul3A_1980 : f32
    %mul3A_1988 = arith.mulf %mul3A_1980, %mul3A_1980 : f32
    %sub3A_1989 = arith.constant 1.000000e+00 : f32
    %sub3A_1990 = arith.subf %mul3A_1988, %sub3A_1989 : f32
    %mul3A_1991 = arith.mulf %exp3A_1984, %sub3A_1990 : f32
    %slice3A_1992 = vector.extract_strided_slice %reduce_sum3A_3 {offsets = [1, 19], sizes = [1, 104], strides = [1, 1]} : vector<12x144xf32> to vector<1x104xf32>
    %mul3A_1993 = vector.broadcast %exp3A_1984 : f32 to vector<1x104xf32>
    %mul3A_1994 = arith.mulf %mul3A_1993, %slice3A_1992 : vector<1x104xf32>
    %add3A_1995 = arith.addf %add3A_1974, %mul3A_1994 : vector<1x104xf32>
    %slice3A_1996 = vector.extract_strided_slice %reduce_sum3A_9 {offsets = [1, 19], sizes = [1, 104], strides = [1, 1]} : vector<12x144xf32> to vector<1x104xf32>
    %mul3A_1997 = vector.broadcast %exp3A_1984 : f32 to vector<1x104xf32>
    %mul3A_1998 = arith.mulf %mul3A_1997, %slice3A_1996 : vector<1x104xf32>
    %add3A_1999 = arith.addf %add3A_1978, %mul3A_1998 : vector<1x104xf32>
    %slice3A_2000 = vector.extract_strided_slice %reduce_sum3A_3 {offsets = [5, 19], sizes = [1, 104], strides = [1, 1]} : vector<12x144xf32> to vector<1x104xf32>
    %mul3A_2001 = vector.broadcast %mul3A_1987 : f32 to vector<1x104xf32>
    %mul3A_2002 = arith.mulf %mul3A_2001, %slice3A_2000 : vector<1x104xf32>
    %add3A_2003 = arith.addf %add3A_1995, %mul3A_2002 : vector<1x104xf32>
    %slice3A_2004 = vector.extract_strided_slice %reduce_sum3A_9 {offsets = [5, 19], sizes = [1, 104], strides = [1, 1]} : vector<12x144xf32> to vector<1x104xf32>
    %mul3A_2005 = vector.broadcast %mul3A_1987 : f32 to vector<1x104xf32>
    %mul3A_2006 = arith.mulf %mul3A_2005, %slice3A_2004 : vector<1x104xf32>
    %add3A_2007 = arith.addf %add3A_1999, %mul3A_2006 : vector<1x104xf32>
    %slice3A_2008 = vector.extract_strided_slice %reduce_sum3A_3 {offsets = [9, 19], sizes = [1, 104], strides = [1, 1]} : vector<12x144xf32> to vector<1x104xf32>
    %mul3A_2009 = vector.broadcast %mul3A_1991 : f32 to vector<1x104xf32>
    %mul3A_2010 = arith.mulf %mul3A_2009, %slice3A_2008 : vector<1x104xf32>
    %add3A_2011 = arith.addf %add3A_2003, %mul3A_2010 : vector<1x104xf32>
    %slice3A_2012 = vector.extract_strided_slice %reduce_sum3A_9 {offsets = [9, 19], sizes = [1, 104], strides = [1, 1]} : vector<12x144xf32> to vector<1x104xf32>
    %mul3A_2013 = vector.broadcast %mul3A_1991 : f32 to vector<1x104xf32>
    %mul3A_2014 = arith.mulf %mul3A_2013, %slice3A_2012 : vector<1x104xf32>
    %add3A_2015 = arith.addf %add3A_2007, %mul3A_2014 : vector<1x104xf32>
    %mul3A_2016 = arith.constant 1.400000e+01 : f32
    %mul3A_2017 = arith.mulf %mul3A_2016, %mul3A_18 : f32
    %mul3A_2018 = arith.mulf %mul3A_2017, %mul3A_2017 : f32
    %mul3A_2019 = arith.constant -5.000000e-01 : f32
    %mul3A_2020 = arith.mulf %mul3A_2019, %mul3A_2018 : f32
    %exp3A_2021 = math.exp %mul3A_2020 : f32
    %neg3A_2022 = arith.constant 0.000000e+00 : f32
    %neg3A_2023 = arith.subf %neg3A_2022, %exp3A_2021 : f32
    %mul3A_2024 = arith.mulf %neg3A_2023, %mul3A_2017 : f32
    %mul3A_2025 = arith.mulf %mul3A_2017, %mul3A_2017 : f32
    %sub3A_2026 = arith.constant 1.000000e+00 : f32
    %sub3A_2027 = arith.subf %mul3A_2025, %sub3A_2026 : f32
    %mul3A_2028 = arith.mulf %exp3A_2021, %sub3A_2027 : f32
    %slice3A_2029 = vector.extract_strided_slice %reduce_sum3A_3 {offsets = [2, 19], sizes = [1, 104], strides = [1, 1]} : vector<12x144xf32> to vector<1x104xf32>
    %mul3A_2030 = vector.broadcast %exp3A_2021 : f32 to vector<1x104xf32>
    %mul3A_2031 = arith.mulf %mul3A_2030, %slice3A_2029 : vector<1x104xf32>
    %add3A_2032 = arith.addf %add3A_2011, %mul3A_2031 : vector<1x104xf32>
    %slice3A_2033 = vector.extract_strided_slice %reduce_sum3A_9 {offsets = [2, 19], sizes = [1, 104], strides = [1, 1]} : vector<12x144xf32> to vector<1x104xf32>
    %mul3A_2034 = vector.broadcast %exp3A_2021 : f32 to vector<1x104xf32>
    %mul3A_2035 = arith.mulf %mul3A_2034, %slice3A_2033 : vector<1x104xf32>
    %add3A_2036 = arith.addf %add3A_2015, %mul3A_2035 : vector<1x104xf32>
    %slice3A_2037 = vector.extract_strided_slice %reduce_sum3A_3 {offsets = [6, 19], sizes = [1, 104], strides = [1, 1]} : vector<12x144xf32> to vector<1x104xf32>
    %mul3A_2038 = vector.broadcast %mul3A_2024 : f32 to vector<1x104xf32>
    %mul3A_2039 = arith.mulf %mul3A_2038, %slice3A_2037 : vector<1x104xf32>
    %add3A_2040 = arith.addf %add3A_2032, %mul3A_2039 : vector<1x104xf32>
    %slice3A_2041 = vector.extract_strided_slice %reduce_sum3A_9 {offsets = [6, 19], sizes = [1, 104], strides = [1, 1]} : vector<12x144xf32> to vector<1x104xf32>
    %mul3A_2042 = vector.broadcast %mul3A_2024 : f32 to vector<1x104xf32>
    %mul3A_2043 = arith.mulf %mul3A_2042, %slice3A_2041 : vector<1x104xf32>
    %add3A_2044 = arith.addf %add3A_2036, %mul3A_2043 : vector<1x104xf32>
    %slice3A_2045 = vector.extract_strided_slice %reduce_sum3A_3 {offsets = [10, 19], sizes = [1, 104], strides = [1, 1]} : vector<12x144xf32> to vector<1x104xf32>
    %mul3A_2046 = vector.broadcast %mul3A_2028 : f32 to vector<1x104xf32>
    %mul3A_2047 = arith.mulf %mul3A_2046, %slice3A_2045 : vector<1x104xf32>
    %add3A_2048 = arith.addf %add3A_2040, %mul3A_2047 : vector<1x104xf32>
    %slice3A_2049 = vector.extract_strided_slice %reduce_sum3A_9 {offsets = [10, 19], sizes = [1, 104], strides = [1, 1]} : vector<12x144xf32> to vector<1x104xf32>
    %mul3A_2050 = vector.broadcast %mul3A_2028 : f32 to vector<1x104xf32>
    %mul3A_2051 = arith.mulf %mul3A_2050, %slice3A_2049 : vector<1x104xf32>
    %add3A_2052 = arith.addf %add3A_2044, %mul3A_2051 : vector<1x104xf32>
    %mul3A_2053 = arith.constant 1.500000e+01 : f32
    %mul3A_2054 = arith.mulf %mul3A_2053, %mul3A_18 : f32
    %mul3A_2055 = arith.mulf %mul3A_2054, %mul3A_2054 : f32
    %mul3A_2056 = arith.constant -5.000000e-01 : f32
    %mul3A_2057 = arith.mulf %mul3A_2056, %mul3A_2055 : f32
    %exp3A_2058 = math.exp %mul3A_2057 : f32
    %neg3A_2059 = arith.constant 0.000000e+00 : f32
    %neg3A_2060 = arith.subf %neg3A_2059, %exp3A_2058 : f32
    %mul3A_2061 = arith.mulf %neg3A_2060, %mul3A_2054 : f32
    %mul3A_2062 = arith.mulf %mul3A_2054, %mul3A_2054 : f32
    %sub3A_2063 = arith.constant 1.000000e+00 : f32
    %sub3A_2064 = arith.subf %mul3A_2062, %sub3A_2063 : f32
    %mul3A_2065 = arith.mulf %exp3A_2058, %sub3A_2064 : f32
    %slice3A_2066 = vector.extract_strided_slice %reduce_sum3A_3 {offsets = [3, 19], sizes = [1, 104], strides = [1, 1]} : vector<12x144xf32> to vector<1x104xf32>
    %mul3A_2067 = vector.broadcast %exp3A_2058 : f32 to vector<1x104xf32>
    %mul3A_2068 = arith.mulf %mul3A_2067, %slice3A_2066 : vector<1x104xf32>
    %add3A_2069 = arith.addf %add3A_2048, %mul3A_2068 : vector<1x104xf32>
    %slice3A_2070 = vector.extract_strided_slice %reduce_sum3A_9 {offsets = [3, 19], sizes = [1, 104], strides = [1, 1]} : vector<12x144xf32> to vector<1x104xf32>
    %mul3A_2071 = vector.broadcast %exp3A_2058 : f32 to vector<1x104xf32>
    %mul3A_2072 = arith.mulf %mul3A_2071, %slice3A_2070 : vector<1x104xf32>
    %add3A_2073 = arith.addf %add3A_2052, %mul3A_2072 : vector<1x104xf32>
    %slice3A_2074 = vector.extract_strided_slice %reduce_sum3A_3 {offsets = [7, 19], sizes = [1, 104], strides = [1, 1]} : vector<12x144xf32> to vector<1x104xf32>
    %mul3A_2075 = vector.broadcast %mul3A_2061 : f32 to vector<1x104xf32>
    %mul3A_2076 = arith.mulf %mul3A_2075, %slice3A_2074 : vector<1x104xf32>
    %add3A_2077 = arith.addf %add3A_2069, %mul3A_2076 : vector<1x104xf32>
    %slice3A_2078 = vector.extract_strided_slice %reduce_sum3A_9 {offsets = [7, 19], sizes = [1, 104], strides = [1, 1]} : vector<12x144xf32> to vector<1x104xf32>
    %mul3A_2079 = vector.broadcast %mul3A_2061 : f32 to vector<1x104xf32>
    %mul3A_2080 = arith.mulf %mul3A_2079, %slice3A_2078 : vector<1x104xf32>
    %add3A_2081 = arith.addf %add3A_2073, %mul3A_2080 : vector<1x104xf32>
    %slice3A_2082 = vector.extract_strided_slice %reduce_sum3A_3 {offsets = [11, 19], sizes = [1, 104], strides = [1, 1]} : vector<12x144xf32> to vector<1x104xf32>
    %mul3A_2083 = vector.broadcast %mul3A_2065 : f32 to vector<1x104xf32>
    %mul3A_2084 = arith.mulf %mul3A_2083, %slice3A_2082 : vector<1x104xf32>
    %add3A_2085 = arith.addf %add3A_2077, %mul3A_2084 : vector<1x104xf32>
    %slice3A_2086 = vector.extract_strided_slice %reduce_sum3A_9 {offsets = [11, 19], sizes = [1, 104], strides = [1, 1]} : vector<12x144xf32> to vector<1x104xf32>
    %mul3A_2087 = vector.broadcast %mul3A_2065 : f32 to vector<1x104xf32>
    %mul3A_2088 = arith.mulf %mul3A_2087, %slice3A_2086 : vector<1x104xf32>
    %add3A_2089 = arith.addf %add3A_2081, %mul3A_2088 : vector<1x104xf32>
    %mul3A_2090 = arith.constant 1.600000e+01 : f32
    %mul3A_2091 = arith.mulf %mul3A_2090, %mul3A_18 : f32
    %mul3A_2092 = arith.mulf %mul3A_2091, %mul3A_2091 : f32
    %mul3A_2093 = arith.constant -5.000000e-01 : f32
    %mul3A_2094 = arith.mulf %mul3A_2093, %mul3A_2092 : f32
    %exp3A_2095 = math.exp %mul3A_2094 : f32
    %neg3A_2096 = arith.constant 0.000000e+00 : f32
    %neg3A_2097 = arith.subf %neg3A_2096, %exp3A_2095 : f32
    %mul3A_2098 = arith.mulf %neg3A_2097, %mul3A_2091 : f32
    %mul3A_2099 = arith.mulf %mul3A_2091, %mul3A_2091 : f32
    %sub3A_2100 = arith.constant 1.000000e+00 : f32
    %sub3A_2101 = arith.subf %mul3A_2099, %sub3A_2100 : f32
    %mul3A_2102 = arith.mulf %exp3A_2095, %sub3A_2101 : f32
    %slice3A_2103 = vector.extract_strided_slice %reduce_sum3A_3 {offsets = [0, 20], sizes = [1, 104], strides = [1, 1]} : vector<12x144xf32> to vector<1x104xf32>
    %mul3A_2104 = vector.broadcast %exp3A_2095 : f32 to vector<1x104xf32>
    %mul3A_2105 = arith.mulf %mul3A_2104, %slice3A_2103 : vector<1x104xf32>
    %add3A_2106 = arith.addf %add3A_2085, %mul3A_2105 : vector<1x104xf32>
    %slice3A_2107 = vector.extract_strided_slice %reduce_sum3A_9 {offsets = [0, 20], sizes = [1, 104], strides = [1, 1]} : vector<12x144xf32> to vector<1x104xf32>
    %mul3A_2108 = vector.broadcast %exp3A_2095 : f32 to vector<1x104xf32>
    %mul3A_2109 = arith.mulf %mul3A_2108, %slice3A_2107 : vector<1x104xf32>
    %add3A_2110 = arith.addf %add3A_2089, %mul3A_2109 : vector<1x104xf32>
    %slice3A_2111 = vector.extract_strided_slice %reduce_sum3A_3 {offsets = [4, 20], sizes = [1, 104], strides = [1, 1]} : vector<12x144xf32> to vector<1x104xf32>
    %mul3A_2112 = vector.broadcast %mul3A_2098 : f32 to vector<1x104xf32>
    %mul3A_2113 = arith.mulf %mul3A_2112, %slice3A_2111 : vector<1x104xf32>
    %add3A_2114 = arith.addf %add3A_2106, %mul3A_2113 : vector<1x104xf32>
    %slice3A_2115 = vector.extract_strided_slice %reduce_sum3A_9 {offsets = [4, 20], sizes = [1, 104], strides = [1, 1]} : vector<12x144xf32> to vector<1x104xf32>
    %mul3A_2116 = vector.broadcast %mul3A_2098 : f32 to vector<1x104xf32>
    %mul3A_2117 = arith.mulf %mul3A_2116, %slice3A_2115 : vector<1x104xf32>
    %add3A_2118 = arith.addf %add3A_2110, %mul3A_2117 : vector<1x104xf32>
    %slice3A_2119 = vector.extract_strided_slice %reduce_sum3A_3 {offsets = [8, 20], sizes = [1, 104], strides = [1, 1]} : vector<12x144xf32> to vector<1x104xf32>
    %mul3A_2120 = vector.broadcast %mul3A_2102 : f32 to vector<1x104xf32>
    %mul3A_2121 = arith.mulf %mul3A_2120, %slice3A_2119 : vector<1x104xf32>
    %add3A_2122 = arith.addf %add3A_2114, %mul3A_2121 : vector<1x104xf32>
    %slice3A_2123 = vector.extract_strided_slice %reduce_sum3A_9 {offsets = [8, 20], sizes = [1, 104], strides = [1, 1]} : vector<12x144xf32> to vector<1x104xf32>
    %mul3A_2124 = vector.broadcast %mul3A_2102 : f32 to vector<1x104xf32>
    %mul3A_2125 = arith.mulf %mul3A_2124, %slice3A_2123 : vector<1x104xf32>
    %add3A_2126 = arith.addf %add3A_2118, %mul3A_2125 : vector<1x104xf32>
    %mul3A_2127 = arith.constant 1.700000e+01 : f32
    %mul3A_2128 = arith.mulf %mul3A_2127, %mul3A_18 : f32
    %mul3A_2129 = arith.mulf %mul3A_2128, %mul3A_2128 : f32
    %mul3A_2130 = arith.constant -5.000000e-01 : f32
    %mul3A_2131 = arith.mulf %mul3A_2130, %mul3A_2129 : f32
    %exp3A_2132 = math.exp %mul3A_2131 : f32
    %neg3A_2133 = arith.constant 0.000000e+00 : f32
    %neg3A_2134 = arith.subf %neg3A_2133, %exp3A_2132 : f32
    %mul3A_2135 = arith.mulf %neg3A_2134, %mul3A_2128 : f32
    %mul3A_2136 = arith.mulf %mul3A_2128, %mul3A_2128 : f32
    %sub3A_2137 = arith.constant 1.000000e+00 : f32
    %sub3A_2138 = arith.subf %mul3A_2136, %sub3A_2137 : f32
    %mul3A_2139 = arith.mulf %exp3A_2132, %sub3A_2138 : f32
    %slice3A_2140 = vector.extract_strided_slice %reduce_sum3A_3 {offsets = [1, 20], sizes = [1, 104], strides = [1, 1]} : vector<12x144xf32> to vector<1x104xf32>
    %mul3A_2141 = vector.broadcast %exp3A_2132 : f32 to vector<1x104xf32>
    %mul3A_2142 = arith.mulf %mul3A_2141, %slice3A_2140 : vector<1x104xf32>
    %add3A_2143 = arith.addf %add3A_2122, %mul3A_2142 : vector<1x104xf32>
    %slice3A_2144 = vector.extract_strided_slice %reduce_sum3A_9 {offsets = [1, 20], sizes = [1, 104], strides = [1, 1]} : vector<12x144xf32> to vector<1x104xf32>
    %mul3A_2145 = vector.broadcast %exp3A_2132 : f32 to vector<1x104xf32>
    %mul3A_2146 = arith.mulf %mul3A_2145, %slice3A_2144 : vector<1x104xf32>
    %add3A_2147 = arith.addf %add3A_2126, %mul3A_2146 : vector<1x104xf32>
    %slice3A_2148 = vector.extract_strided_slice %reduce_sum3A_3 {offsets = [5, 20], sizes = [1, 104], strides = [1, 1]} : vector<12x144xf32> to vector<1x104xf32>
    %mul3A_2149 = vector.broadcast %mul3A_2135 : f32 to vector<1x104xf32>
    %mul3A_2150 = arith.mulf %mul3A_2149, %slice3A_2148 : vector<1x104xf32>
    %add3A_2151 = arith.addf %add3A_2143, %mul3A_2150 : vector<1x104xf32>
    %slice3A_2152 = vector.extract_strided_slice %reduce_sum3A_9 {offsets = [5, 20], sizes = [1, 104], strides = [1, 1]} : vector<12x144xf32> to vector<1x104xf32>
    %mul3A_2153 = vector.broadcast %mul3A_2135 : f32 to vector<1x104xf32>
    %mul3A_2154 = arith.mulf %mul3A_2153, %slice3A_2152 : vector<1x104xf32>
    %add3A_2155 = arith.addf %add3A_2147, %mul3A_2154 : vector<1x104xf32>
    %slice3A_2156 = vector.extract_strided_slice %reduce_sum3A_3 {offsets = [9, 20], sizes = [1, 104], strides = [1, 1]} : vector<12x144xf32> to vector<1x104xf32>
    %mul3A_2157 = vector.broadcast %mul3A_2139 : f32 to vector<1x104xf32>
    %mul3A_2158 = arith.mulf %mul3A_2157, %slice3A_2156 : vector<1x104xf32>
    %add3A_2159 = arith.addf %add3A_2151, %mul3A_2158 : vector<1x104xf32>
    %slice3A_2160 = vector.extract_strided_slice %reduce_sum3A_9 {offsets = [9, 20], sizes = [1, 104], strides = [1, 1]} : vector<12x144xf32> to vector<1x104xf32>
    %mul3A_2161 = vector.broadcast %mul3A_2139 : f32 to vector<1x104xf32>
    %mul3A_2162 = arith.mulf %mul3A_2161, %slice3A_2160 : vector<1x104xf32>
    %add3A_2163 = arith.addf %add3A_2155, %mul3A_2162 : vector<1x104xf32>
    %mul3A_2164 = arith.constant 1.800000e+01 : f32
    %mul3A_2165 = arith.mulf %mul3A_2164, %mul3A_18 : f32
    %mul3A_2166 = arith.mulf %mul3A_2165, %mul3A_2165 : f32
    %mul3A_2167 = arith.constant -5.000000e-01 : f32
    %mul3A_2168 = arith.mulf %mul3A_2167, %mul3A_2166 : f32
    %exp3A_2169 = math.exp %mul3A_2168 : f32
    %neg3A_2170 = arith.constant 0.000000e+00 : f32
    %neg3A_2171 = arith.subf %neg3A_2170, %exp3A_2169 : f32
    %mul3A_2172 = arith.mulf %neg3A_2171, %mul3A_2165 : f32
    %mul3A_2173 = arith.mulf %mul3A_2165, %mul3A_2165 : f32
    %sub3A_2174 = arith.constant 1.000000e+00 : f32
    %sub3A_2175 = arith.subf %mul3A_2173, %sub3A_2174 : f32
    %mul3A_2176 = arith.mulf %exp3A_2169, %sub3A_2175 : f32
    %slice3A_2177 = vector.extract_strided_slice %reduce_sum3A_3 {offsets = [2, 20], sizes = [1, 104], strides = [1, 1]} : vector<12x144xf32> to vector<1x104xf32>
    %mul3A_2178 = vector.broadcast %exp3A_2169 : f32 to vector<1x104xf32>
    %mul3A_2179 = arith.mulf %mul3A_2178, %slice3A_2177 : vector<1x104xf32>
    %add3A_2180 = arith.addf %add3A_2159, %mul3A_2179 : vector<1x104xf32>
    %slice3A_2181 = vector.extract_strided_slice %reduce_sum3A_9 {offsets = [2, 20], sizes = [1, 104], strides = [1, 1]} : vector<12x144xf32> to vector<1x104xf32>
    %mul3A_2182 = vector.broadcast %exp3A_2169 : f32 to vector<1x104xf32>
    %mul3A_2183 = arith.mulf %mul3A_2182, %slice3A_2181 : vector<1x104xf32>
    %add3A_2184 = arith.addf %add3A_2163, %mul3A_2183 : vector<1x104xf32>
    %slice3A_2185 = vector.extract_strided_slice %reduce_sum3A_3 {offsets = [6, 20], sizes = [1, 104], strides = [1, 1]} : vector<12x144xf32> to vector<1x104xf32>
    %mul3A_2186 = vector.broadcast %mul3A_2172 : f32 to vector<1x104xf32>
    %mul3A_2187 = arith.mulf %mul3A_2186, %slice3A_2185 : vector<1x104xf32>
    %add3A_2188 = arith.addf %add3A_2180, %mul3A_2187 : vector<1x104xf32>
    %slice3A_2189 = vector.extract_strided_slice %reduce_sum3A_9 {offsets = [6, 20], sizes = [1, 104], strides = [1, 1]} : vector<12x144xf32> to vector<1x104xf32>
    %mul3A_2190 = vector.broadcast %mul3A_2172 : f32 to vector<1x104xf32>
    %mul3A_2191 = arith.mulf %mul3A_2190, %slice3A_2189 : vector<1x104xf32>
    %add3A_2192 = arith.addf %add3A_2184, %mul3A_2191 : vector<1x104xf32>
    %slice3A_2193 = vector.extract_strided_slice %reduce_sum3A_3 {offsets = [10, 20], sizes = [1, 104], strides = [1, 1]} : vector<12x144xf32> to vector<1x104xf32>
    %mul3A_2194 = vector.broadcast %mul3A_2176 : f32 to vector<1x104xf32>
    %mul3A_2195 = arith.mulf %mul3A_2194, %slice3A_2193 : vector<1x104xf32>
    %add3A_2196 = arith.addf %add3A_2188, %mul3A_2195 : vector<1x104xf32>
    %slice3A_2197 = vector.extract_strided_slice %reduce_sum3A_9 {offsets = [10, 20], sizes = [1, 104], strides = [1, 1]} : vector<12x144xf32> to vector<1x104xf32>
    %mul3A_2198 = vector.broadcast %mul3A_2176 : f32 to vector<1x104xf32>
    %mul3A_2199 = arith.mulf %mul3A_2198, %slice3A_2197 : vector<1x104xf32>
    %add3A_2200 = arith.addf %add3A_2192, %mul3A_2199 : vector<1x104xf32>
    %mul3A_2201 = arith.constant 1.900000e+01 : f32
    %mul3A_2202 = arith.mulf %mul3A_2201, %mul3A_18 : f32
    %mul3A_2203 = arith.mulf %mul3A_2202, %mul3A_2202 : f32
    %mul3A_2204 = arith.constant -5.000000e-01 : f32
    %mul3A_2205 = arith.mulf %mul3A_2204, %mul3A_2203 : f32
    %exp3A_2206 = math.exp %mul3A_2205 : f32
    %neg3A_2207 = arith.constant 0.000000e+00 : f32
    %neg3A_2208 = arith.subf %neg3A_2207, %exp3A_2206 : f32
    %mul3A_2209 = arith.mulf %neg3A_2208, %mul3A_2202 : f32
    %mul3A_2210 = arith.mulf %mul3A_2202, %mul3A_2202 : f32
    %sub3A_2211 = arith.constant 1.000000e+00 : f32
    %sub3A_2212 = arith.subf %mul3A_2210, %sub3A_2211 : f32
    %mul3A_2213 = arith.mulf %exp3A_2206, %sub3A_2212 : f32
    %slice3A_2214 = vector.extract_strided_slice %reduce_sum3A_3 {offsets = [3, 20], sizes = [1, 104], strides = [1, 1]} : vector<12x144xf32> to vector<1x104xf32>
    %mul3A_2215 = vector.broadcast %exp3A_2206 : f32 to vector<1x104xf32>
    %mul3A_2216 = arith.mulf %mul3A_2215, %slice3A_2214 : vector<1x104xf32>
    %add3A_2217 = arith.addf %add3A_2196, %mul3A_2216 : vector<1x104xf32>
    %slice3A_2218 = vector.extract_strided_slice %reduce_sum3A_9 {offsets = [3, 20], sizes = [1, 104], strides = [1, 1]} : vector<12x144xf32> to vector<1x104xf32>
    %mul3A_2219 = vector.broadcast %exp3A_2206 : f32 to vector<1x104xf32>
    %mul3A_2220 = arith.mulf %mul3A_2219, %slice3A_2218 : vector<1x104xf32>
    %add3A_2221 = arith.addf %add3A_2200, %mul3A_2220 : vector<1x104xf32>
    %slice3A_2222 = vector.extract_strided_slice %reduce_sum3A_3 {offsets = [7, 20], sizes = [1, 104], strides = [1, 1]} : vector<12x144xf32> to vector<1x104xf32>
    %mul3A_2223 = vector.broadcast %mul3A_2209 : f32 to vector<1x104xf32>
    %mul3A_2224 = arith.mulf %mul3A_2223, %slice3A_2222 : vector<1x104xf32>
    %add3A_2225 = arith.addf %add3A_2217, %mul3A_2224 : vector<1x104xf32>
    %slice3A_2226 = vector.extract_strided_slice %reduce_sum3A_9 {offsets = [7, 20], sizes = [1, 104], strides = [1, 1]} : vector<12x144xf32> to vector<1x104xf32>
    %mul3A_2227 = vector.broadcast %mul3A_2209 : f32 to vector<1x104xf32>
    %mul3A_2228 = arith.mulf %mul3A_2227, %slice3A_2226 : vector<1x104xf32>
    %add3A_2229 = arith.addf %add3A_2221, %mul3A_2228 : vector<1x104xf32>
    %slice3A_2230 = vector.extract_strided_slice %reduce_sum3A_3 {offsets = [11, 20], sizes = [1, 104], strides = [1, 1]} : vector<12x144xf32> to vector<1x104xf32>
    %mul3A_2231 = vector.broadcast %mul3A_2213 : f32 to vector<1x104xf32>
    %mul3A_2232 = arith.mulf %mul3A_2231, %slice3A_2230 : vector<1x104xf32>
    %add3A_2233 = arith.addf %add3A_2225, %mul3A_2232 : vector<1x104xf32>
    %slice3A_2234 = vector.extract_strided_slice %reduce_sum3A_9 {offsets = [11, 20], sizes = [1, 104], strides = [1, 1]} : vector<12x144xf32> to vector<1x104xf32>
    %mul3A_2235 = vector.broadcast %mul3A_2213 : f32 to vector<1x104xf32>
    %mul3A_2236 = arith.mulf %mul3A_2235, %slice3A_2234 : vector<1x104xf32>
    %add3A_2237 = arith.addf %add3A_2229, %mul3A_2236 : vector<1x104xf32>
    %mul3A_2238 = arith.constant 2.000000e+01 : f32
    %mul3A_2239 = arith.mulf %mul3A_2238, %mul3A_18 : f32
    %mul3A_2240 = arith.mulf %mul3A_2239, %mul3A_2239 : f32
    %mul3A_2241 = arith.constant -5.000000e-01 : f32
    %mul3A_2242 = arith.mulf %mul3A_2241, %mul3A_2240 : f32
    %exp3A_2243 = math.exp %mul3A_2242 : f32
    %neg3A_2244 = arith.constant 0.000000e+00 : f32
    %neg3A_2245 = arith.subf %neg3A_2244, %exp3A_2243 : f32
    %mul3A_2246 = arith.mulf %neg3A_2245, %mul3A_2239 : f32
    %mul3A_2247 = arith.mulf %mul3A_2239, %mul3A_2239 : f32
    %sub3A_2248 = arith.constant 1.000000e+00 : f32
    %sub3A_2249 = arith.subf %mul3A_2247, %sub3A_2248 : f32
    %mul3A_2250 = arith.mulf %exp3A_2243, %sub3A_2249 : f32
    %slice3A_2251 = vector.extract_strided_slice %reduce_sum3A_3 {offsets = [0, 21], sizes = [1, 104], strides = [1, 1]} : vector<12x144xf32> to vector<1x104xf32>
    %mul3A_2252 = vector.broadcast %exp3A_2243 : f32 to vector<1x104xf32>
    %mul3A_2253 = arith.mulf %mul3A_2252, %slice3A_2251 : vector<1x104xf32>
    %add3A_2254 = arith.addf %add3A_2233, %mul3A_2253 : vector<1x104xf32>
    %slice3A_2255 = vector.extract_strided_slice %reduce_sum3A_9 {offsets = [0, 21], sizes = [1, 104], strides = [1, 1]} : vector<12x144xf32> to vector<1x104xf32>
    %mul3A_2256 = vector.broadcast %exp3A_2243 : f32 to vector<1x104xf32>
    %mul3A_2257 = arith.mulf %mul3A_2256, %slice3A_2255 : vector<1x104xf32>
    %add3A_2258 = arith.addf %add3A_2237, %mul3A_2257 : vector<1x104xf32>
    %slice3A_2259 = vector.extract_strided_slice %reduce_sum3A_3 {offsets = [4, 21], sizes = [1, 104], strides = [1, 1]} : vector<12x144xf32> to vector<1x104xf32>
    %mul3A_2260 = vector.broadcast %mul3A_2246 : f32 to vector<1x104xf32>
    %mul3A_2261 = arith.mulf %mul3A_2260, %slice3A_2259 : vector<1x104xf32>
    %add3A_2262 = arith.addf %add3A_2254, %mul3A_2261 : vector<1x104xf32>
    %slice3A_2263 = vector.extract_strided_slice %reduce_sum3A_9 {offsets = [4, 21], sizes = [1, 104], strides = [1, 1]} : vector<12x144xf32> to vector<1x104xf32>
    %mul3A_2264 = vector.broadcast %mul3A_2246 : f32 to vector<1x104xf32>
    %mul3A_2265 = arith.mulf %mul3A_2264, %slice3A_2263 : vector<1x104xf32>
    %add3A_2266 = arith.addf %add3A_2258, %mul3A_2265 : vector<1x104xf32>
    %slice3A_2267 = vector.extract_strided_slice %reduce_sum3A_3 {offsets = [8, 21], sizes = [1, 104], strides = [1, 1]} : vector<12x144xf32> to vector<1x104xf32>
    %mul3A_2268 = vector.broadcast %mul3A_2250 : f32 to vector<1x104xf32>
    %mul3A_2269 = arith.mulf %mul3A_2268, %slice3A_2267 : vector<1x104xf32>
    %add3A_2270 = arith.addf %add3A_2262, %mul3A_2269 : vector<1x104xf32>
    %slice3A_2271 = vector.extract_strided_slice %reduce_sum3A_9 {offsets = [8, 21], sizes = [1, 104], strides = [1, 1]} : vector<12x144xf32> to vector<1x104xf32>
    %mul3A_2272 = vector.broadcast %mul3A_2250 : f32 to vector<1x104xf32>
    %mul3A_2273 = arith.mulf %mul3A_2272, %slice3A_2271 : vector<1x104xf32>
    %add3A_2274 = arith.addf %add3A_2266, %mul3A_2273 : vector<1x104xf32>
    %mul3A_2275 = arith.constant 2.100000e+01 : f32
    %mul3A_2276 = arith.mulf %mul3A_2275, %mul3A_18 : f32
    %mul3A_2277 = arith.mulf %mul3A_2276, %mul3A_2276 : f32
    %mul3A_2278 = arith.constant -5.000000e-01 : f32
    %mul3A_2279 = arith.mulf %mul3A_2278, %mul3A_2277 : f32
    %exp3A_2280 = math.exp %mul3A_2279 : f32
    %neg3A_2281 = arith.constant 0.000000e+00 : f32
    %neg3A_2282 = arith.subf %neg3A_2281, %exp3A_2280 : f32
    %mul3A_2283 = arith.mulf %neg3A_2282, %mul3A_2276 : f32
    %mul3A_2284 = arith.mulf %mul3A_2276, %mul3A_2276 : f32
    %sub3A_2285 = arith.constant 1.000000e+00 : f32
    %sub3A_2286 = arith.subf %mul3A_2284, %sub3A_2285 : f32
    %mul3A_2287 = arith.mulf %exp3A_2280, %sub3A_2286 : f32
    %slice3A_2288 = vector.extract_strided_slice %reduce_sum3A_3 {offsets = [1, 21], sizes = [1, 104], strides = [1, 1]} : vector<12x144xf32> to vector<1x104xf32>
    %mul3A_2289 = vector.broadcast %exp3A_2280 : f32 to vector<1x104xf32>
    %mul3A_2290 = arith.mulf %mul3A_2289, %slice3A_2288 : vector<1x104xf32>
    %add3A_2291 = arith.addf %add3A_2270, %mul3A_2290 : vector<1x104xf32>
    %slice3A_2292 = vector.extract_strided_slice %reduce_sum3A_9 {offsets = [1, 21], sizes = [1, 104], strides = [1, 1]} : vector<12x144xf32> to vector<1x104xf32>
    %mul3A_2293 = vector.broadcast %exp3A_2280 : f32 to vector<1x104xf32>
    %mul3A_2294 = arith.mulf %mul3A_2293, %slice3A_2292 : vector<1x104xf32>
    %add3A_2295 = arith.addf %add3A_2274, %mul3A_2294 : vector<1x104xf32>
    %slice3A_2296 = vector.extract_strided_slice %reduce_sum3A_3 {offsets = [5, 21], sizes = [1, 104], strides = [1, 1]} : vector<12x144xf32> to vector<1x104xf32>
    %mul3A_2297 = vector.broadcast %mul3A_2283 : f32 to vector<1x104xf32>
    %mul3A_2298 = arith.mulf %mul3A_2297, %slice3A_2296 : vector<1x104xf32>
    %add3A_2299 = arith.addf %add3A_2291, %mul3A_2298 : vector<1x104xf32>
    %slice3A_2300 = vector.extract_strided_slice %reduce_sum3A_9 {offsets = [5, 21], sizes = [1, 104], strides = [1, 1]} : vector<12x144xf32> to vector<1x104xf32>
    %mul3A_2301 = vector.broadcast %mul3A_2283 : f32 to vector<1x104xf32>
    %mul3A_2302 = arith.mulf %mul3A_2301, %slice3A_2300 : vector<1x104xf32>
    %add3A_2303 = arith.addf %add3A_2295, %mul3A_2302 : vector<1x104xf32>
    %slice3A_2304 = vector.extract_strided_slice %reduce_sum3A_3 {offsets = [9, 21], sizes = [1, 104], strides = [1, 1]} : vector<12x144xf32> to vector<1x104xf32>
    %mul3A_2305 = vector.broadcast %mul3A_2287 : f32 to vector<1x104xf32>
    %mul3A_2306 = arith.mulf %mul3A_2305, %slice3A_2304 : vector<1x104xf32>
    %add3A_2307 = arith.addf %add3A_2299, %mul3A_2306 : vector<1x104xf32>
    %slice3A_2308 = vector.extract_strided_slice %reduce_sum3A_9 {offsets = [9, 21], sizes = [1, 104], strides = [1, 1]} : vector<12x144xf32> to vector<1x104xf32>
    %mul3A_2309 = vector.broadcast %mul3A_2287 : f32 to vector<1x104xf32>
    %mul3A_2310 = arith.mulf %mul3A_2309, %slice3A_2308 : vector<1x104xf32>
    %add3A_2311 = arith.addf %add3A_2303, %mul3A_2310 : vector<1x104xf32>
    %mul3A_2312 = arith.constant 2.200000e+01 : f32
    %mul3A_2313 = arith.mulf %mul3A_2312, %mul3A_18 : f32
    %mul3A_2314 = arith.mulf %mul3A_2313, %mul3A_2313 : f32
    %mul3A_2315 = arith.constant -5.000000e-01 : f32
    %mul3A_2316 = arith.mulf %mul3A_2315, %mul3A_2314 : f32
    %exp3A_2317 = math.exp %mul3A_2316 : f32
    %neg3A_2318 = arith.constant 0.000000e+00 : f32
    %neg3A_2319 = arith.subf %neg3A_2318, %exp3A_2317 : f32
    %mul3A_2320 = arith.mulf %neg3A_2319, %mul3A_2313 : f32
    %mul3A_2321 = arith.mulf %mul3A_2313, %mul3A_2313 : f32
    %sub3A_2322 = arith.constant 1.000000e+00 : f32
    %sub3A_2323 = arith.subf %mul3A_2321, %sub3A_2322 : f32
    %mul3A_2324 = arith.mulf %exp3A_2317, %sub3A_2323 : f32
    %slice3A_2325 = vector.extract_strided_slice %reduce_sum3A_3 {offsets = [2, 21], sizes = [1, 104], strides = [1, 1]} : vector<12x144xf32> to vector<1x104xf32>
    %mul3A_2326 = vector.broadcast %exp3A_2317 : f32 to vector<1x104xf32>
    %mul3A_2327 = arith.mulf %mul3A_2326, %slice3A_2325 : vector<1x104xf32>
    %add3A_2328 = arith.addf %add3A_2307, %mul3A_2327 : vector<1x104xf32>
    %slice3A_2329 = vector.extract_strided_slice %reduce_sum3A_9 {offsets = [2, 21], sizes = [1, 104], strides = [1, 1]} : vector<12x144xf32> to vector<1x104xf32>
    %mul3A_2330 = vector.broadcast %exp3A_2317 : f32 to vector<1x104xf32>
    %mul3A_2331 = arith.mulf %mul3A_2330, %slice3A_2329 : vector<1x104xf32>
    %add3A_2332 = arith.addf %add3A_2311, %mul3A_2331 : vector<1x104xf32>
    %slice3A_2333 = vector.extract_strided_slice %reduce_sum3A_3 {offsets = [6, 21], sizes = [1, 104], strides = [1, 1]} : vector<12x144xf32> to vector<1x104xf32>
    %mul3A_2334 = vector.broadcast %mul3A_2320 : f32 to vector<1x104xf32>
    %mul3A_2335 = arith.mulf %mul3A_2334, %slice3A_2333 : vector<1x104xf32>
    %add3A_2336 = arith.addf %add3A_2328, %mul3A_2335 : vector<1x104xf32>
    %slice3A_2337 = vector.extract_strided_slice %reduce_sum3A_9 {offsets = [6, 21], sizes = [1, 104], strides = [1, 1]} : vector<12x144xf32> to vector<1x104xf32>
    %mul3A_2338 = vector.broadcast %mul3A_2320 : f32 to vector<1x104xf32>
    %mul3A_2339 = arith.mulf %mul3A_2338, %slice3A_2337 : vector<1x104xf32>
    %add3A_2340 = arith.addf %add3A_2332, %mul3A_2339 : vector<1x104xf32>
    %slice3A_2341 = vector.extract_strided_slice %reduce_sum3A_3 {offsets = [10, 21], sizes = [1, 104], strides = [1, 1]} : vector<12x144xf32> to vector<1x104xf32>
    %mul3A_2342 = vector.broadcast %mul3A_2324 : f32 to vector<1x104xf32>
    %mul3A_2343 = arith.mulf %mul3A_2342, %slice3A_2341 : vector<1x104xf32>
    %add3A_2344 = arith.addf %add3A_2336, %mul3A_2343 : vector<1x104xf32>
    %slice3A_2345 = vector.extract_strided_slice %reduce_sum3A_9 {offsets = [10, 21], sizes = [1, 104], strides = [1, 1]} : vector<12x144xf32> to vector<1x104xf32>
    %mul3A_2346 = vector.broadcast %mul3A_2324 : f32 to vector<1x104xf32>
    %mul3A_2347 = arith.mulf %mul3A_2346, %slice3A_2345 : vector<1x104xf32>
    %add3A_2348 = arith.addf %add3A_2340, %mul3A_2347 : vector<1x104xf32>
    %mul3A_2349 = arith.constant 2.300000e+01 : f32
    %mul3A_2350 = arith.mulf %mul3A_2349, %mul3A_18 : f32
    %mul3A_2351 = arith.mulf %mul3A_2350, %mul3A_2350 : f32
    %mul3A_2352 = arith.constant -5.000000e-01 : f32
    %mul3A_2353 = arith.mulf %mul3A_2352, %mul3A_2351 : f32
    %exp3A_2354 = math.exp %mul3A_2353 : f32
    %neg3A_2355 = arith.constant 0.000000e+00 : f32
    %neg3A_2356 = arith.subf %neg3A_2355, %exp3A_2354 : f32
    %mul3A_2357 = arith.mulf %neg3A_2356, %mul3A_2350 : f32
    %mul3A_2358 = arith.mulf %mul3A_2350, %mul3A_2350 : f32
    %sub3A_2359 = arith.constant 1.000000e+00 : f32
    %sub3A_2360 = arith.subf %mul3A_2358, %sub3A_2359 : f32
    %mul3A_2361 = arith.mulf %exp3A_2354, %sub3A_2360 : f32
    %slice3A_2362 = vector.extract_strided_slice %reduce_sum3A_3 {offsets = [3, 21], sizes = [1, 104], strides = [1, 1]} : vector<12x144xf32> to vector<1x104xf32>
    %mul3A_2363 = vector.broadcast %exp3A_2354 : f32 to vector<1x104xf32>
    %mul3A_2364 = arith.mulf %mul3A_2363, %slice3A_2362 : vector<1x104xf32>
    %add3A_2365 = arith.addf %add3A_2344, %mul3A_2364 : vector<1x104xf32>
    %slice3A_2366 = vector.extract_strided_slice %reduce_sum3A_9 {offsets = [3, 21], sizes = [1, 104], strides = [1, 1]} : vector<12x144xf32> to vector<1x104xf32>
    %mul3A_2367 = vector.broadcast %exp3A_2354 : f32 to vector<1x104xf32>
    %mul3A_2368 = arith.mulf %mul3A_2367, %slice3A_2366 : vector<1x104xf32>
    %add3A_2369 = arith.addf %add3A_2348, %mul3A_2368 : vector<1x104xf32>
    %slice3A_2370 = vector.extract_strided_slice %reduce_sum3A_3 {offsets = [7, 21], sizes = [1, 104], strides = [1, 1]} : vector<12x144xf32> to vector<1x104xf32>
    %mul3A_2371 = vector.broadcast %mul3A_2357 : f32 to vector<1x104xf32>
    %mul3A_2372 = arith.mulf %mul3A_2371, %slice3A_2370 : vector<1x104xf32>
    %add3A_2373 = arith.addf %add3A_2365, %mul3A_2372 : vector<1x104xf32>
    %slice3A_2374 = vector.extract_strided_slice %reduce_sum3A_9 {offsets = [7, 21], sizes = [1, 104], strides = [1, 1]} : vector<12x144xf32> to vector<1x104xf32>
    %mul3A_2375 = vector.broadcast %mul3A_2357 : f32 to vector<1x104xf32>
    %mul3A_2376 = arith.mulf %mul3A_2375, %slice3A_2374 : vector<1x104xf32>
    %add3A_2377 = arith.addf %add3A_2369, %mul3A_2376 : vector<1x104xf32>
    %slice3A_2378 = vector.extract_strided_slice %reduce_sum3A_3 {offsets = [11, 21], sizes = [1, 104], strides = [1, 1]} : vector<12x144xf32> to vector<1x104xf32>
    %mul3A_2379 = vector.broadcast %mul3A_2361 : f32 to vector<1x104xf32>
    %mul3A_2380 = arith.mulf %mul3A_2379, %slice3A_2378 : vector<1x104xf32>
    %add3A_2381 = arith.addf %add3A_2373, %mul3A_2380 : vector<1x104xf32>
    %slice3A_2382 = vector.extract_strided_slice %reduce_sum3A_9 {offsets = [11, 21], sizes = [1, 104], strides = [1, 1]} : vector<12x144xf32> to vector<1x104xf32>
    %mul3A_2383 = vector.broadcast %mul3A_2361 : f32 to vector<1x104xf32>
    %mul3A_2384 = arith.mulf %mul3A_2383, %slice3A_2382 : vector<1x104xf32>
    %add3A_2385 = arith.addf %add3A_2377, %mul3A_2384 : vector<1x104xf32>
    %mul3A_2386 = arith.constant 2.400000e+01 : f32
    %mul3A_2387 = arith.mulf %mul3A_2386, %mul3A_18 : f32
    %mul3A_2388 = arith.mulf %mul3A_2387, %mul3A_2387 : f32
    %mul3A_2389 = arith.constant -5.000000e-01 : f32
    %mul3A_2390 = arith.mulf %mul3A_2389, %mul3A_2388 : f32
    %exp3A_2391 = math.exp %mul3A_2390 : f32
    %neg3A_2392 = arith.constant 0.000000e+00 : f32
    %neg3A_2393 = arith.subf %neg3A_2392, %exp3A_2391 : f32
    %mul3A_2394 = arith.mulf %neg3A_2393, %mul3A_2387 : f32
    %mul3A_2395 = arith.mulf %mul3A_2387, %mul3A_2387 : f32
    %sub3A_2396 = arith.constant 1.000000e+00 : f32
    %sub3A_2397 = arith.subf %mul3A_2395, %sub3A_2396 : f32
    %mul3A_2398 = arith.mulf %exp3A_2391, %sub3A_2397 : f32
    %slice3A_2399 = vector.extract_strided_slice %reduce_sum3A_3 {offsets = [0, 22], sizes = [1, 104], strides = [1, 1]} : vector<12x144xf32> to vector<1x104xf32>
    %mul3A_2400 = vector.broadcast %exp3A_2391 : f32 to vector<1x104xf32>
    %mul3A_2401 = arith.mulf %mul3A_2400, %slice3A_2399 : vector<1x104xf32>
    %add3A_2402 = arith.addf %add3A_2381, %mul3A_2401 : vector<1x104xf32>
    %slice3A_2403 = vector.extract_strided_slice %reduce_sum3A_9 {offsets = [0, 22], sizes = [1, 104], strides = [1, 1]} : vector<12x144xf32> to vector<1x104xf32>
    %mul3A_2404 = vector.broadcast %exp3A_2391 : f32 to vector<1x104xf32>
    %mul3A_2405 = arith.mulf %mul3A_2404, %slice3A_2403 : vector<1x104xf32>
    %add3A_2406 = arith.addf %add3A_2385, %mul3A_2405 : vector<1x104xf32>
    %slice3A_2407 = vector.extract_strided_slice %reduce_sum3A_3 {offsets = [4, 22], sizes = [1, 104], strides = [1, 1]} : vector<12x144xf32> to vector<1x104xf32>
    %mul3A_2408 = vector.broadcast %mul3A_2394 : f32 to vector<1x104xf32>
    %mul3A_2409 = arith.mulf %mul3A_2408, %slice3A_2407 : vector<1x104xf32>
    %add3A_2410 = arith.addf %add3A_2402, %mul3A_2409 : vector<1x104xf32>
    %slice3A_2411 = vector.extract_strided_slice %reduce_sum3A_9 {offsets = [4, 22], sizes = [1, 104], strides = [1, 1]} : vector<12x144xf32> to vector<1x104xf32>
    %mul3A_2412 = vector.broadcast %mul3A_2394 : f32 to vector<1x104xf32>
    %mul3A_2413 = arith.mulf %mul3A_2412, %slice3A_2411 : vector<1x104xf32>
    %add3A_2414 = arith.addf %add3A_2406, %mul3A_2413 : vector<1x104xf32>
    %slice3A_2415 = vector.extract_strided_slice %reduce_sum3A_3 {offsets = [8, 22], sizes = [1, 104], strides = [1, 1]} : vector<12x144xf32> to vector<1x104xf32>
    %mul3A_2416 = vector.broadcast %mul3A_2398 : f32 to vector<1x104xf32>
    %mul3A_2417 = arith.mulf %mul3A_2416, %slice3A_2415 : vector<1x104xf32>
    %add3A_2418 = arith.addf %add3A_2410, %mul3A_2417 : vector<1x104xf32>
    %slice3A_2419 = vector.extract_strided_slice %reduce_sum3A_9 {offsets = [8, 22], sizes = [1, 104], strides = [1, 1]} : vector<12x144xf32> to vector<1x104xf32>
    %mul3A_2420 = vector.broadcast %mul3A_2398 : f32 to vector<1x104xf32>
    %mul3A_2421 = arith.mulf %mul3A_2420, %slice3A_2419 : vector<1x104xf32>
    %add3A_2422 = arith.addf %add3A_2414, %mul3A_2421 : vector<1x104xf32>
    %mul3A_2423 = arith.constant 2.500000e+01 : f32
    %mul3A_2424 = arith.mulf %mul3A_2423, %mul3A_18 : f32
    %mul3A_2425 = arith.mulf %mul3A_2424, %mul3A_2424 : f32
    %mul3A_2426 = arith.constant -5.000000e-01 : f32
    %mul3A_2427 = arith.mulf %mul3A_2426, %mul3A_2425 : f32
    %exp3A_2428 = math.exp %mul3A_2427 : f32
    %neg3A_2429 = arith.constant 0.000000e+00 : f32
    %neg3A_2430 = arith.subf %neg3A_2429, %exp3A_2428 : f32
    %mul3A_2431 = arith.mulf %neg3A_2430, %mul3A_2424 : f32
    %mul3A_2432 = arith.mulf %mul3A_2424, %mul3A_2424 : f32
    %sub3A_2433 = arith.constant 1.000000e+00 : f32
    %sub3A_2434 = arith.subf %mul3A_2432, %sub3A_2433 : f32
    %mul3A_2435 = arith.mulf %exp3A_2428, %sub3A_2434 : f32
    %slice3A_2436 = vector.extract_strided_slice %reduce_sum3A_3 {offsets = [1, 22], sizes = [1, 104], strides = [1, 1]} : vector<12x144xf32> to vector<1x104xf32>
    %mul3A_2437 = vector.broadcast %exp3A_2428 : f32 to vector<1x104xf32>
    %mul3A_2438 = arith.mulf %mul3A_2437, %slice3A_2436 : vector<1x104xf32>
    %add3A_2439 = arith.addf %add3A_2418, %mul3A_2438 : vector<1x104xf32>
    %slice3A_2440 = vector.extract_strided_slice %reduce_sum3A_9 {offsets = [1, 22], sizes = [1, 104], strides = [1, 1]} : vector<12x144xf32> to vector<1x104xf32>
    %mul3A_2441 = vector.broadcast %exp3A_2428 : f32 to vector<1x104xf32>
    %mul3A_2442 = arith.mulf %mul3A_2441, %slice3A_2440 : vector<1x104xf32>
    %add3A_2443 = arith.addf %add3A_2422, %mul3A_2442 : vector<1x104xf32>
    %slice3A_2444 = vector.extract_strided_slice %reduce_sum3A_3 {offsets = [5, 22], sizes = [1, 104], strides = [1, 1]} : vector<12x144xf32> to vector<1x104xf32>
    %mul3A_2445 = vector.broadcast %mul3A_2431 : f32 to vector<1x104xf32>
    %mul3A_2446 = arith.mulf %mul3A_2445, %slice3A_2444 : vector<1x104xf32>
    %add3A_2447 = arith.addf %add3A_2439, %mul3A_2446 : vector<1x104xf32>
    %slice3A_2448 = vector.extract_strided_slice %reduce_sum3A_9 {offsets = [5, 22], sizes = [1, 104], strides = [1, 1]} : vector<12x144xf32> to vector<1x104xf32>
    %mul3A_2449 = vector.broadcast %mul3A_2431 : f32 to vector<1x104xf32>
    %mul3A_2450 = arith.mulf %mul3A_2449, %slice3A_2448 : vector<1x104xf32>
    %add3A_2451 = arith.addf %add3A_2443, %mul3A_2450 : vector<1x104xf32>
    %slice3A_2452 = vector.extract_strided_slice %reduce_sum3A_3 {offsets = [9, 22], sizes = [1, 104], strides = [1, 1]} : vector<12x144xf32> to vector<1x104xf32>
    %mul3A_2453 = vector.broadcast %mul3A_2435 : f32 to vector<1x104xf32>
    %mul3A_2454 = arith.mulf %mul3A_2453, %slice3A_2452 : vector<1x104xf32>
    %add3A_2455 = arith.addf %add3A_2447, %mul3A_2454 : vector<1x104xf32>
    %slice3A_2456 = vector.extract_strided_slice %reduce_sum3A_9 {offsets = [9, 22], sizes = [1, 104], strides = [1, 1]} : vector<12x144xf32> to vector<1x104xf32>
    %mul3A_2457 = vector.broadcast %mul3A_2435 : f32 to vector<1x104xf32>
    %mul3A_2458 = arith.mulf %mul3A_2457, %slice3A_2456 : vector<1x104xf32>
    %add3A_2459 = arith.addf %add3A_2451, %mul3A_2458 : vector<1x104xf32>
    %mul3A_2460 = arith.constant 2.600000e+01 : f32
    %mul3A_2461 = arith.mulf %mul3A_2460, %mul3A_18 : f32
    %mul3A_2462 = arith.mulf %mul3A_2461, %mul3A_2461 : f32
    %mul3A_2463 = arith.constant -5.000000e-01 : f32
    %mul3A_2464 = arith.mulf %mul3A_2463, %mul3A_2462 : f32
    %exp3A_2465 = math.exp %mul3A_2464 : f32
    %neg3A_2466 = arith.constant 0.000000e+00 : f32
    %neg3A_2467 = arith.subf %neg3A_2466, %exp3A_2465 : f32
    %mul3A_2468 = arith.mulf %neg3A_2467, %mul3A_2461 : f32
    %mul3A_2469 = arith.mulf %mul3A_2461, %mul3A_2461 : f32
    %sub3A_2470 = arith.constant 1.000000e+00 : f32
    %sub3A_2471 = arith.subf %mul3A_2469, %sub3A_2470 : f32
    %mul3A_2472 = arith.mulf %exp3A_2465, %sub3A_2471 : f32
    %slice3A_2473 = vector.extract_strided_slice %reduce_sum3A_3 {offsets = [2, 22], sizes = [1, 104], strides = [1, 1]} : vector<12x144xf32> to vector<1x104xf32>
    %mul3A_2474 = vector.broadcast %exp3A_2465 : f32 to vector<1x104xf32>
    %mul3A_2475 = arith.mulf %mul3A_2474, %slice3A_2473 : vector<1x104xf32>
    %add3A_2476 = arith.addf %add3A_2455, %mul3A_2475 : vector<1x104xf32>
    %slice3A_2477 = vector.extract_strided_slice %reduce_sum3A_9 {offsets = [2, 22], sizes = [1, 104], strides = [1, 1]} : vector<12x144xf32> to vector<1x104xf32>
    %mul3A_2478 = vector.broadcast %exp3A_2465 : f32 to vector<1x104xf32>
    %mul3A_2479 = arith.mulf %mul3A_2478, %slice3A_2477 : vector<1x104xf32>
    %add3A_2480 = arith.addf %add3A_2459, %mul3A_2479 : vector<1x104xf32>
    %slice3A_2481 = vector.extract_strided_slice %reduce_sum3A_3 {offsets = [6, 22], sizes = [1, 104], strides = [1, 1]} : vector<12x144xf32> to vector<1x104xf32>
    %mul3A_2482 = vector.broadcast %mul3A_2468 : f32 to vector<1x104xf32>
    %mul3A_2483 = arith.mulf %mul3A_2482, %slice3A_2481 : vector<1x104xf32>
    %add3A_2484 = arith.addf %add3A_2476, %mul3A_2483 : vector<1x104xf32>
    %slice3A_2485 = vector.extract_strided_slice %reduce_sum3A_9 {offsets = [6, 22], sizes = [1, 104], strides = [1, 1]} : vector<12x144xf32> to vector<1x104xf32>
    %mul3A_2486 = vector.broadcast %mul3A_2468 : f32 to vector<1x104xf32>
    %mul3A_2487 = arith.mulf %mul3A_2486, %slice3A_2485 : vector<1x104xf32>
    %add3A_2488 = arith.addf %add3A_2480, %mul3A_2487 : vector<1x104xf32>
    %slice3A_2489 = vector.extract_strided_slice %reduce_sum3A_3 {offsets = [10, 22], sizes = [1, 104], strides = [1, 1]} : vector<12x144xf32> to vector<1x104xf32>
    %mul3A_2490 = vector.broadcast %mul3A_2472 : f32 to vector<1x104xf32>
    %mul3A_2491 = arith.mulf %mul3A_2490, %slice3A_2489 : vector<1x104xf32>
    %add3A_2492 = arith.addf %add3A_2484, %mul3A_2491 : vector<1x104xf32>
    %slice3A_2493 = vector.extract_strided_slice %reduce_sum3A_9 {offsets = [10, 22], sizes = [1, 104], strides = [1, 1]} : vector<12x144xf32> to vector<1x104xf32>
    %mul3A_2494 = vector.broadcast %mul3A_2472 : f32 to vector<1x104xf32>
    %mul3A_2495 = arith.mulf %mul3A_2494, %slice3A_2493 : vector<1x104xf32>
    %add3A_2496 = arith.addf %add3A_2488, %mul3A_2495 : vector<1x104xf32>
    %mul3A_2497 = arith.constant 2.700000e+01 : f32
    %mul3A_2498 = arith.mulf %mul3A_2497, %mul3A_18 : f32
    %mul3A_2499 = arith.mulf %mul3A_2498, %mul3A_2498 : f32
    %mul3A_2500 = arith.constant -5.000000e-01 : f32
    %mul3A_2501 = arith.mulf %mul3A_2500, %mul3A_2499 : f32
    %exp3A_2502 = math.exp %mul3A_2501 : f32
    %neg3A_2503 = arith.constant 0.000000e+00 : f32
    %neg3A_2504 = arith.subf %neg3A_2503, %exp3A_2502 : f32
    %mul3A_2505 = arith.mulf %neg3A_2504, %mul3A_2498 : f32
    %mul3A_2506 = arith.mulf %mul3A_2498, %mul3A_2498 : f32
    %sub3A_2507 = arith.constant 1.000000e+00 : f32
    %sub3A_2508 = arith.subf %mul3A_2506, %sub3A_2507 : f32
    %mul3A_2509 = arith.mulf %exp3A_2502, %sub3A_2508 : f32
    %slice3A_2510 = vector.extract_strided_slice %reduce_sum3A_3 {offsets = [3, 22], sizes = [1, 104], strides = [1, 1]} : vector<12x144xf32> to vector<1x104xf32>
    %mul3A_2511 = vector.broadcast %exp3A_2502 : f32 to vector<1x104xf32>
    %mul3A_2512 = arith.mulf %mul3A_2511, %slice3A_2510 : vector<1x104xf32>
    %add3A_2513 = arith.addf %add3A_2492, %mul3A_2512 : vector<1x104xf32>
    %slice3A_2514 = vector.extract_strided_slice %reduce_sum3A_9 {offsets = [3, 22], sizes = [1, 104], strides = [1, 1]} : vector<12x144xf32> to vector<1x104xf32>
    %mul3A_2515 = vector.broadcast %exp3A_2502 : f32 to vector<1x104xf32>
    %mul3A_2516 = arith.mulf %mul3A_2515, %slice3A_2514 : vector<1x104xf32>
    %add3A_2517 = arith.addf %add3A_2496, %mul3A_2516 : vector<1x104xf32>
    %slice3A_2518 = vector.extract_strided_slice %reduce_sum3A_3 {offsets = [7, 22], sizes = [1, 104], strides = [1, 1]} : vector<12x144xf32> to vector<1x104xf32>
    %mul3A_2519 = vector.broadcast %mul3A_2505 : f32 to vector<1x104xf32>
    %mul3A_2520 = arith.mulf %mul3A_2519, %slice3A_2518 : vector<1x104xf32>
    %add3A_2521 = arith.addf %add3A_2513, %mul3A_2520 : vector<1x104xf32>
    %slice3A_2522 = vector.extract_strided_slice %reduce_sum3A_9 {offsets = [7, 22], sizes = [1, 104], strides = [1, 1]} : vector<12x144xf32> to vector<1x104xf32>
    %mul3A_2523 = vector.broadcast %mul3A_2505 : f32 to vector<1x104xf32>
    %mul3A_2524 = arith.mulf %mul3A_2523, %slice3A_2522 : vector<1x104xf32>
    %add3A_2525 = arith.addf %add3A_2517, %mul3A_2524 : vector<1x104xf32>
    %slice3A_2526 = vector.extract_strided_slice %reduce_sum3A_3 {offsets = [11, 22], sizes = [1, 104], strides = [1, 1]} : vector<12x144xf32> to vector<1x104xf32>
    %mul3A_2527 = vector.broadcast %mul3A_2509 : f32 to vector<1x104xf32>
    %mul3A_2528 = arith.mulf %mul3A_2527, %slice3A_2526 : vector<1x104xf32>
    %add3A_2529 = arith.addf %add3A_2521, %mul3A_2528 : vector<1x104xf32>
    %slice3A_2530 = vector.extract_strided_slice %reduce_sum3A_9 {offsets = [11, 22], sizes = [1, 104], strides = [1, 1]} : vector<12x144xf32> to vector<1x104xf32>
    %mul3A_2531 = vector.broadcast %mul3A_2509 : f32 to vector<1x104xf32>
    %mul3A_2532 = arith.mulf %mul3A_2531, %slice3A_2530 : vector<1x104xf32>
    %add3A_2533 = arith.addf %add3A_2525, %mul3A_2532 : vector<1x104xf32>
    %mul3A_2534 = arith.constant 2.800000e+01 : f32
    %mul3A_2535 = arith.mulf %mul3A_2534, %mul3A_18 : f32
    %mul3A_2536 = arith.mulf %mul3A_2535, %mul3A_2535 : f32
    %mul3A_2537 = arith.constant -5.000000e-01 : f32
    %mul3A_2538 = arith.mulf %mul3A_2537, %mul3A_2536 : f32
    %exp3A_2539 = math.exp %mul3A_2538 : f32
    %neg3A_2540 = arith.constant 0.000000e+00 : f32
    %neg3A_2541 = arith.subf %neg3A_2540, %exp3A_2539 : f32
    %mul3A_2542 = arith.mulf %neg3A_2541, %mul3A_2535 : f32
    %mul3A_2543 = arith.mulf %mul3A_2535, %mul3A_2535 : f32
    %sub3A_2544 = arith.constant 1.000000e+00 : f32
    %sub3A_2545 = arith.subf %mul3A_2543, %sub3A_2544 : f32
    %mul3A_2546 = arith.mulf %exp3A_2539, %sub3A_2545 : f32
    %slice3A_2547 = vector.extract_strided_slice %reduce_sum3A_3 {offsets = [0, 23], sizes = [1, 104], strides = [1, 1]} : vector<12x144xf32> to vector<1x104xf32>
    %mul3A_2548 = vector.broadcast %exp3A_2539 : f32 to vector<1x104xf32>
    %mul3A_2549 = arith.mulf %mul3A_2548, %slice3A_2547 : vector<1x104xf32>
    %add3A_2550 = arith.addf %add3A_2529, %mul3A_2549 : vector<1x104xf32>
    %slice3A_2551 = vector.extract_strided_slice %reduce_sum3A_9 {offsets = [0, 23], sizes = [1, 104], strides = [1, 1]} : vector<12x144xf32> to vector<1x104xf32>
    %mul3A_2552 = vector.broadcast %exp3A_2539 : f32 to vector<1x104xf32>
    %mul3A_2553 = arith.mulf %mul3A_2552, %slice3A_2551 : vector<1x104xf32>
    %add3A_2554 = arith.addf %add3A_2533, %mul3A_2553 : vector<1x104xf32>
    %slice3A_2555 = vector.extract_strided_slice %reduce_sum3A_3 {offsets = [4, 23], sizes = [1, 104], strides = [1, 1]} : vector<12x144xf32> to vector<1x104xf32>
    %mul3A_2556 = vector.broadcast %mul3A_2542 : f32 to vector<1x104xf32>
    %mul3A_2557 = arith.mulf %mul3A_2556, %slice3A_2555 : vector<1x104xf32>
    %add3A_2558 = arith.addf %add3A_2550, %mul3A_2557 : vector<1x104xf32>
    %slice3A_2559 = vector.extract_strided_slice %reduce_sum3A_9 {offsets = [4, 23], sizes = [1, 104], strides = [1, 1]} : vector<12x144xf32> to vector<1x104xf32>
    %mul3A_2560 = vector.broadcast %mul3A_2542 : f32 to vector<1x104xf32>
    %mul3A_2561 = arith.mulf %mul3A_2560, %slice3A_2559 : vector<1x104xf32>
    %add3A_2562 = arith.addf %add3A_2554, %mul3A_2561 : vector<1x104xf32>
    %slice3A_2563 = vector.extract_strided_slice %reduce_sum3A_3 {offsets = [8, 23], sizes = [1, 104], strides = [1, 1]} : vector<12x144xf32> to vector<1x104xf32>
    %mul3A_2564 = vector.broadcast %mul3A_2546 : f32 to vector<1x104xf32>
    %mul3A_2565 = arith.mulf %mul3A_2564, %slice3A_2563 : vector<1x104xf32>
    %add3A_2566 = arith.addf %add3A_2558, %mul3A_2565 : vector<1x104xf32>
    %slice3A_2567 = vector.extract_strided_slice %reduce_sum3A_9 {offsets = [8, 23], sizes = [1, 104], strides = [1, 1]} : vector<12x144xf32> to vector<1x104xf32>
    %mul3A_2568 = vector.broadcast %mul3A_2546 : f32 to vector<1x104xf32>
    %mul3A_2569 = arith.mulf %mul3A_2568, %slice3A_2567 : vector<1x104xf32>
    %add3A_2570 = arith.addf %add3A_2562, %mul3A_2569 : vector<1x104xf32>
    %mul3A_2571 = arith.constant 2.900000e+01 : f32
    %mul3A_2572 = arith.mulf %mul3A_2571, %mul3A_18 : f32
    %mul3A_2573 = arith.mulf %mul3A_2572, %mul3A_2572 : f32
    %mul3A_2574 = arith.constant -5.000000e-01 : f32
    %mul3A_2575 = arith.mulf %mul3A_2574, %mul3A_2573 : f32
    %exp3A_2576 = math.exp %mul3A_2575 : f32
    %neg3A_2577 = arith.constant 0.000000e+00 : f32
    %neg3A_2578 = arith.subf %neg3A_2577, %exp3A_2576 : f32
    %mul3A_2579 = arith.mulf %neg3A_2578, %mul3A_2572 : f32
    %mul3A_2580 = arith.mulf %mul3A_2572, %mul3A_2572 : f32
    %sub3A_2581 = arith.constant 1.000000e+00 : f32
    %sub3A_2582 = arith.subf %mul3A_2580, %sub3A_2581 : f32
    %mul3A_2583 = arith.mulf %exp3A_2576, %sub3A_2582 : f32
    %slice3A_2584 = vector.extract_strided_slice %reduce_sum3A_3 {offsets = [1, 23], sizes = [1, 104], strides = [1, 1]} : vector<12x144xf32> to vector<1x104xf32>
    %mul3A_2585 = vector.broadcast %exp3A_2576 : f32 to vector<1x104xf32>
    %mul3A_2586 = arith.mulf %mul3A_2585, %slice3A_2584 : vector<1x104xf32>
    %add3A_2587 = arith.addf %add3A_2566, %mul3A_2586 : vector<1x104xf32>
    %slice3A_2588 = vector.extract_strided_slice %reduce_sum3A_9 {offsets = [1, 23], sizes = [1, 104], strides = [1, 1]} : vector<12x144xf32> to vector<1x104xf32>
    %mul3A_2589 = vector.broadcast %exp3A_2576 : f32 to vector<1x104xf32>
    %mul3A_2590 = arith.mulf %mul3A_2589, %slice3A_2588 : vector<1x104xf32>
    %add3A_2591 = arith.addf %add3A_2570, %mul3A_2590 : vector<1x104xf32>
    %slice3A_2592 = vector.extract_strided_slice %reduce_sum3A_3 {offsets = [5, 23], sizes = [1, 104], strides = [1, 1]} : vector<12x144xf32> to vector<1x104xf32>
    %mul3A_2593 = vector.broadcast %mul3A_2579 : f32 to vector<1x104xf32>
    %mul3A_2594 = arith.mulf %mul3A_2593, %slice3A_2592 : vector<1x104xf32>
    %add3A_2595 = arith.addf %add3A_2587, %mul3A_2594 : vector<1x104xf32>
    %slice3A_2596 = vector.extract_strided_slice %reduce_sum3A_9 {offsets = [5, 23], sizes = [1, 104], strides = [1, 1]} : vector<12x144xf32> to vector<1x104xf32>
    %mul3A_2597 = vector.broadcast %mul3A_2579 : f32 to vector<1x104xf32>
    %mul3A_2598 = arith.mulf %mul3A_2597, %slice3A_2596 : vector<1x104xf32>
    %add3A_2599 = arith.addf %add3A_2591, %mul3A_2598 : vector<1x104xf32>
    %slice3A_2600 = vector.extract_strided_slice %reduce_sum3A_3 {offsets = [9, 23], sizes = [1, 104], strides = [1, 1]} : vector<12x144xf32> to vector<1x104xf32>
    %mul3A_2601 = vector.broadcast %mul3A_2583 : f32 to vector<1x104xf32>
    %mul3A_2602 = arith.mulf %mul3A_2601, %slice3A_2600 : vector<1x104xf32>
    %add3A_2603 = arith.addf %add3A_2595, %mul3A_2602 : vector<1x104xf32>
    %slice3A_2604 = vector.extract_strided_slice %reduce_sum3A_9 {offsets = [9, 23], sizes = [1, 104], strides = [1, 1]} : vector<12x144xf32> to vector<1x104xf32>
    %mul3A_2605 = vector.broadcast %mul3A_2583 : f32 to vector<1x104xf32>
    %mul3A_2606 = arith.mulf %mul3A_2605, %slice3A_2604 : vector<1x104xf32>
    %add3A_2607 = arith.addf %add3A_2599, %mul3A_2606 : vector<1x104xf32>
    %mul3A_2608 = arith.constant 3.000000e+01 : f32
    %mul3A_2609 = arith.mulf %mul3A_2608, %mul3A_18 : f32
    %mul3A_2610 = arith.mulf %mul3A_2609, %mul3A_2609 : f32
    %mul3A_2611 = arith.constant -5.000000e-01 : f32
    %mul3A_2612 = arith.mulf %mul3A_2611, %mul3A_2610 : f32
    %exp3A_2613 = math.exp %mul3A_2612 : f32
    %neg3A_2614 = arith.constant 0.000000e+00 : f32
    %neg3A_2615 = arith.subf %neg3A_2614, %exp3A_2613 : f32
    %mul3A_2616 = arith.mulf %neg3A_2615, %mul3A_2609 : f32
    %mul3A_2617 = arith.mulf %mul3A_2609, %mul3A_2609 : f32
    %sub3A_2618 = arith.constant 1.000000e+00 : f32
    %sub3A_2619 = arith.subf %mul3A_2617, %sub3A_2618 : f32
    %mul3A_2620 = arith.mulf %exp3A_2613, %sub3A_2619 : f32
    %slice3A_2621 = vector.extract_strided_slice %reduce_sum3A_3 {offsets = [2, 23], sizes = [1, 104], strides = [1, 1]} : vector<12x144xf32> to vector<1x104xf32>
    %mul3A_2622 = vector.broadcast %exp3A_2613 : f32 to vector<1x104xf32>
    %mul3A_2623 = arith.mulf %mul3A_2622, %slice3A_2621 : vector<1x104xf32>
    %add3A_2624 = arith.addf %add3A_2603, %mul3A_2623 : vector<1x104xf32>
    %slice3A_2625 = vector.extract_strided_slice %reduce_sum3A_9 {offsets = [2, 23], sizes = [1, 104], strides = [1, 1]} : vector<12x144xf32> to vector<1x104xf32>
    %mul3A_2626 = vector.broadcast %exp3A_2613 : f32 to vector<1x104xf32>
    %mul3A_2627 = arith.mulf %mul3A_2626, %slice3A_2625 : vector<1x104xf32>
    %add3A_2628 = arith.addf %add3A_2607, %mul3A_2627 : vector<1x104xf32>
    %slice3A_2629 = vector.extract_strided_slice %reduce_sum3A_3 {offsets = [6, 23], sizes = [1, 104], strides = [1, 1]} : vector<12x144xf32> to vector<1x104xf32>
    %mul3A_2630 = vector.broadcast %mul3A_2616 : f32 to vector<1x104xf32>
    %mul3A_2631 = arith.mulf %mul3A_2630, %slice3A_2629 : vector<1x104xf32>
    %add3A_2632 = arith.addf %add3A_2624, %mul3A_2631 : vector<1x104xf32>
    %slice3A_2633 = vector.extract_strided_slice %reduce_sum3A_9 {offsets = [6, 23], sizes = [1, 104], strides = [1, 1]} : vector<12x144xf32> to vector<1x104xf32>
    %mul3A_2634 = vector.broadcast %mul3A_2616 : f32 to vector<1x104xf32>
    %mul3A_2635 = arith.mulf %mul3A_2634, %slice3A_2633 : vector<1x104xf32>
    %add3A_2636 = arith.addf %add3A_2628, %mul3A_2635 : vector<1x104xf32>
    %slice3A_2637 = vector.extract_strided_slice %reduce_sum3A_3 {offsets = [10, 23], sizes = [1, 104], strides = [1, 1]} : vector<12x144xf32> to vector<1x104xf32>
    %mul3A_2638 = vector.broadcast %mul3A_2620 : f32 to vector<1x104xf32>
    %mul3A_2639 = arith.mulf %mul3A_2638, %slice3A_2637 : vector<1x104xf32>
    %add3A_2640 = arith.addf %add3A_2632, %mul3A_2639 : vector<1x104xf32>
    %slice3A_2641 = vector.extract_strided_slice %reduce_sum3A_9 {offsets = [10, 23], sizes = [1, 104], strides = [1, 1]} : vector<12x144xf32> to vector<1x104xf32>
    %mul3A_2642 = vector.broadcast %mul3A_2620 : f32 to vector<1x104xf32>
    %mul3A_2643 = arith.mulf %mul3A_2642, %slice3A_2641 : vector<1x104xf32>
    %add3A_2644 = arith.addf %add3A_2636, %mul3A_2643 : vector<1x104xf32>
    %mul3A_2645 = arith.constant 3.100000e+01 : f32
    %mul3A_2646 = arith.mulf %mul3A_2645, %mul3A_18 : f32
    %mul3A_2647 = arith.mulf %mul3A_2646, %mul3A_2646 : f32
    %mul3A_2648 = arith.constant -5.000000e-01 : f32
    %mul3A_2649 = arith.mulf %mul3A_2648, %mul3A_2647 : f32
    %exp3A_2650 = math.exp %mul3A_2649 : f32
    %neg3A_2651 = arith.constant 0.000000e+00 : f32
    %neg3A_2652 = arith.subf %neg3A_2651, %exp3A_2650 : f32
    %mul3A_2653 = arith.mulf %neg3A_2652, %mul3A_2646 : f32
    %mul3A_2654 = arith.mulf %mul3A_2646, %mul3A_2646 : f32
    %sub3A_2655 = arith.constant 1.000000e+00 : f32
    %sub3A_2656 = arith.subf %mul3A_2654, %sub3A_2655 : f32
    %mul3A_2657 = arith.mulf %exp3A_2650, %sub3A_2656 : f32
    %slice3A_2658 = vector.extract_strided_slice %reduce_sum3A_3 {offsets = [3, 23], sizes = [1, 104], strides = [1, 1]} : vector<12x144xf32> to vector<1x104xf32>
    %mul3A_2659 = vector.broadcast %exp3A_2650 : f32 to vector<1x104xf32>
    %mul3A_2660 = arith.mulf %mul3A_2659, %slice3A_2658 : vector<1x104xf32>
    %add3A_2661 = arith.addf %add3A_2640, %mul3A_2660 : vector<1x104xf32>
    %slice3A_2662 = vector.extract_strided_slice %reduce_sum3A_9 {offsets = [3, 23], sizes = [1, 104], strides = [1, 1]} : vector<12x144xf32> to vector<1x104xf32>
    %mul3A_2663 = vector.broadcast %exp3A_2650 : f32 to vector<1x104xf32>
    %mul3A_2664 = arith.mulf %mul3A_2663, %slice3A_2662 : vector<1x104xf32>
    %add3A_2665 = arith.addf %add3A_2644, %mul3A_2664 : vector<1x104xf32>
    %slice3A_2666 = vector.extract_strided_slice %reduce_sum3A_3 {offsets = [7, 23], sizes = [1, 104], strides = [1, 1]} : vector<12x144xf32> to vector<1x104xf32>
    %mul3A_2667 = vector.broadcast %mul3A_2653 : f32 to vector<1x104xf32>
    %mul3A_2668 = arith.mulf %mul3A_2667, %slice3A_2666 : vector<1x104xf32>
    %add3A_2669 = arith.addf %add3A_2661, %mul3A_2668 : vector<1x104xf32>
    %slice3A_2670 = vector.extract_strided_slice %reduce_sum3A_9 {offsets = [7, 23], sizes = [1, 104], strides = [1, 1]} : vector<12x144xf32> to vector<1x104xf32>
    %mul3A_2671 = vector.broadcast %mul3A_2653 : f32 to vector<1x104xf32>
    %mul3A_2672 = arith.mulf %mul3A_2671, %slice3A_2670 : vector<1x104xf32>
    %add3A_2673 = arith.addf %add3A_2665, %mul3A_2672 : vector<1x104xf32>
    %slice3A_2674 = vector.extract_strided_slice %reduce_sum3A_3 {offsets = [11, 23], sizes = [1, 104], strides = [1, 1]} : vector<12x144xf32> to vector<1x104xf32>
    %mul3A_2675 = vector.broadcast %mul3A_2657 : f32 to vector<1x104xf32>
    %mul3A_2676 = arith.mulf %mul3A_2675, %slice3A_2674 : vector<1x104xf32>
    %add3A_2677 = arith.addf %add3A_2669, %mul3A_2676 : vector<1x104xf32>
    %slice3A_2678 = vector.extract_strided_slice %reduce_sum3A_9 {offsets = [11, 23], sizes = [1, 104], strides = [1, 1]} : vector<12x144xf32> to vector<1x104xf32>
    %mul3A_2679 = vector.broadcast %mul3A_2657 : f32 to vector<1x104xf32>
    %mul3A_2680 = arith.mulf %mul3A_2679, %slice3A_2678 : vector<1x104xf32>
    %add3A_2681 = arith.addf %add3A_2673, %mul3A_2680 : vector<1x104xf32>
    %mul3A_2682 = arith.constant 3.200000e+01 : f32
    %mul3A_2683 = arith.mulf %mul3A_2682, %mul3A_18 : f32
    %mul3A_2684 = arith.mulf %mul3A_2683, %mul3A_2683 : f32
    %mul3A_2685 = arith.constant -5.000000e-01 : f32
    %mul3A_2686 = arith.mulf %mul3A_2685, %mul3A_2684 : f32
    %exp3A_2687 = math.exp %mul3A_2686 : f32
    %neg3A_2688 = arith.constant 0.000000e+00 : f32
    %neg3A_2689 = arith.subf %neg3A_2688, %exp3A_2687 : f32
    %mul3A_2690 = arith.mulf %neg3A_2689, %mul3A_2683 : f32
    %mul3A_2691 = arith.mulf %mul3A_2683, %mul3A_2683 : f32
    %sub3A_2692 = arith.constant 1.000000e+00 : f32
    %sub3A_2693 = arith.subf %mul3A_2691, %sub3A_2692 : f32
    %mul3A_2694 = arith.mulf %exp3A_2687, %sub3A_2693 : f32
    %slice3A_2695 = vector.extract_strided_slice %reduce_sum3A_3 {offsets = [0, 24], sizes = [1, 104], strides = [1, 1]} : vector<12x144xf32> to vector<1x104xf32>
    %mul3A_2696 = vector.broadcast %exp3A_2687 : f32 to vector<1x104xf32>
    %mul3A_2697 = arith.mulf %mul3A_2696, %slice3A_2695 : vector<1x104xf32>
    %add3A_2698 = arith.addf %add3A_2677, %mul3A_2697 : vector<1x104xf32>
    %slice3A_2699 = vector.extract_strided_slice %reduce_sum3A_9 {offsets = [0, 24], sizes = [1, 104], strides = [1, 1]} : vector<12x144xf32> to vector<1x104xf32>
    %mul3A_2700 = vector.broadcast %exp3A_2687 : f32 to vector<1x104xf32>
    %mul3A_2701 = arith.mulf %mul3A_2700, %slice3A_2699 : vector<1x104xf32>
    %add3A_2702 = arith.addf %add3A_2681, %mul3A_2701 : vector<1x104xf32>
    %slice3A_2703 = vector.extract_strided_slice %reduce_sum3A_3 {offsets = [4, 24], sizes = [1, 104], strides = [1, 1]} : vector<12x144xf32> to vector<1x104xf32>
    %mul3A_2704 = vector.broadcast %mul3A_2690 : f32 to vector<1x104xf32>
    %mul3A_2705 = arith.mulf %mul3A_2704, %slice3A_2703 : vector<1x104xf32>
    %add3A_2706 = arith.addf %add3A_2698, %mul3A_2705 : vector<1x104xf32>
    %slice3A_2707 = vector.extract_strided_slice %reduce_sum3A_9 {offsets = [4, 24], sizes = [1, 104], strides = [1, 1]} : vector<12x144xf32> to vector<1x104xf32>
    %mul3A_2708 = vector.broadcast %mul3A_2690 : f32 to vector<1x104xf32>
    %mul3A_2709 = arith.mulf %mul3A_2708, %slice3A_2707 : vector<1x104xf32>
    %add3A_2710 = arith.addf %add3A_2702, %mul3A_2709 : vector<1x104xf32>
    %slice3A_2711 = vector.extract_strided_slice %reduce_sum3A_3 {offsets = [8, 24], sizes = [1, 104], strides = [1, 1]} : vector<12x144xf32> to vector<1x104xf32>
    %mul3A_2712 = vector.broadcast %mul3A_2694 : f32 to vector<1x104xf32>
    %mul3A_2713 = arith.mulf %mul3A_2712, %slice3A_2711 : vector<1x104xf32>
    %add3A_2714 = arith.addf %add3A_2706, %mul3A_2713 : vector<1x104xf32>
    %slice3A_2715 = vector.extract_strided_slice %reduce_sum3A_9 {offsets = [8, 24], sizes = [1, 104], strides = [1, 1]} : vector<12x144xf32> to vector<1x104xf32>
    %mul3A_2716 = vector.broadcast %mul3A_2694 : f32 to vector<1x104xf32>
    %mul3A_2717 = arith.mulf %mul3A_2716, %slice3A_2715 : vector<1x104xf32>
    %add3A_2718 = arith.addf %add3A_2710, %mul3A_2717 : vector<1x104xf32>
    %mul3A_2719 = arith.constant 3.300000e+01 : f32
    %mul3A_2720 = arith.mulf %mul3A_2719, %mul3A_18 : f32
    %mul3A_2721 = arith.mulf %mul3A_2720, %mul3A_2720 : f32
    %mul3A_2722 = arith.constant -5.000000e-01 : f32
    %mul3A_2723 = arith.mulf %mul3A_2722, %mul3A_2721 : f32
    %exp3A_2724 = math.exp %mul3A_2723 : f32
    %neg3A_2725 = arith.constant 0.000000e+00 : f32
    %neg3A_2726 = arith.subf %neg3A_2725, %exp3A_2724 : f32
    %mul3A_2727 = arith.mulf %neg3A_2726, %mul3A_2720 : f32
    %mul3A_2728 = arith.mulf %mul3A_2720, %mul3A_2720 : f32
    %sub3A_2729 = arith.constant 1.000000e+00 : f32
    %sub3A_2730 = arith.subf %mul3A_2728, %sub3A_2729 : f32
    %mul3A_2731 = arith.mulf %exp3A_2724, %sub3A_2730 : f32
    %slice3A_2732 = vector.extract_strided_slice %reduce_sum3A_3 {offsets = [1, 24], sizes = [1, 104], strides = [1, 1]} : vector<12x144xf32> to vector<1x104xf32>
    %mul3A_2733 = vector.broadcast %exp3A_2724 : f32 to vector<1x104xf32>
    %mul3A_2734 = arith.mulf %mul3A_2733, %slice3A_2732 : vector<1x104xf32>
    %add3A_2735 = arith.addf %add3A_2714, %mul3A_2734 : vector<1x104xf32>
    %slice3A_2736 = vector.extract_strided_slice %reduce_sum3A_9 {offsets = [1, 24], sizes = [1, 104], strides = [1, 1]} : vector<12x144xf32> to vector<1x104xf32>
    %mul3A_2737 = vector.broadcast %exp3A_2724 : f32 to vector<1x104xf32>
    %mul3A_2738 = arith.mulf %mul3A_2737, %slice3A_2736 : vector<1x104xf32>
    %add3A_2739 = arith.addf %add3A_2718, %mul3A_2738 : vector<1x104xf32>
    %slice3A_2740 = vector.extract_strided_slice %reduce_sum3A_3 {offsets = [5, 24], sizes = [1, 104], strides = [1, 1]} : vector<12x144xf32> to vector<1x104xf32>
    %mul3A_2741 = vector.broadcast %mul3A_2727 : f32 to vector<1x104xf32>
    %mul3A_2742 = arith.mulf %mul3A_2741, %slice3A_2740 : vector<1x104xf32>
    %add3A_2743 = arith.addf %add3A_2735, %mul3A_2742 : vector<1x104xf32>
    %slice3A_2744 = vector.extract_strided_slice %reduce_sum3A_9 {offsets = [5, 24], sizes = [1, 104], strides = [1, 1]} : vector<12x144xf32> to vector<1x104xf32>
    %mul3A_2745 = vector.broadcast %mul3A_2727 : f32 to vector<1x104xf32>
    %mul3A_2746 = arith.mulf %mul3A_2745, %slice3A_2744 : vector<1x104xf32>
    %add3A_2747 = arith.addf %add3A_2739, %mul3A_2746 : vector<1x104xf32>
    %slice3A_2748 = vector.extract_strided_slice %reduce_sum3A_3 {offsets = [9, 24], sizes = [1, 104], strides = [1, 1]} : vector<12x144xf32> to vector<1x104xf32>
    %mul3A_2749 = vector.broadcast %mul3A_2731 : f32 to vector<1x104xf32>
    %mul3A_2750 = arith.mulf %mul3A_2749, %slice3A_2748 : vector<1x104xf32>
    %add3A_2751 = arith.addf %add3A_2743, %mul3A_2750 : vector<1x104xf32>
    %slice3A_2752 = vector.extract_strided_slice %reduce_sum3A_9 {offsets = [9, 24], sizes = [1, 104], strides = [1, 1]} : vector<12x144xf32> to vector<1x104xf32>
    %mul3A_2753 = vector.broadcast %mul3A_2731 : f32 to vector<1x104xf32>
    %mul3A_2754 = arith.mulf %mul3A_2753, %slice3A_2752 : vector<1x104xf32>
    %add3A_2755 = arith.addf %add3A_2747, %mul3A_2754 : vector<1x104xf32>
    %mul3A_2756 = arith.constant 3.400000e+01 : f32
    %mul3A_2757 = arith.mulf %mul3A_2756, %mul3A_18 : f32
    %mul3A_2758 = arith.mulf %mul3A_2757, %mul3A_2757 : f32
    %mul3A_2759 = arith.constant -5.000000e-01 : f32
    %mul3A_2760 = arith.mulf %mul3A_2759, %mul3A_2758 : f32
    %exp3A_2761 = math.exp %mul3A_2760 : f32
    %neg3A_2762 = arith.constant 0.000000e+00 : f32
    %neg3A_2763 = arith.subf %neg3A_2762, %exp3A_2761 : f32
    %mul3A_2764 = arith.mulf %neg3A_2763, %mul3A_2757 : f32
    %mul3A_2765 = arith.mulf %mul3A_2757, %mul3A_2757 : f32
    %sub3A_2766 = arith.constant 1.000000e+00 : f32
    %sub3A_2767 = arith.subf %mul3A_2765, %sub3A_2766 : f32
    %mul3A_2768 = arith.mulf %exp3A_2761, %sub3A_2767 : f32
    %slice3A_2769 = vector.extract_strided_slice %reduce_sum3A_3 {offsets = [2, 24], sizes = [1, 104], strides = [1, 1]} : vector<12x144xf32> to vector<1x104xf32>
    %mul3A_2770 = vector.broadcast %exp3A_2761 : f32 to vector<1x104xf32>
    %mul3A_2771 = arith.mulf %mul3A_2770, %slice3A_2769 : vector<1x104xf32>
    %add3A_2772 = arith.addf %add3A_2751, %mul3A_2771 : vector<1x104xf32>
    %slice3A_2773 = vector.extract_strided_slice %reduce_sum3A_9 {offsets = [2, 24], sizes = [1, 104], strides = [1, 1]} : vector<12x144xf32> to vector<1x104xf32>
    %mul3A_2774 = vector.broadcast %exp3A_2761 : f32 to vector<1x104xf32>
    %mul3A_2775 = arith.mulf %mul3A_2774, %slice3A_2773 : vector<1x104xf32>
    %add3A_2776 = arith.addf %add3A_2755, %mul3A_2775 : vector<1x104xf32>
    %slice3A_2777 = vector.extract_strided_slice %reduce_sum3A_3 {offsets = [6, 24], sizes = [1, 104], strides = [1, 1]} : vector<12x144xf32> to vector<1x104xf32>
    %mul3A_2778 = vector.broadcast %mul3A_2764 : f32 to vector<1x104xf32>
    %mul3A_2779 = arith.mulf %mul3A_2778, %slice3A_2777 : vector<1x104xf32>
    %add3A_2780 = arith.addf %add3A_2772, %mul3A_2779 : vector<1x104xf32>
    %slice3A_2781 = vector.extract_strided_slice %reduce_sum3A_9 {offsets = [6, 24], sizes = [1, 104], strides = [1, 1]} : vector<12x144xf32> to vector<1x104xf32>
    %mul3A_2782 = vector.broadcast %mul3A_2764 : f32 to vector<1x104xf32>
    %mul3A_2783 = arith.mulf %mul3A_2782, %slice3A_2781 : vector<1x104xf32>
    %add3A_2784 = arith.addf %add3A_2776, %mul3A_2783 : vector<1x104xf32>
    %slice3A_2785 = vector.extract_strided_slice %reduce_sum3A_3 {offsets = [10, 24], sizes = [1, 104], strides = [1, 1]} : vector<12x144xf32> to vector<1x104xf32>
    %mul3A_2786 = vector.broadcast %mul3A_2768 : f32 to vector<1x104xf32>
    %mul3A_2787 = arith.mulf %mul3A_2786, %slice3A_2785 : vector<1x104xf32>
    %add3A_2788 = arith.addf %add3A_2780, %mul3A_2787 : vector<1x104xf32>
    %slice3A_2789 = vector.extract_strided_slice %reduce_sum3A_9 {offsets = [10, 24], sizes = [1, 104], strides = [1, 1]} : vector<12x144xf32> to vector<1x104xf32>
    %mul3A_2790 = vector.broadcast %mul3A_2768 : f32 to vector<1x104xf32>
    %mul3A_2791 = arith.mulf %mul3A_2790, %slice3A_2789 : vector<1x104xf32>
    %add3A_2792 = arith.addf %add3A_2784, %mul3A_2791 : vector<1x104xf32>
    %mul3A_2793 = arith.constant 3.500000e+01 : f32
    %mul3A_2794 = arith.mulf %mul3A_2793, %mul3A_18 : f32
    %mul3A_2795 = arith.mulf %mul3A_2794, %mul3A_2794 : f32
    %mul3A_2796 = arith.constant -5.000000e-01 : f32
    %mul3A_2797 = arith.mulf %mul3A_2796, %mul3A_2795 : f32
    %exp3A_2798 = math.exp %mul3A_2797 : f32
    %neg3A_2799 = arith.constant 0.000000e+00 : f32
    %neg3A_2800 = arith.subf %neg3A_2799, %exp3A_2798 : f32
    %mul3A_2801 = arith.mulf %neg3A_2800, %mul3A_2794 : f32
    %mul3A_2802 = arith.mulf %mul3A_2794, %mul3A_2794 : f32
    %sub3A_2803 = arith.constant 1.000000e+00 : f32
    %sub3A_2804 = arith.subf %mul3A_2802, %sub3A_2803 : f32
    %mul3A_2805 = arith.mulf %exp3A_2798, %sub3A_2804 : f32
    %slice3A_2806 = vector.extract_strided_slice %reduce_sum3A_3 {offsets = [3, 24], sizes = [1, 104], strides = [1, 1]} : vector<12x144xf32> to vector<1x104xf32>
    %mul3A_2807 = vector.broadcast %exp3A_2798 : f32 to vector<1x104xf32>
    %mul3A_2808 = arith.mulf %mul3A_2807, %slice3A_2806 : vector<1x104xf32>
    %add3A_2809 = arith.addf %add3A_2788, %mul3A_2808 : vector<1x104xf32>
    %slice3A_2810 = vector.extract_strided_slice %reduce_sum3A_9 {offsets = [3, 24], sizes = [1, 104], strides = [1, 1]} : vector<12x144xf32> to vector<1x104xf32>
    %mul3A_2811 = vector.broadcast %exp3A_2798 : f32 to vector<1x104xf32>
    %mul3A_2812 = arith.mulf %mul3A_2811, %slice3A_2810 : vector<1x104xf32>
    %add3A_2813 = arith.addf %add3A_2792, %mul3A_2812 : vector<1x104xf32>
    %slice3A_2814 = vector.extract_strided_slice %reduce_sum3A_3 {offsets = [7, 24], sizes = [1, 104], strides = [1, 1]} : vector<12x144xf32> to vector<1x104xf32>
    %mul3A_2815 = vector.broadcast %mul3A_2801 : f32 to vector<1x104xf32>
    %mul3A_2816 = arith.mulf %mul3A_2815, %slice3A_2814 : vector<1x104xf32>
    %add3A_2817 = arith.addf %add3A_2809, %mul3A_2816 : vector<1x104xf32>
    %slice3A_2818 = vector.extract_strided_slice %reduce_sum3A_9 {offsets = [7, 24], sizes = [1, 104], strides = [1, 1]} : vector<12x144xf32> to vector<1x104xf32>
    %mul3A_2819 = vector.broadcast %mul3A_2801 : f32 to vector<1x104xf32>
    %mul3A_2820 = arith.mulf %mul3A_2819, %slice3A_2818 : vector<1x104xf32>
    %add3A_2821 = arith.addf %add3A_2813, %mul3A_2820 : vector<1x104xf32>
    %slice3A_2822 = vector.extract_strided_slice %reduce_sum3A_3 {offsets = [11, 24], sizes = [1, 104], strides = [1, 1]} : vector<12x144xf32> to vector<1x104xf32>
    %mul3A_2823 = vector.broadcast %mul3A_2805 : f32 to vector<1x104xf32>
    %mul3A_2824 = arith.mulf %mul3A_2823, %slice3A_2822 : vector<1x104xf32>
    %add3A_2825 = arith.addf %add3A_2817, %mul3A_2824 : vector<1x104xf32>
    %slice3A_2826 = vector.extract_strided_slice %reduce_sum3A_9 {offsets = [11, 24], sizes = [1, 104], strides = [1, 1]} : vector<12x144xf32> to vector<1x104xf32>
    %mul3A_2827 = vector.broadcast %mul3A_2805 : f32 to vector<1x104xf32>
    %mul3A_2828 = arith.mulf %mul3A_2827, %slice3A_2826 : vector<1x104xf32>
    %add3A_2829 = arith.addf %add3A_2821, %mul3A_2828 : vector<1x104xf32>
    %mul3A_2830 = arith.constant 3.600000e+01 : f32
    %mul3A_2831 = arith.mulf %mul3A_2830, %mul3A_18 : f32
    %mul3A_2832 = arith.mulf %mul3A_2831, %mul3A_2831 : f32
    %mul3A_2833 = arith.constant -5.000000e-01 : f32
    %mul3A_2834 = arith.mulf %mul3A_2833, %mul3A_2832 : f32
    %exp3A_2835 = math.exp %mul3A_2834 : f32
    %neg3A_2836 = arith.constant 0.000000e+00 : f32
    %neg3A_2837 = arith.subf %neg3A_2836, %exp3A_2835 : f32
    %mul3A_2838 = arith.mulf %neg3A_2837, %mul3A_2831 : f32
    %mul3A_2839 = arith.mulf %mul3A_2831, %mul3A_2831 : f32
    %sub3A_2840 = arith.constant 1.000000e+00 : f32
    %sub3A_2841 = arith.subf %mul3A_2839, %sub3A_2840 : f32
    %mul3A_2842 = arith.mulf %exp3A_2835, %sub3A_2841 : f32
    %slice3A_2843 = vector.extract_strided_slice %reduce_sum3A_3 {offsets = [0, 25], sizes = [1, 104], strides = [1, 1]} : vector<12x144xf32> to vector<1x104xf32>
    %mul3A_2844 = vector.broadcast %exp3A_2835 : f32 to vector<1x104xf32>
    %mul3A_2845 = arith.mulf %mul3A_2844, %slice3A_2843 : vector<1x104xf32>
    %add3A_2846 = arith.addf %add3A_2825, %mul3A_2845 : vector<1x104xf32>
    %slice3A_2847 = vector.extract_strided_slice %reduce_sum3A_9 {offsets = [0, 25], sizes = [1, 104], strides = [1, 1]} : vector<12x144xf32> to vector<1x104xf32>
    %mul3A_2848 = vector.broadcast %exp3A_2835 : f32 to vector<1x104xf32>
    %mul3A_2849 = arith.mulf %mul3A_2848, %slice3A_2847 : vector<1x104xf32>
    %add3A_2850 = arith.addf %add3A_2829, %mul3A_2849 : vector<1x104xf32>
    %slice3A_2851 = vector.extract_strided_slice %reduce_sum3A_3 {offsets = [4, 25], sizes = [1, 104], strides = [1, 1]} : vector<12x144xf32> to vector<1x104xf32>
    %mul3A_2852 = vector.broadcast %mul3A_2838 : f32 to vector<1x104xf32>
    %mul3A_2853 = arith.mulf %mul3A_2852, %slice3A_2851 : vector<1x104xf32>
    %add3A_2854 = arith.addf %add3A_2846, %mul3A_2853 : vector<1x104xf32>
    %slice3A_2855 = vector.extract_strided_slice %reduce_sum3A_9 {offsets = [4, 25], sizes = [1, 104], strides = [1, 1]} : vector<12x144xf32> to vector<1x104xf32>
    %mul3A_2856 = vector.broadcast %mul3A_2838 : f32 to vector<1x104xf32>
    %mul3A_2857 = arith.mulf %mul3A_2856, %slice3A_2855 : vector<1x104xf32>
    %add3A_2858 = arith.addf %add3A_2850, %mul3A_2857 : vector<1x104xf32>
    %slice3A_2859 = vector.extract_strided_slice %reduce_sum3A_3 {offsets = [8, 25], sizes = [1, 104], strides = [1, 1]} : vector<12x144xf32> to vector<1x104xf32>
    %mul3A_2860 = vector.broadcast %mul3A_2842 : f32 to vector<1x104xf32>
    %mul3A_2861 = arith.mulf %mul3A_2860, %slice3A_2859 : vector<1x104xf32>
    %add3A_2862 = arith.addf %add3A_2854, %mul3A_2861 : vector<1x104xf32>
    %slice3A_2863 = vector.extract_strided_slice %reduce_sum3A_9 {offsets = [8, 25], sizes = [1, 104], strides = [1, 1]} : vector<12x144xf32> to vector<1x104xf32>
    %mul3A_2864 = vector.broadcast %mul3A_2842 : f32 to vector<1x104xf32>
    %mul3A_2865 = arith.mulf %mul3A_2864, %slice3A_2863 : vector<1x104xf32>
    %add3A_2866 = arith.addf %add3A_2858, %mul3A_2865 : vector<1x104xf32>
    %mul3A_2867 = arith.constant 3.700000e+01 : f32
    %mul3A_2868 = arith.mulf %mul3A_2867, %mul3A_18 : f32
    %mul3A_2869 = arith.mulf %mul3A_2868, %mul3A_2868 : f32
    %mul3A_2870 = arith.constant -5.000000e-01 : f32
    %mul3A_2871 = arith.mulf %mul3A_2870, %mul3A_2869 : f32
    %exp3A_2872 = math.exp %mul3A_2871 : f32
    %neg3A_2873 = arith.constant 0.000000e+00 : f32
    %neg3A_2874 = arith.subf %neg3A_2873, %exp3A_2872 : f32
    %mul3A_2875 = arith.mulf %neg3A_2874, %mul3A_2868 : f32
    %mul3A_2876 = arith.mulf %mul3A_2868, %mul3A_2868 : f32
    %sub3A_2877 = arith.constant 1.000000e+00 : f32
    %sub3A_2878 = arith.subf %mul3A_2876, %sub3A_2877 : f32
    %mul3A_2879 = arith.mulf %exp3A_2872, %sub3A_2878 : f32
    %slice3A_2880 = vector.extract_strided_slice %reduce_sum3A_3 {offsets = [1, 25], sizes = [1, 104], strides = [1, 1]} : vector<12x144xf32> to vector<1x104xf32>
    %mul3A_2881 = vector.broadcast %exp3A_2872 : f32 to vector<1x104xf32>
    %mul3A_2882 = arith.mulf %mul3A_2881, %slice3A_2880 : vector<1x104xf32>
    %add3A_2883 = arith.addf %add3A_2862, %mul3A_2882 : vector<1x104xf32>
    %slice3A_2884 = vector.extract_strided_slice %reduce_sum3A_9 {offsets = [1, 25], sizes = [1, 104], strides = [1, 1]} : vector<12x144xf32> to vector<1x104xf32>
    %mul3A_2885 = vector.broadcast %exp3A_2872 : f32 to vector<1x104xf32>
    %mul3A_2886 = arith.mulf %mul3A_2885, %slice3A_2884 : vector<1x104xf32>
    %add3A_2887 = arith.addf %add3A_2866, %mul3A_2886 : vector<1x104xf32>
    %slice3A_2888 = vector.extract_strided_slice %reduce_sum3A_3 {offsets = [5, 25], sizes = [1, 104], strides = [1, 1]} : vector<12x144xf32> to vector<1x104xf32>
    %mul3A_2889 = vector.broadcast %mul3A_2875 : f32 to vector<1x104xf32>
    %mul3A_2890 = arith.mulf %mul3A_2889, %slice3A_2888 : vector<1x104xf32>
    %add3A_2891 = arith.addf %add3A_2883, %mul3A_2890 : vector<1x104xf32>
    %slice3A_2892 = vector.extract_strided_slice %reduce_sum3A_9 {offsets = [5, 25], sizes = [1, 104], strides = [1, 1]} : vector<12x144xf32> to vector<1x104xf32>
    %mul3A_2893 = vector.broadcast %mul3A_2875 : f32 to vector<1x104xf32>
    %mul3A_2894 = arith.mulf %mul3A_2893, %slice3A_2892 : vector<1x104xf32>
    %add3A_2895 = arith.addf %add3A_2887, %mul3A_2894 : vector<1x104xf32>
    %slice3A_2896 = vector.extract_strided_slice %reduce_sum3A_3 {offsets = [9, 25], sizes = [1, 104], strides = [1, 1]} : vector<12x144xf32> to vector<1x104xf32>
    %mul3A_2897 = vector.broadcast %mul3A_2879 : f32 to vector<1x104xf32>
    %mul3A_2898 = arith.mulf %mul3A_2897, %slice3A_2896 : vector<1x104xf32>
    %add3A_2899 = arith.addf %add3A_2891, %mul3A_2898 : vector<1x104xf32>
    %slice3A_2900 = vector.extract_strided_slice %reduce_sum3A_9 {offsets = [9, 25], sizes = [1, 104], strides = [1, 1]} : vector<12x144xf32> to vector<1x104xf32>
    %mul3A_2901 = vector.broadcast %mul3A_2879 : f32 to vector<1x104xf32>
    %mul3A_2902 = arith.mulf %mul3A_2901, %slice3A_2900 : vector<1x104xf32>
    %add3A_2903 = arith.addf %add3A_2895, %mul3A_2902 : vector<1x104xf32>
    %mul3A_2904 = arith.constant 3.800000e+01 : f32
    %mul3A_2905 = arith.mulf %mul3A_2904, %mul3A_18 : f32
    %mul3A_2906 = arith.mulf %mul3A_2905, %mul3A_2905 : f32
    %mul3A_2907 = arith.constant -5.000000e-01 : f32
    %mul3A_2908 = arith.mulf %mul3A_2907, %mul3A_2906 : f32
    %exp3A_2909 = math.exp %mul3A_2908 : f32
    %neg3A_2910 = arith.constant 0.000000e+00 : f32
    %neg3A_2911 = arith.subf %neg3A_2910, %exp3A_2909 : f32
    %mul3A_2912 = arith.mulf %neg3A_2911, %mul3A_2905 : f32
    %mul3A_2913 = arith.mulf %mul3A_2905, %mul3A_2905 : f32
    %sub3A_2914 = arith.constant 1.000000e+00 : f32
    %sub3A_2915 = arith.subf %mul3A_2913, %sub3A_2914 : f32
    %mul3A_2916 = arith.mulf %exp3A_2909, %sub3A_2915 : f32
    %slice3A_2917 = vector.extract_strided_slice %reduce_sum3A_3 {offsets = [2, 25], sizes = [1, 104], strides = [1, 1]} : vector<12x144xf32> to vector<1x104xf32>
    %mul3A_2918 = vector.broadcast %exp3A_2909 : f32 to vector<1x104xf32>
    %mul3A_2919 = arith.mulf %mul3A_2918, %slice3A_2917 : vector<1x104xf32>
    %add3A_2920 = arith.addf %add3A_2899, %mul3A_2919 : vector<1x104xf32>
    %slice3A_2921 = vector.extract_strided_slice %reduce_sum3A_9 {offsets = [2, 25], sizes = [1, 104], strides = [1, 1]} : vector<12x144xf32> to vector<1x104xf32>
    %mul3A_2922 = vector.broadcast %exp3A_2909 : f32 to vector<1x104xf32>
    %mul3A_2923 = arith.mulf %mul3A_2922, %slice3A_2921 : vector<1x104xf32>
    %add3A_2924 = arith.addf %add3A_2903, %mul3A_2923 : vector<1x104xf32>
    %slice3A_2925 = vector.extract_strided_slice %reduce_sum3A_3 {offsets = [6, 25], sizes = [1, 104], strides = [1, 1]} : vector<12x144xf32> to vector<1x104xf32>
    %mul3A_2926 = vector.broadcast %mul3A_2912 : f32 to vector<1x104xf32>
    %mul3A_2927 = arith.mulf %mul3A_2926, %slice3A_2925 : vector<1x104xf32>
    %add3A_2928 = arith.addf %add3A_2920, %mul3A_2927 : vector<1x104xf32>
    %slice3A_2929 = vector.extract_strided_slice %reduce_sum3A_9 {offsets = [6, 25], sizes = [1, 104], strides = [1, 1]} : vector<12x144xf32> to vector<1x104xf32>
    %mul3A_2930 = vector.broadcast %mul3A_2912 : f32 to vector<1x104xf32>
    %mul3A_2931 = arith.mulf %mul3A_2930, %slice3A_2929 : vector<1x104xf32>
    %add3A_2932 = arith.addf %add3A_2924, %mul3A_2931 : vector<1x104xf32>
    %slice3A_2933 = vector.extract_strided_slice %reduce_sum3A_3 {offsets = [10, 25], sizes = [1, 104], strides = [1, 1]} : vector<12x144xf32> to vector<1x104xf32>
    %mul3A_2934 = vector.broadcast %mul3A_2916 : f32 to vector<1x104xf32>
    %mul3A_2935 = arith.mulf %mul3A_2934, %slice3A_2933 : vector<1x104xf32>
    %add3A_2936 = arith.addf %add3A_2928, %mul3A_2935 : vector<1x104xf32>
    %slice3A_2937 = vector.extract_strided_slice %reduce_sum3A_9 {offsets = [10, 25], sizes = [1, 104], strides = [1, 1]} : vector<12x144xf32> to vector<1x104xf32>
    %mul3A_2938 = vector.broadcast %mul3A_2916 : f32 to vector<1x104xf32>
    %mul3A_2939 = arith.mulf %mul3A_2938, %slice3A_2937 : vector<1x104xf32>
    %add3A_2940 = arith.addf %add3A_2932, %mul3A_2939 : vector<1x104xf32>
    %mul3A_2941 = arith.constant 3.900000e+01 : f32
    %mul3A_2942 = arith.mulf %mul3A_2941, %mul3A_18 : f32
    %mul3A_2943 = arith.mulf %mul3A_2942, %mul3A_2942 : f32
    %mul3A_2944 = arith.constant -5.000000e-01 : f32
    %mul3A_2945 = arith.mulf %mul3A_2944, %mul3A_2943 : f32
    %exp3A_2946 = math.exp %mul3A_2945 : f32
    %neg3A_2947 = arith.constant 0.000000e+00 : f32
    %neg3A_2948 = arith.subf %neg3A_2947, %exp3A_2946 : f32
    %mul3A_2949 = arith.mulf %neg3A_2948, %mul3A_2942 : f32
    %mul3A_2950 = arith.mulf %mul3A_2942, %mul3A_2942 : f32
    %sub3A_2951 = arith.constant 1.000000e+00 : f32
    %sub3A_2952 = arith.subf %mul3A_2950, %sub3A_2951 : f32
    %mul3A_2953 = arith.mulf %exp3A_2946, %sub3A_2952 : f32
    %slice3A_2954 = vector.extract_strided_slice %reduce_sum3A_3 {offsets = [3, 25], sizes = [1, 104], strides = [1, 1]} : vector<12x144xf32> to vector<1x104xf32>
    %mul3A_2955 = vector.broadcast %exp3A_2946 : f32 to vector<1x104xf32>
    %mul3A_2956 = arith.mulf %mul3A_2955, %slice3A_2954 : vector<1x104xf32>
    %add3A_2957 = arith.addf %add3A_2936, %mul3A_2956 : vector<1x104xf32>
    %slice3A_2958 = vector.extract_strided_slice %reduce_sum3A_9 {offsets = [3, 25], sizes = [1, 104], strides = [1, 1]} : vector<12x144xf32> to vector<1x104xf32>
    %mul3A_2959 = vector.broadcast %exp3A_2946 : f32 to vector<1x104xf32>
    %mul3A_2960 = arith.mulf %mul3A_2959, %slice3A_2958 : vector<1x104xf32>
    %add3A_2961 = arith.addf %add3A_2940, %mul3A_2960 : vector<1x104xf32>
    %slice3A_2962 = vector.extract_strided_slice %reduce_sum3A_3 {offsets = [7, 25], sizes = [1, 104], strides = [1, 1]} : vector<12x144xf32> to vector<1x104xf32>
    %mul3A_2963 = vector.broadcast %mul3A_2949 : f32 to vector<1x104xf32>
    %mul3A_2964 = arith.mulf %mul3A_2963, %slice3A_2962 : vector<1x104xf32>
    %add3A_2965 = arith.addf %add3A_2957, %mul3A_2964 : vector<1x104xf32>
    %slice3A_2966 = vector.extract_strided_slice %reduce_sum3A_9 {offsets = [7, 25], sizes = [1, 104], strides = [1, 1]} : vector<12x144xf32> to vector<1x104xf32>
    %mul3A_2967 = vector.broadcast %mul3A_2949 : f32 to vector<1x104xf32>
    %mul3A_2968 = arith.mulf %mul3A_2967, %slice3A_2966 : vector<1x104xf32>
    %add3A_2969 = arith.addf %add3A_2961, %mul3A_2968 : vector<1x104xf32>
    %slice3A_2970 = vector.extract_strided_slice %reduce_sum3A_3 {offsets = [11, 25], sizes = [1, 104], strides = [1, 1]} : vector<12x144xf32> to vector<1x104xf32>
    %mul3A_2971 = vector.broadcast %mul3A_2953 : f32 to vector<1x104xf32>
    %mul3A_2972 = arith.mulf %mul3A_2971, %slice3A_2970 : vector<1x104xf32>
    %add3A_2973 = arith.addf %add3A_2965, %mul3A_2972 : vector<1x104xf32>
    %slice3A_2974 = vector.extract_strided_slice %reduce_sum3A_9 {offsets = [11, 25], sizes = [1, 104], strides = [1, 1]} : vector<12x144xf32> to vector<1x104xf32>
    %mul3A_2975 = vector.broadcast %mul3A_2953 : f32 to vector<1x104xf32>
    %mul3A_2976 = arith.mulf %mul3A_2975, %slice3A_2974 : vector<1x104xf32>
    %add3A_2977 = arith.addf %add3A_2969, %mul3A_2976 : vector<1x104xf32>
    %mul3A_2978 = arith.constant 4.000000e+01 : f32
    %mul3A_2979 = arith.mulf %mul3A_2978, %mul3A_18 : f32
    %mul3A_2980 = arith.mulf %mul3A_2979, %mul3A_2979 : f32
    %mul3A_2981 = arith.constant -5.000000e-01 : f32
    %mul3A_2982 = arith.mulf %mul3A_2981, %mul3A_2980 : f32
    %exp3A_2983 = math.exp %mul3A_2982 : f32
    %neg3A_2984 = arith.constant 0.000000e+00 : f32
    %neg3A_2985 = arith.subf %neg3A_2984, %exp3A_2983 : f32
    %mul3A_2986 = arith.mulf %neg3A_2985, %mul3A_2979 : f32
    %mul3A_2987 = arith.mulf %mul3A_2979, %mul3A_2979 : f32
    %sub3A_2988 = arith.constant 1.000000e+00 : f32
    %sub3A_2989 = arith.subf %mul3A_2987, %sub3A_2988 : f32
    %mul3A_2990 = arith.mulf %exp3A_2983, %sub3A_2989 : f32
    %slice3A_2991 = vector.extract_strided_slice %reduce_sum3A_3 {offsets = [0, 26], sizes = [1, 104], strides = [1, 1]} : vector<12x144xf32> to vector<1x104xf32>
    %mul3A_2992 = vector.broadcast %exp3A_2983 : f32 to vector<1x104xf32>
    %mul3A_2993 = arith.mulf %mul3A_2992, %slice3A_2991 : vector<1x104xf32>
    %add3A_2994 = arith.addf %add3A_2973, %mul3A_2993 : vector<1x104xf32>
    %slice3A_2995 = vector.extract_strided_slice %reduce_sum3A_9 {offsets = [0, 26], sizes = [1, 104], strides = [1, 1]} : vector<12x144xf32> to vector<1x104xf32>
    %mul3A_2996 = vector.broadcast %exp3A_2983 : f32 to vector<1x104xf32>
    %mul3A_2997 = arith.mulf %mul3A_2996, %slice3A_2995 : vector<1x104xf32>
    %add3A_2998 = arith.addf %add3A_2977, %mul3A_2997 : vector<1x104xf32>
    %slice3A_2999 = vector.extract_strided_slice %reduce_sum3A_3 {offsets = [4, 26], sizes = [1, 104], strides = [1, 1]} : vector<12x144xf32> to vector<1x104xf32>
    %mul3A_3000 = vector.broadcast %mul3A_2986 : f32 to vector<1x104xf32>
    %mul3A_3001 = arith.mulf %mul3A_3000, %slice3A_2999 : vector<1x104xf32>
    %add3A_3002 = arith.addf %add3A_2994, %mul3A_3001 : vector<1x104xf32>
    %slice3A_3003 = vector.extract_strided_slice %reduce_sum3A_9 {offsets = [4, 26], sizes = [1, 104], strides = [1, 1]} : vector<12x144xf32> to vector<1x104xf32>
    %mul3A_3004 = vector.broadcast %mul3A_2986 : f32 to vector<1x104xf32>
    %mul3A_3005 = arith.mulf %mul3A_3004, %slice3A_3003 : vector<1x104xf32>
    %add3A_3006 = arith.addf %add3A_2998, %mul3A_3005 : vector<1x104xf32>
    %slice3A_3007 = vector.extract_strided_slice %reduce_sum3A_3 {offsets = [8, 26], sizes = [1, 104], strides = [1, 1]} : vector<12x144xf32> to vector<1x104xf32>
    %mul3A_3008 = vector.broadcast %mul3A_2990 : f32 to vector<1x104xf32>
    %mul3A_3009 = arith.mulf %mul3A_3008, %slice3A_3007 : vector<1x104xf32>
    %add3A_3010 = arith.addf %add3A_3002, %mul3A_3009 : vector<1x104xf32>
    %slice3A_3011 = vector.extract_strided_slice %reduce_sum3A_9 {offsets = [8, 26], sizes = [1, 104], strides = [1, 1]} : vector<12x144xf32> to vector<1x104xf32>
    %mul3A_3012 = vector.broadcast %mul3A_2990 : f32 to vector<1x104xf32>
    %mul3A_3013 = arith.mulf %mul3A_3012, %slice3A_3011 : vector<1x104xf32>
    %add3A_3014 = arith.addf %add3A_3006, %mul3A_3013 : vector<1x104xf32>
    %iota3A = tpu.iota {dimensions = array<i32: 1>} : vector<1x104xi32>
    %lt3A = arith.constant 100 : i32
    %lt3A_3015 = vector.broadcast %lt3A : i32 to vector<1x104xi32>
    %lt3A_3016 = arith.cmpi slt, %iota3A, %lt3A_3015 : vector<1x104xi32>
    %mul3A_3017 = arith.constant 3.81469727E-6 : f32
    %mul3A_3018 = vector.broadcast %mul3A_3017 : f32 to vector<1x104xf32>
    %mul3A_3019 = arith.mulf %add3A_3010, %mul3A_3018 : vector<1x104xf32>
    %jit3A = arith.constant 0.000000e+00 : f32
    %broadcast_in_dim3A_3020 = vector.broadcast %jit3A : f32 to vector<1x104xf32>
    %select_n3A = arith.select %lt3A_3016, %mul3A_3019, %broadcast_in_dim3A_3020 : vector<1x104xi1>, vector<1x104xf32>
    %mul3A_3021 = arith.constant 3.81469727E-6 : f32
    %mul3A_3022 = vector.broadcast %mul3A_3021 : f32 to vector<1x104xf32>
    %mul3A_3023 = arith.mulf %add3A_3014, %mul3A_3022 : vector<1x104xf32>
    %jit3A_3024 = arith.constant 0.000000e+00 : f32
    %broadcast_in_dim3A_3025 = vector.broadcast %jit3A_3024 : f32 to vector<1x104xf32>
    %select_n3A_3026 = arith.select %lt3A_3016, %mul3A_3023, %broadcast_in_dim3A_3025 : vector<1x104xi1>, vector<1x104xf32>
    %reduce_sum3A_3027 = vector.shape_cast %select_n3A : vector<1x104xf32> to vector<1x1x104xf32>
    %reduce_sum3A_3028 = arith.constant dense<0.000000e+00> : vector<1xf32>
    %reduce_sum3A_3029 = vector.multi_reduction <add>, %reduce_sum3A_3027, %reduce_sum3A_3028 [1, 2] : vector<1x1x104xf32> to vector<1xf32>
    %reduce_sum3A_3030 = vector.shape_cast %reduce_sum3A_3029 : vector<1xf32> to vector<1x1x1xf32>
    %reduce_sum3A_3031 = vector.extract %reduce_sum3A_3030[0, 0, 0] : f32 from vector<1x1x1xf32>
    %add3A_3032 = arith.constant 1.000000e-10 : f32
    %add3A_3033 = arith.addf %reduce_sum3A_3031, %add3A_3032 : f32
    %div3A = vector.broadcast %add3A_3033 : f32 to vector<1x104xf32>
    %div3A_3034 = arith.divf %select_n3A, %div3A : vector<1x104xf32>
    %reduce_sum3A_3035 = vector.shape_cast %select_n3A_3026 : vector<1x104xf32> to vector<1x1x104xf32>
    %reduce_sum3A_3036 = arith.constant dense<0.000000e+00> : vector<1xf32>
    %reduce_sum3A_3037 = vector.multi_reduction <add>, %reduce_sum3A_3035, %reduce_sum3A_3036 [1, 2] : vector<1x1x104xf32> to vector<1xf32>
    %reduce_sum3A_3038 = vector.shape_cast %reduce_sum3A_3037 : vector<1xf32> to vector<1x1x1xf32>
    %reduce_sum3A_3039 = vector.extract %reduce_sum3A_3038[0, 0, 0] : f32 from vector<1x1x1xf32>
    %add3A_3040 = arith.constant 1.000000e-10 : f32
    %add3A_3041 = arith.addf %reduce_sum3A_3039, %add3A_3040 : f32
    %div3A_3042 = vector.broadcast %add3A_3041 : f32 to vector<1x104xf32>
    %div3A_3043 = arith.divf %select_n3A_3026, %div3A_3042 : vector<1x104xf32>
    %add3A_3044 = arith.addf %div3A_3043, %div3A_3034 : vector<1x104xf32>
    %mul3A_3045 = arith.constant 5.000000e-01 : f32
    %mul3A_3046 = vector.broadcast %mul3A_3045 : f32 to vector<1x104xf32>
    %mul3A_3047 = arith.mulf %mul3A_3046, %add3A_3044 : vector<1x104xf32>
    %max3A = arith.constant 1.401300e-45 : f32
    %max3A_3048 = vector.broadcast %max3A : f32 to vector<1x104xf32>
    %max3A_3049 = arith.maximumf %div3A_3034, %max3A_3048 : vector<1x104xf32>
    %max3A_3050 = arith.constant 1.401300e-45 : f32
    %max3A_3051 = vector.broadcast %max3A_3050 : f32 to vector<1x104xf32>
    %max3A_3052 = arith.maximumf %div3A_3043, %max3A_3051 : vector<1x104xf32>
    %max3A_3053 = arith.constant 1.401300e-45 : f32
    %max3A_3054 = vector.broadcast %max3A_3053 : f32 to vector<1x104xf32>
    %max3A_3055 = arith.maximumf %mul3A_3047, %max3A_3054 : vector<1x104xf32>
    %log3A = math.log %max3A_3052 : vector<1x104xf32>
    %log3A_3056 = math.log %max3A_3049 : vector<1x104xf32>
    %log3A_3057 = math.log %max3A_3055 : vector<1x104xf32>
    %exp3A_3058 = math.exp %log3A : vector<1x104xf32>
    %sub3A_3059 = arith.subf %log3A, %log3A_3057 : vector<1x104xf32>
    %mul3A_3060 = arith.mulf %exp3A_3058, %sub3A_3059 : vector<1x104xf32>
    %exp3A_3061 = math.exp %log3A_3056 : vector<1x104xf32>
    %sub3A_3062 = arith.subf %log3A_3056, %log3A_3057 : vector<1x104xf32>
    %mul3A_3063 = arith.mulf %exp3A_3061, %sub3A_3062 : vector<1x104xf32>
    %add3A_3064 = arith.addf %mul3A_3060, %mul3A_3063 : vector<1x104xf32>
    %jit3A_3065 = arith.constant 0.000000e+00 : f32
    %broadcast_in_dim3A_3066 = vector.broadcast %jit3A_3065 : f32 to vector<1x104xf32>
    %select_n3A_3067 = arith.select %lt3A_3016, %add3A_3064, %broadcast_in_dim3A_3066 : vector<1x104xi1>, vector<1x104xf32>
    %reduce_sum3A_3068 = vector.shape_cast %select_n3A_3067 : vector<1x104xf32> to vector<1x1x104xf32>
    %reduce_sum3A_3069 = arith.constant dense<0.000000e+00> : vector<1xf32>
    %reduce_sum3A_3070 = vector.multi_reduction <add>, %reduce_sum3A_3068, %reduce_sum3A_3069 [1, 2] : vector<1x1x104xf32> to vector<1xf32>
    %reduce_sum3A_3071 = vector.shape_cast %reduce_sum3A_3070 : vector<1xf32> to vector<1x1x1xf32>
    %reduce_sum3A_3072 = vector.extract %reduce_sum3A_3071[0, 0, 0] : f32 from vector<1x1x1xf32>
    %broadcast_in_dim3A_3073 = vector.broadcast %reduce_sum3A_3072 : f32 to vector<1x1xf32>
    %mul3A_3074 = arith.constant 5.000000e-01 : f32
    %mul3A_3075 = vector.broadcast %mul3A_3074 : f32 to vector<1x1xf32>
    %mul3A_3076 = arith.mulf %mul3A_3075, %broadcast_in_dim3A_3073 : vector<1x1xf32>
    %swap3A = arith.constant 0 : index
    %swap3A_3077 = arith.constant 0 : index
    %swap3A_3078 = vector.load %arg3[%swap3A, %swap3A_3077] : memref<1x1xf32, #tpu.memory_space<vmem>>, vector<1x1xf32>
    tpu.vector_store %arg3[%swap3A, %swap3A_3077], %mul3A_3076 {strides = array<i32>} : memref<1x1xf32, #tpu.memory_space<vmem>>, vector<1x1xf32>,
    return
  }
}

</mosaic_0001>

<sc_bundles>
// kernel: kernel.4.cloned.1.call-start
scs
__scs_entry_jumppad:
0x0: {  	(pc) =	sbr.rel $0x88, $3  }
0x1: {  	(tag) =	ssettag $0x0;
	lr =	simm.s32 $0x1  }
0x2: {  	[smem:$0x3F9F] =	sst lr;
	_ =	strace $0xD0000000  }
0x3: {  	_ = 	snop  }
0x4: {  	_ = 	snop  }
0x5: {  	_ = 	snop  }
0x6: {  	_ = 	snop  }
0x7: {  	_ = 	snop  }
__scs_overlays_trampoline_lowered:
0x8: {  	[smem:$0x3FAE] =	sst s0  }
0x9: {  	[smem:$0x3FAF] =	sst s1  }
0xa: {  	[smem:$0x3FB0] =	sst s2  }
0xb: {  	[smem:$0x3FB1] =	sst s3  }
0xc: {  	[smem:$0x3FB2] =	sst s4  }
0xd: {  	[smem:$0x3FB3] =	sst s5  }
0xe: {  	[smem:$0x3FB4] =	sst s6  }
0xf: {  	[smem:$0x3FB5] =	sst s7  }
0x10: {  	[smem:$0x3FB6] =	sst s8  }
0x11: {  	[smem:$0x3FB7] =	sst s9;
	s0 =	simm.s32 @!p0 $0x0  }
0x12: {  	s1 =	sld [smem:$0x3F9D];
	s0 =	simm.s32 @p0 $0x1  }
0x13: {  	[smem:$0x3FB8] =	sst s0;
	s0 =	simm.s32 @!p1 $0x0  }
0x14: {  	s2 =	sld [smem:$0x3F9C];
	s0 =	simm.s32 @p1 $0x1  }
0x15: {  	[smem:$0x3FB9] =	sst s0;
	s0 =	simm.s32 @!p2 $0x0  }
0x16: {  	s3 =	sld [smem:$0x3FDB];
	s0 =	simm.s32 @p2 $0x1  }
0x17: {  	s4 =	simm.s32 $0x1BF5;
	[smem:$0x3FBB] =	sst s0  }
0x18: {  	s0 =	sld [smem:$0x3F9E];
	_ =	swait.ge [sflag:s4], $0x0  }
0x19: {  	s7 =	sld [smem:$0x3F9F]  }
0x1a: {  	s8 =	sadd.s32 $0xFFFFE003, lr  }
0x1b: {  	s9 =	sadd.s32 $0xFFFFFEF7, lr;
	s5 =	simm.s32 $0xFFFFFFFF;
	p2 =	slt.u32 s8, $0xFFFFF086  }
0x1c: {  	p1 =	slt.u32 s9, $0xF7A;
	s5 =	simm.s32 @!p2 $0x0  }
0x1d: {  	s5 =	simm.s32 @p1 $0x1;
	p0 =	seq.s32 s7, s2  }
0x1e: {  	s7 =	smul.u32 @!p0 $0xF7A, s2;
	p2 =	seq.s32 @!p0 s5, $0x0  }
0x1f: {  	s9 =	smul.u32 $0xF7A, s1;
	s8 =	simm.s32 @!p0 $0x1BF5;
	p2 =	por !p2, p0  }
0x20: {  	[sflag:s8] =	ssyncset.s32 @!p0 $0xFFFFF086;
	s6 =	sadd.s32 @!p0 s3, s7;
	s7 =	simm.s32 @!p0 $0x108  }
0x21: {  	s3 =	sadd.s32 s3, s9;
	s6 =	sadd.s32 @!p0 $0x88, s6;
	s7 =	simm.s32 @p2 $0x1082  }
0x22: {  	[simem:s7], [sflag:s8] =	dma.local @!p0 [hbm:s6], $0xF7A  }
0x23: {  	s9 =	sor.u32 $0xD0000000, s2;
	s6 =	simm.s32 $0x108;
	_ =	swait.ge @!p0 [sflag:s8], $0x0  }
0x24: {  	s3 =	sadd.s32 $0x88, s3;
	s6 =	simm.s32 @!p1 $0x1082;
	[sflag:s4] =	ssyncset.s32 $0xFFFFF086  }
0x25: {  	[simem:s6], [sflag:s4] =	dma.local [hbm:s3], $0xF7A  }
0x26: {  	[smem:$0x3F9F] =	sst s1;
	(tag) =	ssettag s2;
	_ =	strace s9  }
0x27: {  	s1 =	sld [smem:$0x3FAF]  }
0x28: {  	s2 =	sld [smem:$0x3FB0]  }
0x29: {  	s4 =	sld [smem:$0x3FB2]  }
0x2a: {  	p0 =	seq.s32 s5, $0x0;
	s5 =	sld [smem:$0x3FB3]  }
0x2b: {  	s6 =	sld [smem:$0x3FB4]  }
0x2c: {  	s7 =	sld [smem:$0x3FB5]  }
0x2d: {  	s3 =	simm.s32 $0x108;
	s8 =	sld [smem:$0x3FB6]  }
0x2e: {  	s3 =	simm.s32 @!p0 $0x1082;
	s9 =	sld [smem:$0x3FB7]  }
0x2f: {  	lr =	sadd.s32 s0, s3;
	s0 =	sld [smem:$0x3FAE]  }
0x30: {  	s3 =	sld [smem:$0x3FB1]  }
0x31: {  	[smem:$0x3FBA] =	sst s10  }
0x32: {  	s10 =	sld [smem:$0x3FB8];
	_ =	sdelay $0x3  }
0x33: {  	p0 =	seq.s32 s10, $0x1;
	s10 =	sld [smem:$0x3FBA];
	_ =	sdelay $0x3  }
0x34: {  	[smem:$0x3FBA] =	sst s10  }
0x35: {  	s10 =	sld [smem:$0x3FB9];
	_ =	sdelay $0x3  }
0x36: {  	p1 =	seq.s32 s10, $0x1;
	s10 =	sld [smem:$0x3FBA];
	_ =	sdelay $0x3  }
0x37: {  	[smem:$0x3FBA] =	sst s10  }
0x38: {  	s10 =	sld [smem:$0x3FBB]  }
0x39: {  	_ = 	snop;
	(pc) =	sbr.ind lr, $3  }
0x3a: {  	_ = 	snop  }
0x3b: {  	_ = 	snop  }
0x3c: {  	p2 =	seq.s32 s10, $0x1;
	s10 =	sld [smem:$0x3FBA]  }
0x3d: {  	_ =	shalt  }
0x3e: {  	_ =	shalt  }
0x3f: {  	_ =	shalt  }
0x40: {  	_ =	shalt  }
0x41: {  	_ =	shalt  }
0x42: {  	_ =	shalt  }
0x43: {  	_ =	shalt  }
0x44: {  	_ =	shalt  }
0x45: {  	_ =	shalt  }
0x46: {  	_ =	shalt  }
0x47: {  	_ =	shalt  }
0x48: {  	_ =	shalt  }
0x49: {  	_ =	shalt  }
0x4a: {  	_ =	shalt  }
0x4b: {  	_ =	shalt  }
0x4c: {  	_ =	shalt  }
0x4d: {  	_ =	shalt  }
0x4e: {  	_ =	shalt  }
0x4f: {  	_ =	shalt  }
0x50: {  	_ =	shalt  }
0x51: {  	_ =	shalt  }
0x52: {  	_ =	shalt  }
0x53: {  	_ =	shalt  }
0x54: {  	_ =	shalt  }
0x55: {  	_ =	shalt  }
0x56: {  	_ =	shalt  }
0x57: {  	_ =	shalt  }
0x58: {  	_ =	shalt  }
0x59: {  	_ =	shalt  }
0x5a: {  	_ =	shalt  }
0x5b: {  	_ =	shalt  }
0x5c: {  	_ =	shalt  }
0x5d: {  	_ =	shalt  }
0x5e: {  	_ =	shalt  }
0x5f: {  	_ =	shalt  }
0x60: {  	_ =	shalt  }
0x61: {  	_ =	shalt  }
0x62: {  	_ =	shalt  }
0x63: {  	_ =	shalt  }
0x64: {  	_ =	shalt  }
0x65: {  	_ =	shalt  }
0x66: {  	_ =	shalt  }
0x67: {  	_ =	shalt  }
0x68: {  	_ =	shalt  }
0x69: {  	_ =	shalt  }
0x6a: {  	_ =	shalt  }
0x6b: {  	_ =	shalt  }
0x6c: {  	_ =	shalt  }
0x6d: {  	_ =	shalt  }
0x6e: {  	_ =	shalt  }
0x6f: {  	_ =	shalt  }
0x70: {  	_ =	shalt  }
0x71: {  	_ =	shalt  }
0x72: {  	_ =	shalt  }
0x73: {  	_ =	shalt  }
0x74: {  	_ =	shalt  }
0x75: {  	_ =	shalt  }
0x76: {  	_ =	shalt  }
0x77: {  	_ =	shalt  }
0x78: {  	_ =	shalt  }
0x79: {  	_ =	shalt  }
0x7a: {  	_ =	shalt  }
0x7b: {  	_ =	shalt  }
0x7c: {  	_ =	shalt  }
0x7d: {  	_ =	shalt  }
0x7e: {  	_ =	shalt  }
0x7f: {  	_ =	shalt  }
0x80: {  	_ =	shalt  }
0x81: {  	_ =	shalt  }
0x82: {  	_ =	shalt  }
0x83: {  	_ =	shalt  }
0x84: {  	_ =	shalt  }
0x85: {  	_ =	shalt  }
0x86: {  	_ =	shalt  }
0x87: {  	_ =	shalt  }
.Lfunc_end0:
.L_simem_size_0:
called_computation_lowered:
.L_overlay_start_0:
0x88: {  	s2 =	sld [smem:$0x3FD9]  }
0x89: {  	s3 =	sld [smem:$0x3FFE];
	_ =	sdelay $0x1  }
0x8a: {  	s1 =	srdreg.scid  }
0x8b: {  	s0 =	sand.u32 $0x1, s1  }
0x8c: {  	s17 =	sshll.u32 s0, $0xA;
	s2 =	sadd.s32 s3, s2  }
0x8d: {  	s2 =	sadd.s32 s2, s17  }
0x8e: {  	[smem:$0x3FC6] =	sst s2  }
0x8f: {  	_ = 	snop  }
0x90: {  	s2 =	sld [smem:$0x3FC9]  }
0x91: {  	s18 =	sld [smem:$0x3FC8]  }
0x92: {  	s4 =	sld [smem:$0x3FD0];
	(tm) =	ssettm $0x1  }
0x93: {  	s5 =	sld [smem:$0x3FFB];
	_ =	sdelay $0x3  }
0x94: {  	_ =	strace s5  }
0x95: {  	s5 =	sld [smem:$0x3FFC];
	_ =	sdelay $0x3  }
0x96: {  	_ =	strace s5  }
0x97: {  	s5 =	sld [smem:$0x3FFD];
	_ =	sdelay $0x3  }
0x98: {  	_ =	strace s5  }
0x99: {  	_ =	strace $0x8FFFFFFF  }
0x9a: {  	s19 =	sld [smem:$0x3FDB];
	_ =	sdelay $0x1  }
0x9b: {  	s6 =	simm.s32 $_scs_section_size  }
0x9c: {  	s7 =	simm.s32 $_size__tile_overlayer_lowered;
	s8 =	simm.s32 $_tile_overlayer_lowered  }
0x9d: {  	s22 =	simm.s32 $0x1BFF;
	s21 =	sshll.u32 s8, $0x1;
	s5 =	sadd.s32 s6, s19  }
0x9e: {  	s9 =	simm.s32 $0x0;
	s20 =	sshll.u32 s7, $0x1;
	s7 =	sadd.s32 s21, s5  }
0x9f: {  	[timem:s9], [sflag:s22] =	dma.local [hbm:s7], s20  }
0xa0: {  	_ =	swait.ge [sflag:s22], s20  }
0xa1: {  	s6 =	ssub.s32 $0x0, s20;
	[sflag:s22] =	ssyncset.done $0x0  }
0xa2: {  	[sflag:s22] =	ssyncadd.s32 s6;
	_ =	sdelay $0x1  }
0xa3: {  	s23 =	simm.s32 $0x1B8B  }
0xa4: {  	_ =	swait.ge [sflag:s23], $0x1  }
0xa5: {  	[sflag:s23] =	ssyncset.done $0x0  }
0xa6: {  	s25 =	simm.s32 $0x1B8E;
	s24 =	sld [smem:$0x3FFE];
	[sflag:s23] =	ssyncadd.s32 $0xFFFFFFFF  }
0xa7: {  	s26 =	simm.s32 $execute0_lowered;
	[smem:$0x3FD2] =	sst s25  }
0xa8: {  	s7 =	sshll.u32 s26, $0x1;
	_ =	strace $0x80000046;
	[dreg:$0x1] =	wrdreg $0xFFFFFFFF  }
0xa9: {  	s28 =	simm.s32 $_size_execute0_lowered;
	s5 =	sadd.s32 s5, s7;
	[dreg:$0x0] =	wrdreg $0x0  }
0xaa: {  	s7 =	sshll.u32 s28, $0x1;
	[dreg:$0x2] =	wrdreg s5  }
0xab: {  	[dreg:$0x3] =	wrdreg s7  }
0xac: {  	[dreg:$0x4] =	wrdreg $0xC0  }
0xad: {  	_ =	task [dreg:s9], $0x5FFFF  }
0xae: {  	[dreg:$0x1] =	wrdreg $0xFFFFFFFF  }
0xaf: {  	[dreg:$0x0] =	wrdreg $0x60  }
0xb0: {  	[dreg:$0x2] =	wrdreg s2  }
0xb1: {  	[dreg:$0x3] =	wrdreg s18  }
0xb2: {  	[dreg:$0x4] =	wrdreg s24  }
0xb3: {  	[dreg:$0x5] =	wrdreg s4  }
0xb4: {  	[dreg:$0x6] =	wrdreg $0x90800  }
0xb5: {  	[dreg:$0x7] =	wrdreg $0x9  }
0xb6: {  	_ =	task.clear_ibuf [dreg:s9], $0x8FFFF;
	_ =	strace $0x90000046  }
0xb7: {  	s29 =	simm.s32 $0x9;
	_ =	strace $0x80000048  }
0xb8: {  	_ =	swait.ge [sflag:s29], $0x1  }
0xb9: {  	[sflag:s29] =	ssyncadd.s32 $0xFFFFFFFF  }
0xba: {  	_ =	strace $0x90000048  }
0xbb: {  	_ =	sfence  }
0xbc: {  	s30 =	sld [smem:$0x0];
	_ =	sdelay $0x2  }
0xbd: {  	s31 =	sshll.u32 s1, $0xD;
	s1 =	sshrl.u32 s1, $0x2  }
0xbe: {  	s3 =	sand.u32 $0x4000, s31;
	s1 =	sadd.s32 s1, s30  }
0xbf: {  	s0 =	sor.u32 s3, s0;
	s1 =	sshll.u32 s1, $0x11  }
0xc0: {  	s0 =	sor.u32 s1, s0  }
0xc1: {  	s0 =	sadd.s32 $0x8F2B, s0  }
0xc2: {  	[sflag:s0] =	ssyncadd.remote.s32 $0x1  }
0xc3: {  	_ =	sfence.sel $0xFFFF  }
0xc4: {  	[dreg:$0x0] =	wrdreg $0xFFFFFFFF;
	(pc) =	sbr.abs _section_cstart, $3  }
0xc5: {  	[dreg:$0x1] =	wrdreg $0xFFFFFFFF  }
0xc6: {  	_ =	task.clear_ibuf [dreg:s9], $0x2FFFF;
	_ =	strace $0x9FFFFFFF  }
0xc7: {  	(tm) =	ssettm $0x7FFFFFFF  }
tec
execute0_lowered:
.L_overlay_start_1:
0x0: {  	(tag) =	ssettag $0x1  }
0x1: {  	s5 =	rddreg [dreg:$0x0]  }
0x2: {  	s6 =	rddreg [dreg:$0x1]  }
0x3: {  	s7 =	rddreg [dreg:$0x2]  }
0x4: {  	v0 =	vimm.s32 $0x76543210;
	v1 =	vimm.s32 $0xFEDCBA98;
	s0 =	rddreg [dreg:$0x3]  }
0x5: {  	v2 =	vimm.s32 $0x3210FEDC;
	s3 =	rddreg [dreg:$0x4];
	v3 =	vimm.s32 $0xBA987654;
	v4 =	vimm.s32 $0x10FEDCBA  }
0x6: {  	s1 =	srdreg.scid;
	s2 =	rddreg [dreg:$0x5];
	s4 =	simm.s32 $0x0;
	v5 =	vimm.s32 $0x98765432;
	v6 =	vimm.s32 $0xFEDCBA9;
	v7 =	vimm.s32 $0x87654321  }
0x7: {  	s14 =	simm.s32 $0x8E80;
	s15 =	simm.s32 $0x8000;
	s16 =	simm.s32 $0x8700;
	v0 =	vunpack.c.l.s4.s8 v0;
	v1 =	vunpack.c.l.s4.s8 v1;
	v2 =	vunpack.c.l.s4.s8 v2  }
0x8: {  	s9 =	sand.u32 $0x1, s1;
	s1 =	stileid.u32;
	v3 =	vunpack.c.l.s4.s8 v3;
	v4 =	vunpack.c.l.s4.s8 v4;
	[smem:$0x7FF] =	sst s4;
	v5 =	vunpack.c.l.s4.s8 v5  }
0x9: {  	v6 =	vunpack.c.l.s4.s8 v6;
	v7 =	vunpack.c.l.s4.s8 v7;
	s8 =	sshll.u32 s9, $0x4;
	s10 =	ssub.s32 $0x2, s9;
	_ =	strace $0x80000047;
	v2 =	vunpack.c.0.s8.s32 v2  }
0xa: {  	s29 =	sshll.u32 s1, $0xB;
	s30 =	sshll.u32 s1, $0x5;
	s31 =	sshll.u32 s9, $0xD;
	v3 =	vunpack.c.0.s8.s32 v3;
	v4 =	vunpack.c.0.s8.s32 v4;
	v5 =	vunpack.c.0.s8.s32 v5  }
0xb: {  	s12 =	sor.u32 s1, s8;
	s11 =	sshrl.u32 s10, $0x1;
	s5 =	sadd.s32 s5, s29;
	v1 =	vunpack.c.0.s8.s32 v1;
	v6 =	vunpack.c.0.s8.s32 v6;
	v7 =	vunpack.c.0.s8.s32 v7  }
0xc: {  	s6 =	sadd.s32 s6, s29;
	v0 =	vunpack.c.0.s8.s32 v0;
	s17 =	sor.u32 $0x10, s31;
	s18 =	sor.u32 $0x4000, s31;
	v2 =	vcombine.low v3, v2  }
0xd: {  	s8 =	smul.u32 $0xD8, s12;
	s10 =	ssub.s32 s10, s11;
	p0 =	sne.s32 s12, $0x0;
	v3 =	vcombine.low v5, v4;
	v1 =	vand.u32 $0xF, v1;
	v4 =	vcombine.low v7, v6  }
0xe: {  	s11 =	simm.s32 $0x1;
	s12 =	simm.s32 $0x4000;
	s10 =	smax.u32 s10, $0x1;
	vm0 =	vmmov @!p0 $0xff;
	v5 =	vimm.f32 $1.000000000e+00;
	v6 =	vmov s17  }
0xf: {  	v7 =	vmov s18;
	s17 =	simm.s32 $0x0;
	s13 =	sadd.s32 s8, s7;
	s7 =	sadd.s32 s30, s3;
	v0 =	vcombine.low v1, v0;
	v1 =	vand.u32 $0xF, v2  }
0x10: {  	s8 =	sadd.s32 $0xC00, s13;
	s9 =	sadd.s32 $0x2800, s13;
	v2 =	vand.u32 $0xF, v3;
	s13 =	simm.s32 $0x8E00;
	v3 =	vand.u32 $0xF, v4;
	v4 =	vimm.f32 $0.0e+00  }
.LBB2_1:
0x11: {  	[tilespmem:s4], [sflag:$0x1] =	stream.linear.gather [hbm4b:s5+s4], $0x4000, $0x38;
	[tilespmem:$0x90A0] =	vst v63  }
0x12: {  	_ =	swait.ge [sflag:s11], $0x4000  }
0x13: {  	[sflag:s11] =	ssyncset.done $0x0  }
0x14: {  	[sflag:s11] =	ssyncadd.s32 $0xFFFFC000  }
0x15: {  	[tilespmem:s12], [sflag:$0x1] =	stream.linear.gather [hbm4b:s6+s4], $0x4000, $0x38;
	[tilespmem:$0x90A0] =	vst v63  }
0x16: {  	_ =	swait.ge [sflag:s11], $0x4000  }
0x17: {  	[sflag:s11] =	ssyncset.done $0x0  }
0x18: {  	[sflag:s11] =	ssyncadd.s32 $0xFFFFC000  }
0x19: {  	s19 =	simm.s32 $0x0;
	v16 =	vld [tilespmem:$0x0]  }
0x1a: {  	v10 =	vld [tilespmem:s19+$0x30]  }
0x1b: {  	v13 =	vld [tilespmem:s19+$0x4030]  }
0x1c: {  	v21 =	vld [tilespmem:s19+$0x20]  }
0x1d: {  	v22 =	vld [tilespmem:s19+$0x4020]  }
0x1e: {  	v19 =	vld [tilespmem:s19+$0x10]  }
0x1f: {  	v20 =	vld [tilespmem:s19+$0x4010]  }
0x20: {  	v14 =	vld [tilespmem:s19+$0x0]  }
0x21: {  	s18 =	simm.s32 $0x40;
	v23 =	vld [tilespmem:s19+$0x4000]  }
0x22: {  	v8 =	vld [tilespmem:s18+$0x30]  }
0x23: {  	v9 =	vld [tilespmem:s18+$0x4030]  }
0x24: {  	v11 =	vld [tilespmem:s18+$0x20]  }
0x25: {  	v12 =	vld [tilespmem:s18+$0x4020];
	v18 =	vmin.f32 v21, v22;
	v17 =	vmin.f32 v10, v13  }
0x26: {  	v15 =	vld [tilespmem:s18+$0x10];
	v24 =	vmin.f32 v14, v23;
	v23 =	vmax.f32 v14, v23;
	v25 =	vmin.f32 v19, v20  }
0x27: {  	v14 =	vld [tilespmem:s18+$0x4010];
	v20 =	vmax.f32 v19, v20;
	v24 =	vmin.f32 v16, v24;
	v23 =	vmax.f32 v16, v23  }
0x28: {  	s19 =	simm.s32 $0x200;
	v21 =	vmax.f32 v21, v22;
	v16 =	vld [tilespmem:s18+$0x0];
	v19 =	vmin.f32 v24, v25;
	v20 =	vmax.f32 v23, v20  }
.LBB2_2:
0x29: {  	p1 =	sne.s32 s19, $0xFF00;
	v22 =	vld [tilespmem:s18+$0x4000];
	s18 =	sshra.s32 s19, $0x2;
	v18 =	vmin.f32 v19, v18;
	v19 =	vmax.f32 v20, v21;
	v25 =	vmax.f32 v10, v13;
	v10 =	vmovc v8  }
0x2a: {  	v13 =	vmovc v9;
	v21 =	vmovc v11;
	v8 =	vld [tilespmem:s18+$0x30];
	v20 =	vmin.f32 v18, v17;
	v19 =	vmax.f32 v19, v25;
	v23 =	vmov v12  }
0x2b: {  	v9 =	vld [tilespmem:s18+$0x4030];
	v24 =	vmov v15  }
.Ltmp0:
0x2c: {  	v11 =	vld [tilespmem:s18+$0x20];
	(pc) =	sbr.rel @p1 .LBB2_2-.Ltmp0, $4  }
0x2d: {  	v17 =	vmin.f32 v10, v13;
	v18 =	vmin.f32 v21, v23;
	v12 =	vld [tilespmem:s18+$0x4020]  }
0x2e: {  	v15 =	vld [tilespmem:s18+$0x10];
	v25 =	vmin.f32 v16, v22;
	v16 =	vmax.f32 v16, v22;
	v22 =	vmin.f32 v24, v14  }
0x2f: {  	v24 =	vmax.f32 v24, v14;
	v20 =	vmin.f32 v20, v25;
	v25 =	vmax.f32 v19, v16;
	v14 =	vld [tilespmem:s18+$0x4010]  }
0x30: {  	s19 =	sadd.s32 $0x100, s19;
	v21 =	vmax.f32 v21, v23;
	v16 =	vld [tilespmem:s18+$0x0];
	v19 =	vmin.f32 v20, v22;
	v20 =	vmax.f32 v25, v24  }
0x31: {  	v22 =	vld [tilespmem:s18+$0x4000];
	_ =	sdelay $0x2  }
0x32: {  	v18 =	vmin.f32 v19, v18;
	v36 =	vmax.f32 v20, v21  }
0x33: {  	v10 =	vmax.f32 v10, v13;
	v39 =	vmin.f32 v8, v9;
	v37 =	vmin.f32 v18, v17  }
0x34: {  	v10 =	vmax.f32 v36, v10;
	v38 =	vmin.f32 v11, v12;
	v40 =	vmin.f32 v16, v22  }
0x35: {  	v42 =	vmin.f32 v15, v14;
	v41 =	vmax.f32 v16, v22;
	v13 =	vmin.f32 v37, v40  }
0x36: {  	v43 =	vmax.f32 v15, v14;
	v10 =	vmax.f32 v10, v41;
	v13 =	vmin.f32 v13, v42  }
0x37: {  	v11 =	vmax.f32 v11, v12;
	v10 =	vmax.f32 v10, v43;
	v44 =	vmin.f32 v13, v38  }
0x38: {  	v8 =	vmax.f32 v8, v9;
	v10 =	vmax.f32 v10, v11;
	v9 =	vmin.f32 v44, v39  }
0x39: {  	v8 =	vmax.f32 v10, v8;
	[tilespmem:$0x8E00] =	vst v9  }
0x3a: {  	[tilespmem:$0x8E10] =	vst v8  }
0x3b: {  	[spmem:s7] =	stream.linear.scatter [tilespmem:s13], [sflag:$0x1], $0x20, $0x38;
	[tilespmem:$0x90A0] =	vst v63  }
0x3c: {  	_ =	swait.ge [sflag:s11], $0x20  }
0x3d: {  	[sflag:s11] =	ssyncset.done $0x0  }
0x3e: {  	[sflag:s11] =	ssyncadd.s32 $0xFFFFFFE0  }
0x3f: {  	[bflag:$0x0] =	sbarrier.arrive $0xFFFF  }
0x40: {  	[tilespmem:s14], [sflag:$0x1] =	stream.linear.gather [spmem:s3], $0x200, $0x38;
	[tilespmem:$0x90A0] =	vst v63  }
0x41: {  	_ =	swait.ge [sflag:s11], $0x200  }
0x42: {  	[sflag:s11] =	ssyncset.done $0x0  }
0x43: {  	[sflag:s11] =	ssyncadd.s32 $0xFFFFFE00  }
0x44: {  	v8 =	vld [tilespmem:$0x8E80]  }
0x45: {  	v9 =	vld [tilespmem:$0x8E90]  }
0x46: {  	v10 =	vld [tilespmem:$0x8EA0]  }
0x47: {  	v11 =	vld [tilespmem:$0x8EB0]  }
0x48: {  	v45 =	vld [tilespmem:$0x8EC0]  }
0x49: {  	v46 =	vld [tilespmem:$0x8ED0]  }
0x4a: {  	v47 =	vld [tilespmem:$0x8EE0]  }
0x4b: {  	v48 =	vld [tilespmem:$0x8EF0]  }
0x4c: {  	v49 =	vld [tilespmem:$0x8F00]  }
0x4d: {  	v50 =	vld [tilespmem:$0x8F10]  }
0x4e: {  	v51 =	vld [tilespmem:$0x8F20]  }
0x4f: {  	v52 =	vld [tilespmem:$0x8F30]  }
0x50: {  	v53 =	vld [tilespmem:$0x8F40]  }
0x51: {  	v54 =	vld [tilespmem:$0x8F50]  }
0x52: {  	v55 =	vld [tilespmem:$0x8F60]  }
0x53: {  	v23 =	vld [tilespmem:$0x8F70]  }
0x54: {  	v24 =	vld [tilespmem:$0x8F80]  }
0x55: {  	v25 =	vld [tilespmem:$0x8F90]  }
0x56: {  	v26 =	vld [tilespmem:$0x8FA0]  }
0x57: {  	v27 =	vld [tilespmem:$0x8FB0]  }
0x58: {  	v28 =	vld [tilespmem:$0x8FC0]  }
0x59: {  	v29 =	vld [tilespmem:$0x8FD0]  }
0x5a: {  	v56 =	vld [tilespmem:$0x9000];
	v8 =	vmin.f32 v8, v10;
	v9 =	vmax.f32 v9, v11  }
0x5b: {  	v57 =	vld [tilespmem:$0x9010];
	v8 =	vmin.f32 v8, v45;
	v9 =	vmax.f32 v9, v46  }
0x5c: {  	v58 =	vld [tilespmem:$0x9020];
	v8 =	vmin.f32 v8, v47;
	v9 =	vmax.f32 v9, v48  }
0x5d: {  	v59 =	vld [tilespmem:$0x9030];
	v8 =	vmin.f32 v8, v49;
	v9 =	vmax.f32 v9, v50  }
0x5e: {  	v10 =	vld [tilespmem:$0x8FE0];
	v8 =	vmin.f32 v8, v51;
	v9 =	vmax.f32 v9, v52  }
0x5f: {  	v11 =	vld [tilespmem:$0x8FF0];
	v8 =	vmin.f32 v8, v53;
	v9 =	vmax.f32 v9, v54  }
0x60: {  	v60 =	vld [tilespmem:$0x9040];
	v8 =	vmin.f32 v8, v55;
	v9 =	vmax.f32 v9, v23  }
0x61: {  	v61 =	vld [tilespmem:$0x9050];
	v8 =	vmin.f32 v8, v24;
	v9 =	vmax.f32 v9, v25  }
0x62: {  	v62 =	vld [tilespmem:$0x9060];
	v8 =	vmin.f32 v8, v26;
	v9 =	vmax.f32 v9, v27  }
0x63: {  	v63 =	vld [tilespmem:$0x9070];
	v8 =	vmin.f32 v8, v28;
	v9 =	vmax.f32 v9, v29  }
0x64: {  	v8 =	vmin.f32 v8, v10;
	v9 =	vmax.f32 v9, v11  }
0x65: {  	v8 =	vmin.f32 v8, v56;
	v9 =	vmax.f32 v9, v57  }
0x66: {  	v8 =	vmin.f32 v8, v58;
	v9 =	vmax.f32 v9, v59  }
0x67: {  	v8 =	vmin.f32 v8, v60;
	v9 =	vmax.f32 v9, v61  }
0x68: {  	v8 =	vmin.f32 v8, v62;
	v9 =	vmax.f32 v9, v63  }
0x69: {  	v10 =	vperm.xlane v8, v0;
	v11 =	vperm.xlane v9, v0;
	_ =	sdelay $0x1  }
0x6a: {  	v8 =	vmin.f32 v8, v10;
	v9 =	vmax.f32 v9, v11  }
0x6b: {  	v10 =	vperm.xlane v8, v1;
	v11 =	vperm.xlane v9, v1;
	_ =	sdelay $0x1  }
0x6c: {  	v8 =	vmin.f32 v8, v10;
	v9 =	vmax.f32 v9, v11  }
0x6d: {  	v10 =	vperm.xlane v8, v2;
	v11 =	vperm.xlane v9, v2;
	_ =	sdelay $0x1  }
0x6e: {  	v8 =	vmin.f32 v8, v10;
	v9 =	vmax.f32 v9, v11  }
0x6f: {  	v10 =	vperm.xlane v8, v3;
	v11 =	vperm.xlane v9, v3;
	_ =	sdelay $0x1  }
0x70: {  	v8 =	vmin.f32 v8, v10;
	v9 =	vmax.f32 v9, v11  }
0x71: {  	v10 =	vsel @!p0 vm0, v8, v9  }
0x72: {  	s18 =	simm.s32 @!p0 $0x0;
	s19 =	simm.s32 @!p0 $0x8E00;
	[tilespmem:$0x8E00] =	vst @!p0 v10  }
0x73: {  	[hbm4b:s0+s18] =	stream.linear.scatter @!p0 [tilespmem:s19], [sflag:$0x1], $0x10, $0x38;
	[tilespmem:$0x90A0] =	vst v63  }
0x74: {  	s18 =	simm.s32 @!p0 $0x1  }
0x75: {  	_ =	swait.ge @!p0 [sflag:s18], $0x10  }
0x76: {  	[sflag:s18] =	ssyncset.done @!p0 $0x0  }
0x77: {  	s19 =	simm.s32 $0x0;
	[sflag:s18] =	ssyncadd.s32 @!p0 $0xFFFFFFF0;
	s18 =	simm.s32 $0x40  }
.LBB2_4:
0x78: {  	p1 =	sne.s32 s18, $0x1AC0;
	[tilespmem:s19+$0x8000] =	vst v4;
	s20 =	smov.u32 s18;
	s18 =	sadd.s32 $0x40, s18  }
.Ltmp1:
0x79: {  	[tilespmem:s19+$0x8700] =	vst v4;
	(pc) =	sbr.rel @p1 .LBB2_4-.Ltmp1, $2  }
0x7a: {  	_ =	sdelay $0x2  }
0x7b: {  	s19 =	sshra.s32 s20, $0x2  }
0x7c: {  	v9 =	vsub.f32 v9, v8;
	_ =	sdelay $0x1  }
0x7d: {  	(erf) = vrcp.f32 v9;
	_ =	sdelay $0x2  }
0x7e: {  	[tilespmem:s19+$0x8000] =	vst v4  }
0x7f: {  	[tilespmem:s19+$0x8700] =	vst v4;
	s18 =	simm.s32 $0x0  }
0x80: {  	v11 =	vld.idx.msk [tilespmem:v6+s18+$0xFFFFFFF0 ss:$0x1], $0xffff;
	_ =	sdelay $0x3  }
0x81: {  	v10 =	vpop (erf)  }
0x82: {  	v11 =	vsub.f32 v11, v8;
	v10 =	vmul.f32 $3.960000000e+02, v10;
	_ =	sdelay $0x1  }
0x83: {  	v11 =	vmul.f32 v11, v10;
	_ =	sdelay $0x1  }
0x84: {  	v12 =	vadd.f32 $5.000000000e-01, v11;
	_ =	sdelay $0x1  }
0x85: {  	v12 =	vtrunc.f32 v12  }
0x86: {  	v12 =	vcvt.f32.s32 v12;
	_ =	sdelay $0x1  }
0x87: {  	v13 =	vand.u32 $0x3, v12  }
0x88: {  	v14 =	vcvt.s32.f32 v12;
	v13 =	vmul.u32 $0x90, v13  }
0x89: {  	v12 =	vshra.s32 v12, $0x2  }
0x8a: {  	v9 =	vmul.f32 $2.525252480e-02, v9;
	v11 =	vsub.f32 v11, v14;
	v12 =	vadd.s32 v12, v13  }
0x8b: {  	v13 =	vadd.s32 $0x10, v12  }
0x8c: {  	v11 =	vmul.f32 v11, v9;
	v14 =	vadd.s32 $0x250, v12  }
0x8d: {  	v12 =	vadd.s32 $0x490, v12  }
0x8e: {  	v15 =	vmul.f32 v11, v11;
	_ =	sdelay $0x1  }
0x8f: {  	[tilespmem:v13+s15+$0x0] =	vst.idx.add.f32.msk $0xffff, v5;
	v13 =	vmul.f32 $5.000000000e-01, v15  }
0x90: {  	[tilespmem:v14+s15+$0x0] =	vst.idx.add.f32.msk $0xffff, v11  }
0x91: {  	[tilespmem:v12+s15+$0x0] =	vst.idx.add.f32.msk $0xffff, v13  }
0x92: {  	v11 =	vld.idx.msk [tilespmem:v7+s18+$0x0 ss:$0x1], $0xffff;
	_ =	sdelay $0x4  }
0x93: {  	v11 =	vsub.f32 v11, v8;
	_ =	sdelay $0x1  }
0x94: {  	v11 =	vmul.f32 v11, v10;
	_ =	sdelay $0x1  }
0x95: {  	v12 =	vadd.f32 $5.000000000e-01, v11;
	_ =	sdelay $0x1  }
0x96: {  	v12 =	vtrunc.f32 v12  }
0x97: {  	v12 =	vcvt.f32.s32 v12;
	_ =	sdelay $0x1  }
0x98: {  	v13 =	vand.u32 $0x3, v12  }
0x99: {  	v14 =	vcvt.s32.f32 v12;
	v13 =	vmul.u32 $0x90, v13  }
0x9a: {  	v12 =	vshra.s32 v12, $0x2  }
0x9b: {  	v11 =	vsub.f32 v11, v14;
	v12 =	vadd.s32 v12, v13  }
0x9c: {  	v13 =	vadd.s32 $0x10, v12  }
0x9d: {  	v11 =	vmul.f32 v11, v9;
	v14 =	vadd.s32 $0x250, v12  }
0x9e: {  	v12 =	vadd.s32 $0x490, v12  }
0x9f: {  	v15 =	vmul.f32 v11, v11;
	_ =	sdelay $0x1  }
0xa0: {  	[tilespmem:v13+s16+$0x0] =	vst.idx.add.f32.msk $0xffff, v5;
	v13 =	vmul.f32 $5.000000000e-01, v15  }
0xa1: {  	[tilespmem:v14+s16+$0x0] =	vst.idx.add.f32.msk $0xffff, v11  }
0xa2: {  	[tilespmem:v12+s16+$0x0] =	vst.idx.add.f32.msk $0xffff, v13  }
0xa3: {  	v11 =	vld.idx.msk [tilespmem:v6+s18+$0x0 ss:$0x1], $0xffff;
	_ =	sdelay $0x4  }
0xa4: {  	v11 =	vsub.f32 v11, v8;
	_ =	sdelay $0x1  }
0xa5: {  	v11 =	vmul.f32 v11, v10;
	_ =	sdelay $0x1  }
0xa6: {  	v12 =	vadd.f32 $5.000000000e-01, v11;
	_ =	sdelay $0x1  }
0xa7: {  	v12 =	vtrunc.f32 v12  }
0xa8: {  	v12 =	vcvt.f32.s32 v12;
	_ =	sdelay $0x1  }
0xa9: {  	v13 =	vand.u32 $0x3, v12  }
0xaa: {  	v14 =	vcvt.s32.f32 v12;
	v13 =	vmul.u32 $0x90, v13  }
0xab: {  	v12 =	vshra.s32 v12, $0x2  }
0xac: {  	v11 =	vsub.f32 v11, v14;
	v12 =	vadd.s32 v12, v13  }
0xad: {  	v13 =	vadd.s32 $0x10, v12  }
0xae: {  	v11 =	vmul.f32 v11, v9;
	v14 =	vadd.s32 $0x250, v12  }
0xaf: {  	v12 =	vadd.s32 $0x490, v12  }
0xb0: {  	v15 =	vmul.f32 v11, v11;
	_ =	sdelay $0x1  }
0xb1: {  	[tilespmem:v13+s15+$0x0] =	vst.idx.add.f32.msk $0xffff, v5;
	v13 =	vmul.f32 $5.000000000e-01, v15  }
0xb2: {  	[tilespmem:v14+s15+$0x0] =	vst.idx.add.f32.msk $0xffff, v11  }
0xb3: {  	[tilespmem:v12+s15+$0x0] =	vst.idx.add.f32.msk $0xffff, v13  }
0xb4: {  	v11 =	vld.idx.msk [tilespmem:v7+s18+$0x10 ss:$0x1], $0xffff;
	_ =	sdelay $0x4  }
0xb5: {  	v11 =	vsub.f32 v11, v8;
	_ =	sdelay $0x1  }
0xb6: {  	v11 =	vmul.f32 v11, v10;
	_ =	sdelay $0x1  }
0xb7: {  	v12 =	vadd.f32 $5.000000000e-01, v11;
	_ =	sdelay $0x1  }
0xb8: {  	v12 =	vtrunc.f32 v12  }
0xb9: {  	v12 =	vcvt.f32.s32 v12;
	_ =	sdelay $0x1  }
0xba: {  	v13 =	vand.u32 $0x3, v12  }
0xbb: {  	v13 =	vmul.u32 $0x90, v13  }
0xbc: {  	v14 =	vcvt.s32.f32 v12;
	v12 =	vshra.s32 v12, $0x2  }
0xbd: {  	v12 =	vadd.s32 v12, v13  }
0xbe: {  	v11 =	vsub.f32 v11, v14;
	v13 =	vadd.s32 $0x10, v12  }
0xbf: {  	v14 =	vadd.s32 $0x250, v12  }
0xc0: {  	v15 =	vmul.f32 v11, v9  }
0xc1: {  	v11 =	vadd.s32 $0x490, v12  }
0xc2: {  	v16 =	vmul.f32 v15, v15  }
0xc3: {  	[tilespmem:v13+s16+$0x0] =	vst.idx.add.f32.msk $0xffff, v5  }
0xc4: {  	s19 =	simm.s32 $0x100;
	s18 =	simm.s32 $0x80;
	v12 =	vmul.f32 $5.000000000e-01, v16;
	[tilespmem:v14+s16+$0x0] =	vst.idx.add.f32.msk $0xffff, v15  }
.LBB2_6:
0xc5: {  	p1 =	sne.s32 s19, $0x7F80  }
0xc6: {  	s20 =	sshra.s32 s18, $0x2;
	[tilespmem:v11+s16+$0x0] =	vst.idx.add.f32.msk $0xffff, v12;
	s18 =	smov.u32 s19;
	s19 =	sadd.s32 $0x80, s19  }
0xc7: {  	v11 =	vld.idx.msk [tilespmem:v6+s20+$0xFFFFFFF0 ss:$0x1], $0xffff;
	_ =	sdelay $0x5  }
0xc8: {  	v11 =	vsub.f32 v11, v8;
	_ =	sdelay $0x1  }
0xc9: {  	v11 =	vmul.f32 v11, v10;
	_ =	sdelay $0x1  }
0xca: {  	v12 =	vadd.f32 $5.000000000e-01, v11;
	_ =	sdelay $0x1  }
0xcb: {  	v12 =	vtrunc.f32 v12  }
0xcc: {  	v12 =	vcvt.f32.s32 v12;
	_ =	sdelay $0x1  }
0xcd: {  	v13 =	vcvt.s32.f32 v12;
	v14 =	vand.u32 $0x3, v12  }
0xce: {  	v14 =	vmul.u32 $0x90, v14  }
0xcf: {  	v12 =	vshra.s32 v12, $0x2;
	v11 =	vsub.f32 v11, v13  }
0xd0: {  	v12 =	vadd.s32 v12, v14  }
0xd1: {  	v13 =	vadd.s32 $0x10, v12  }
0xd2: {  	v11 =	vmul.f32 v11, v9;
	v14 =	vadd.s32 $0x250, v12  }
0xd3: {  	v12 =	vadd.s32 $0x490, v12  }
0xd4: {  	v15 =	vmul.f32 v11, v11;
	_ =	sdelay $0x1  }
0xd5: {  	[tilespmem:v13+s15+$0x0] =	vst.idx.add.f32.msk $0xffff, v5;
	v13 =	vmul.f32 $5.000000000e-01, v15  }
0xd6: {  	[tilespmem:v14+s15+$0x0] =	vst.idx.add.f32.msk $0xffff, v11  }
0xd7: {  	[tilespmem:v12+s15+$0x0] =	vst.idx.add.f32.msk $0xffff, v13  }
0xd8: {  	v11 =	vld.idx.msk [tilespmem:v7+s20+$0x0 ss:$0x1], $0xffff;
	_ =	sdelay $0x5  }
0xd9: {  	v11 =	vsub.f32 v11, v8;
	_ =	sdelay $0x1  }
0xda: {  	v11 =	vmul.f32 v11, v10;
	_ =	sdelay $0x1  }
0xdb: {  	v12 =	vadd.f32 $5.000000000e-01, v11;
	_ =	sdelay $0x1  }
0xdc: {  	v12 =	vtrunc.f32 v12  }
0xdd: {  	v12 =	vcvt.f32.s32 v12;
	_ =	sdelay $0x1  }
0xde: {  	v13 =	vcvt.s32.f32 v12;
	v14 =	vand.u32 $0x3, v12  }
0xdf: {  	v14 =	vmul.u32 $0x90, v14  }
0xe0: {  	v12 =	vshra.s32 v12, $0x2;
	v11 =	vsub.f32 v11, v13  }
0xe1: {  	v12 =	vadd.s32 v12, v14  }
0xe2: {  	v13 =	vadd.s32 $0x10, v12  }
0xe3: {  	v11 =	vmul.f32 v11, v9;
	v14 =	vadd.s32 $0x250, v12  }
0xe4: {  	v12 =	vadd.s32 $0x490, v12  }
0xe5: {  	v15 =	vmul.f32 v11, v11;
	_ =	sdelay $0x1  }
0xe6: {  	[tilespmem:v13+s16+$0x0] =	vst.idx.add.f32.msk $0xffff, v5;
	v13 =	vmul.f32 $5.000000000e-01, v15  }
0xe7: {  	[tilespmem:v14+s16+$0x0] =	vst.idx.add.f32.msk $0xffff, v11  }
0xe8: {  	[tilespmem:v12+s16+$0x0] =	vst.idx.add.f32.msk $0xffff, v13  }
0xe9: {  	v11 =	vld.idx.msk [tilespmem:v6+s20+$0x0 ss:$0x1], $0xffff;
	_ =	sdelay $0x5  }
0xea: {  	v11 =	vsub.f32 v11, v8;
	_ =	sdelay $0x1  }
0xeb: {  	v11 =	vmul.f32 v11, v10;
	_ =	sdelay $0x1  }
0xec: {  	v12 =	vadd.f32 $5.000000000e-01, v11;
	_ =	sdelay $0x1  }
0xed: {  	v12 =	vtrunc.f32 v12  }
0xee: {  	v12 =	vcvt.f32.s32 v12;
	_ =	sdelay $0x1  }
0xef: {  	v13 =	vcvt.s32.f32 v12;
	v14 =	vand.u32 $0x3, v12  }
0xf0: {  	v14 =	vmul.u32 $0x90, v14  }
0xf1: {  	v12 =	vshra.s32 v12, $0x2;
	v11 =	vsub.f32 v11, v13  }
0xf2: {  	v12 =	vadd.s32 v12, v14  }
0xf3: {  	v13 =	vadd.s32 $0x10, v12  }
0xf4: {  	v11 =	vmul.f32 v11, v9;
	v14 =	vadd.s32 $0x250, v12  }
0xf5: {  	v12 =	vadd.s32 $0x490, v12  }
0xf6: {  	v15 =	vmul.f32 v11, v11;
	_ =	sdelay $0x1  }
0xf7: {  	[tilespmem:v13+s15+$0x0] =	vst.idx.add.f32.msk $0xffff, v5;
	v13 =	vmul.f32 $5.000000000e-01, v15  }
0xf8: {  	[tilespmem:v14+s15+$0x0] =	vst.idx.add.f32.msk $0xffff, v11  }
0xf9: {  	[tilespmem:v12+s15+$0x0] =	vst.idx.add.f32.msk $0xffff, v13  }
0xfa: {  	v11 =	vld.idx.msk [tilespmem:v7+s20+$0x10 ss:$0x1], $0xffff;
	_ =	sdelay $0x5  }
0xfb: {  	v11 =	vsub.f32 v11, v8;
	_ =	sdelay $0x1  }
0xfc: {  	v11 =	vmul.f32 v11, v10;
	_ =	sdelay $0x1  }
0xfd: {  	v12 =	vadd.f32 $5.000000000e-01, v11;
	_ =	sdelay $0x1  }
0xfe: {  	v12 =	vtrunc.f32 v12  }
0xff: {  	v12 =	vcvt.f32.s32 v12;
	_ =	sdelay $0x1  }
0x100: {  	v13 =	vcvt.s32.f32 v12;
	v14 =	vand.u32 $0x3, v12  }
0x101: {  	v14 =	vmul.u32 $0x90, v14  }
0x102: {  	v12 =	vshra.s32 v12, $0x2;
	v11 =	vsub.f32 v11, v13  }
0x103: {  	v12 =	vadd.s32 v12, v14  }
0x104: {  	v13 =	vadd.s32 $0x10, v12  }
0x105: {  	v14 =	vmul.f32 v11, v9;
	v15 =	vadd.s32 $0x250, v12  }
.Ltmp2:
0x106: {  	v11 =	vadd.s32 $0x490, v12;
	(pc) =	sbr.rel @p1 .LBB2_6-.Ltmp2, $3  }
0x107: {  	v12 =	vmul.f32 v14, v14;
	_ =	sdelay $0x1  }
0x108: {  	v12 =	vmul.f32 $5.000000000e-01, v12;
	[tilespmem:v13+s16+$0x0] =	vst.idx.add.f32.msk $0xffff, v5  }
0x109: {  	[tilespmem:v15+s16+$0x0] =	vst.idx.add.f32.msk $0xffff, v14  }
0x10a: {  	_ =	sdelay $0x3  }
0x10b: {  	s18 =	sshra.s32 s18, $0x2;
	[tilespmem:v11+s16+$0x0] =	vst.idx.add.f32.msk $0xffff, v12  }
0x10c: {  	v11 =	vld.idx.msk [tilespmem:v6+s18+$0xFFFFFFF0 ss:$0x1], $0xffff;
	_ =	sdelay $0x4  }
0x10d: {  	v11 =	vsub.f32 v11, v8;
	_ =	sdelay $0x1  }
0x10e: {  	v11 =	vmul.f32 v11, v10;
	_ =	sdelay $0x1  }
0x10f: {  	v44 =	vadd.f32 $5.000000000e-01, v11;
	_ =	sdelay $0x1  }
0x110: {  	v12 =	vtrunc.f32 v44  }
0x111: {  	v12 =	vcvt.f32.s32 v12;
	_ =	sdelay $0x1  }
0x112: {  	v13 =	vand.u32 $0x3, v12  }
0x113: {  	v14 =	vcvt.s32.f32 v12;
	v13 =	vmul.u32 $0x90, v13  }
0x114: {  	v12 =	vshra.s32 v12, $0x2  }
0x115: {  	v11 =	vsub.f32 v11, v14;
	v12 =	vadd.s32 v12, v13  }
0x116: {  	v13 =	vadd.s32 $0x10, v12  }
0x117: {  	v11 =	vmul.f32 v11, v9;
	v45 =	vadd.s32 $0x250, v12  }
0x118: {  	v12 =	vadd.s32 $0x490, v12  }
0x119: {  	v15 =	vmul.f32 v11, v11;
	_ =	sdelay $0x1  }
0x11a: {  	v46 =	vmul.f32 $5.000000000e-01, v15;
	[tilespmem:v13+s15+$0x0] =	vst.idx.add.f32.msk $0xffff, v5  }
0x11b: {  	[tilespmem:v45+s15+$0x0] =	vst.idx.add.f32.msk $0xffff, v11  }
0x11c: {  	[tilespmem:v12+s15+$0x0] =	vst.idx.add.f32.msk $0xffff, v46  }
0x11d: {  	v11 =	vld.idx.msk [tilespmem:v7+s18+$0x0 ss:$0x1], $0xffff;
	_ =	sdelay $0x4  }
0x11e: {  	v11 =	vsub.f32 v11, v8;
	_ =	sdelay $0x1  }
0x11f: {  	v11 =	vmul.f32 v11, v10;
	_ =	sdelay $0x1  }
0x120: {  	v47 =	vadd.f32 $5.000000000e-01, v11;
	_ =	sdelay $0x1  }
0x121: {  	v12 =	vtrunc.f32 v47  }
0x122: {  	v12 =	vcvt.f32.s32 v12;
	_ =	sdelay $0x1  }
0x123: {  	v48 =	vand.u32 $0x3, v12  }
0x124: {  	v49 =	vcvt.s32.f32 v12;
	v13 =	vmul.u32 $0x90, v48  }
0x125: {  	v12 =	vshra.s32 v12, $0x2  }
0x126: {  	v11 =	vsub.f32 v11, v49;
	v12 =	vadd.s32 v12, v13  }
0x127: {  	v13 =	vadd.s32 $0x10, v12  }
0x128: {  	v11 =	vmul.f32 v11, v9;
	v50 =	vadd.s32 $0x250, v12  }
0x129: {  	v12 =	vadd.s32 $0x490, v12  }
0x12a: {  	v51 =	vmul.f32 v11, v11;
	_ =	sdelay $0x1  }
0x12b: {  	v52 =	vmul.f32 $5.000000000e-01, v51;
	[tilespmem:v13+s16+$0x0] =	vst.idx.add.f32.msk $0xffff, v5  }
0x12c: {  	[tilespmem:v50+s16+$0x0] =	vst.idx.add.f32.msk $0xffff, v11  }
0x12d: {  	[tilespmem:v12+s16+$0x0] =	vst.idx.add.f32.msk $0xffff, v52  }
0x12e: {  	v11 =	vld.idx.msk [tilespmem:v6+s18+$0x0 ss:$0x1], $0xffff;
	_ =	sdelay $0x4  }
0x12f: {  	v11 =	vsub.f32 v11, v8;
	_ =	sdelay $0x1  }
0x130: {  	v11 =	vmul.f32 v11, v10;
	_ =	sdelay $0x1  }
0x131: {  	v53 =	vadd.f32 $5.000000000e-01, v11;
	_ =	sdelay $0x1  }
0x132: {  	v12 =	vtrunc.f32 v53  }
0x133: {  	v12 =	vcvt.f32.s32 v12;
	_ =	sdelay $0x1  }
0x134: {  	v54 =	vand.u32 $0x3, v12  }
0x135: {  	v55 =	vcvt.s32.f32 v12;
	v13 =	vmul.u32 $0x90, v54  }
0x136: {  	v12 =	vshra.s32 v12, $0x2  }
0x137: {  	v11 =	vsub.f32 v11, v55;
	v12 =	vadd.s32 v12, v13  }
0x138: {  	v13 =	vadd.s32 $0x10, v12  }
0x139: {  	v11 =	vmul.f32 v11, v9;
	v56 =	vadd.s32 $0x250, v12  }
0x13a: {  	v12 =	vadd.s32 $0x490, v12  }
0x13b: {  	v57 =	vmul.f32 v11, v11;
	_ =	sdelay $0x1  }
0x13c: {  	v58 =	vmul.f32 $5.000000000e-01, v57;
	[tilespmem:v13+s15+$0x0] =	vst.idx.add.f32.msk $0xffff, v5  }
0x13d: {  	[tilespmem:v56+s15+$0x0] =	vst.idx.add.f32.msk $0xffff, v11  }
0x13e: {  	[tilespmem:v12+s15+$0x0] =	vst.idx.add.f32.msk $0xffff, v58  }
0x13f: {  	v11 =	vld.idx.msk [tilespmem:v7+s18+$0x10 ss:$0x1], $0xffff;
	_ =	sdelay $0x4  }
0x140: {  	v8 =	vsub.f32 v11, v8;
	_ =	sdelay $0x1  }
0x141: {  	v8 =	vmul.f32 v8, v10;
	_ =	sdelay $0x1  }
0x142: {  	v10 =	vadd.f32 $5.000000000e-01, v8;
	_ =	sdelay $0x1  }
0x143: {  	v10 =	vtrunc.f32 v10  }
0x144: {  	v10 =	vcvt.f32.s32 v10;
	_ =	sdelay $0x1  }
0x145: {  	v59 =	vand.u32 $0x3, v10  }
0x146: {  	v60 =	vcvt.s32.f32 v10;
	v11 =	vmul.u32 $0x90, v59  }
0x147: {  	v10 =	vshra.s32 v10, $0x2  }
0x148: {  	v8 =	vsub.f32 v8, v60;
	v10 =	vadd.s32 v10, v11  }
0x149: {  	v11 =	vadd.s32 $0x10, v10  }
0x14a: {  	v8 =	vmul.f32 v8, v9;
	v61 =	vadd.s32 $0x250, v10  }
0x14b: {  	v10 =	vadd.s32 $0x490, v10  }
0x14c: {  	v62 =	vmul.f32 v8, v8;
	_ =	sdelay $0x1  }
0x14d: {  	v63 =	vmul.f32 $5.000000000e-01, v62;
	[tilespmem:v11+s16+$0x0] =	vst.idx.add.f32.msk $0xffff, v5  }
0x14e: {  	[tilespmem:v61+s16+$0x0] =	vst.idx.add.f32.msk $0xffff, v8  }
0x14f: {  	[tilespmem:v10+s16+$0x0] =	vst.idx.add.f32.msk $0xffff, v63  }
0x150: {  	[hbm4b:s8+s4] =	stream.linear.scatter [tilespmem:s15], [sflag:$0x1], $0x6C0, $0x38;
	[tilespmem:$0x90A0] =	vst v63  }
0x151: {  	s17 =	sadd.s32 $0x1, s17;
	_ =	swait.ge [sflag:s11], $0x6C0  }
0x152: {  	p1 =	sne.s32 s17, s10;
	[sflag:s11] =	ssyncset.done $0x0  }
.Ltmp3:
0x153: {  	[sflag:s11] =	ssyncadd.s32 $0xFFFFF940;
	(pc) =	sbr.rel @p1 .LBB2_1-.Ltmp3, $4  }
0x154: {  	[hbm4b:s9+s4] =	stream.linear.scatter [tilespmem:s16], [sflag:$0x1], $0x6C0, $0x38;
	[tilespmem:$0x90A0] =	vst v63  }
0x155: {  	_ =	swait.ge [sflag:s11], $0x6C0  }
0x156: {  	[sflag:s11] =	ssyncset.done $0x0  }
0x157: {  	[sflag:s11] =	ssyncadd.s32 $0xFFFFF940  }
0x158: {  	_ =	sfence.sel $0x180000  }
0x159: {  	[bflag:$0x0] =	sbarrier.arrive $0xFFFF  }
0x15a: {  	p0 =	sne.s32 s1, $0x0;
	_ =	strace $0x90000047  }
0x15b: {  	s0 =	sadd.s32 @!p0 $0x100000, s2;
	[bflag:$0x2] =	sbarrier.arrive $0xFFFF  }
0x15c: {  	[sflag:s0] =	ssyncadd.tile.s32 @!p0 $0x1;
	_ =	shalt  }
.Lfunc_end2:
_tile_overlayer_lowered:
.L_overlay_start_2:
0x15d: {  	(tag) =	ssettag $0x2  }
0x15e: {  	s0 =	rddreg [dreg:$0x0];
	s2 =	stileid.u32  }
0x15f: {  	s1 =	rddreg [dreg:$0x1];
	p0 =	sne.s32 s2, $0x0  }
0x160: {  	s3 =	rddreg [dreg:$0x2];
	[bflag:$0x3] =	sbarrier.arrive $0xFFFF;
	s2 =	simm.s32 @!p0 $0x1C01  }
0x161: {  	[timem:s3], [sflag:s2] =	dma.local @!p0 [hbm:s0], s1  }
0x162: {  	s0 =	simm.s32 @!p0 $0x1  }
0x163: {  	_ =	swait.ge @!p0 [sflag:s0], s1  }
0x164: {  	s1 =	ssub.s32 @!p0 $0x0, s1;
	[sflag:s0] =	ssyncset.done @!p0 $0x0  }
0x165: {  	[sflag:s0] =	ssyncadd.s32 @!p0 s1  }
0x166: {  	[bflag:$0x3] =	sbarrier.arrive $0xFFFF  }
0x167: {  	_ =	shalt  }

</sc_bundles>
